<compile_context>
chip_gen: v7x
topology: tpu7x:2x2x1
jax: 0.10.2.dev20260603
libtpu: 0.0.44.dev20260713+nightly
codegen_flags: <defaults>
</compile_context>

<pallas_src>
import functools

import jax
import jax.numpy as jnp
from jax import lax
from jax.experimental import pallas as pl
from jax.experimental.pallas import tpu as pltpu
from jax.experimental.pallas import tpu_sc as plsc

P = 10000
T = 320000
H = 128

NUM_CORES = 2
NUM_SUBCORES = 16
NW = NUM_CORES * NUM_SUBCORES
TPW = T // NW
K = 50
NCHT = T // K
NCH = TPW // K
BC = 10
NB = NCH // BC
NPAIR = NCH // 2
PPB = BC // 2
ZR = 40
ZSLABS = P // ZR
ZIT = (ZSLABS + NUM_SUBCORES - 1) // NUM_SUBCORES
HV = H // 16
MU = 10


def _bn_relu(h, g, be):
    m = jnp.mean(h, axis=0, keepdims=True)
    v = jnp.mean((h - m) * (h - m), axis=0, keepdims=True)
    hn = (h - m) * lax.rsqrt(v + 1e-5) * g + be
    return jnp.maximum(hn, 0.0)


def _mlp_pair_body(x_ref,
                   w10, b10, g10, be10, w11, b11,
                   w20, b20, g20, be20, w21, b21,
                   o1_ref, o2_ref):
    x = x_ref[...]
    h1 = jnp.dot(x, w10[...], preferred_element_type=jnp.float32) + b10[...]
    h1 = _bn_relu(h1, g10[...], be10[...])
    o1_ref[...] = jnp.dot(h1, w11[...], preferred_element_type=jnp.float32) + b11[...]
    h2 = jnp.dot(x, w20[...], preferred_element_type=jnp.float32) + b20[...]
    h2 = _bn_relu(h2, g20[...], be20[...])
    o2_ref[...] = jnp.dot(h2, w21[...], preferred_element_type=jnp.float32) + b21[...]


def _upd_body(x_ref, parts_ref, w0a, w0b, b0, g0, be0, w1, b1, o_ref):
    x = x_ref[...]
    agg = parts_ref[0] + parts_ref[1]
    h = (jnp.dot(x, w0a[...], preferred_element_type=jnp.float32)
         + jnp.dot(agg, w0b[...], preferred_element_type=jnp.float32)
         + b0[...])
    h = _bn_relu(h, g0[...], be0[...])
    o_ref[...] = jnp.dot(h, w1[...], preferred_element_type=jnp.float32) + b1[...] + x


def _sc_body(x1t, x2t, idx, out,
             idx0_v, idx1_v, idx2_v,
             ra1, ra2, rb1, rb2, pa, pb, acc,
             sga1, sga2, sgb1, sgb2, ssa, ssb, semi, semz):
    c = lax.axis_index("c")
    s = lax.axis_index("s")
    wid = s * NUM_CORES + c
    base = wid * NCH
    HB = 2 * BC

    def stage(b, off, do_wait):
        for d, dst in ((0, idx0_v), (1, idx1_v), (2, idx2_v)):
            cp = pltpu.make_async_copy(idx.at[d, pl.ds(base + b * BC, BC)],
                                       dst.at[pl.ds(off, BC)], semi)
            cp.start()
            if do_wait:
                cp.wait()

    def stage_wait():
        for d, dst in ((0, idx0_v), (1, idx1_v), (2, idx2_v)):
            pltpu.make_async_copy(idx.at[d, pl.ds(base, BC)],
                                  dst.at[pl.ds(0, BC)], semi).wait()

    def gather(i, rows1, rows2, sem1, sem2):
        r = lax.rem(i, HB)
        pltpu.async_copy(x1t.at[idx1_v.at[r, 0]], rows1, sem1)
        pltpu.async_copy(x2t.at[idx2_v.at[r, 0]], rows2, sem2)

    def gather_wait(i, rows1, rows2, sem1, sem2):
        r = lax.rem(i, HB)
        pltpu.make_async_copy(x1t.at[idx1_v.at[r, 0]], rows1, sem1).wait()
        pltpu.make_async_copy(x2t.at[idx2_v.at[r, 0]], rows2, sem2).wait()

    def scatter(i, prod, sem):
        pltpu.async_copy(prod, acc.at[idx0_v.at[lax.rem(i, HB), 0]], sem, add=True)

    def scatter_wait(i, prod, sem):
        pltpu.make_async_copy(prod, acc.at[idx0_v.at[lax.rem(i, HB), 0]], sem).wait()

    def mul(rows1, rows2, prod):
        def mrow(r5, carry):
            for u in range(MU):
                r = r5 * MU + u
                for v in range(HV):
                    sl = pl.ds(v * 16, 16)
                    prod[r, sl] = rows1[r, sl] * rows2[r, sl]
            return carry

        lax.fori_loop(0, K // MU, mrow, 0)

    stage(0, 0, True)
    gather(0, ra1, ra2, sga1, sga2)
    gather(1, rb1, rb2, sgb1, sgb2)
    stage(1, BC, False)

    zv = jnp.zeros((16,), jnp.float32)

    def zrow(r, carry):
        for v in range(HV):
            pa[r, pl.ds(v * 16, 16)] = zv
        return carry

    lax.fori_loop(0, ZR, zrow, 0)
    zsrc = pa.at[pl.ds(0, ZR)]

    def zfire(j, carry):
        slab = s + j * NUM_SUBCORES

        @pl.when(slab < ZSLABS)
        def _():
            pltpu.make_async_copy(
                zsrc, acc.at[pl.ds(pl.multiple_of(slab * ZR, 8), ZR)], semz
            ).start()

        return carry

    def zdrain(j, carry):
        slab = s + j * NUM_SUBCORES

        @pl.when(slab < ZSLABS)
        def _():
            pltpu.make_async_copy(
                zsrc, acc.at[pl.ds(pl.multiple_of(slab * ZR, 8), ZR)], semz
            ).wait()

        return carry

    lax.fori_loop(0, ZIT, zfire, 0)
    lax.fori_loop(0, ZIT, zdrain, 0)
    plsc.subcore_barrier()

    def pair_body(j, carry):
        ca = 2 * j

        @pl.when((lax.rem(j, PPB) == 0) & (j > 0) & (j < NPAIR - PPB))
        def _():
            b = j // PPB + 1
            stage(b, lax.rem(b, 2) * BC, False)

        @pl.when((lax.rem(j, PPB) == PPB - 1) & (j < NPAIR - PPB))
        def _():
            stage_wait()

        gather_wait(ca, ra1, ra2, sga1, sga2)

        @pl.when(j > 0)
        def _():
            scatter_wait(ca - 2, pa, ssa)

        mul(ra1, ra2, pa)

        @pl.when(j < NPAIR - 1)
        def _():
            gather(ca + 2, ra1, ra2, sga1, sga2)

        scatter(ca, pa, ssa)

        gather_wait(ca + 1, rb1, rb2, sgb1, sgb2)

        @pl.when(j > 0)
        def _():
            scatter_wait(ca - 1, pb, ssb)

        mul(rb1, rb2, pb)

        @pl.when(j < NPAIR - 1)
        def _():
            gather(ca + 3, rb1, rb2, sgb1, sgb2)

        scatter(ca + 1, pb, ssb)
        return carry

    lax.fori_loop(0, NPAIR, pair_body, 0)
    scatter_wait(NCH - 2, pa, ssa)
    scatter_wait(NCH - 1, pb, ssb)
    plsc.subcore_barrier()

    def wfire(j, carry):
        slab = s + j * NUM_SUBCORES

        @pl.when(slab < ZSLABS)
        def _():
            r0 = pl.multiple_of(slab * ZR, 8)
            pltpu.make_async_copy(
                acc.at[pl.ds(r0, ZR)], out.at[c, pl.ds(r0, ZR)], semz
            ).start()

        return carry

    def wdrain(j, carry):
        slab = s + j * NUM_SUBCORES

        @pl.when(slab < ZSLABS)
        def _():
            r0 = pl.multiple_of(slab * ZR, 8)
            pltpu.make_async_copy(
                acc.at[pl.ds(r0, ZR)], out.at[c, pl.ds(r0, ZR)], semz
            ).wait()

        return carry

    lax.fori_loop(0, ZIT, wfire, 0)
    lax.fori_loop(0, ZIT, wdrain, 0)


_sc_scatter = functools.partial(
    pl.kernel,
    mesh=plsc.VectorSubcoreMesh(core_axis_name="c", subcore_axis_name="s"),
    out_type=jax.ShapeDtypeStruct((NUM_CORES, P, H), jnp.float32),
    scratch_types=[
        pltpu.VMEM((2 * BC, 1, K), jnp.int32),
        pltpu.VMEM((2 * BC, 1, K), jnp.int32),
        pltpu.VMEM((2 * BC, 1, K), jnp.int32),
        pltpu.VMEM((K, H), jnp.float32),
        pltpu.VMEM((K, H), jnp.float32),
        pltpu.VMEM((K, H), jnp.float32),
        pltpu.VMEM((K, H), jnp.float32),
        pltpu.VMEM((K, H), jnp.float32),
        pltpu.VMEM((K, H), jnp.float32),
        pltpu.VMEM_SHARED((P, H), jnp.float32),
        pltpu.SemaphoreType.DMA,
        pltpu.SemaphoreType.DMA,
        pltpu.SemaphoreType.DMA,
        pltpu.SemaphoreType.DMA,
        pltpu.SemaphoreType.DMA,
        pltpu.SemaphoreType.DMA,
        pltpu.SemaphoreType.DMA,
        pltpu.SemaphoreType.DMA,
    ],
)(_sc_body)


def kernel(pair_h, triple_index,
           mlp1_W0, mlp1_b0, mlp1_g0, mlp1_be0, mlp1_W1, mlp1_b1,
           mlp2_W0, mlp2_b0, mlp2_g0, mlp2_be0, mlp2_W1, mlp2_b1,
           upd_W0, upd_b0, upd_g0, upd_be0, upd_W1, upd_b1):
    r1 = lambda a: a.reshape(1, H)
    x1s, x2s = pl.pallas_call(
        _mlp_pair_body,
        out_shape=(jax.ShapeDtypeStruct((P, H), jnp.float32),
                   jax.ShapeDtypeStruct((P, H), jnp.float32)),
    )(pair_h,
      mlp1_W0, r1(mlp1_b0), r1(mlp1_g0), r1(mlp1_be0), mlp1_W1, r1(mlp1_b1),
      mlp2_W0, r1(mlp2_b0), r1(mlp2_g0), r1(mlp2_be0), mlp2_W1, r1(mlp2_b1))

    idx = triple_index.reshape(3, NCHT, 1, K)
    parts = _sc_scatter(x1s, x2s, idx)

    out = pl.pallas_call(
        _upd_body,
        out_shape=jax.ShapeDtypeStruct((P, H), jnp.float32),
    )(pair_h, parts,
      upd_W0[:H], upd_W0[H:],
      r1(upd_b0), r1(upd_g0), r1(upd_be0),
      upd_W1, r1(upd_b1))
    return out

# --- scband reference (transcript-rebuilt; emitter-appended) ---
"""Pipeline reference for scband-sppgnlayer-76742475644967 (READ-ONLY COPY).

The authoritative reference and input builder live on the scoring server;
editing this copy changes nothing except your own understanding.
"""

import jax, jax.numpy as jnp
import numpy as np

P = 10000
T = 320000
H = 128


def _mlp(x, W0, b0, g0, be0, W1, b1):
    # Linear -> BatchNorm1d (training-mode batch stats) -> ReLU -> Dropout(identity at inference) -> Linear
    h = x @ W0 + b0
    m = jnp.mean(h, axis=0)
    v = jnp.var(h, axis=0)
    h = (h - m) / jnp.sqrt(v + 1e-5) * g0 + be0
    h = jax.nn.relu(h)
    return h @ W1 + b1


def setup_inputs(seed: int = 0):
    key = jax.random.key(seed)
    ks = jax.random.split(key, 12)
    def lin(k, din, dout):
        return jax.random.normal(k, (din, dout), dtype=jnp.float32) * (1.0 / np.sqrt(din))
    inp = {}
    inp["pair_h"] = jax.random.normal(ks[0], (P, H), dtype=jnp.float32)
    inp["triple_index"] = jax.random.randint(ks[1], (3, T), 0, P, dtype=jnp.int32)
    inp["mlp1_W0"] = lin(ks[2], H, H)
    inp["mlp1_b0"] = jnp.zeros((H,), jnp.float32)
    inp["mlp1_g0"] = jnp.ones((H,), jnp.float32)
    inp["mlp1_be0"] = jnp.zeros((H,), jnp.float32)
    inp["mlp1_W1"] = lin(ks[3], H, H)
    inp["mlp1_b1"] = jnp.zeros((H,), jnp.float32)
    inp["mlp2_W0"] = lin(ks[4], H, H)
    inp["mlp2_b0"] = jnp.zeros((H,), jnp.float32)
    inp["mlp2_g0"] = jnp.ones((H,), jnp.float32)
    inp["mlp2_be0"] = jnp.zeros((H,), jnp.float32)
    inp["mlp2_W1"] = lin(ks[5], H, H)
    inp["mlp2_b1"] = jnp.zeros((H,), jnp.float32)
    inp["upd_W0"] = lin(ks[6], 2 * H, H)
    inp["upd_b0"] = jnp.zeros((H,), jnp.float32)
    inp["upd_g0"] = jnp.ones((H,), jnp.float32)
    inp["upd_be0"] = jnp.zeros((H,), jnp.float32)
    inp["upd_W1"] = lin(ks[7], H, H)
    inp["upd_b1"] = jnp.zeros((H,), jnp.float32)
    return inp


def reference(pair_h, triple_index,
              mlp1_W0, mlp1_b0, mlp1_g0, mlp1_be0, mlp1_W1, mlp1_b1,
              mlp2_W0, mlp2_b0, mlp2_g0, mlp2_be0, mlp2_W1, mlp2_b1,
              upd_W0, upd_b0, upd_g0, upd_be0, upd_W1, upd_b1):
    x2 = pair_h
    idx0 = triple_index[0]
    idx1 = triple_index[1]
    idx2 = triple_index[2]
    x2_1 = _mlp(x2, mlp1_W0, mlp1_b0, mlp1_g0, mlp1_be0, mlp1_W1, mlp1_b1)
    x2_2 = _mlp(x2, mlp2_W0, mlp2_b0, mlp2_g0, mlp2_be0, mlp2_W1, mlp2_b1)
    x3 = x2_1[idx1] * x2_2[idx2]
    x3_agg = jax.ops.segment_sum(x3, idx0, num_segments=x2.shape[0])
    # use_sqrt=False, so no signed-sqrt transform
    h2 = jnp.concatenate([x2, x3_agg], axis=-1)
    out = _mlp(h2, upd_W0, upd_b0, upd_g0, upd_be0, upd_W1, upd_b1) + x2
    return out

if __name__ == "__main__":
    import jax
    _d = setup_inputs()
    print(jax.jit(kernel)(*tuple(_d.values())))

</pallas_src>

<mosaic_0001>
#map = affine_map<(d0, d1) -> (0, 0)>
#map1 = affine_map<(d0, d1) -> (0, 0, 0, 0)>
#map2 = affine_map<(d0, d1) -> (0, 0, 0)>
module attributes {stable_mosaic.version = 14 : i64} {
  func.func @_sc_body(%arg0: i32, %arg1: i32, %arg2: memref<10000x128xf32, #tpu.memory_space<hbm>>, %arg3: memref<10000x128xf32, #tpu.memory_space<hbm>>, %arg4: memref<3x6400x1x50xi32, #tpu.memory_space<hbm>>, %arg5: memref<2x10000x128xf32, #tpu.memory_space<hbm>>, %arg6: memref<20x1x50xi32, #tpu.memory_space<vmem>>, %arg7: memref<20x1x50xi32, #tpu.memory_space<vmem>>, %arg8: memref<20x1x50xi32, #tpu.memory_space<vmem>>, %arg9: memref<50x128xf32, #tpu.memory_space<vmem>>, %arg10: memref<50x128xf32, #tpu.memory_space<vmem>>, %arg11: memref<50x128xf32, #tpu.memory_space<vmem>>, %arg12: memref<50x128xf32, #tpu.memory_space<vmem>>, %arg13: memref<50x128xf32, #tpu.memory_space<vmem>>, %arg14: memref<50x128xf32, #tpu.memory_space<vmem>>, %arg15: memref<10000x128xf32, #tpu.memory_space<vmem_shared>>, %arg16: memref<!tpu.dma_semaphore, #tpu.memory_space<semaphore_mem>>, %arg17: memref<!tpu.dma_semaphore, #tpu.memory_space<semaphore_mem>>, %arg18: memref<!tpu.dma_semaphore, #tpu.memory_space<semaphore_mem>>, %arg19: memref<!tpu.dma_semaphore, #tpu.memory_space<semaphore_mem>>, %arg20: memref<!tpu.dma_semaphore, #tpu.memory_space<semaphore_mem>>, %arg21: memref<!tpu.dma_semaphore, #tpu.memory_space<semaphore_mem>>, %arg22: memref<!tpu.dma_semaphore, #tpu.memory_space<semaphore_mem>>, %arg23: memref<!tpu.dma_semaphore, #tpu.memory_space<semaphore_mem>>) attributes {dimension_semantics = [#tpu.dimension_semantics<core_parallel>, #tpu.dimension_semantics<subcore_parallel>], iteration_bounds = array<i64: 2, 16>, scalar_prefetch = 0 : i64, scratch_operands = 18 : i64, tpu.core_type = #tpu.core_type<sc_vector_subcore>, window_params = [{transform_indices = #map}, {transform_indices = #map}, {transform_indices = #map1}, {transform_indices = #map2}]} {
    %mul3A = arith.constant 2 : i32
    %mul3A_0 = arith.muli %arg1, %mul3A : i32
    %add3A = arith.addi %mul3A_0, %arg0 : i32
    %mul3A_1 = arith.constant 200 : i32
    %mul3A_2 = arith.muli %add3A, %mul3A_1 : i32
    %add3A_3 = arith.constant 0 : i32
    %add3A_4 = arith.addi %mul3A_2, %add3A_3 : i32
    %dma_start3A = arith.constant 0 : i32
    %dma_start3A_5 = arith.constant 0 : i32
    %dma_start3A_6 = arith.constant 0 : i32
    %dma_start3A_7 = arith.constant 0 : i32
    %dma_start3A_8 = tpu.memref_slice %arg6[%dma_start3A_5, %dma_start3A_6, %dma_start3A_7] : memref<20x1x50xi32, #tpu.memory_space<vmem>> -> memref<10x1x50xi32, #tpu.memory_space<vmem>>
    %dma_start3A_9 = arith.constant 0 : i32
    %dma_start3A_10 = arith.constant 0 : i32
    %dma_start3A_11 = tpu.memref_slice %arg4[%dma_start3A, %add3A_4, %dma_start3A_9, %dma_start3A_10] : memref<3x6400x1x50xi32, #tpu.memory_space<hbm>> -> memref<1x10x1x50xi32, #tpu.memory_space<hbm>>
    %dma_start3A_12 = tpu.memref_squeeze %dma_start3A_11 : memref<1x10x1x50xi32, #tpu.memory_space<hbm>> -> memref<10x1x50xi32, #tpu.memory_space<hbm>>
    %dma_start3A_13 = arith.constant 0 : i32
    %dma_start3A_14 = arith.constant 0 : i32
    %dma_start3A_15 = arith.constant 0 : i32
    %dma_start3A_16 = tpu.memref_slice %arg6[%dma_start3A_13, %dma_start3A_14, %dma_start3A_15] : memref<20x1x50xi32, #tpu.memory_space<vmem>> -> memref<10x1x50xi32, #tpu.memory_space<vmem>>
    %dma_start3A_17 = arith.constant 0 : i32
    %dma_start3A_18 = arith.constant 0 : i32
    %dma_start3A_19 = tpu.memref_slice %arg4[%dma_start3A, %add3A_4, %dma_start3A_17, %dma_start3A_18] : memref<3x6400x1x50xi32, #tpu.memory_space<hbm>> -> memref<1x10x1x50xi32, #tpu.memory_space<hbm>>
    %dma_start3A_20 = tpu.memref_squeeze %dma_start3A_19 : memref<1x10x1x50xi32, #tpu.memory_space<hbm>> -> memref<10x1x50xi32, #tpu.memory_space<hbm>>
    tpu.enqueue_dma source(%dma_start3A_20 : memref<10x1x50xi32, #tpu.memory_space<hbm>>) target(%dma_start3A_16 : memref<10x1x50xi32, #tpu.memory_space<vmem>>) target_semaphore(%arg22 : memref<!tpu.dma_semaphore, #tpu.memory_space<semaphore_mem>>)
    %dma_wait3A = arith.constant 0 : i32
    %dma_wait3A_21 = arith.constant 0 : i32
    %dma_wait3A_22 = arith.constant 0 : i32
    %dma_wait3A_23 = arith.constant 0 : i32
    %dma_wait3A_24 = tpu.memref_slice %arg6[%dma_wait3A_21, %dma_wait3A_22, %dma_wait3A_23] : memref<20x1x50xi32, #tpu.memory_space<vmem>> -> memref<10x1x50xi32, #tpu.memory_space<vmem>>
    %dma_wait3A_25 = arith.constant 0 : i32
    %dma_wait3A_26 = arith.constant 0 : i32
    %dma_wait3A_27 = tpu.memref_slice %arg4[%dma_wait3A, %add3A_4, %dma_wait3A_25, %dma_wait3A_26] : memref<3x6400x1x50xi32, #tpu.memory_space<hbm>> -> memref<1x10x1x50xi32, #tpu.memory_space<hbm>>
    %dma_wait3A_28 = tpu.memref_squeeze %dma_wait3A_27 : memref<1x10x1x50xi32, #tpu.memory_space<hbm>> -> memref<10x1x50xi32, #tpu.memory_space<hbm>>
    %dma_wait3A_29 = arith.constant 0 : i32
    %dma_wait3A_30 = arith.constant 0 : i32
    %dma_wait3A_31 = arith.constant 0 : i32
    %dma_wait3A_32 = tpu.memref_slice %arg6[%dma_wait3A_29, %dma_wait3A_30, %dma_wait3A_31] : memref<20x1x50xi32, #tpu.memory_space<vmem>> -> memref<10x1x50xi32, #tpu.memory_space<vmem>>
    %dma_wait3A_33 = arith.constant 0 : i32
    %dma_wait3A_34 = arith.constant 0 : i32
    %dma_wait3A_35 = tpu.memref_slice %arg4[%dma_wait3A, %add3A_4, %dma_wait3A_33, %dma_wait3A_34] : memref<3x6400x1x50xi32, #tpu.memory_space<hbm>> -> memref<1x10x1x50xi32, #tpu.memory_space<hbm>>
    %dma_wait3A_36 = tpu.memref_squeeze %dma_wait3A_35 : memref<1x10x1x50xi32, #tpu.memory_space<hbm>> -> memref<10x1x50xi32, #tpu.memory_space<hbm>>
    tpu.wait_dma2 semaphore(%arg22 : memref<!tpu.dma_semaphore, #tpu.memory_space<semaphore_mem>>) src(%dma_wait3A_36 : memref<10x1x50xi32, #tpu.memory_space<hbm>>) dst(%dma_wait3A_32 : memref<10x1x50xi32, #tpu.memory_space<vmem>>)
    %add3A_37 = arith.constant 0 : i32
    %add3A_38 = arith.addi %mul3A_2, %add3A_37 : i32
    %dma_start3A_39 = arith.constant 1 : i32
    %dma_start3A_40 = arith.constant 0 : i32
    %dma_start3A_41 = arith.constant 0 : i32
    %dma_start3A_42 = arith.constant 0 : i32
    %dma_start3A_43 = tpu.memref_slice %arg7[%dma_start3A_40, %dma_start3A_41, %dma_start3A_42] : memref<20x1x50xi32, #tpu.memory_space<vmem>> -> memref<10x1x50xi32, #tpu.memory_space<vmem>>
    %dma_start3A_44 = arith.constant 0 : i32
    %dma_start3A_45 = arith.constant 0 : i32
    %dma_start3A_46 = tpu.memref_slice %arg4[%dma_start3A_39, %add3A_38, %dma_start3A_44, %dma_start3A_45] : memref<3x6400x1x50xi32, #tpu.memory_space<hbm>> -> memref<1x10x1x50xi32, #tpu.memory_space<hbm>>
    %dma_start3A_47 = tpu.memref_squeeze %dma_start3A_46 : memref<1x10x1x50xi32, #tpu.memory_space<hbm>> -> memref<10x1x50xi32, #tpu.memory_space<hbm>>
    %dma_start3A_48 = arith.constant 0 : i32
    %dma_start3A_49 = arith.constant 0 : i32
    %dma_start3A_50 = arith.constant 0 : i32
    %dma_start3A_51 = tpu.memref_slice %arg7[%dma_start3A_48, %dma_start3A_49, %dma_start3A_50] : memref<20x1x50xi32, #tpu.memory_space<vmem>> -> memref<10x1x50xi32, #tpu.memory_space<vmem>>
    %dma_start3A_52 = arith.constant 0 : i32
    %dma_start3A_53 = arith.constant 0 : i32
    %dma_start3A_54 = tpu.memref_slice %arg4[%dma_start3A_39, %add3A_38, %dma_start3A_52, %dma_start3A_53] : memref<3x6400x1x50xi32, #tpu.memory_space<hbm>> -> memref<1x10x1x50xi32, #tpu.memory_space<hbm>>
    %dma_start3A_55 = tpu.memref_squeeze %dma_start3A_54 : memref<1x10x1x50xi32, #tpu.memory_space<hbm>> -> memref<10x1x50xi32, #tpu.memory_space<hbm>>
    tpu.enqueue_dma source(%dma_start3A_55 : memref<10x1x50xi32, #tpu.memory_space<hbm>>) target(%dma_start3A_51 : memref<10x1x50xi32, #tpu.memory_space<vmem>>) target_semaphore(%arg22 : memref<!tpu.dma_semaphore, #tpu.memory_space<semaphore_mem>>)
    %dma_wait3A_56 = arith.constant 1 : i32
    %dma_wait3A_57 = arith.constant 0 : i32
    %dma_wait3A_58 = arith.constant 0 : i32
    %dma_wait3A_59 = arith.constant 0 : i32
    %dma_wait3A_60 = tpu.memref_slice %arg7[%dma_wait3A_57, %dma_wait3A_58, %dma_wait3A_59] : memref<20x1x50xi32, #tpu.memory_space<vmem>> -> memref<10x1x50xi32, #tpu.memory_space<vmem>>
    %dma_wait3A_61 = arith.constant 0 : i32
    %dma_wait3A_62 = arith.constant 0 : i32
    %dma_wait3A_63 = tpu.memref_slice %arg4[%dma_wait3A_56, %add3A_38, %dma_wait3A_61, %dma_wait3A_62] : memref<3x6400x1x50xi32, #tpu.memory_space<hbm>> -> memref<1x10x1x50xi32, #tpu.memory_space<hbm>>
    %dma_wait3A_64 = tpu.memref_squeeze %dma_wait3A_63 : memref<1x10x1x50xi32, #tpu.memory_space<hbm>> -> memref<10x1x50xi32, #tpu.memory_space<hbm>>
    %dma_wait3A_65 = arith.constant 0 : i32
    %dma_wait3A_66 = arith.constant 0 : i32
    %dma_wait3A_67 = arith.constant 0 : i32
    %dma_wait3A_68 = tpu.memref_slice %arg7[%dma_wait3A_65, %dma_wait3A_66, %dma_wait3A_67] : memref<20x1x50xi32, #tpu.memory_space<vmem>> -> memref<10x1x50xi32, #tpu.memory_space<vmem>>
    %dma_wait3A_69 = arith.constant 0 : i32
    %dma_wait3A_70 = arith.constant 0 : i32
    %dma_wait3A_71 = tpu.memref_slice %arg4[%dma_wait3A_56, %add3A_38, %dma_wait3A_69, %dma_wait3A_70] : memref<3x6400x1x50xi32, #tpu.memory_space<hbm>> -> memref<1x10x1x50xi32, #tpu.memory_space<hbm>>
    %dma_wait3A_72 = tpu.memref_squeeze %dma_wait3A_71 : memref<1x10x1x50xi32, #tpu.memory_space<hbm>> -> memref<10x1x50xi32, #tpu.memory_space<hbm>>
    tpu.wait_dma2 semaphore(%arg22 : memref<!tpu.dma_semaphore, #tpu.memory_space<semaphore_mem>>) src(%dma_wait3A_72 : memref<10x1x50xi32, #tpu.memory_space<hbm>>) dst(%dma_wait3A_68 : memref<10x1x50xi32, #tpu.memory_space<vmem>>)
    %add3A_73 = arith.constant 0 : i32
    %add3A_74 = arith.addi %mul3A_2, %add3A_73 : i32
    %dma_start3A_75 = arith.constant 2 : i32
    %dma_start3A_76 = arith.constant 0 : i32
    %dma_start3A_77 = arith.constant 0 : i32
    %dma_start3A_78 = arith.constant 0 : i32
    %dma_start3A_79 = tpu.memref_slice %arg8[%dma_start3A_76, %dma_start3A_77, %dma_start3A_78] : memref<20x1x50xi32, #tpu.memory_space<vmem>> -> memref<10x1x50xi32, #tpu.memory_space<vmem>>
    %dma_start3A_80 = arith.constant 0 : i32
    %dma_start3A_81 = arith.constant 0 : i32
    %dma_start3A_82 = tpu.memref_slice %arg4[%dma_start3A_75, %add3A_74, %dma_start3A_80, %dma_start3A_81] : memref<3x6400x1x50xi32, #tpu.memory_space<hbm>> -> memref<1x10x1x50xi32, #tpu.memory_space<hbm>>
    %dma_start3A_83 = tpu.memref_squeeze %dma_start3A_82 : memref<1x10x1x50xi32, #tpu.memory_space<hbm>> -> memref<10x1x50xi32, #tpu.memory_space<hbm>>
    %dma_start3A_84 = arith.constant 0 : i32
    %dma_start3A_85 = arith.constant 0 : i32
    %dma_start3A_86 = arith.constant 0 : i32
    %dma_start3A_87 = tpu.memref_slice %arg8[%dma_start3A_84, %dma_start3A_85, %dma_start3A_86] : memref<20x1x50xi32, #tpu.memory_space<vmem>> -> memref<10x1x50xi32, #tpu.memory_space<vmem>>
    %dma_start3A_88 = arith.constant 0 : i32
    %dma_start3A_89 = arith.constant 0 : i32
    %dma_start3A_90 = tpu.memref_slice %arg4[%dma_start3A_75, %add3A_74, %dma_start3A_88, %dma_start3A_89] : memref<3x6400x1x50xi32, #tpu.memory_space<hbm>> -> memref<1x10x1x50xi32, #tpu.memory_space<hbm>>
    %dma_start3A_91 = tpu.memref_squeeze %dma_start3A_90 : memref<1x10x1x50xi32, #tpu.memory_space<hbm>> -> memref<10x1x50xi32, #tpu.memory_space<hbm>>
    tpu.enqueue_dma source(%dma_start3A_91 : memref<10x1x50xi32, #tpu.memory_space<hbm>>) target(%dma_start3A_87 : memref<10x1x50xi32, #tpu.memory_space<vmem>>) target_semaphore(%arg22 : memref<!tpu.dma_semaphore, #tpu.memory_space<semaphore_mem>>)
    %dma_wait3A_92 = arith.constant 2 : i32
    %dma_wait3A_93 = arith.constant 0 : i32
    %dma_wait3A_94 = arith.constant 0 : i32
    %dma_wait3A_95 = arith.constant 0 : i32
    %dma_wait3A_96 = tpu.memref_slice %arg8[%dma_wait3A_93, %dma_wait3A_94, %dma_wait3A_95] : memref<20x1x50xi32, #tpu.memory_space<vmem>> -> memref<10x1x50xi32, #tpu.memory_space<vmem>>
    %dma_wait3A_97 = arith.constant 0 : i32
    %dma_wait3A_98 = arith.constant 0 : i32
    %dma_wait3A_99 = tpu.memref_slice %arg4[%dma_wait3A_92, %add3A_74, %dma_wait3A_97, %dma_wait3A_98] : memref<3x6400x1x50xi32, #tpu.memory_space<hbm>> -> memref<1x10x1x50xi32, #tpu.memory_space<hbm>>
    %dma_wait3A_100 = tpu.memref_squeeze %dma_wait3A_99 : memref<1x10x1x50xi32, #tpu.memory_space<hbm>> -> memref<10x1x50xi32, #tpu.memory_space<hbm>>
    %dma_wait3A_101 = arith.constant 0 : i32
    %dma_wait3A_102 = arith.constant 0 : i32
    %dma_wait3A_103 = arith.constant 0 : i32
    %dma_wait3A_104 = tpu.memref_slice %arg8[%dma_wait3A_101, %dma_wait3A_102, %dma_wait3A_103] : memref<20x1x50xi32, #tpu.memory_space<vmem>> -> memref<10x1x50xi32, #tpu.memory_space<vmem>>
    %dma_wait3A_105 = arith.constant 0 : i32
    %dma_wait3A_106 = arith.constant 0 : i32
    %dma_wait3A_107 = tpu.memref_slice %arg4[%dma_wait3A_92, %add3A_74, %dma_wait3A_105, %dma_wait3A_106] : memref<3x6400x1x50xi32, #tpu.memory_space<hbm>> -> memref<1x10x1x50xi32, #tpu.memory_space<hbm>>
    %dma_wait3A_108 = tpu.memref_squeeze %dma_wait3A_107 : memref<1x10x1x50xi32, #tpu.memory_space<hbm>> -> memref<10x1x50xi32, #tpu.memory_space<hbm>>
    tpu.wait_dma2 semaphore(%arg22 : memref<!tpu.dma_semaphore, #tpu.memory_space<semaphore_mem>>) src(%dma_wait3A_108 : memref<10x1x50xi32, #tpu.memory_space<hbm>>) dst(%dma_wait3A_104 : memref<10x1x50xi32, #tpu.memory_space<vmem>>)
    %rem3A = arith.constant 0 : i32
    %rem3A_109 = arith.constant 20 : i32
    %rem3A_110 = arith.remsi %rem3A, %rem3A_109 : i32
    %dma_start3A_111 = arith.constant 0 : i32
    %dma_start3A_112 = arith.constant 0 : i32
    %dma_start3A_113 = tpu.memref_slice %arg7[%rem3A_110, %dma_start3A_111, %dma_start3A_112] : memref<20x1x50xi32, #tpu.memory_space<vmem>> -> memref<1x1x50xi32, #tpu.memory_space<vmem>>
    %dma_start3A_114 = tpu.memref_squeeze %dma_start3A_113 : memref<1x1x50xi32, #tpu.memory_space<vmem>> -> memref<50xi32, #tpu.memory_space<vmem>>
    %dma_start3A_115 = arith.constant 0 : i32
    %dma_start3A_116 = arith.constant 0 : i32
    %dma_start3A_117 = tpu.memref_slice %arg2[%dma_start3A_115, %dma_start3A_116] : memref<10000x128xf32, #tpu.memory_space<hbm>> -> memref<10000x128xf32, #tpu.memory_space<hbm>>
    tpu.enqueue_indirect_dma source(%dma_start3A_117 : memref<10000x128xf32, #tpu.memory_space<hbm>>) target(%arg9 : memref<50x128xf32, #tpu.memory_space<vmem>>) offsets(%dma_start3A_114 : memref<50xi32, #tpu.memory_space<vmem>>) semaphore(%arg16 : memref<!tpu.dma_semaphore, #tpu.memory_space<semaphore_mem>>)
    %dma_start3A_118 = arith.constant 0 : i32
    %dma_start3A_119 = arith.constant 0 : i32
    %dma_start3A_120 = tpu.memref_slice %arg8[%rem3A_110, %dma_start3A_118, %dma_start3A_119] : memref<20x1x50xi32, #tpu.memory_space<vmem>> -> memref<1x1x50xi32, #tpu.memory_space<vmem>>
    %dma_start3A_121 = tpu.memref_squeeze %dma_start3A_120 : memref<1x1x50xi32, #tpu.memory_space<vmem>> -> memref<50xi32, #tpu.memory_space<vmem>>
    %dma_start3A_122 = arith.constant 0 : i32
    %dma_start3A_123 = arith.constant 0 : i32
    %dma_start3A_124 = tpu.memref_slice %arg3[%dma_start3A_122, %dma_start3A_123] : memref<10000x128xf32, #tpu.memory_space<hbm>> -> memref<10000x128xf32, #tpu.memory_space<hbm>>
    tpu.enqueue_indirect_dma source(%dma_start3A_124 : memref<10000x128xf32, #tpu.memory_space<hbm>>) target(%arg10 : memref<50x128xf32, #tpu.memory_space<vmem>>) offsets(%dma_start3A_121 : memref<50xi32, #tpu.memory_space<vmem>>) semaphore(%arg17 : memref<!tpu.dma_semaphore, #tpu.memory_space<semaphore_mem>>)
    %rem3A_125 = arith.constant 1 : i32
    %rem3A_126 = arith.constant 20 : i32
    %rem3A_127 = arith.remsi %rem3A_125, %rem3A_126 : i32
    %dma_start3A_128 = arith.constant 0 : i32
    %dma_start3A_129 = arith.constant 0 : i32
    %dma_start3A_130 = tpu.memref_slice %arg7[%rem3A_127, %dma_start3A_128, %dma_start3A_129] : memref<20x1x50xi32, #tpu.memory_space<vmem>> -> memref<1x1x50xi32, #tpu.memory_space<vmem>>
    %dma_start3A_131 = tpu.memref_squeeze %dma_start3A_130 : memref<1x1x50xi32, #tpu.memory_space<vmem>> -> memref<50xi32, #tpu.memory_space<vmem>>
    %dma_start3A_132 = arith.constant 0 : i32
    %dma_start3A_133 = arith.constant 0 : i32
    %dma_start3A_134 = tpu.memref_slice %arg2[%dma_start3A_132, %dma_start3A_133] : memref<10000x128xf32, #tpu.memory_space<hbm>> -> memref<10000x128xf32, #tpu.memory_space<hbm>>
    tpu.enqueue_indirect_dma source(%dma_start3A_134 : memref<10000x128xf32, #tpu.memory_space<hbm>>) target(%arg11 : memref<50x128xf32, #tpu.memory_space<vmem>>) offsets(%dma_start3A_131 : memref<50xi32, #tpu.memory_space<vmem>>) semaphore(%arg18 : memref<!tpu.dma_semaphore, #tpu.memory_space<semaphore_mem>>)
    %dma_start3A_135 = arith.constant 0 : i32
    %dma_start3A_136 = arith.constant 0 : i32
    %dma_start3A_137 = tpu.memref_slice %arg8[%rem3A_127, %dma_start3A_135, %dma_start3A_136] : memref<20x1x50xi32, #tpu.memory_space<vmem>> -> memref<1x1x50xi32, #tpu.memory_space<vmem>>
    %dma_start3A_138 = tpu.memref_squeeze %dma_start3A_137 : memref<1x1x50xi32, #tpu.memory_space<vmem>> -> memref<50xi32, #tpu.memory_space<vmem>>
    %dma_start3A_139 = arith.constant 0 : i32
    %dma_start3A_140 = arith.constant 0 : i32
    %dma_start3A_141 = tpu.memref_slice %arg3[%dma_start3A_139, %dma_start3A_140] : memref<10000x128xf32, #tpu.memory_space<hbm>> -> memref<10000x128xf32, #tpu.memory_space<hbm>>
    tpu.enqueue_indirect_dma source(%dma_start3A_141 : memref<10000x128xf32, #tpu.memory_space<hbm>>) target(%arg12 : memref<50x128xf32, #tpu.memory_space<vmem>>) offsets(%dma_start3A_138 : memref<50xi32, #tpu.memory_space<vmem>>) semaphore(%arg19 : memref<!tpu.dma_semaphore, #tpu.memory_space<semaphore_mem>>)
    %add3A_142 = arith.constant 10 : i32
    %add3A_143 = arith.addi %mul3A_2, %add3A_142 : i32
    %dma_start3A_144 = arith.constant 0 : i32
    %dma_start3A_145 = arith.constant 10 : i32
    %dma_start3A_146 = arith.constant 0 : i32
    %dma_start3A_147 = arith.constant 0 : i32
    %dma_start3A_148 = tpu.memref_slice %arg6[%dma_start3A_145, %dma_start3A_146, %dma_start3A_147] : memref<20x1x50xi32, #tpu.memory_space<vmem>> -> memref<10x1x50xi32, #tpu.memory_space<vmem>>
    %dma_start3A_149 = arith.constant 0 : i32
    %dma_start3A_150 = arith.constant 0 : i32
    %dma_start3A_151 = tpu.memref_slice %arg4[%dma_start3A_144, %add3A_143, %dma_start3A_149, %dma_start3A_150] : memref<3x6400x1x50xi32, #tpu.memory_space<hbm>> -> memref<1x10x1x50xi32, #tpu.memory_space<hbm>>
    %dma_start3A_152 = tpu.memref_squeeze %dma_start3A_151 : memref<1x10x1x50xi32, #tpu.memory_space<hbm>> -> memref<10x1x50xi32, #tpu.memory_space<hbm>>
    %dma_start3A_153 = arith.constant 10 : i32
    %dma_start3A_154 = arith.constant 0 : i32
    %dma_start3A_155 = arith.constant 0 : i32
    %dma_start3A_156 = tpu.memref_slice %arg6[%dma_start3A_153, %dma_start3A_154, %dma_start3A_155] : memref<20x1x50xi32, #tpu.memory_space<vmem>> -> memref<10x1x50xi32, #tpu.memory_space<vmem>>
    %dma_start3A_157 = arith.constant 0 : i32
    %dma_start3A_158 = arith.constant 0 : i32
    %dma_start3A_159 = tpu.memref_slice %arg4[%dma_start3A_144, %add3A_143, %dma_start3A_157, %dma_start3A_158] : memref<3x6400x1x50xi32, #tpu.memory_space<hbm>> -> memref<1x10x1x50xi32, #tpu.memory_space<hbm>>
    %dma_start3A_160 = tpu.memref_squeeze %dma_start3A_159 : memref<1x10x1x50xi32, #tpu.memory_space<hbm>> -> memref<10x1x50xi32, #tpu.memory_space<hbm>>
    tpu.enqueue_dma source(%dma_start3A_160 : memref<10x1x50xi32, #tpu.memory_space<hbm>>) target(%dma_start3A_156 : memref<10x1x50xi32, #tpu.memory_space<vmem>>) target_semaphore(%arg22 : memref<!tpu.dma_semaphore, #tpu.memory_space<semaphore_mem>>)
    %add3A_161 = arith.constant 10 : i32
    %add3A_162 = arith.addi %mul3A_2, %add3A_161 : i32
    %dma_start3A_163 = arith.constant 1 : i32
    %dma_start3A_164 = arith.constant 10 : i32
    %dma_start3A_165 = arith.constant 0 : i32
    %dma_start3A_166 = arith.constant 0 : i32
    %dma_start3A_167 = tpu.memref_slice %arg7[%dma_start3A_164, %dma_start3A_165, %dma_start3A_166] : memref<20x1x50xi32, #tpu.memory_space<vmem>> -> memref<10x1x50xi32, #tpu.memory_space<vmem>>
    %dma_start3A_168 = arith.constant 0 : i32
    %dma_start3A_169 = arith.constant 0 : i32
    %dma_start3A_170 = tpu.memref_slice %arg4[%dma_start3A_163, %add3A_162, %dma_start3A_168, %dma_start3A_169] : memref<3x6400x1x50xi32, #tpu.memory_space<hbm>> -> memref<1x10x1x50xi32, #tpu.memory_space<hbm>>
    %dma_start3A_171 = tpu.memref_squeeze %dma_start3A_170 : memref<1x10x1x50xi32, #tpu.memory_space<hbm>> -> memref<10x1x50xi32, #tpu.memory_space<hbm>>
    %dma_start3A_172 = arith.constant 10 : i32
    %dma_start3A_173 = arith.constant 0 : i32
    %dma_start3A_174 = arith.constant 0 : i32
    %dma_start3A_175 = tpu.memref_slice %arg7[%dma_start3A_172, %dma_start3A_173, %dma_start3A_174] : memref<20x1x50xi32, #tpu.memory_space<vmem>> -> memref<10x1x50xi32, #tpu.memory_space<vmem>>
    %dma_start3A_176 = arith.constant 0 : i32
    %dma_start3A_177 = arith.constant 0 : i32
    %dma_start3A_178 = tpu.memref_slice %arg4[%dma_start3A_163, %add3A_162, %dma_start3A_176, %dma_start3A_177] : memref<3x6400x1x50xi32, #tpu.memory_space<hbm>> -> memref<1x10x1x50xi32, #tpu.memory_space<hbm>>
    %dma_start3A_179 = tpu.memref_squeeze %dma_start3A_178 : memref<1x10x1x50xi32, #tpu.memory_space<hbm>> -> memref<10x1x50xi32, #tpu.memory_space<hbm>>
    tpu.enqueue_dma source(%dma_start3A_179 : memref<10x1x50xi32, #tpu.memory_space<hbm>>) target(%dma_start3A_175 : memref<10x1x50xi32, #tpu.memory_space<vmem>>) target_semaphore(%arg22 : memref<!tpu.dma_semaphore, #tpu.memory_space<semaphore_mem>>)
    %add3A_180 = arith.constant 10 : i32
    %add3A_181 = arith.addi %mul3A_2, %add3A_180 : i32
    %dma_start3A_182 = arith.constant 2 : i32
    %dma_start3A_183 = arith.constant 10 : i32
    %dma_start3A_184 = arith.constant 0 : i32
    %dma_start3A_185 = arith.constant 0 : i32
    %dma_start3A_186 = tpu.memref_slice %arg8[%dma_start3A_183, %dma_start3A_184, %dma_start3A_185] : memref<20x1x50xi32, #tpu.memory_space<vmem>> -> memref<10x1x50xi32, #tpu.memory_space<vmem>>
    %dma_start3A_187 = arith.constant 0 : i32
    %dma_start3A_188 = arith.constant 0 : i32
    %dma_start3A_189 = tpu.memref_slice %arg4[%dma_start3A_182, %add3A_181, %dma_start3A_187, %dma_start3A_188] : memref<3x6400x1x50xi32, #tpu.memory_space<hbm>> -> memref<1x10x1x50xi32, #tpu.memory_space<hbm>>
    %dma_start3A_190 = tpu.memref_squeeze %dma_start3A_189 : memref<1x10x1x50xi32, #tpu.memory_space<hbm>> -> memref<10x1x50xi32, #tpu.memory_space<hbm>>
    %dma_start3A_191 = arith.constant 10 : i32
    %dma_start3A_192 = arith.constant 0 : i32
    %dma_start3A_193 = arith.constant 0 : i32
    %dma_start3A_194 = tpu.memref_slice %arg8[%dma_start3A_191, %dma_start3A_192, %dma_start3A_193] : memref<20x1x50xi32, #tpu.memory_space<vmem>> -> memref<10x1x50xi32, #tpu.memory_space<vmem>>
    %dma_start3A_195 = arith.constant 0 : i32
    %dma_start3A_196 = arith.constant 0 : i32
    %dma_start3A_197 = tpu.memref_slice %arg4[%dma_start3A_182, %add3A_181, %dma_start3A_195, %dma_start3A_196] : memref<3x6400x1x50xi32, #tpu.memory_space<hbm>> -> memref<1x10x1x50xi32, #tpu.memory_space<hbm>>
    %dma_start3A_198 = tpu.memref_squeeze %dma_start3A_197 : memref<1x10x1x50xi32, #tpu.memory_space<hbm>> -> memref<10x1x50xi32, #tpu.memory_space<hbm>>
    tpu.enqueue_dma source(%dma_start3A_198 : memref<10x1x50xi32, #tpu.memory_space<hbm>>) target(%dma_start3A_194 : memref<10x1x50xi32, #tpu.memory_space<vmem>>) target_semaphore(%arg22 : memref<!tpu.dma_semaphore, #tpu.memory_space<semaphore_mem>>)
    %broadcast_in_dim3A = arith.constant 0.000000e+00 : f32
    %broadcast_in_dim3A_199 = vector.broadcast %broadcast_in_dim3A : f32 to vector<16xf32>
    %scan3A = arith.constant 0 : i32
    %scan3A_200 = arith.constant 0 : i32
    %scan3A_201 = arith.constant 40 : i32
    %scan3A_202 = arith.addi %scan3A_200, %scan3A_201 : i32
    %scan3A_203 = arith.constant 1 : i32
    scf.for %scan3A_256 = %scan3A_200 to %scan3A_202 step %scan3A_203  : i32 {
      %swap3A = arith.index_cast %scan3A_256 : i32 to index
      %swap3A_257 = arith.constant 0 : index
      %swap3A_258 = tpu.vector_load %arg13[%swap3A, %swap3A_257] {strides = array<i32>} : memref<50x128xf32, #tpu.memory_space<vmem>>, vector<1x16xf32>,
      %swap3A_259 = vector.shape_cast %swap3A_258 : vector<1x16xf32> to vector<16xf32>
      %swap3A_260 = vector.shape_cast %broadcast_in_dim3A_199 : vector<16xf32> to vector<1x16xf32>
      tpu.vector_store %arg13[%swap3A, %swap3A_257], %swap3A_260 {strides = array<i32>} : memref<50x128xf32, #tpu.memory_space<vmem>>, vector<1x16xf32>,
      %swap3A_261 = arith.index_cast %scan3A_256 : i32 to index
      %swap3A_262 = arith.constant 16 : index
      %swap3A_263 = tpu.vector_load %arg13[%swap3A_261, %swap3A_262] {strides = array<i32>} : memref<50x128xf32, #tpu.memory_space<vmem>>, vector<1x16xf32>,
      %swap3A_264 = vector.shape_cast %swap3A_263 : vector<1x16xf32> to vector<16xf32>
      %swap3A_265 = vector.shape_cast %broadcast_in_dim3A_199 : vector<16xf32> to vector<1x16xf32>
      tpu.vector_store %arg13[%swap3A_261, %swap3A_262], %swap3A_265 {strides = array<i32>} : memref<50x128xf32, #tpu.memory_space<vmem>>, vector<1x16xf32>,
      %swap3A_266 = arith.index_cast %scan3A_256 : i32 to index
      %swap3A_267 = arith.constant 32 : index
      %swap3A_268 = tpu.vector_load %arg13[%swap3A_266, %swap3A_267] {strides = array<i32>} : memref<50x128xf32, #tpu.memory_space<vmem>>, vector<1x16xf32>,
      %swap3A_269 = vector.shape_cast %swap3A_268 : vector<1x16xf32> to vector<16xf32>
      %swap3A_270 = vector.shape_cast %broadcast_in_dim3A_199 : vector<16xf32> to vector<1x16xf32>
      tpu.vector_store %arg13[%swap3A_266, %swap3A_267], %swap3A_270 {strides = array<i32>} : memref<50x128xf32, #tpu.memory_space<vmem>>, vector<1x16xf32>,
      %swap3A_271 = arith.index_cast %scan3A_256 : i32 to index
      %swap3A_272 = arith.constant 48 : index
      %swap3A_273 = tpu.vector_load %arg13[%swap3A_271, %swap3A_272] {strides = array<i32>} : memref<50x128xf32, #tpu.memory_space<vmem>>, vector<1x16xf32>,
      %swap3A_274 = vector.shape_cast %swap3A_273 : vector<1x16xf32> to vector<16xf32>
      %swap3A_275 = vector.shape_cast %broadcast_in_dim3A_199 : vector<16xf32> to vector<1x16xf32>
      tpu.vector_store %arg13[%swap3A_271, %swap3A_272], %swap3A_275 {strides = array<i32>} : memref<50x128xf32, #tpu.memory_space<vmem>>, vector<1x16xf32>,
      %swap3A_276 = arith.index_cast %scan3A_256 : i32 to index
      %swap3A_277 = arith.constant 64 : index
      %swap3A_278 = tpu.vector_load %arg13[%swap3A_276, %swap3A_277] {strides = array<i32>} : memref<50x128xf32, #tpu.memory_space<vmem>>, vector<1x16xf32>,
      %swap3A_279 = vector.shape_cast %swap3A_278 : vector<1x16xf32> to vector<16xf32>
      %swap3A_280 = vector.shape_cast %broadcast_in_dim3A_199 : vector<16xf32> to vector<1x16xf32>
      tpu.vector_store %arg13[%swap3A_276, %swap3A_277], %swap3A_280 {strides = array<i32>} : memref<50x128xf32, #tpu.memory_space<vmem>>, vector<1x16xf32>,
      %swap3A_281 = arith.index_cast %scan3A_256 : i32 to index
      %swap3A_282 = arith.constant 80 : index
      %swap3A_283 = tpu.vector_load %arg13[%swap3A_281, %swap3A_282] {strides = array<i32>} : memref<50x128xf32, #tpu.memory_space<vmem>>, vector<1x16xf32>,
      %swap3A_284 = vector.shape_cast %swap3A_283 : vector<1x16xf32> to vector<16xf32>
      %swap3A_285 = vector.shape_cast %broadcast_in_dim3A_199 : vector<16xf32> to vector<1x16xf32>
      tpu.vector_store %arg13[%swap3A_281, %swap3A_282], %swap3A_285 {strides = array<i32>} : memref<50x128xf32, #tpu.memory_space<vmem>>, vector<1x16xf32>,
      %swap3A_286 = arith.index_cast %scan3A_256 : i32 to index
      %swap3A_287 = arith.constant 96 : index
      %swap3A_288 = tpu.vector_load %arg13[%swap3A_286, %swap3A_287] {strides = array<i32>} : memref<50x128xf32, #tpu.memory_space<vmem>>, vector<1x16xf32>,
      %swap3A_289 = vector.shape_cast %swap3A_288 : vector<1x16xf32> to vector<16xf32>
      %swap3A_290 = vector.shape_cast %broadcast_in_dim3A_199 : vector<16xf32> to vector<1x16xf32>
      tpu.vector_store %arg13[%swap3A_286, %swap3A_287], %swap3A_290 {strides = array<i32>} : memref<50x128xf32, #tpu.memory_space<vmem>>, vector<1x16xf32>,
      %swap3A_291 = arith.index_cast %scan3A_256 : i32 to index
      %swap3A_292 = arith.constant 112 : index
      %swap3A_293 = tpu.vector_load %arg13[%swap3A_291, %swap3A_292] {strides = array<i32>} : memref<50x128xf32, #tpu.memory_space<vmem>>, vector<1x16xf32>,
      %swap3A_294 = vector.shape_cast %swap3A_293 : vector<1x16xf32> to vector<16xf32>
      %swap3A_295 = vector.shape_cast %broadcast_in_dim3A_199 : vector<16xf32> to vector<1x16xf32>
      tpu.vector_store %arg13[%swap3A_291, %swap3A_292], %swap3A_295 {strides = array<i32>} : memref<50x128xf32, #tpu.memory_space<vmem>>, vector<1x16xf32>,
    }
    %scan3A_204 = arith.constant 40 : i32
    %scan3A_205 = arith.constant 0 : i32
    %scan3A_206 = arith.constant 0 : i32
    %scan3A_207 = arith.constant 16 : i32
    %scan3A_208 = arith.addi %scan3A_206, %scan3A_207 : i32
    %scan3A_209 = arith.constant 1 : i32
    scf.for %scan3A_256 = %scan3A_206 to %scan3A_208 step %scan3A_209  : i32 {
      %mul3A_257 = arith.constant 16 : i32
      %mul3A_258 = arith.muli %scan3A_256, %mul3A_257 : i32
      %add3A_259 = arith.addi %arg1, %mul3A_258 : i32
      %lt3A = arith.constant 250 : i32
      %lt3A_260 = arith.cmpi slt, %add3A_259, %lt3A : i32
      %convert_element_type3A = arith.extui %lt3A_260 : i1 to i32
      %cond3A = arith.constant 0 : i32
      %cond3A_261 = arith.cmpi ne, %convert_element_type3A, %cond3A : i32
      scf.if %cond3A_261 {
        %mul3A_262 = arith.constant 40 : i32
        %mul3A_263 = arith.muli %add3A_259, %mul3A_262 : i32
        %multiple_of3A = tpu.assume_multiple %mul3A_263, 8 : i32
        %dma_start3A_264 = arith.constant 0 : i32
        %dma_start3A_265 = arith.constant 0 : i32
        %dma_start3A_266 = tpu.memref_slice %arg13[%dma_start3A_264, %dma_start3A_265] : memref<50x128xf32, #tpu.memory_space<vmem>> -> memref<40x128xf32, #tpu.memory_space<vmem>>
        %dma_start3A_267 = arith.constant 0 : i32
        %dma_start3A_268 = tpu.memref_slice %arg15[%multiple_of3A, %dma_start3A_267] : memref<10000x128xf32, #tpu.memory_space<vmem_shared>> -> memref<40x128xf32, #tpu.memory_space<vmem_shared>>
        %dma_start3A_269 = arith.constant 0 : i32
        %dma_start3A_270 = tpu.memref_slice %arg15[%multiple_of3A, %dma_start3A_269] : memref<10000x128xf32, #tpu.memory_space<vmem_shared>> -> memref<40x128xf32, #tpu.memory_space<vmem_shared>>
        %dma_start3A_271 = arith.constant 0 : i32
        %dma_start3A_272 = arith.constant 0 : i32
        %dma_start3A_273 = tpu.memref_slice %arg13[%dma_start3A_271, %dma_start3A_272] : memref<50x128xf32, #tpu.memory_space<vmem>> -> memref<40x128xf32, #tpu.memory_space<vmem>>
        tpu.enqueue_dma source(%dma_start3A_273 : memref<40x128xf32, #tpu.memory_space<vmem>>) target(%dma_start3A_270 : memref<40x128xf32, #tpu.memory_space<vmem_shared>>) target_semaphore(%arg23 : memref<!tpu.dma_semaphore, #tpu.memory_space<semaphore_mem>>)
      } else {
      }
    }
    %scan3A_210 = arith.constant 16 : i32
    %scan3A_211 = arith.constant 0 : i32
    %scan3A_212 = arith.constant 0 : i32
    %scan3A_213 = arith.constant 16 : i32
    %scan3A_214 = arith.addi %scan3A_212, %scan3A_213 : i32
    %scan3A_215 = arith.constant 1 : i32
    scf.for %scan3A_256 = %scan3A_212 to %scan3A_214 step %scan3A_215  : i32 {
      %mul3A_257 = arith.constant 16 : i32
      %mul3A_258 = arith.muli %scan3A_256, %mul3A_257 : i32
      %add3A_259 = arith.addi %arg1, %mul3A_258 : i32
      %lt3A = arith.constant 250 : i32
      %lt3A_260 = arith.cmpi slt, %add3A_259, %lt3A : i32
      %convert_element_type3A = arith.extui %lt3A_260 : i1 to i32
      %cond3A = arith.constant 0 : i32
      %cond3A_261 = arith.cmpi ne, %convert_element_type3A, %cond3A : i32
      scf.if %cond3A_261 {
        %mul3A_262 = arith.constant 40 : i32
        %mul3A_263 = arith.muli %add3A_259, %mul3A_262 : i32
        %multiple_of3A = tpu.assume_multiple %mul3A_263, 8 : i32
        %dma_wait3A_264 = arith.constant 0 : i32
        %dma_wait3A_265 = arith.constant 0 : i32
        %dma_wait3A_266 = tpu.memref_slice %arg13[%dma_wait3A_264, %dma_wait3A_265] : memref<50x128xf32, #tpu.memory_space<vmem>> -> memref<40x128xf32, #tpu.memory_space<vmem>>
        %dma_wait3A_267 = arith.constant 0 : i32
        %dma_wait3A_268 = tpu.memref_slice %arg15[%multiple_of3A, %dma_wait3A_267] : memref<10000x128xf32, #tpu.memory_space<vmem_shared>> -> memref<40x128xf32, #tpu.memory_space<vmem_shared>>
        %dma_wait3A_269 = arith.constant 0 : i32
        %dma_wait3A_270 = tpu.memref_slice %arg15[%multiple_of3A, %dma_wait3A_269] : memref<10000x128xf32, #tpu.memory_space<vmem_shared>> -> memref<40x128xf32, #tpu.memory_space<vmem_shared>>
        %dma_wait3A_271 = arith.constant 0 : i32
        %dma_wait3A_272 = arith.constant 0 : i32
        %dma_wait3A_273 = tpu.memref_slice %arg13[%dma_wait3A_271, %dma_wait3A_272] : memref<50x128xf32, #tpu.memory_space<vmem>> -> memref<40x128xf32, #tpu.memory_space<vmem>>
        tpu.wait_dma2 semaphore(%arg23 : memref<!tpu.dma_semaphore, #tpu.memory_space<semaphore_mem>>) src(%dma_wait3A_273 : memref<40x128xf32, #tpu.memory_space<vmem>>) dst(%dma_wait3A_270 : memref<40x128xf32, #tpu.memory_space<vmem_shared>>)
      } else {
      }
    }
    %scan3A_216 = arith.constant 16 : i32
    %barrier3A = arith.constant 0 : index
    tpu.barrier barrier_id(%barrier3A)
    %scan3A_217 = arith.constant 0 : i32
    %scan3A_218 = arith.constant 0 : i32
    %scan3A_219 = arith.constant 100 : i32
    %scan3A_220 = arith.addi %scan3A_218, %scan3A_219 : i32
    %scan3A_221 = arith.constant 1 : i32
    scf.for %scan3A_256 = %scan3A_218 to %scan3A_220 step %scan3A_221  : i32 {
      %mul3A_257 = arith.constant 2 : i32
      %mul3A_258 = arith.muli %mul3A_257, %scan3A_256 : i32
      %rem3A_259 = arith.constant 5 : i32
      %rem3A_260 = arith.remsi %scan3A_256, %rem3A_259 : i32
      %eq3A = arith.constant 0 : i32
      %eq3A_261 = arith.cmpi eq, %rem3A_260, %eq3A : i32
      %gt3A = arith.constant 0 : i32
      %gt3A_262 = arith.cmpi sgt, %scan3A_256, %gt3A : i32
      %and3A = arith.andi %eq3A_261, %gt3A_262 : i1
      %lt3A = arith.constant 95 : i32
      %lt3A_263 = arith.cmpi slt, %scan3A_256, %lt3A : i32
      %and3A_264 = arith.andi %and3A, %lt3A_263 : i1
      %convert_element_type3A = arith.extui %and3A_264 : i1 to i32
      %cond3A = arith.constant 0 : i32
      %cond3A_265 = arith.cmpi ne, %convert_element_type3A, %cond3A : i32
      scf.if %cond3A_265 {
        %jit3A = arith.constant 5 : i32
        %div3A = arith.divsi %scan3A_256, %jit3A : i32
        %sign3A = arith.constant 0 : i32
        %sign3A_362 = arith.cmpi sgt, %scan3A_256, %sign3A : i32
        %sign3A_363 = arith.extui %sign3A_362 : i1 to i32
        %sign3A_364 = arith.constant 0 : i32
        %sign3A_365 = arith.cmpi slt, %scan3A_256, %sign3A_364 : i32
        %sign3A_366 = arith.extui %sign3A_365 : i1 to i32
        %sign3A_367 = arith.subi %sign3A_363, %sign3A_366 : i32
        %sign3A_368 = arith.constant 0 : i32
        %sign3A_369 = arith.cmpi sgt, %jit3A, %sign3A_368 : i32
        %sign3A_370 = arith.extui %sign3A_369 : i1 to i32
        %sign3A_371 = arith.constant 0 : i32
        %sign3A_372 = arith.cmpi slt, %jit3A, %sign3A_371 : i32
        %sign3A_373 = arith.extui %sign3A_372 : i1 to i32
        %sign3A_374 = arith.subi %sign3A_370, %sign3A_373 : i32
        %ne3A = arith.cmpi ne, %sign3A_367, %sign3A_374 : i32
        %rem3A_375 = arith.remsi %scan3A_256, %jit3A : i32
        %ne3A_376 = arith.constant 0 : i32
        %ne3A_377 = arith.cmpi ne, %rem3A_375, %ne3A_376 : i32
        %and3A_378 = arith.andi %ne3A, %ne3A_377 : i1
        %sub3A = arith.constant 1 : i32
        %sub3A_379 = arith.subi %div3A, %sub3A : i32
        %select_n3A = arith.select %and3A_378, %sub3A_379, %div3A : i32
        %add3A_380 = arith.constant 1 : i32
        %add3A_381 = arith.addi %select_n3A, %add3A_380 : i32
        %rem3A_382 = arith.constant 2 : i32
        %rem3A_383 = arith.remsi %add3A_381, %rem3A_382 : i32
        %mul3A_384 = arith.constant 10 : i32
        %mul3A_385 = arith.muli %rem3A_383, %mul3A_384 : i32
        %mul3A_386 = arith.constant 10 : i32
        %mul3A_387 = arith.muli %add3A_381, %mul3A_386 : i32
        %add3A_388 = arith.addi %mul3A_2, %mul3A_387 : i32
        %dma_start3A_389 = arith.constant 0 : i32
        %dma_start3A_390 = arith.constant 0 : i32
        %dma_start3A_391 = arith.constant 0 : i32
        %dma_start3A_392 = tpu.memref_slice %arg6[%mul3A_385, %dma_start3A_390, %dma_start3A_391] : memref<20x1x50xi32, #tpu.memory_space<vmem>> -> memref<10x1x50xi32, #tpu.memory_space<vmem>>
        %dma_start3A_393 = arith.constant 0 : i32
        %dma_start3A_394 = arith.constant 0 : i32
        %dma_start3A_395 = tpu.memref_slice %arg4[%dma_start3A_389, %add3A_388, %dma_start3A_393, %dma_start3A_394] : memref<3x6400x1x50xi32, #tpu.memory_space<hbm>> -> memref<1x10x1x50xi32, #tpu.memory_space<hbm>>
        %dma_start3A_396 = tpu.memref_squeeze %dma_start3A_395 : memref<1x10x1x50xi32, #tpu.memory_space<hbm>> -> memref<10x1x50xi32, #tpu.memory_space<hbm>>
        %dma_start3A_397 = arith.constant 0 : i32
        %dma_start3A_398 = arith.constant 0 : i32
        %dma_start3A_399 = tpu.memref_slice %arg6[%mul3A_385, %dma_start3A_397, %dma_start3A_398] : memref<20x1x50xi32, #tpu.memory_space<vmem>> -> memref<10x1x50xi32, #tpu.memory_space<vmem>>
        %dma_start3A_400 = arith.constant 0 : i32
        %dma_start3A_401 = arith.constant 0 : i32
        %dma_start3A_402 = tpu.memref_slice %arg4[%dma_start3A_389, %add3A_388, %dma_start3A_400, %dma_start3A_401] : memref<3x6400x1x50xi32, #tpu.memory_space<hbm>> -> memref<1x10x1x50xi32, #tpu.memory_space<hbm>>
        %dma_start3A_403 = tpu.memref_squeeze %dma_start3A_402 : memref<1x10x1x50xi32, #tpu.memory_space<hbm>> -> memref<10x1x50xi32, #tpu.memory_space<hbm>>
        tpu.enqueue_dma source(%dma_start3A_403 : memref<10x1x50xi32, #tpu.memory_space<hbm>>) target(%dma_start3A_399 : memref<10x1x50xi32, #tpu.memory_space<vmem>>) target_semaphore(%arg22 : memref<!tpu.dma_semaphore, #tpu.memory_space<semaphore_mem>>)
        %mul3A_404 = arith.constant 10 : i32
        %mul3A_405 = arith.muli %add3A_381, %mul3A_404 : i32
        %add3A_406 = arith.addi %mul3A_2, %mul3A_405 : i32
        %dma_start3A_407 = arith.constant 1 : i32
        %dma_start3A_408 = arith.constant 0 : i32
        %dma_start3A_409 = arith.constant 0 : i32
        %dma_start3A_410 = tpu.memref_slice %arg7[%mul3A_385, %dma_start3A_408, %dma_start3A_409] : memref<20x1x50xi32, #tpu.memory_space<vmem>> -> memref<10x1x50xi32, #tpu.memory_space<vmem>>
        %dma_start3A_411 = arith.constant 0 : i32
        %dma_start3A_412 = arith.constant 0 : i32
        %dma_start3A_413 = tpu.memref_slice %arg4[%dma_start3A_407, %add3A_406, %dma_start3A_411, %dma_start3A_412] : memref<3x6400x1x50xi32, #tpu.memory_space<hbm>> -> memref<1x10x1x50xi32, #tpu.memory_space<hbm>>
        %dma_start3A_414 = tpu.memref_squeeze %dma_start3A_413 : memref<1x10x1x50xi32, #tpu.memory_space<hbm>> -> memref<10x1x50xi32, #tpu.memory_space<hbm>>
        %dma_start3A_415 = arith.constant 0 : i32
        %dma_start3A_416 = arith.constant 0 : i32
        %dma_start3A_417 = tpu.memref_slice %arg7[%mul3A_385, %dma_start3A_415, %dma_start3A_416] : memref<20x1x50xi32, #tpu.memory_space<vmem>> -> memref<10x1x50xi32, #tpu.memory_space<vmem>>
        %dma_start3A_418 = arith.constant 0 : i32
        %dma_start3A_419 = arith.constant 0 : i32
        %dma_start3A_420 = tpu.memref_slice %arg4[%dma_start3A_407, %add3A_406, %dma_start3A_418, %dma_start3A_419] : memref<3x6400x1x50xi32, #tpu.memory_space<hbm>> -> memref<1x10x1x50xi32, #tpu.memory_space<hbm>>
        %dma_start3A_421 = tpu.memref_squeeze %dma_start3A_420 : memref<1x10x1x50xi32, #tpu.memory_space<hbm>> -> memref<10x1x50xi32, #tpu.memory_space<hbm>>
        tpu.enqueue_dma source(%dma_start3A_421 : memref<10x1x50xi32, #tpu.memory_space<hbm>>) target(%dma_start3A_417 : memref<10x1x50xi32, #tpu.memory_space<vmem>>) target_semaphore(%arg22 : memref<!tpu.dma_semaphore, #tpu.memory_space<semaphore_mem>>)
        %mul3A_422 = arith.constant 10 : i32
        %mul3A_423 = arith.muli %add3A_381, %mul3A_422 : i32
        %add3A_424 = arith.addi %mul3A_2, %mul3A_423 : i32
        %dma_start3A_425 = arith.constant 2 : i32
        %dma_start3A_426 = arith.constant 0 : i32
        %dma_start3A_427 = arith.constant 0 : i32
        %dma_start3A_428 = tpu.memref_slice %arg8[%mul3A_385, %dma_start3A_426, %dma_start3A_427] : memref<20x1x50xi32, #tpu.memory_space<vmem>> -> memref<10x1x50xi32, #tpu.memory_space<vmem>>
        %dma_start3A_429 = arith.constant 0 : i32
        %dma_start3A_430 = arith.constant 0 : i32
        %dma_start3A_431 = tpu.memref_slice %arg4[%dma_start3A_425, %add3A_424, %dma_start3A_429, %dma_start3A_430] : memref<3x6400x1x50xi32, #tpu.memory_space<hbm>> -> memref<1x10x1x50xi32, #tpu.memory_space<hbm>>
        %dma_start3A_432 = tpu.memref_squeeze %dma_start3A_431 : memref<1x10x1x50xi32, #tpu.memory_space<hbm>> -> memref<10x1x50xi32, #tpu.memory_space<hbm>>
        %dma_start3A_433 = arith.constant 0 : i32
        %dma_start3A_434 = arith.constant 0 : i32
        %dma_start3A_435 = tpu.memref_slice %arg8[%mul3A_385, %dma_start3A_433, %dma_start3A_434] : memref<20x1x50xi32, #tpu.memory_space<vmem>> -> memref<10x1x50xi32, #tpu.memory_space<vmem>>
        %dma_start3A_436 = arith.constant 0 : i32
        %dma_start3A_437 = arith.constant 0 : i32
        %dma_start3A_438 = tpu.memref_slice %arg4[%dma_start3A_425, %add3A_424, %dma_start3A_436, %dma_start3A_437] : memref<3x6400x1x50xi32, #tpu.memory_space<hbm>> -> memref<1x10x1x50xi32, #tpu.memory_space<hbm>>
        %dma_start3A_439 = tpu.memref_squeeze %dma_start3A_438 : memref<1x10x1x50xi32, #tpu.memory_space<hbm>> -> memref<10x1x50xi32, #tpu.memory_space<hbm>>
        tpu.enqueue_dma source(%dma_start3A_439 : memref<10x1x50xi32, #tpu.memory_space<hbm>>) target(%dma_start3A_435 : memref<10x1x50xi32, #tpu.memory_space<vmem>>) target_semaphore(%arg22 : memref<!tpu.dma_semaphore, #tpu.memory_space<semaphore_mem>>)
      } else {
      }
      %rem3A_266 = arith.constant 5 : i32
      %rem3A_267 = arith.remsi %scan3A_256, %rem3A_266 : i32
      %eq3A_268 = arith.constant 4 : i32
      %eq3A_269 = arith.cmpi eq, %rem3A_267, %eq3A_268 : i32
      %lt3A_270 = arith.constant 95 : i32
      %lt3A_271 = arith.cmpi slt, %scan3A_256, %lt3A_270 : i32
      %and3A_272 = arith.andi %eq3A_269, %lt3A_271 : i1
      %convert_element_type3A_273 = arith.extui %and3A_272 : i1 to i32
      %cond3A_274 = arith.constant 0 : i32
      %cond3A_275 = arith.cmpi ne, %convert_element_type3A_273, %cond3A_274 : i32
      scf.if %cond3A_275 {
        %dma_wait3A_362 = arith.constant 0 : i32
        %dma_wait3A_363 = arith.constant 0 : i32
        %dma_wait3A_364 = arith.constant 0 : i32
        %dma_wait3A_365 = arith.constant 0 : i32
        %dma_wait3A_366 = tpu.memref_slice %arg6[%dma_wait3A_363, %dma_wait3A_364, %dma_wait3A_365] : memref<20x1x50xi32, #tpu.memory_space<vmem>> -> memref<10x1x50xi32, #tpu.memory_space<vmem>>
        %dma_wait3A_367 = arith.constant 0 : i32
        %dma_wait3A_368 = arith.constant 0 : i32
        %dma_wait3A_369 = tpu.memref_slice %arg4[%dma_wait3A_362, %mul3A_2, %dma_wait3A_367, %dma_wait3A_368] : memref<3x6400x1x50xi32, #tpu.memory_space<hbm>> -> memref<1x10x1x50xi32, #tpu.memory_space<hbm>>
        %dma_wait3A_370 = tpu.memref_squeeze %dma_wait3A_369 : memref<1x10x1x50xi32, #tpu.memory_space<hbm>> -> memref<10x1x50xi32, #tpu.memory_space<hbm>>
        %dma_wait3A_371 = arith.constant 0 : i32
        %dma_wait3A_372 = arith.constant 0 : i32
        %dma_wait3A_373 = arith.constant 0 : i32
        %dma_wait3A_374 = tpu.memref_slice %arg6[%dma_wait3A_371, %dma_wait3A_372, %dma_wait3A_373] : memref<20x1x50xi32, #tpu.memory_space<vmem>> -> memref<10x1x50xi32, #tpu.memory_space<vmem>>
        %dma_wait3A_375 = arith.constant 0 : i32
        %dma_wait3A_376 = arith.constant 0 : i32
        %dma_wait3A_377 = tpu.memref_slice %arg4[%dma_wait3A_362, %mul3A_2, %dma_wait3A_375, %dma_wait3A_376] : memref<3x6400x1x50xi32, #tpu.memory_space<hbm>> -> memref<1x10x1x50xi32, #tpu.memory_space<hbm>>
        %dma_wait3A_378 = tpu.memref_squeeze %dma_wait3A_377 : memref<1x10x1x50xi32, #tpu.memory_space<hbm>> -> memref<10x1x50xi32, #tpu.memory_space<hbm>>
        tpu.wait_dma2 semaphore(%arg22 : memref<!tpu.dma_semaphore, #tpu.memory_space<semaphore_mem>>) src(%dma_wait3A_378 : memref<10x1x50xi32, #tpu.memory_space<hbm>>) dst(%dma_wait3A_374 : memref<10x1x50xi32, #tpu.memory_space<vmem>>)
        %dma_wait3A_379 = arith.constant 1 : i32
        %dma_wait3A_380 = arith.constant 0 : i32
        %dma_wait3A_381 = arith.constant 0 : i32
        %dma_wait3A_382 = arith.constant 0 : i32
        %dma_wait3A_383 = tpu.memref_slice %arg7[%dma_wait3A_380, %dma_wait3A_381, %dma_wait3A_382] : memref<20x1x50xi32, #tpu.memory_space<vmem>> -> memref<10x1x50xi32, #tpu.memory_space<vmem>>
        %dma_wait3A_384 = arith.constant 0 : i32
        %dma_wait3A_385 = arith.constant 0 : i32
        %dma_wait3A_386 = tpu.memref_slice %arg4[%dma_wait3A_379, %mul3A_2, %dma_wait3A_384, %dma_wait3A_385] : memref<3x6400x1x50xi32, #tpu.memory_space<hbm>> -> memref<1x10x1x50xi32, #tpu.memory_space<hbm>>
        %dma_wait3A_387 = tpu.memref_squeeze %dma_wait3A_386 : memref<1x10x1x50xi32, #tpu.memory_space<hbm>> -> memref<10x1x50xi32, #tpu.memory_space<hbm>>
        %dma_wait3A_388 = arith.constant 0 : i32
        %dma_wait3A_389 = arith.constant 0 : i32
        %dma_wait3A_390 = arith.constant 0 : i32
        %dma_wait3A_391 = tpu.memref_slice %arg7[%dma_wait3A_388, %dma_wait3A_389, %dma_wait3A_390] : memref<20x1x50xi32, #tpu.memory_space<vmem>> -> memref<10x1x50xi32, #tpu.memory_space<vmem>>
        %dma_wait3A_392 = arith.constant 0 : i32
        %dma_wait3A_393 = arith.constant 0 : i32
        %dma_wait3A_394 = tpu.memref_slice %arg4[%dma_wait3A_379, %mul3A_2, %dma_wait3A_392, %dma_wait3A_393] : memref<3x6400x1x50xi32, #tpu.memory_space<hbm>> -> memref<1x10x1x50xi32, #tpu.memory_space<hbm>>
        %dma_wait3A_395 = tpu.memref_squeeze %dma_wait3A_394 : memref<1x10x1x50xi32, #tpu.memory_space<hbm>> -> memref<10x1x50xi32, #tpu.memory_space<hbm>>
        tpu.wait_dma2 semaphore(%arg22 : memref<!tpu.dma_semaphore, #tpu.memory_space<semaphore_mem>>) src(%dma_wait3A_395 : memref<10x1x50xi32, #tpu.memory_space<hbm>>) dst(%dma_wait3A_391 : memref<10x1x50xi32, #tpu.memory_space<vmem>>)
        %dma_wait3A_396 = arith.constant 2 : i32
        %dma_wait3A_397 = arith.constant 0 : i32
        %dma_wait3A_398 = arith.constant 0 : i32
        %dma_wait3A_399 = arith.constant 0 : i32
        %dma_wait3A_400 = tpu.memref_slice %arg8[%dma_wait3A_397, %dma_wait3A_398, %dma_wait3A_399] : memref<20x1x50xi32, #tpu.memory_space<vmem>> -> memref<10x1x50xi32, #tpu.memory_space<vmem>>
        %dma_wait3A_401 = arith.constant 0 : i32
        %dma_wait3A_402 = arith.constant 0 : i32
        %dma_wait3A_403 = tpu.memref_slice %arg4[%dma_wait3A_396, %mul3A_2, %dma_wait3A_401, %dma_wait3A_402] : memref<3x6400x1x50xi32, #tpu.memory_space<hbm>> -> memref<1x10x1x50xi32, #tpu.memory_space<hbm>>
        %dma_wait3A_404 = tpu.memref_squeeze %dma_wait3A_403 : memref<1x10x1x50xi32, #tpu.memory_space<hbm>> -> memref<10x1x50xi32, #tpu.memory_space<hbm>>
        %dma_wait3A_405 = arith.constant 0 : i32
        %dma_wait3A_406 = arith.constant 0 : i32
        %dma_wait3A_407 = arith.constant 0 : i32
        %dma_wait3A_408 = tpu.memref_slice %arg8[%dma_wait3A_405, %dma_wait3A_406, %dma_wait3A_407] : memref<20x1x50xi32, #tpu.memory_space<vmem>> -> memref<10x1x50xi32, #tpu.memory_space<vmem>>
        %dma_wait3A_409 = arith.constant 0 : i32
        %dma_wait3A_410 = arith.constant 0 : i32
        %dma_wait3A_411 = tpu.memref_slice %arg4[%dma_wait3A_396, %mul3A_2, %dma_wait3A_409, %dma_wait3A_410] : memref<3x6400x1x50xi32, #tpu.memory_space<hbm>> -> memref<1x10x1x50xi32, #tpu.memory_space<hbm>>
        %dma_wait3A_412 = tpu.memref_squeeze %dma_wait3A_411 : memref<1x10x1x50xi32, #tpu.memory_space<hbm>> -> memref<10x1x50xi32, #tpu.memory_space<hbm>>
        tpu.wait_dma2 semaphore(%arg22 : memref<!tpu.dma_semaphore, #tpu.memory_space<semaphore_mem>>) src(%dma_wait3A_412 : memref<10x1x50xi32, #tpu.memory_space<hbm>>) dst(%dma_wait3A_408 : memref<10x1x50xi32, #tpu.memory_space<vmem>>)
      } else {
      }
      %rem3A_276 = arith.constant 20 : i32
      %rem3A_277 = arith.remsi %mul3A_258, %rem3A_276 : i32
      %dma_wait3A_278 = arith.constant 0 : i32
      %dma_wait3A_279 = arith.constant 0 : i32
      %dma_wait3A_280 = tpu.memref_slice %arg7[%rem3A_277, %dma_wait3A_278, %dma_wait3A_279] : memref<20x1x50xi32, #tpu.memory_space<vmem>> -> memref<1x1x50xi32, #tpu.memory_space<vmem>>
      %dma_wait3A_281 = tpu.memref_squeeze %dma_wait3A_280 : memref<1x1x50xi32, #tpu.memory_space<vmem>> -> memref<50xi32, #tpu.memory_space<vmem>>
      %dma_wait3A_282 = arith.constant 0 : i32
      %dma_wait3A_283 = arith.constant 0 : i32
      %dma_wait3A_284 = tpu.memref_slice %arg2[%dma_wait3A_282, %dma_wait3A_283] : memref<10000x128xf32, #tpu.memory_space<hbm>> -> memref<10000x128xf32, #tpu.memory_space<hbm>>
      tpu.wait_indirect_dma semaphore(%arg16 : memref<!tpu.dma_semaphore, #tpu.memory_space<semaphore_mem>>) src(%dma_wait3A_284 : memref<10000x128xf32, #tpu.memory_space<hbm>>) dst(%arg9 : memref<50x128xf32, #tpu.memory_space<vmem>>)
      %dma_wait3A_285 = arith.constant 0 : i32
      %dma_wait3A_286 = arith.constant 0 : i32
      %dma_wait3A_287 = tpu.memref_slice %arg8[%rem3A_277, %dma_wait3A_285, %dma_wait3A_286] : memref<20x1x50xi32, #tpu.memory_space<vmem>> -> memref<1x1x50xi32, #tpu.memory_space<vmem>>
      %dma_wait3A_288 = tpu.memref_squeeze %dma_wait3A_287 : memref<1x1x50xi32, #tpu.memory_space<vmem>> -> memref<50xi32, #tpu.memory_space<vmem>>
      %dma_wait3A_289 = arith.constant 0 : i32
      %dma_wait3A_290 = arith.constant 0 : i32
      %dma_wait3A_291 = tpu.memref_slice %arg3[%dma_wait3A_289, %dma_wait3A_290] : memref<10000x128xf32, #tpu.memory_space<hbm>> -> memref<10000x128xf32, #tpu.memory_space<hbm>>
      tpu.wait_indirect_dma semaphore(%arg17 : memref<!tpu.dma_semaphore, #tpu.memory_space<semaphore_mem>>) src(%dma_wait3A_291 : memref<10000x128xf32, #tpu.memory_space<hbm>>) dst(%arg10 : memref<50x128xf32, #tpu.memory_space<vmem>>)
      %gt3A_292 = arith.constant 0 : i32
      %gt3A_293 = arith.cmpi sgt, %scan3A_256, %gt3A_292 : i32
      %convert_element_type3A_294 = arith.extui %gt3A_293 : i1 to i32
      %cond3A_295 = arith.constant 0 : i32
      %cond3A_296 = arith.cmpi ne, %convert_element_type3A_294, %cond3A_295 : i32
      scf.if %cond3A_296 {
        %sub3A = arith.constant 2 : i32
        %sub3A_362 = arith.subi %mul3A_258, %sub3A : i32
        %rem3A_363 = arith.constant 20 : i32
        %rem3A_364 = arith.remsi %sub3A_362, %rem3A_363 : i32
        %dma_wait3A_365 = arith.constant 0 : i32
        %dma_wait3A_366 = arith.constant 0 : i32
        %dma_wait3A_367 = tpu.memref_slice %arg6[%rem3A_364, %dma_wait3A_365, %dma_wait3A_366] : memref<20x1x50xi32, #tpu.memory_space<vmem>> -> memref<1x1x50xi32, #tpu.memory_space<vmem>>
        %dma_wait3A_368 = tpu.memref_squeeze %dma_wait3A_367 : memref<1x1x50xi32, #tpu.memory_space<vmem>> -> memref<50xi32, #tpu.memory_space<vmem>>
        %dma_wait3A_369 = arith.constant 0 : i32
        %dma_wait3A_370 = arith.constant 0 : i32
        %dma_wait3A_371 = tpu.memref_slice %arg15[%dma_wait3A_369, %dma_wait3A_370] : memref<10000x128xf32, #tpu.memory_space<vmem_shared>> -> memref<10000x128xf32, #tpu.memory_space<vmem_shared>>
        tpu.wait_indirect_dma semaphore(%arg20 : memref<!tpu.dma_semaphore, #tpu.memory_space<semaphore_mem>>) src(%arg13 : memref<50x128xf32, #tpu.memory_space<vmem>>) dst(%dma_wait3A_371 : memref<10000x128xf32, #tpu.memory_space<vmem_shared>>)
      } else {
      }
      %scan3A_297 = arith.constant 0 : i32
      %scan3A_298 = arith.constant 0 : i32
      %scan3A_299 = arith.constant 5 : i32
      %scan3A_300 = arith.addi %scan3A_298, %scan3A_299 : i32
      %scan3A_301 = arith.constant 1 : i32
      scf.for %scan3A_362 = %scan3A_298 to %scan3A_300 step %scan3A_301  : i32 {
        %mul3A_363 = arith.constant 10 : i32
        %mul3A_364 = arith.muli %scan3A_362, %mul3A_363 : i32
        %add3A_365 = arith.constant 0 : i32
        %add3A_366 = arith.addi %mul3A_364, %add3A_365 : i32
        %get3A = arith.index_cast %add3A_366 : i32 to index
        %get3A_367 = arith.constant 0 : index
        %get3A_368 = tpu.vector_load %arg9[%get3A, %get3A_367] {strides = array<i32>} : memref<50x128xf32, #tpu.memory_space<vmem>>, vector<1x16xf32>,
        %get3A_369 = vector.shape_cast %get3A_368 : vector<1x16xf32> to vector<16xf32>
        %get3A_370 = arith.index_cast %add3A_366 : i32 to index
        %get3A_371 = arith.constant 0 : index
        %get3A_372 = tpu.vector_load %arg10[%get3A_370, %get3A_371] {strides = array<i32>} : memref<50x128xf32, #tpu.memory_space<vmem>>, vector<1x16xf32>,
        %get3A_373 = vector.shape_cast %get3A_372 : vector<1x16xf32> to vector<16xf32>
        %mul3A_374 = arith.mulf %get3A_369, %get3A_373 : vector<16xf32>
        %swap3A = arith.index_cast %add3A_366 : i32 to index
        %swap3A_375 = arith.constant 0 : index
        %swap3A_376 = tpu.vector_load %arg13[%swap3A, %swap3A_375] {strides = array<i32>} : memref<50x128xf32, #tpu.memory_space<vmem>>, vector<1x16xf32>,
        %swap3A_377 = vector.shape_cast %swap3A_376 : vector<1x16xf32> to vector<16xf32>
        %swap3A_378 = vector.shape_cast %mul3A_374 : vector<16xf32> to vector<1x16xf32>
        tpu.vector_store %arg13[%swap3A, %swap3A_375], %swap3A_378 {strides = array<i32>} : memref<50x128xf32, #tpu.memory_space<vmem>>, vector<1x16xf32>,
        %get3A_379 = arith.index_cast %add3A_366 : i32 to index
        %get3A_380 = arith.constant 16 : index
        %get3A_381 = tpu.vector_load %arg9[%get3A_379, %get3A_380] {strides = array<i32>} : memref<50x128xf32, #tpu.memory_space<vmem>>, vector<1x16xf32>,
        %get3A_382 = vector.shape_cast %get3A_381 : vector<1x16xf32> to vector<16xf32>
        %get3A_383 = arith.index_cast %add3A_366 : i32 to index
        %get3A_384 = arith.constant 16 : index
        %get3A_385 = tpu.vector_load %arg10[%get3A_383, %get3A_384] {strides = array<i32>} : memref<50x128xf32, #tpu.memory_space<vmem>>, vector<1x16xf32>,
        %get3A_386 = vector.shape_cast %get3A_385 : vector<1x16xf32> to vector<16xf32>
        %mul3A_387 = arith.mulf %get3A_382, %get3A_386 : vector<16xf32>
        %swap3A_388 = arith.index_cast %add3A_366 : i32 to index
        %swap3A_389 = arith.constant 16 : index
        %swap3A_390 = tpu.vector_load %arg13[%swap3A_388, %swap3A_389] {strides = array<i32>} : memref<50x128xf32, #tpu.memory_space<vmem>>, vector<1x16xf32>,
        %swap3A_391 = vector.shape_cast %swap3A_390 : vector<1x16xf32> to vector<16xf32>
        %swap3A_392 = vector.shape_cast %mul3A_387 : vector<16xf32> to vector<1x16xf32>
        tpu.vector_store %arg13[%swap3A_388, %swap3A_389], %swap3A_392 {strides = array<i32>} : memref<50x128xf32, #tpu.memory_space<vmem>>, vector<1x16xf32>,
        %get3A_393 = arith.index_cast %add3A_366 : i32 to index
        %get3A_394 = arith.constant 32 : index
        %get3A_395 = tpu.vector_load %arg9[%get3A_393, %get3A_394] {strides = array<i32>} : memref<50x128xf32, #tpu.memory_space<vmem>>, vector<1x16xf32>,
        %get3A_396 = vector.shape_cast %get3A_395 : vector<1x16xf32> to vector<16xf32>
        %get3A_397 = arith.index_cast %add3A_366 : i32 to index
        %get3A_398 = arith.constant 32 : index
        %get3A_399 = tpu.vector_load %arg10[%get3A_397, %get3A_398] {strides = array<i32>} : memref<50x128xf32, #tpu.memory_space<vmem>>, vector<1x16xf32>,
        %get3A_400 = vector.shape_cast %get3A_399 : vector<1x16xf32> to vector<16xf32>
        %mul3A_401 = arith.mulf %get3A_396, %get3A_400 : vector<16xf32>
        %swap3A_402 = arith.index_cast %add3A_366 : i32 to index
        %swap3A_403 = arith.constant 32 : index
        %swap3A_404 = tpu.vector_load %arg13[%swap3A_402, %swap3A_403] {strides = array<i32>} : memref<50x128xf32, #tpu.memory_space<vmem>>, vector<1x16xf32>,
        %swap3A_405 = vector.shape_cast %swap3A_404 : vector<1x16xf32> to vector<16xf32>
        %swap3A_406 = vector.shape_cast %mul3A_401 : vector<16xf32> to vector<1x16xf32>
        tpu.vector_store %arg13[%swap3A_402, %swap3A_403], %swap3A_406 {strides = array<i32>} : memref<50x128xf32, #tpu.memory_space<vmem>>, vector<1x16xf32>,
        %get3A_407 = arith.index_cast %add3A_366 : i32 to index
        %get3A_408 = arith.constant 48 : index
        %get3A_409 = tpu.vector_load %arg9[%get3A_407, %get3A_408] {strides = array<i32>} : memref<50x128xf32, #tpu.memory_space<vmem>>, vector<1x16xf32>,
        %get3A_410 = vector.shape_cast %get3A_409 : vector<1x16xf32> to vector<16xf32>
        %get3A_411 = arith.index_cast %add3A_366 : i32 to index
        %get3A_412 = arith.constant 48 : index
        %get3A_413 = tpu.vector_load %arg10[%get3A_411, %get3A_412] {strides = array<i32>} : memref<50x128xf32, #tpu.memory_space<vmem>>, vector<1x16xf32>,
        %get3A_414 = vector.shape_cast %get3A_413 : vector<1x16xf32> to vector<16xf32>
        %mul3A_415 = arith.mulf %get3A_410, %get3A_414 : vector<16xf32>
        %swap3A_416 = arith.index_cast %add3A_366 : i32 to index
        %swap3A_417 = arith.constant 48 : index
        %swap3A_418 = tpu.vector_load %arg13[%swap3A_416, %swap3A_417] {strides = array<i32>} : memref<50x128xf32, #tpu.memory_space<vmem>>, vector<1x16xf32>,
        %swap3A_419 = vector.shape_cast %swap3A_418 : vector<1x16xf32> to vector<16xf32>
        %swap3A_420 = vector.shape_cast %mul3A_415 : vector<16xf32> to vector<1x16xf32>
        tpu.vector_store %arg13[%swap3A_416, %swap3A_417], %swap3A_420 {strides = array<i32>} : memref<50x128xf32, #tpu.memory_space<vmem>>, vector<1x16xf32>,
        %get3A_421 = arith.index_cast %add3A_366 : i32 to index
        %get3A_422 = arith.constant 64 : index
        %get3A_423 = tpu.vector_load %arg9[%get3A_421, %get3A_422] {strides = array<i32>} : memref<50x128xf32, #tpu.memory_space<vmem>>, vector<1x16xf32>,
        %get3A_424 = vector.shape_cast %get3A_423 : vector<1x16xf32> to vector<16xf32>
        %get3A_425 = arith.index_cast %add3A_366 : i32 to index
        %get3A_426 = arith.constant 64 : index
        %get3A_427 = tpu.vector_load %arg10[%get3A_425, %get3A_426] {strides = array<i32>} : memref<50x128xf32, #tpu.memory_space<vmem>>, vector<1x16xf32>,
        %get3A_428 = vector.shape_cast %get3A_427 : vector<1x16xf32> to vector<16xf32>
        %mul3A_429 = arith.mulf %get3A_424, %get3A_428 : vector<16xf32>
        %swap3A_430 = arith.index_cast %add3A_366 : i32 to index
        %swap3A_431 = arith.constant 64 : index
        %swap3A_432 = tpu.vector_load %arg13[%swap3A_430, %swap3A_431] {strides = array<i32>} : memref<50x128xf32, #tpu.memory_space<vmem>>, vector<1x16xf32>,
        %swap3A_433 = vector.shape_cast %swap3A_432 : vector<1x16xf32> to vector<16xf32>
        %swap3A_434 = vector.shape_cast %mul3A_429 : vector<16xf32> to vector<1x16xf32>
        tpu.vector_store %arg13[%swap3A_430, %swap3A_431], %swap3A_434 {strides = array<i32>} : memref<50x128xf32, #tpu.memory_space<vmem>>, vector<1x16xf32>,
        %get3A_435 = arith.index_cast %add3A_366 : i32 to index
        %get3A_436 = arith.constant 80 : index
        %get3A_437 = tpu.vector_load %arg9[%get3A_435, %get3A_436] {strides = array<i32>} : memref<50x128xf32, #tpu.memory_space<vmem>>, vector<1x16xf32>,
        %get3A_438 = vector.shape_cast %get3A_437 : vector<1x16xf32> to vector<16xf32>
        %get3A_439 = arith.index_cast %add3A_366 : i32 to index
        %get3A_440 = arith.constant 80 : index
        %get3A_441 = tpu.vector_load %arg10[%get3A_439, %get3A_440] {strides = array<i32>} : memref<50x128xf32, #tpu.memory_space<vmem>>, vector<1x16xf32>,
        %get3A_442 = vector.shape_cast %get3A_441 : vector<1x16xf32> to vector<16xf32>
        %mul3A_443 = arith.mulf %get3A_438, %get3A_442 : vector<16xf32>
        %swap3A_444 = arith.index_cast %add3A_366 : i32 to index
        %swap3A_445 = arith.constant 80 : index
        %swap3A_446 = tpu.vector_load %arg13[%swap3A_444, %swap3A_445] {strides = array<i32>} : memref<50x128xf32, #tpu.memory_space<vmem>>, vector<1x16xf32>,
        %swap3A_447 = vector.shape_cast %swap3A_446 : vector<1x16xf32> to vector<16xf32>
        %swap3A_448 = vector.shape_cast %mul3A_443 : vector<16xf32> to vector<1x16xf32>
        tpu.vector_store %arg13[%swap3A_444, %swap3A_445], %swap3A_448 {strides = array<i32>} : memref<50x128xf32, #tpu.memory_space<vmem>>, vector<1x16xf32>,
        %get3A_449 = arith.index_cast %add3A_366 : i32 to index
        %get3A_450 = arith.constant 96 : index
        %get3A_451 = tpu.vector_load %arg9[%get3A_449, %get3A_450] {strides = array<i32>} : memref<50x128xf32, #tpu.memory_space<vmem>>, vector<1x16xf32>,
        %get3A_452 = vector.shape_cast %get3A_451 : vector<1x16xf32> to vector<16xf32>
        %get3A_453 = arith.index_cast %add3A_366 : i32 to index
        %get3A_454 = arith.constant 96 : index
        %get3A_455 = tpu.vector_load %arg10[%get3A_453, %get3A_454] {strides = array<i32>} : memref<50x128xf32, #tpu.memory_space<vmem>>, vector<1x16xf32>,
        %get3A_456 = vector.shape_cast %get3A_455 : vector<1x16xf32> to vector<16xf32>
        %mul3A_457 = arith.mulf %get3A_452, %get3A_456 : vector<16xf32>
        %swap3A_458 = arith.index_cast %add3A_366 : i32 to index
        %swap3A_459 = arith.constant 96 : index
        %swap3A_460 = tpu.vector_load %arg13[%swap3A_458, %swap3A_459] {strides = array<i32>} : memref<50x128xf32, #tpu.memory_space<vmem>>, vector<1x16xf32>,
        %swap3A_461 = vector.shape_cast %swap3A_460 : vector<1x16xf32> to vector<16xf32>
        %swap3A_462 = vector.shape_cast %mul3A_457 : vector<16xf32> to vector<1x16xf32>
        tpu.vector_store %arg13[%swap3A_458, %swap3A_459], %swap3A_462 {strides = array<i32>} : memref<50x128xf32, #tpu.memory_space<vmem>>, vector<1x16xf32>,
        %get3A_463 = arith.index_cast %add3A_366 : i32 to index
        %get3A_464 = arith.constant 112 : index
        %get3A_465 = tpu.vector_load %arg9[%get3A_463, %get3A_464] {strides = array<i32>} : memref<50x128xf32, #tpu.memory_space<vmem>>, vector<1x16xf32>,
        %get3A_466 = vector.shape_cast %get3A_465 : vector<1x16xf32> to vector<16xf32>
        %get3A_467 = arith.index_cast %add3A_366 : i32 to index
        %get3A_468 = arith.constant 112 : index
        %get3A_469 = tpu.vector_load %arg10[%get3A_467, %get3A_468] {strides = array<i32>} : memref<50x128xf32, #tpu.memory_space<vmem>>, vector<1x16xf32>,
        %get3A_470 = vector.shape_cast %get3A_469 : vector<1x16xf32> to vector<16xf32>
        %mul3A_471 = arith.mulf %get3A_466, %get3A_470 : vector<16xf32>
        %swap3A_472 = arith.index_cast %add3A_366 : i32 to index
        %swap3A_473 = arith.constant 112 : index
        %swap3A_474 = tpu.vector_load %arg13[%swap3A_472, %swap3A_473] {strides = array<i32>} : memref<50x128xf32, #tpu.memory_space<vmem>>, vector<1x16xf32>,
        %swap3A_475 = vector.shape_cast %swap3A_474 : vector<1x16xf32> to vector<16xf32>
        %swap3A_476 = vector.shape_cast %mul3A_471 : vector<16xf32> to vector<1x16xf32>
        tpu.vector_store %arg13[%swap3A_472, %swap3A_473], %swap3A_476 {strides = array<i32>} : memref<50x128xf32, #tpu.memory_space<vmem>>, vector<1x16xf32>,
        %mul3A_477 = arith.constant 10 : i32
        %mul3A_478 = arith.muli %scan3A_362, %mul3A_477 : i32
        %add3A_479 = arith.constant 1 : i32
        %add3A_480 = arith.addi %mul3A_478, %add3A_479 : i32
        %get3A_481 = arith.index_cast %add3A_480 : i32 to index
        %get3A_482 = arith.constant 0 : index
        %get3A_483 = tpu.vector_load %arg9[%get3A_481, %get3A_482] {strides = array<i32>} : memref<50x128xf32, #tpu.memory_space<vmem>>, vector<1x16xf32>,
        %get3A_484 = vector.shape_cast %get3A_483 : vector<1x16xf32> to vector<16xf32>
        %get3A_485 = arith.index_cast %add3A_480 : i32 to index
        %get3A_486 = arith.constant 0 : index
        %get3A_487 = tpu.vector_load %arg10[%get3A_485, %get3A_486] {strides = array<i32>} : memref<50x128xf32, #tpu.memory_space<vmem>>, vector<1x16xf32>,
        %get3A_488 = vector.shape_cast %get3A_487 : vector<1x16xf32> to vector<16xf32>
        %mul3A_489 = arith.mulf %get3A_484, %get3A_488 : vector<16xf32>
        %swap3A_490 = arith.index_cast %add3A_480 : i32 to index
        %swap3A_491 = arith.constant 0 : index
        %swap3A_492 = tpu.vector_load %arg13[%swap3A_490, %swap3A_491] {strides = array<i32>} : memref<50x128xf32, #tpu.memory_space<vmem>>, vector<1x16xf32>,
        %swap3A_493 = vector.shape_cast %swap3A_492 : vector<1x16xf32> to vector<16xf32>
        %swap3A_494 = vector.shape_cast %mul3A_489 : vector<16xf32> to vector<1x16xf32>
        tpu.vector_store %arg13[%swap3A_490, %swap3A_491], %swap3A_494 {strides = array<i32>} : memref<50x128xf32, #tpu.memory_space<vmem>>, vector<1x16xf32>,
        %get3A_495 = arith.index_cast %add3A_480 : i32 to index
        %get3A_496 = arith.constant 16 : index
        %get3A_497 = tpu.vector_load %arg9[%get3A_495, %get3A_496] {strides = array<i32>} : memref<50x128xf32, #tpu.memory_space<vmem>>, vector<1x16xf32>,
        %get3A_498 = vector.shape_cast %get3A_497 : vector<1x16xf32> to vector<16xf32>
        %get3A_499 = arith.index_cast %add3A_480 : i32 to index
        %get3A_500 = arith.constant 16 : index
        %get3A_501 = tpu.vector_load %arg10[%get3A_499, %get3A_500] {strides = array<i32>} : memref<50x128xf32, #tpu.memory_space<vmem>>, vector<1x16xf32>,
        %get3A_502 = vector.shape_cast %get3A_501 : vector<1x16xf32> to vector<16xf32>
        %mul3A_503 = arith.mulf %get3A_498, %get3A_502 : vector<16xf32>
        %swap3A_504 = arith.index_cast %add3A_480 : i32 to index
        %swap3A_505 = arith.constant 16 : index
        %swap3A_506 = tpu.vector_load %arg13[%swap3A_504, %swap3A_505] {strides = array<i32>} : memref<50x128xf32, #tpu.memory_space<vmem>>, vector<1x16xf32>,
        %swap3A_507 = vector.shape_cast %swap3A_506 : vector<1x16xf32> to vector<16xf32>
        %swap3A_508 = vector.shape_cast %mul3A_503 : vector<16xf32> to vector<1x16xf32>
        tpu.vector_store %arg13[%swap3A_504, %swap3A_505], %swap3A_508 {strides = array<i32>} : memref<50x128xf32, #tpu.memory_space<vmem>>, vector<1x16xf32>,
        %get3A_509 = arith.index_cast %add3A_480 : i32 to index
        %get3A_510 = arith.constant 32 : index
        %get3A_511 = tpu.vector_load %arg9[%get3A_509, %get3A_510] {strides = array<i32>} : memref<50x128xf32, #tpu.memory_space<vmem>>, vector<1x16xf32>,
        %get3A_512 = vector.shape_cast %get3A_511 : vector<1x16xf32> to vector<16xf32>
        %get3A_513 = arith.index_cast %add3A_480 : i32 to index
        %get3A_514 = arith.constant 32 : index
        %get3A_515 = tpu.vector_load %arg10[%get3A_513, %get3A_514] {strides = array<i32>} : memref<50x128xf32, #tpu.memory_space<vmem>>, vector<1x16xf32>,
        %get3A_516 = vector.shape_cast %get3A_515 : vector<1x16xf32> to vector<16xf32>
        %mul3A_517 = arith.mulf %get3A_512, %get3A_516 : vector<16xf32>
        %swap3A_518 = arith.index_cast %add3A_480 : i32 to index
        %swap3A_519 = arith.constant 32 : index
        %swap3A_520 = tpu.vector_load %arg13[%swap3A_518, %swap3A_519] {strides = array<i32>} : memref<50x128xf32, #tpu.memory_space<vmem>>, vector<1x16xf32>,
        %swap3A_521 = vector.shape_cast %swap3A_520 : vector<1x16xf32> to vector<16xf32>
        %swap3A_522 = vector.shape_cast %mul3A_517 : vector<16xf32> to vector<1x16xf32>
        tpu.vector_store %arg13[%swap3A_518, %swap3A_519], %swap3A_522 {strides = array<i32>} : memref<50x128xf32, #tpu.memory_space<vmem>>, vector<1x16xf32>,
        %get3A_523 = arith.index_cast %add3A_480 : i32 to index
        %get3A_524 = arith.constant 48 : index
        %get3A_525 = tpu.vector_load %arg9[%get3A_523, %get3A_524] {strides = array<i32>} : memref<50x128xf32, #tpu.memory_space<vmem>>, vector<1x16xf32>,
        %get3A_526 = vector.shape_cast %get3A_525 : vector<1x16xf32> to vector<16xf32>
        %get3A_527 = arith.index_cast %add3A_480 : i32 to index
        %get3A_528 = arith.constant 48 : index
        %get3A_529 = tpu.vector_load %arg10[%get3A_527, %get3A_528] {strides = array<i32>} : memref<50x128xf32, #tpu.memory_space<vmem>>, vector<1x16xf32>,
        %get3A_530 = vector.shape_cast %get3A_529 : vector<1x16xf32> to vector<16xf32>
        %mul3A_531 = arith.mulf %get3A_526, %get3A_530 : vector<16xf32>
        %swap3A_532 = arith.index_cast %add3A_480 : i32 to index
        %swap3A_533 = arith.constant 48 : index
        %swap3A_534 = tpu.vector_load %arg13[%swap3A_532, %swap3A_533] {strides = array<i32>} : memref<50x128xf32, #tpu.memory_space<vmem>>, vector<1x16xf32>,
        %swap3A_535 = vector.shape_cast %swap3A_534 : vector<1x16xf32> to vector<16xf32>
        %swap3A_536 = vector.shape_cast %mul3A_531 : vector<16xf32> to vector<1x16xf32>
        tpu.vector_store %arg13[%swap3A_532, %swap3A_533], %swap3A_536 {strides = array<i32>} : memref<50x128xf32, #tpu.memory_space<vmem>>, vector<1x16xf32>,
        %get3A_537 = arith.index_cast %add3A_480 : i32 to index
        %get3A_538 = arith.constant 64 : index
        %get3A_539 = tpu.vector_load %arg9[%get3A_537, %get3A_538] {strides = array<i32>} : memref<50x128xf32, #tpu.memory_space<vmem>>, vector<1x16xf32>,
        %get3A_540 = vector.shape_cast %get3A_539 : vector<1x16xf32> to vector<16xf32>
        %get3A_541 = arith.index_cast %add3A_480 : i32 to index
        %get3A_542 = arith.constant 64 : index
        %get3A_543 = tpu.vector_load %arg10[%get3A_541, %get3A_542] {strides = array<i32>} : memref<50x128xf32, #tpu.memory_space<vmem>>, vector<1x16xf32>,
        %get3A_544 = vector.shape_cast %get3A_543 : vector<1x16xf32> to vector<16xf32>
        %mul3A_545 = arith.mulf %get3A_540, %get3A_544 : vector<16xf32>
        %swap3A_546 = arith.index_cast %add3A_480 : i32 to index
        %swap3A_547 = arith.constant 64 : index
        %swap3A_548 = tpu.vector_load %arg13[%swap3A_546, %swap3A_547] {strides = array<i32>} : memref<50x128xf32, #tpu.memory_space<vmem>>, vector<1x16xf32>,
        %swap3A_549 = vector.shape_cast %swap3A_548 : vector<1x16xf32> to vector<16xf32>
        %swap3A_550 = vector.shape_cast %mul3A_545 : vector<16xf32> to vector<1x16xf32>
        tpu.vector_store %arg13[%swap3A_546, %swap3A_547], %swap3A_550 {strides = array<i32>} : memref<50x128xf32, #tpu.memory_space<vmem>>, vector<1x16xf32>,
        %get3A_551 = arith.index_cast %add3A_480 : i32 to index
        %get3A_552 = arith.constant 80 : index
        %get3A_553 = tpu.vector_load %arg9[%get3A_551, %get3A_552] {strides = array<i32>} : memref<50x128xf32, #tpu.memory_space<vmem>>, vector<1x16xf32>,
        %get3A_554 = vector.shape_cast %get3A_553 : vector<1x16xf32> to vector<16xf32>
        %get3A_555 = arith.index_cast %add3A_480 : i32 to index
        %get3A_556 = arith.constant 80 : index
        %get3A_557 = tpu.vector_load %arg10[%get3A_555, %get3A_556] {strides = array<i32>} : memref<50x128xf32, #tpu.memory_space<vmem>>, vector<1x16xf32>,
        %get3A_558 = vector.shape_cast %get3A_557 : vector<1x16xf32> to vector<16xf32>
        %mul3A_559 = arith.mulf %get3A_554, %get3A_558 : vector<16xf32>
        %swap3A_560 = arith.index_cast %add3A_480 : i32 to index
        %swap3A_561 = arith.constant 80 : index
        %swap3A_562 = tpu.vector_load %arg13[%swap3A_560, %swap3A_561] {strides = array<i32>} : memref<50x128xf32, #tpu.memory_space<vmem>>, vector<1x16xf32>,
        %swap3A_563 = vector.shape_cast %swap3A_562 : vector<1x16xf32> to vector<16xf32>
        %swap3A_564 = vector.shape_cast %mul3A_559 : vector<16xf32> to vector<1x16xf32>
        tpu.vector_store %arg13[%swap3A_560, %swap3A_561], %swap3A_564 {strides = array<i32>} : memref<50x128xf32, #tpu.memory_space<vmem>>, vector<1x16xf32>,
        %get3A_565 = arith.index_cast %add3A_480 : i32 to index
        %get3A_566 = arith.constant 96 : index
        %get3A_567 = tpu.vector_load %arg9[%get3A_565, %get3A_566] {strides = array<i32>} : memref<50x128xf32, #tpu.memory_space<vmem>>, vector<1x16xf32>,
        %get3A_568 = vector.shape_cast %get3A_567 : vector<1x16xf32> to vector<16xf32>
        %get3A_569 = arith.index_cast %add3A_480 : i32 to index
        %get3A_570 = arith.constant 96 : index
        %get3A_571 = tpu.vector_load %arg10[%get3A_569, %get3A_570] {strides = array<i32>} : memref<50x128xf32, #tpu.memory_space<vmem>>, vector<1x16xf32>,
        %get3A_572 = vector.shape_cast %get3A_571 : vector<1x16xf32> to vector<16xf32>
        %mul3A_573 = arith.mulf %get3A_568, %get3A_572 : vector<16xf32>
        %swap3A_574 = arith.index_cast %add3A_480 : i32 to index
        %swap3A_575 = arith.constant 96 : index
        %swap3A_576 = tpu.vector_load %arg13[%swap3A_574, %swap3A_575] {strides = array<i32>} : memref<50x128xf32, #tpu.memory_space<vmem>>, vector<1x16xf32>,
        %swap3A_577 = vector.shape_cast %swap3A_576 : vector<1x16xf32> to vector<16xf32>
        %swap3A_578 = vector.shape_cast %mul3A_573 : vector<16xf32> to vector<1x16xf32>
        tpu.vector_store %arg13[%swap3A_574, %swap3A_575], %swap3A_578 {strides = array<i32>} : memref<50x128xf32, #tpu.memory_space<vmem>>, vector<1x16xf32>,
        %get3A_579 = arith.index_cast %add3A_480 : i32 to index
        %get3A_580 = arith.constant 112 : index
        %get3A_581 = tpu.vector_load %arg9[%get3A_579, %get3A_580] {strides = array<i32>} : memref<50x128xf32, #tpu.memory_space<vmem>>, vector<1x16xf32>,
        %get3A_582 = vector.shape_cast %get3A_581 : vector<1x16xf32> to vector<16xf32>
        %get3A_583 = arith.index_cast %add3A_480 : i32 to index
        %get3A_584 = arith.constant 112 : index
        %get3A_585 = tpu.vector_load %arg10[%get3A_583, %get3A_584] {strides = array<i32>} : memref<50x128xf32, #tpu.memory_space<vmem>>, vector<1x16xf32>,
        %get3A_586 = vector.shape_cast %get3A_585 : vector<1x16xf32> to vector<16xf32>
        %mul3A_587 = arith.mulf %get3A_582, %get3A_586 : vector<16xf32>
        %swap3A_588 = arith.index_cast %add3A_480 : i32 to index
        %swap3A_589 = arith.constant 112 : index
        %swap3A_590 = tpu.vector_load %arg13[%swap3A_588, %swap3A_589] {strides = array<i32>} : memref<50x128xf32, #tpu.memory_space<vmem>>, vector<1x16xf32>,
        %swap3A_591 = vector.shape_cast %swap3A_590 : vector<1x16xf32> to vector<16xf32>
        %swap3A_592 = vector.shape_cast %mul3A_587 : vector<16xf32> to vector<1x16xf32>
        tpu.vector_store %arg13[%swap3A_588, %swap3A_589], %swap3A_592 {strides = array<i32>} : memref<50x128xf32, #tpu.memory_space<vmem>>, vector<1x16xf32>,
        %mul3A_593 = arith.constant 10 : i32
        %mul3A_594 = arith.muli %scan3A_362, %mul3A_593 : i32
        %add3A_595 = arith.constant 2 : i32
        %add3A_596 = arith.addi %mul3A_594, %add3A_595 : i32
        %get3A_597 = arith.index_cast %add3A_596 : i32 to index
        %get3A_598 = arith.constant 0 : index
        %get3A_599 = tpu.vector_load %arg9[%get3A_597, %get3A_598] {strides = array<i32>} : memref<50x128xf32, #tpu.memory_space<vmem>>, vector<1x16xf32>,
        %get3A_600 = vector.shape_cast %get3A_599 : vector<1x16xf32> to vector<16xf32>
        %get3A_601 = arith.index_cast %add3A_596 : i32 to index
        %get3A_602 = arith.constant 0 : index
        %get3A_603 = tpu.vector_load %arg10[%get3A_601, %get3A_602] {strides = array<i32>} : memref<50x128xf32, #tpu.memory_space<vmem>>, vector<1x16xf32>,
        %get3A_604 = vector.shape_cast %get3A_603 : vector<1x16xf32> to vector<16xf32>
        %mul3A_605 = arith.mulf %get3A_600, %get3A_604 : vector<16xf32>
        %swap3A_606 = arith.index_cast %add3A_596 : i32 to index
        %swap3A_607 = arith.constant 0 : index
        %swap3A_608 = tpu.vector_load %arg13[%swap3A_606, %swap3A_607] {strides = array<i32>} : memref<50x128xf32, #tpu.memory_space<vmem>>, vector<1x16xf32>,
        %swap3A_609 = vector.shape_cast %swap3A_608 : vector<1x16xf32> to vector<16xf32>
        %swap3A_610 = vector.shape_cast %mul3A_605 : vector<16xf32> to vector<1x16xf32>
        tpu.vector_store %arg13[%swap3A_606, %swap3A_607], %swap3A_610 {strides = array<i32>} : memref<50x128xf32, #tpu.memory_space<vmem>>, vector<1x16xf32>,
        %get3A_611 = arith.index_cast %add3A_596 : i32 to index
        %get3A_612 = arith.constant 16 : index
        %get3A_613 = tpu.vector_load %arg9[%get3A_611, %get3A_612] {strides = array<i32>} : memref<50x128xf32, #tpu.memory_space<vmem>>, vector<1x16xf32>,
        %get3A_614 = vector.shape_cast %get3A_613 : vector<1x16xf32> to vector<16xf32>
        %get3A_615 = arith.index_cast %add3A_596 : i32 to index
        %get3A_616 = arith.constant 16 : index
        %get3A_617 = tpu.vector_load %arg10[%get3A_615, %get3A_616] {strides = array<i32>} : memref<50x128xf32, #tpu.memory_space<vmem>>, vector<1x16xf32>,
        %get3A_618 = vector.shape_cast %get3A_617 : vector<1x16xf32> to vector<16xf32>
        %mul3A_619 = arith.mulf %get3A_614, %get3A_618 : vector<16xf32>
        %swap3A_620 = arith.index_cast %add3A_596 : i32 to index
        %swap3A_621 = arith.constant 16 : index
        %swap3A_622 = tpu.vector_load %arg13[%swap3A_620, %swap3A_621] {strides = array<i32>} : memref<50x128xf32, #tpu.memory_space<vmem>>, vector<1x16xf32>,
        %swap3A_623 = vector.shape_cast %swap3A_622 : vector<1x16xf32> to vector<16xf32>
        %swap3A_624 = vector.shape_cast %mul3A_619 : vector<16xf32> to vector<1x16xf32>
        tpu.vector_store %arg13[%swap3A_620, %swap3A_621], %swap3A_624 {strides = array<i32>} : memref<50x128xf32, #tpu.memory_space<vmem>>, vector<1x16xf32>,
        %get3A_625 = arith.index_cast %add3A_596 : i32 to index
        %get3A_626 = arith.constant 32 : index
        %get3A_627 = tpu.vector_load %arg9[%get3A_625, %get3A_626] {strides = array<i32>} : memref<50x128xf32, #tpu.memory_space<vmem>>, vector<1x16xf32>,
        %get3A_628 = vector.shape_cast %get3A_627 : vector<1x16xf32> to vector<16xf32>
        %get3A_629 = arith.index_cast %add3A_596 : i32 to index
        %get3A_630 = arith.constant 32 : index
        %get3A_631 = tpu.vector_load %arg10[%get3A_629, %get3A_630] {strides = array<i32>} : memref<50x128xf32, #tpu.memory_space<vmem>>, vector<1x16xf32>,
        %get3A_632 = vector.shape_cast %get3A_631 : vector<1x16xf32> to vector<16xf32>
        %mul3A_633 = arith.mulf %get3A_628, %get3A_632 : vector<16xf32>
        %swap3A_634 = arith.index_cast %add3A_596 : i32 to index
        %swap3A_635 = arith.constant 32 : index
        %swap3A_636 = tpu.vector_load %arg13[%swap3A_634, %swap3A_635] {strides = array<i32>} : memref<50x128xf32, #tpu.memory_space<vmem>>, vector<1x16xf32>,
        %swap3A_637 = vector.shape_cast %swap3A_636 : vector<1x16xf32> to vector<16xf32>
        %swap3A_638 = vector.shape_cast %mul3A_633 : vector<16xf32> to vector<1x16xf32>
        tpu.vector_store %arg13[%swap3A_634, %swap3A_635], %swap3A_638 {strides = array<i32>} : memref<50x128xf32, #tpu.memory_space<vmem>>, vector<1x16xf32>,
        %get3A_639 = arith.index_cast %add3A_596 : i32 to index
        %get3A_640 = arith.constant 48 : index
        %get3A_641 = tpu.vector_load %arg9[%get3A_639, %get3A_640] {strides = array<i32>} : memref<50x128xf32, #tpu.memory_space<vmem>>, vector<1x16xf32>,
        %get3A_642 = vector.shape_cast %get3A_641 : vector<1x16xf32> to vector<16xf32>
        %get3A_643 = arith.index_cast %add3A_596 : i32 to index
        %get3A_644 = arith.constant 48 : index
        %get3A_645 = tpu.vector_load %arg10[%get3A_643, %get3A_644] {strides = array<i32>} : memref<50x128xf32, #tpu.memory_space<vmem>>, vector<1x16xf32>,
        %get3A_646 = vector.shape_cast %get3A_645 : vector<1x16xf32> to vector<16xf32>
        %mul3A_647 = arith.mulf %get3A_642, %get3A_646 : vector<16xf32>
        %swap3A_648 = arith.index_cast %add3A_596 : i32 to index
        %swap3A_649 = arith.constant 48 : index
        %swap3A_650 = tpu.vector_load %arg13[%swap3A_648, %swap3A_649] {strides = array<i32>} : memref<50x128xf32, #tpu.memory_space<vmem>>, vector<1x16xf32>,
        %swap3A_651 = vector.shape_cast %swap3A_650 : vector<1x16xf32> to vector<16xf32>
        %swap3A_652 = vector.shape_cast %mul3A_647 : vector<16xf32> to vector<1x16xf32>
        tpu.vector_store %arg13[%swap3A_648, %swap3A_649], %swap3A_652 {strides = array<i32>} : memref<50x128xf32, #tpu.memory_space<vmem>>, vector<1x16xf32>,
        %get3A_653 = arith.index_cast %add3A_596 : i32 to index
        %get3A_654 = arith.constant 64 : index
        %get3A_655 = tpu.vector_load %arg9[%get3A_653, %get3A_654] {strides = array<i32>} : memref<50x128xf32, #tpu.memory_space<vmem>>, vector<1x16xf32>,
        %get3A_656 = vector.shape_cast %get3A_655 : vector<1x16xf32> to vector<16xf32>
        %get3A_657 = arith.index_cast %add3A_596 : i32 to index
        %get3A_658 = arith.constant 64 : index
        %get3A_659 = tpu.vector_load %arg10[%get3A_657, %get3A_658] {strides = array<i32>} : memref<50x128xf32, #tpu.memory_space<vmem>>, vector<1x16xf32>,
        %get3A_660 = vector.shape_cast %get3A_659 : vector<1x16xf32> to vector<16xf32>
        %mul3A_661 = arith.mulf %get3A_656, %get3A_660 : vector<16xf32>
        %swap3A_662 = arith.index_cast %add3A_596 : i32 to index
        %swap3A_663 = arith.constant 64 : index
        %swap3A_664 = tpu.vector_load %arg13[%swap3A_662, %swap3A_663] {strides = array<i32>} : memref<50x128xf32, #tpu.memory_space<vmem>>, vector<1x16xf32>,
        %swap3A_665 = vector.shape_cast %swap3A_664 : vector<1x16xf32> to vector<16xf32>
        %swap3A_666 = vector.shape_cast %mul3A_661 : vector<16xf32> to vector<1x16xf32>
        tpu.vector_store %arg13[%swap3A_662, %swap3A_663], %swap3A_666 {strides = array<i32>} : memref<50x128xf32, #tpu.memory_space<vmem>>, vector<1x16xf32>,
        %get3A_667 = arith.index_cast %add3A_596 : i32 to index
        %get3A_668 = arith.constant 80 : index
        %get3A_669 = tpu.vector_load %arg9[%get3A_667, %get3A_668] {strides = array<i32>} : memref<50x128xf32, #tpu.memory_space<vmem>>, vector<1x16xf32>,
        %get3A_670 = vector.shape_cast %get3A_669 : vector<1x16xf32> to vector<16xf32>
        %get3A_671 = arith.index_cast %add3A_596 : i32 to index
        %get3A_672 = arith.constant 80 : index
        %get3A_673 = tpu.vector_load %arg10[%get3A_671, %get3A_672] {strides = array<i32>} : memref<50x128xf32, #tpu.memory_space<vmem>>, vector<1x16xf32>,
        %get3A_674 = vector.shape_cast %get3A_673 : vector<1x16xf32> to vector<16xf32>
        %mul3A_675 = arith.mulf %get3A_670, %get3A_674 : vector<16xf32>
        %swap3A_676 = arith.index_cast %add3A_596 : i32 to index
        %swap3A_677 = arith.constant 80 : index
        %swap3A_678 = tpu.vector_load %arg13[%swap3A_676, %swap3A_677] {strides = array<i32>} : memref<50x128xf32, #tpu.memory_space<vmem>>, vector<1x16xf32>,
        %swap3A_679 = vector.shape_cast %swap3A_678 : vector<1x16xf32> to vector<16xf32>
        %swap3A_680 = vector.shape_cast %mul3A_675 : vector<16xf32> to vector<1x16xf32>
        tpu.vector_store %arg13[%swap3A_676, %swap3A_677], %swap3A_680 {strides = array<i32>} : memref<50x128xf32, #tpu.memory_space<vmem>>, vector<1x16xf32>,
        %get3A_681 = arith.index_cast %add3A_596 : i32 to index
        %get3A_682 = arith.constant 96 : index
        %get3A_683 = tpu.vector_load %arg9[%get3A_681, %get3A_682] {strides = array<i32>} : memref<50x128xf32, #tpu.memory_space<vmem>>, vector<1x16xf32>,
        %get3A_684 = vector.shape_cast %get3A_683 : vector<1x16xf32> to vector<16xf32>
        %get3A_685 = arith.index_cast %add3A_596 : i32 to index
        %get3A_686 = arith.constant 96 : index
        %get3A_687 = tpu.vector_load %arg10[%get3A_685, %get3A_686] {strides = array<i32>} : memref<50x128xf32, #tpu.memory_space<vmem>>, vector<1x16xf32>,
        %get3A_688 = vector.shape_cast %get3A_687 : vector<1x16xf32> to vector<16xf32>
        %mul3A_689 = arith.mulf %get3A_684, %get3A_688 : vector<16xf32>
        %swap3A_690 = arith.index_cast %add3A_596 : i32 to index
        %swap3A_691 = arith.constant 96 : index
        %swap3A_692 = tpu.vector_load %arg13[%swap3A_690, %swap3A_691] {strides = array<i32>} : memref<50x128xf32, #tpu.memory_space<vmem>>, vector<1x16xf32>,
        %swap3A_693 = vector.shape_cast %swap3A_692 : vector<1x16xf32> to vector<16xf32>
        %swap3A_694 = vector.shape_cast %mul3A_689 : vector<16xf32> to vector<1x16xf32>
        tpu.vector_store %arg13[%swap3A_690, %swap3A_691], %swap3A_694 {strides = array<i32>} : memref<50x128xf32, #tpu.memory_space<vmem>>, vector<1x16xf32>,
        %get3A_695 = arith.index_cast %add3A_596 : i32 to index
        %get3A_696 = arith.constant 112 : index
        %get3A_697 = tpu.vector_load %arg9[%get3A_695, %get3A_696] {strides = array<i32>} : memref<50x128xf32, #tpu.memory_space<vmem>>, vector<1x16xf32>,
        %get3A_698 = vector.shape_cast %get3A_697 : vector<1x16xf32> to vector<16xf32>
        %get3A_699 = arith.index_cast %add3A_596 : i32 to index
        %get3A_700 = arith.constant 112 : index
        %get3A_701 = tpu.vector_load %arg10[%get3A_699, %get3A_700] {strides = array<i32>} : memref<50x128xf32, #tpu.memory_space<vmem>>, vector<1x16xf32>,
        %get3A_702 = vector.shape_cast %get3A_701 : vector<1x16xf32> to vector<16xf32>
        %mul3A_703 = arith.mulf %get3A_698, %get3A_702 : vector<16xf32>
        %swap3A_704 = arith.index_cast %add3A_596 : i32 to index
        %swap3A_705 = arith.constant 112 : index
        %swap3A_706 = tpu.vector_load %arg13[%swap3A_704, %swap3A_705] {strides = array<i32>} : memref<50x128xf32, #tpu.memory_space<vmem>>, vector<1x16xf32>,
        %swap3A_707 = vector.shape_cast %swap3A_706 : vector<1x16xf32> to vector<16xf32>
        %swap3A_708 = vector.shape_cast %mul3A_703 : vector<16xf32> to vector<1x16xf32>
        tpu.vector_store %arg13[%swap3A_704, %swap3A_705], %swap3A_708 {strides = array<i32>} : memref<50x128xf32, #tpu.memory_space<vmem>>, vector<1x16xf32>,
        %mul3A_709 = arith.constant 10 : i32
        %mul3A_710 = arith.muli %scan3A_362, %mul3A_709 : i32
        %add3A_711 = arith.constant 3 : i32
        %add3A_712 = arith.addi %mul3A_710, %add3A_711 : i32
        %get3A_713 = arith.index_cast %add3A_712 : i32 to index
        %get3A_714 = arith.constant 0 : index
        %get3A_715 = tpu.vector_load %arg9[%get3A_713, %get3A_714] {strides = array<i32>} : memref<50x128xf32, #tpu.memory_space<vmem>>, vector<1x16xf32>,
        %get3A_716 = vector.shape_cast %get3A_715 : vector<1x16xf32> to vector<16xf32>
        %get3A_717 = arith.index_cast %add3A_712 : i32 to index
        %get3A_718 = arith.constant 0 : index
        %get3A_719 = tpu.vector_load %arg10[%get3A_717, %get3A_718] {strides = array<i32>} : memref<50x128xf32, #tpu.memory_space<vmem>>, vector<1x16xf32>,
        %get3A_720 = vector.shape_cast %get3A_719 : vector<1x16xf32> to vector<16xf32>
        %mul3A_721 = arith.mulf %get3A_716, %get3A_720 : vector<16xf32>
        %swap3A_722 = arith.index_cast %add3A_712 : i32 to index
        %swap3A_723 = arith.constant 0 : index
        %swap3A_724 = tpu.vector_load %arg13[%swap3A_722, %swap3A_723] {strides = array<i32>} : memref<50x128xf32, #tpu.memory_space<vmem>>, vector<1x16xf32>,
        %swap3A_725 = vector.shape_cast %swap3A_724 : vector<1x16xf32> to vector<16xf32>
        %swap3A_726 = vector.shape_cast %mul3A_721 : vector<16xf32> to vector<1x16xf32>
        tpu.vector_store %arg13[%swap3A_722, %swap3A_723], %swap3A_726 {strides = array<i32>} : memref<50x128xf32, #tpu.memory_space<vmem>>, vector<1x16xf32>,
        %get3A_727 = arith.index_cast %add3A_712 : i32 to index
        %get3A_728 = arith.constant 16 : index
        %get3A_729 = tpu.vector_load %arg9[%get3A_727, %get3A_728] {strides = array<i32>} : memref<50x128xf32, #tpu.memory_space<vmem>>, vector<1x16xf32>,
        %get3A_730 = vector.shape_cast %get3A_729 : vector<1x16xf32> to vector<16xf32>
        %get3A_731 = arith.index_cast %add3A_712 : i32 to index
        %get3A_732 = arith.constant 16 : index
        %get3A_733 = tpu.vector_load %arg10[%get3A_731, %get3A_732] {strides = array<i32>} : memref<50x128xf32, #tpu.memory_space<vmem>>, vector<1x16xf32>,
        %get3A_734 = vector.shape_cast %get3A_733 : vector<1x16xf32> to vector<16xf32>
        %mul3A_735 = arith.mulf %get3A_730, %get3A_734 : vector<16xf32>
        %swap3A_736 = arith.index_cast %add3A_712 : i32 to index
        %swap3A_737 = arith.constant 16 : index
        %swap3A_738 = tpu.vector_load %arg13[%swap3A_736, %swap3A_737] {strides = array<i32>} : memref<50x128xf32, #tpu.memory_space<vmem>>, vector<1x16xf32>,
        %swap3A_739 = vector.shape_cast %swap3A_738 : vector<1x16xf32> to vector<16xf32>
        %swap3A_740 = vector.shape_cast %mul3A_735 : vector<16xf32> to vector<1x16xf32>
        tpu.vector_store %arg13[%swap3A_736, %swap3A_737], %swap3A_740 {strides = array<i32>} : memref<50x128xf32, #tpu.memory_space<vmem>>, vector<1x16xf32>,
        %get3A_741 = arith.index_cast %add3A_712 : i32 to index
        %get3A_742 = arith.constant 32 : index
        %get3A_743 = tpu.vector_load %arg9[%get3A_741, %get3A_742] {strides = array<i32>} : memref<50x128xf32, #tpu.memory_space<vmem>>, vector<1x16xf32>,
        %get3A_744 = vector.shape_cast %get3A_743 : vector<1x16xf32> to vector<16xf32>
        %get3A_745 = arith.index_cast %add3A_712 : i32 to index
        %get3A_746 = arith.constant 32 : index
        %get3A_747 = tpu.vector_load %arg10[%get3A_745, %get3A_746] {strides = array<i32>} : memref<50x128xf32, #tpu.memory_space<vmem>>, vector<1x16xf32>,
        %get3A_748 = vector.shape_cast %get3A_747 : vector<1x16xf32> to vector<16xf32>
        %mul3A_749 = arith.mulf %get3A_744, %get3A_748 : vector<16xf32>
        %swap3A_750 = arith.index_cast %add3A_712 : i32 to index
        %swap3A_751 = arith.constant 32 : index
        %swap3A_752 = tpu.vector_load %arg13[%swap3A_750, %swap3A_751] {strides = array<i32>} : memref<50x128xf32, #tpu.memory_space<vmem>>, vector<1x16xf32>,
        %swap3A_753 = vector.shape_cast %swap3A_752 : vector<1x16xf32> to vector<16xf32>
        %swap3A_754 = vector.shape_cast %mul3A_749 : vector<16xf32> to vector<1x16xf32>
        tpu.vector_store %arg13[%swap3A_750, %swap3A_751], %swap3A_754 {strides = array<i32>} : memref<50x128xf32, #tpu.memory_space<vmem>>, vector<1x16xf32>,
        %get3A_755 = arith.index_cast %add3A_712 : i32 to index
        %get3A_756 = arith.constant 48 : index
        %get3A_757 = tpu.vector_load %arg9[%get3A_755, %get3A_756] {strides = array<i32>} : memref<50x128xf32, #tpu.memory_space<vmem>>, vector<1x16xf32>,
        %get3A_758 = vector.shape_cast %get3A_757 : vector<1x16xf32> to vector<16xf32>
        %get3A_759 = arith.index_cast %add3A_712 : i32 to index
        %get3A_760 = arith.constant 48 : index
        %get3A_761 = tpu.vector_load %arg10[%get3A_759, %get3A_760] {strides = array<i32>} : memref<50x128xf32, #tpu.memory_space<vmem>>, vector<1x16xf32>,
        %get3A_762 = vector.shape_cast %get3A_761 : vector<1x16xf32> to vector<16xf32>
        %mul3A_763 = arith.mulf %get3A_758, %get3A_762 : vector<16xf32>
        %swap3A_764 = arith.index_cast %add3A_712 : i32 to index
        %swap3A_765 = arith.constant 48 : index
        %swap3A_766 = tpu.vector_load %arg13[%swap3A_764, %swap3A_765] {strides = array<i32>} : memref<50x128xf32, #tpu.memory_space<vmem>>, vector<1x16xf32>,
        %swap3A_767 = vector.shape_cast %swap3A_766 : vector<1x16xf32> to vector<16xf32>
        %swap3A_768 = vector.shape_cast %mul3A_763 : vector<16xf32> to vector<1x16xf32>
        tpu.vector_store %arg13[%swap3A_764, %swap3A_765], %swap3A_768 {strides = array<i32>} : memref<50x128xf32, #tpu.memory_space<vmem>>, vector<1x16xf32>,
        %get3A_769 = arith.index_cast %add3A_712 : i32 to index
        %get3A_770 = arith.constant 64 : index
        %get3A_771 = tpu.vector_load %arg9[%get3A_769, %get3A_770] {strides = array<i32>} : memref<50x128xf32, #tpu.memory_space<vmem>>, vector<1x16xf32>,
        %get3A_772 = vector.shape_cast %get3A_771 : vector<1x16xf32> to vector<16xf32>
        %get3A_773 = arith.index_cast %add3A_712 : i32 to index
        %get3A_774 = arith.constant 64 : index
        %get3A_775 = tpu.vector_load %arg10[%get3A_773, %get3A_774] {strides = array<i32>} : memref<50x128xf32, #tpu.memory_space<vmem>>, vector<1x16xf32>,
        %get3A_776 = vector.shape_cast %get3A_775 : vector<1x16xf32> to vector<16xf32>
        %mul3A_777 = arith.mulf %get3A_772, %get3A_776 : vector<16xf32>
        %swap3A_778 = arith.index_cast %add3A_712 : i32 to index
        %swap3A_779 = arith.constant 64 : index
        %swap3A_780 = tpu.vector_load %arg13[%swap3A_778, %swap3A_779] {strides = array<i32>} : memref<50x128xf32, #tpu.memory_space<vmem>>, vector<1x16xf32>,
        %swap3A_781 = vector.shape_cast %swap3A_780 : vector<1x16xf32> to vector<16xf32>
        %swap3A_782 = vector.shape_cast %mul3A_777 : vector<16xf32> to vector<1x16xf32>
        tpu.vector_store %arg13[%swap3A_778, %swap3A_779], %swap3A_782 {strides = array<i32>} : memref<50x128xf32, #tpu.memory_space<vmem>>, vector<1x16xf32>,
        %get3A_783 = arith.index_cast %add3A_712 : i32 to index
        %get3A_784 = arith.constant 80 : index
        %get3A_785 = tpu.vector_load %arg9[%get3A_783, %get3A_784] {strides = array<i32>} : memref<50x128xf32, #tpu.memory_space<vmem>>, vector<1x16xf32>,
        %get3A_786 = vector.shape_cast %get3A_785 : vector<1x16xf32> to vector<16xf32>
        %get3A_787 = arith.index_cast %add3A_712 : i32 to index
        %get3A_788 = arith.constant 80 : index
        %get3A_789 = tpu.vector_load %arg10[%get3A_787, %get3A_788] {strides = array<i32>} : memref<50x128xf32, #tpu.memory_space<vmem>>, vector<1x16xf32>,
        %get3A_790 = vector.shape_cast %get3A_789 : vector<1x16xf32> to vector<16xf32>
        %mul3A_791 = arith.mulf %get3A_786, %get3A_790 : vector<16xf32>
        %swap3A_792 = arith.index_cast %add3A_712 : i32 to index
        %swap3A_793 = arith.constant 80 : index
        %swap3A_794 = tpu.vector_load %arg13[%swap3A_792, %swap3A_793] {strides = array<i32>} : memref<50x128xf32, #tpu.memory_space<vmem>>, vector<1x16xf32>,
        %swap3A_795 = vector.shape_cast %swap3A_794 : vector<1x16xf32> to vector<16xf32>
        %swap3A_796 = vector.shape_cast %mul3A_791 : vector<16xf32> to vector<1x16xf32>
        tpu.vector_store %arg13[%swap3A_792, %swap3A_793], %swap3A_796 {strides = array<i32>} : memref<50x128xf32, #tpu.memory_space<vmem>>, vector<1x16xf32>,
        %get3A_797 = arith.index_cast %add3A_712 : i32 to index
        %get3A_798 = arith.constant 96 : index
        %get3A_799 = tpu.vector_load %arg9[%get3A_797, %get3A_798] {strides = array<i32>} : memref<50x128xf32, #tpu.memory_space<vmem>>, vector<1x16xf32>,
        %get3A_800 = vector.shape_cast %get3A_799 : vector<1x16xf32> to vector<16xf32>
        %get3A_801 = arith.index_cast %add3A_712 : i32 to index
        %get3A_802 = arith.constant 96 : index
        %get3A_803 = tpu.vector_load %arg10[%get3A_801, %get3A_802] {strides = array<i32>} : memref<50x128xf32, #tpu.memory_space<vmem>>, vector<1x16xf32>,
        %get3A_804 = vector.shape_cast %get3A_803 : vector<1x16xf32> to vector<16xf32>
        %mul3A_805 = arith.mulf %get3A_800, %get3A_804 : vector<16xf32>
        %swap3A_806 = arith.index_cast %add3A_712 : i32 to index
        %swap3A_807 = arith.constant 96 : index
        %swap3A_808 = tpu.vector_load %arg13[%swap3A_806, %swap3A_807] {strides = array<i32>} : memref<50x128xf32, #tpu.memory_space<vmem>>, vector<1x16xf32>,
        %swap3A_809 = vector.shape_cast %swap3A_808 : vector<1x16xf32> to vector<16xf32>
        %swap3A_810 = vector.shape_cast %mul3A_805 : vector<16xf32> to vector<1x16xf32>
        tpu.vector_store %arg13[%swap3A_806, %swap3A_807], %swap3A_810 {strides = array<i32>} : memref<50x128xf32, #tpu.memory_space<vmem>>, vector<1x16xf32>,
        %get3A_811 = arith.index_cast %add3A_712 : i32 to index
        %get3A_812 = arith.constant 112 : index
        %get3A_813 = tpu.vector_load %arg9[%get3A_811, %get3A_812] {strides = array<i32>} : memref<50x128xf32, #tpu.memory_space<vmem>>, vector<1x16xf32>,
        %get3A_814 = vector.shape_cast %get3A_813 : vector<1x16xf32> to vector<16xf32>
        %get3A_815 = arith.index_cast %add3A_712 : i32 to index
        %get3A_816 = arith.constant 112 : index
        %get3A_817 = tpu.vector_load %arg10[%get3A_815, %get3A_816] {strides = array<i32>} : memref<50x128xf32, #tpu.memory_space<vmem>>, vector<1x16xf32>,
        %get3A_818 = vector.shape_cast %get3A_817 : vector<1x16xf32> to vector<16xf32>
        %mul3A_819 = arith.mulf %get3A_814, %get3A_818 : vector<16xf32>
        %swap3A_820 = arith.index_cast %add3A_712 : i32 to index
        %swap3A_821 = arith.constant 112 : index
        %swap3A_822 = tpu.vector_load %arg13[%swap3A_820, %swap3A_821] {strides = array<i32>} : memref<50x128xf32, #tpu.memory_space<vmem>>, vector<1x16xf32>,
        %swap3A_823 = vector.shape_cast %swap3A_822 : vector<1x16xf32> to vector<16xf32>
        %swap3A_824 = vector.shape_cast %mul3A_819 : vector<16xf32> to vector<1x16xf32>
        tpu.vector_store %arg13[%swap3A_820, %swap3A_821], %swap3A_824 {strides = array<i32>} : memref<50x128xf32, #tpu.memory_space<vmem>>, vector<1x16xf32>,
        %mul3A_825 = arith.constant 10 : i32
        %mul3A_826 = arith.muli %scan3A_362, %mul3A_825 : i32
        %add3A_827 = arith.constant 4 : i32
        %add3A_828 = arith.addi %mul3A_826, %add3A_827 : i32
        %get3A_829 = arith.index_cast %add3A_828 : i32 to index
        %get3A_830 = arith.constant 0 : index
        %get3A_831 = tpu.vector_load %arg9[%get3A_829, %get3A_830] {strides = array<i32>} : memref<50x128xf32, #tpu.memory_space<vmem>>, vector<1x16xf32>,
        %get3A_832 = vector.shape_cast %get3A_831 : vector<1x16xf32> to vector<16xf32>
        %get3A_833 = arith.index_cast %add3A_828 : i32 to index
        %get3A_834 = arith.constant 0 : index
        %get3A_835 = tpu.vector_load %arg10[%get3A_833, %get3A_834] {strides = array<i32>} : memref<50x128xf32, #tpu.memory_space<vmem>>, vector<1x16xf32>,
        %get3A_836 = vector.shape_cast %get3A_835 : vector<1x16xf32> to vector<16xf32>
        %mul3A_837 = arith.mulf %get3A_832, %get3A_836 : vector<16xf32>
        %swap3A_838 = arith.index_cast %add3A_828 : i32 to index
        %swap3A_839 = arith.constant 0 : index
        %swap3A_840 = tpu.vector_load %arg13[%swap3A_838, %swap3A_839] {strides = array<i32>} : memref<50x128xf32, #tpu.memory_space<vmem>>, vector<1x16xf32>,
        %swap3A_841 = vector.shape_cast %swap3A_840 : vector<1x16xf32> to vector<16xf32>
        %swap3A_842 = vector.shape_cast %mul3A_837 : vector<16xf32> to vector<1x16xf32>
        tpu.vector_store %arg13[%swap3A_838, %swap3A_839], %swap3A_842 {strides = array<i32>} : memref<50x128xf32, #tpu.memory_space<vmem>>, vector<1x16xf32>,
        %get3A_843 = arith.index_cast %add3A_828 : i32 to index
        %get3A_844 = arith.constant 16 : index
        %get3A_845 = tpu.vector_load %arg9[%get3A_843, %get3A_844] {strides = array<i32>} : memref<50x128xf32, #tpu.memory_space<vmem>>, vector<1x16xf32>,
        %get3A_846 = vector.shape_cast %get3A_845 : vector<1x16xf32> to vector<16xf32>
        %get3A_847 = arith.index_cast %add3A_828 : i32 to index
        %get3A_848 = arith.constant 16 : index
        %get3A_849 = tpu.vector_load %arg10[%get3A_847, %get3A_848] {strides = array<i32>} : memref<50x128xf32, #tpu.memory_space<vmem>>, vector<1x16xf32>,
        %get3A_850 = vector.shape_cast %get3A_849 : vector<1x16xf32> to vector<16xf32>
        %mul3A_851 = arith.mulf %get3A_846, %get3A_850 : vector<16xf32>
        %swap3A_852 = arith.index_cast %add3A_828 : i32 to index
        %swap3A_853 = arith.constant 16 : index
        %swap3A_854 = tpu.vector_load %arg13[%swap3A_852, %swap3A_853] {strides = array<i32>} : memref<50x128xf32, #tpu.memory_space<vmem>>, vector<1x16xf32>,
        %swap3A_855 = vector.shape_cast %swap3A_854 : vector<1x16xf32> to vector<16xf32>
        %swap3A_856 = vector.shape_cast %mul3A_851 : vector<16xf32> to vector<1x16xf32>
        tpu.vector_store %arg13[%swap3A_852, %swap3A_853], %swap3A_856 {strides = array<i32>} : memref<50x128xf32, #tpu.memory_space<vmem>>, vector<1x16xf32>,
        %get3A_857 = arith.index_cast %add3A_828 : i32 to index
        %get3A_858 = arith.constant 32 : index
        %get3A_859 = tpu.vector_load %arg9[%get3A_857, %get3A_858] {strides = array<i32>} : memref<50x128xf32, #tpu.memory_space<vmem>>, vector<1x16xf32>,
        %get3A_860 = vector.shape_cast %get3A_859 : vector<1x16xf32> to vector<16xf32>
        %get3A_861 = arith.index_cast %add3A_828 : i32 to index
        %get3A_862 = arith.constant 32 : index
        %get3A_863 = tpu.vector_load %arg10[%get3A_861, %get3A_862] {strides = array<i32>} : memref<50x128xf32, #tpu.memory_space<vmem>>, vector<1x16xf32>,
        %get3A_864 = vector.shape_cast %get3A_863 : vector<1x16xf32> to vector<16xf32>
        %mul3A_865 = arith.mulf %get3A_860, %get3A_864 : vector<16xf32>
        %swap3A_866 = arith.index_cast %add3A_828 : i32 to index
        %swap3A_867 = arith.constant 32 : index
        %swap3A_868 = tpu.vector_load %arg13[%swap3A_866, %swap3A_867] {strides = array<i32>} : memref<50x128xf32, #tpu.memory_space<vmem>>, vector<1x16xf32>,
        %swap3A_869 = vector.shape_cast %swap3A_868 : vector<1x16xf32> to vector<16xf32>
        %swap3A_870 = vector.shape_cast %mul3A_865 : vector<16xf32> to vector<1x16xf32>
        tpu.vector_store %arg13[%swap3A_866, %swap3A_867], %swap3A_870 {strides = array<i32>} : memref<50x128xf32, #tpu.memory_space<vmem>>, vector<1x16xf32>,
        %get3A_871 = arith.index_cast %add3A_828 : i32 to index
        %get3A_872 = arith.constant 48 : index
        %get3A_873 = tpu.vector_load %arg9[%get3A_871, %get3A_872] {strides = array<i32>} : memref<50x128xf32, #tpu.memory_space<vmem>>, vector<1x16xf32>,
        %get3A_874 = vector.shape_cast %get3A_873 : vector<1x16xf32> to vector<16xf32>
        %get3A_875 = arith.index_cast %add3A_828 : i32 to index
        %get3A_876 = arith.constant 48 : index
        %get3A_877 = tpu.vector_load %arg10[%get3A_875, %get3A_876] {strides = array<i32>} : memref<50x128xf32, #tpu.memory_space<vmem>>, vector<1x16xf32>,
        %get3A_878 = vector.shape_cast %get3A_877 : vector<1x16xf32> to vector<16xf32>
        %mul3A_879 = arith.mulf %get3A_874, %get3A_878 : vector<16xf32>
        %swap3A_880 = arith.index_cast %add3A_828 : i32 to index
        %swap3A_881 = arith.constant 48 : index
        %swap3A_882 = tpu.vector_load %arg13[%swap3A_880, %swap3A_881] {strides = array<i32>} : memref<50x128xf32, #tpu.memory_space<vmem>>, vector<1x16xf32>,
        %swap3A_883 = vector.shape_cast %swap3A_882 : vector<1x16xf32> to vector<16xf32>
        %swap3A_884 = vector.shape_cast %mul3A_879 : vector<16xf32> to vector<1x16xf32>
        tpu.vector_store %arg13[%swap3A_880, %swap3A_881], %swap3A_884 {strides = array<i32>} : memref<50x128xf32, #tpu.memory_space<vmem>>, vector<1x16xf32>,
        %get3A_885 = arith.index_cast %add3A_828 : i32 to index
        %get3A_886 = arith.constant 64 : index
        %get3A_887 = tpu.vector_load %arg9[%get3A_885, %get3A_886] {strides = array<i32>} : memref<50x128xf32, #tpu.memory_space<vmem>>, vector<1x16xf32>,
        %get3A_888 = vector.shape_cast %get3A_887 : vector<1x16xf32> to vector<16xf32>
        %get3A_889 = arith.index_cast %add3A_828 : i32 to index
        %get3A_890 = arith.constant 64 : index
        %get3A_891 = tpu.vector_load %arg10[%get3A_889, %get3A_890] {strides = array<i32>} : memref<50x128xf32, #tpu.memory_space<vmem>>, vector<1x16xf32>,
        %get3A_892 = vector.shape_cast %get3A_891 : vector<1x16xf32> to vector<16xf32>
        %mul3A_893 = arith.mulf %get3A_888, %get3A_892 : vector<16xf32>
        %swap3A_894 = arith.index_cast %add3A_828 : i32 to index
        %swap3A_895 = arith.constant 64 : index
        %swap3A_896 = tpu.vector_load %arg13[%swap3A_894, %swap3A_895] {strides = array<i32>} : memref<50x128xf32, #tpu.memory_space<vmem>>, vector<1x16xf32>,
        %swap3A_897 = vector.shape_cast %swap3A_896 : vector<1x16xf32> to vector<16xf32>
        %swap3A_898 = vector.shape_cast %mul3A_893 : vector<16xf32> to vector<1x16xf32>
        tpu.vector_store %arg13[%swap3A_894, %swap3A_895], %swap3A_898 {strides = array<i32>} : memref<50x128xf32, #tpu.memory_space<vmem>>, vector<1x16xf32>,
        %get3A_899 = arith.index_cast %add3A_828 : i32 to index
        %get3A_900 = arith.constant 80 : index
        %get3A_901 = tpu.vector_load %arg9[%get3A_899, %get3A_900] {strides = array<i32>} : memref<50x128xf32, #tpu.memory_space<vmem>>, vector<1x16xf32>,
        %get3A_902 = vector.shape_cast %get3A_901 : vector<1x16xf32> to vector<16xf32>
        %get3A_903 = arith.index_cast %add3A_828 : i32 to index
        %get3A_904 = arith.constant 80 : index
        %get3A_905 = tpu.vector_load %arg10[%get3A_903, %get3A_904] {strides = array<i32>} : memref<50x128xf32, #tpu.memory_space<vmem>>, vector<1x16xf32>,
        %get3A_906 = vector.shape_cast %get3A_905 : vector<1x16xf32> to vector<16xf32>
        %mul3A_907 = arith.mulf %get3A_902, %get3A_906 : vector<16xf32>
        %swap3A_908 = arith.index_cast %add3A_828 : i32 to index
        %swap3A_909 = arith.constant 80 : index
        %swap3A_910 = tpu.vector_load %arg13[%swap3A_908, %swap3A_909] {strides = array<i32>} : memref<50x128xf32, #tpu.memory_space<vmem>>, vector<1x16xf32>,
        %swap3A_911 = vector.shape_cast %swap3A_910 : vector<1x16xf32> to vector<16xf32>
        %swap3A_912 = vector.shape_cast %mul3A_907 : vector<16xf32> to vector<1x16xf32>
        tpu.vector_store %arg13[%swap3A_908, %swap3A_909], %swap3A_912 {strides = array<i32>} : memref<50x128xf32, #tpu.memory_space<vmem>>, vector<1x16xf32>,
        %get3A_913 = arith.index_cast %add3A_828 : i32 to index
        %get3A_914 = arith.constant 96 : index
        %get3A_915 = tpu.vector_load %arg9[%get3A_913, %get3A_914] {strides = array<i32>} : memref<50x128xf32, #tpu.memory_space<vmem>>, vector<1x16xf32>,
        %get3A_916 = vector.shape_cast %get3A_915 : vector<1x16xf32> to vector<16xf32>
        %get3A_917 = arith.index_cast %add3A_828 : i32 to index
        %get3A_918 = arith.constant 96 : index
        %get3A_919 = tpu.vector_load %arg10[%get3A_917, %get3A_918] {strides = array<i32>} : memref<50x128xf32, #tpu.memory_space<vmem>>, vector<1x16xf32>,
        %get3A_920 = vector.shape_cast %get3A_919 : vector<1x16xf32> to vector<16xf32>
        %mul3A_921 = arith.mulf %get3A_916, %get3A_920 : vector<16xf32>
        %swap3A_922 = arith.index_cast %add3A_828 : i32 to index
        %swap3A_923 = arith.constant 96 : index
        %swap3A_924 = tpu.vector_load %arg13[%swap3A_922, %swap3A_923] {strides = array<i32>} : memref<50x128xf32, #tpu.memory_space<vmem>>, vector<1x16xf32>,
        %swap3A_925 = vector.shape_cast %swap3A_924 : vector<1x16xf32> to vector<16xf32>
        %swap3A_926 = vector.shape_cast %mul3A_921 : vector<16xf32> to vector<1x16xf32>
        tpu.vector_store %arg13[%swap3A_922, %swap3A_923], %swap3A_926 {strides = array<i32>} : memref<50x128xf32, #tpu.memory_space<vmem>>, vector<1x16xf32>,
        %get3A_927 = arith.index_cast %add3A_828 : i32 to index
        %get3A_928 = arith.constant 112 : index
        %get3A_929 = tpu.vector_load %arg9[%get3A_927, %get3A_928] {strides = array<i32>} : memref<50x128xf32, #tpu.memory_space<vmem>>, vector<1x16xf32>,
        %get3A_930 = vector.shape_cast %get3A_929 : vector<1x16xf32> to vector<16xf32>
        %get3A_931 = arith.index_cast %add3A_828 : i32 to index
        %get3A_932 = arith.constant 112 : index
        %get3A_933 = tpu.vector_load %arg10[%get3A_931, %get3A_932] {strides = array<i32>} : memref<50x128xf32, #tpu.memory_space<vmem>>, vector<1x16xf32>,
        %get3A_934 = vector.shape_cast %get3A_933 : vector<1x16xf32> to vector<16xf32>
        %mul3A_935 = arith.mulf %get3A_930, %get3A_934 : vector<16xf32>
        %swap3A_936 = arith.index_cast %add3A_828 : i32 to index
        %swap3A_937 = arith.constant 112 : index
        %swap3A_938 = tpu.vector_load %arg13[%swap3A_936, %swap3A_937] {strides = array<i32>} : memref<50x128xf32, #tpu.memory_space<vmem>>, vector<1x16xf32>,
        %swap3A_939 = vector.shape_cast %swap3A_938 : vector<1x16xf32> to vector<16xf32>
        %swap3A_940 = vector.shape_cast %mul3A_935 : vector<16xf32> to vector<1x16xf32>
        tpu.vector_store %arg13[%swap3A_936, %swap3A_937], %swap3A_940 {strides = array<i32>} : memref<50x128xf32, #tpu.memory_space<vmem>>, vector<1x16xf32>,
        %mul3A_941 = arith.constant 10 : i32
        %mul3A_942 = arith.muli %scan3A_362, %mul3A_941 : i32
        %add3A_943 = arith.constant 5 : i32
        %add3A_944 = arith.addi %mul3A_942, %add3A_943 : i32
        %get3A_945 = arith.index_cast %add3A_944 : i32 to index
        %get3A_946 = arith.constant 0 : index
        %get3A_947 = tpu.vector_load %arg9[%get3A_945, %get3A_946] {strides = array<i32>} : memref<50x128xf32, #tpu.memory_space<vmem>>, vector<1x16xf32>,
        %get3A_948 = vector.shape_cast %get3A_947 : vector<1x16xf32> to vector<16xf32>
        %get3A_949 = arith.index_cast %add3A_944 : i32 to index
        %get3A_950 = arith.constant 0 : index
        %get3A_951 = tpu.vector_load %arg10[%get3A_949, %get3A_950] {strides = array<i32>} : memref<50x128xf32, #tpu.memory_space<vmem>>, vector<1x16xf32>,
        %get3A_952 = vector.shape_cast %get3A_951 : vector<1x16xf32> to vector<16xf32>
        %mul3A_953 = arith.mulf %get3A_948, %get3A_952 : vector<16xf32>
        %swap3A_954 = arith.index_cast %add3A_944 : i32 to index
        %swap3A_955 = arith.constant 0 : index
        %swap3A_956 = tpu.vector_load %arg13[%swap3A_954, %swap3A_955] {strides = array<i32>} : memref<50x128xf32, #tpu.memory_space<vmem>>, vector<1x16xf32>,
        %swap3A_957 = vector.shape_cast %swap3A_956 : vector<1x16xf32> to vector<16xf32>
        %swap3A_958 = vector.shape_cast %mul3A_953 : vector<16xf32> to vector<1x16xf32>
        tpu.vector_store %arg13[%swap3A_954, %swap3A_955], %swap3A_958 {strides = array<i32>} : memref<50x128xf32, #tpu.memory_space<vmem>>, vector<1x16xf32>,
        %get3A_959 = arith.index_cast %add3A_944 : i32 to index
        %get3A_960 = arith.constant 16 : index
        %get3A_961 = tpu.vector_load %arg9[%get3A_959, %get3A_960] {strides = array<i32>} : memref<50x128xf32, #tpu.memory_space<vmem>>, vector<1x16xf32>,
        %get3A_962 = vector.shape_cast %get3A_961 : vector<1x16xf32> to vector<16xf32>
        %get3A_963 = arith.index_cast %add3A_944 : i32 to index
        %get3A_964 = arith.constant 16 : index
        %get3A_965 = tpu.vector_load %arg10[%get3A_963, %get3A_964] {strides = array<i32>} : memref<50x128xf32, #tpu.memory_space<vmem>>, vector<1x16xf32>,
        %get3A_966 = vector.shape_cast %get3A_965 : vector<1x16xf32> to vector<16xf32>
        %mul3A_967 = arith.mulf %get3A_962, %get3A_966 : vector<16xf32>
        %swap3A_968 = arith.index_cast %add3A_944 : i32 to index
        %swap3A_969 = arith.constant 16 : index
        %swap3A_970 = tpu.vector_load %arg13[%swap3A_968, %swap3A_969] {strides = array<i32>} : memref<50x128xf32, #tpu.memory_space<vmem>>, vector<1x16xf32>,
        %swap3A_971 = vector.shape_cast %swap3A_970 : vector<1x16xf32> to vector<16xf32>
        %swap3A_972 = vector.shape_cast %mul3A_967 : vector<16xf32> to vector<1x16xf32>
        tpu.vector_store %arg13[%swap3A_968, %swap3A_969], %swap3A_972 {strides = array<i32>} : memref<50x128xf32, #tpu.memory_space<vmem>>, vector<1x16xf32>,
        %get3A_973 = arith.index_cast %add3A_944 : i32 to index
        %get3A_974 = arith.constant 32 : index
        %get3A_975 = tpu.vector_load %arg9[%get3A_973, %get3A_974] {strides = array<i32>} : memref<50x128xf32, #tpu.memory_space<vmem>>, vector<1x16xf32>,
        %get3A_976 = vector.shape_cast %get3A_975 : vector<1x16xf32> to vector<16xf32>
        %get3A_977 = arith.index_cast %add3A_944 : i32 to index
        %get3A_978 = arith.constant 32 : index
        %get3A_979 = tpu.vector_load %arg10[%get3A_977, %get3A_978] {strides = array<i32>} : memref<50x128xf32, #tpu.memory_space<vmem>>, vector<1x16xf32>,
        %get3A_980 = vector.shape_cast %get3A_979 : vector<1x16xf32> to vector<16xf32>
        %mul3A_981 = arith.mulf %get3A_976, %get3A_980 : vector<16xf32>
        %swap3A_982 = arith.index_cast %add3A_944 : i32 to index
        %swap3A_983 = arith.constant 32 : index
        %swap3A_984 = tpu.vector_load %arg13[%swap3A_982, %swap3A_983] {strides = array<i32>} : memref<50x128xf32, #tpu.memory_space<vmem>>, vector<1x16xf32>,
        %swap3A_985 = vector.shape_cast %swap3A_984 : vector<1x16xf32> to vector<16xf32>
        %swap3A_986 = vector.shape_cast %mul3A_981 : vector<16xf32> to vector<1x16xf32>
        tpu.vector_store %arg13[%swap3A_982, %swap3A_983], %swap3A_986 {strides = array<i32>} : memref<50x128xf32, #tpu.memory_space<vmem>>, vector<1x16xf32>,
        %get3A_987 = arith.index_cast %add3A_944 : i32 to index
        %get3A_988 = arith.constant 48 : index
        %get3A_989 = tpu.vector_load %arg9[%get3A_987, %get3A_988] {strides = array<i32>} : memref<50x128xf32, #tpu.memory_space<vmem>>, vector<1x16xf32>,
        %get3A_990 = vector.shape_cast %get3A_989 : vector<1x16xf32> to vector<16xf32>
        %get3A_991 = arith.index_cast %add3A_944 : i32 to index
        %get3A_992 = arith.constant 48 : index
        %get3A_993 = tpu.vector_load %arg10[%get3A_991, %get3A_992] {strides = array<i32>} : memref<50x128xf32, #tpu.memory_space<vmem>>, vector<1x16xf32>,
        %get3A_994 = vector.shape_cast %get3A_993 : vector<1x16xf32> to vector<16xf32>
        %mul3A_995 = arith.mulf %get3A_990, %get3A_994 : vector<16xf32>
        %swap3A_996 = arith.index_cast %add3A_944 : i32 to index
        %swap3A_997 = arith.constant 48 : index
        %swap3A_998 = tpu.vector_load %arg13[%swap3A_996, %swap3A_997] {strides = array<i32>} : memref<50x128xf32, #tpu.memory_space<vmem>>, vector<1x16xf32>,
        %swap3A_999 = vector.shape_cast %swap3A_998 : vector<1x16xf32> to vector<16xf32>
        %swap3A_1000 = vector.shape_cast %mul3A_995 : vector<16xf32> to vector<1x16xf32>
        tpu.vector_store %arg13[%swap3A_996, %swap3A_997], %swap3A_1000 {strides = array<i32>} : memref<50x128xf32, #tpu.memory_space<vmem>>, vector<1x16xf32>,
        %get3A_1001 = arith.index_cast %add3A_944 : i32 to index
        %get3A_1002 = arith.constant 64 : index
        %get3A_1003 = tpu.vector_load %arg9[%get3A_1001, %get3A_1002] {strides = array<i32>} : memref<50x128xf32, #tpu.memory_space<vmem>>, vector<1x16xf32>,
        %get3A_1004 = vector.shape_cast %get3A_1003 : vector<1x16xf32> to vector<16xf32>
        %get3A_1005 = arith.index_cast %add3A_944 : i32 to index
        %get3A_1006 = arith.constant 64 : index
        %get3A_1007 = tpu.vector_load %arg10[%get3A_1005, %get3A_1006] {strides = array<i32>} : memref<50x128xf32, #tpu.memory_space<vmem>>, vector<1x16xf32>,
        %get3A_1008 = vector.shape_cast %get3A_1007 : vector<1x16xf32> to vector<16xf32>
        %mul3A_1009 = arith.mulf %get3A_1004, %get3A_1008 : vector<16xf32>
        %swap3A_1010 = arith.index_cast %add3A_944 : i32 to index
        %swap3A_1011 = arith.constant 64 : index
        %swap3A_1012 = tpu.vector_load %arg13[%swap3A_1010, %swap3A_1011] {strides = array<i32>} : memref<50x128xf32, #tpu.memory_space<vmem>>, vector<1x16xf32>,
        %swap3A_1013 = vector.shape_cast %swap3A_1012 : vector<1x16xf32> to vector<16xf32>
        %swap3A_1014 = vector.shape_cast %mul3A_1009 : vector<16xf32> to vector<1x16xf32>
        tpu.vector_store %arg13[%swap3A_1010, %swap3A_1011], %swap3A_1014 {strides = array<i32>} : memref<50x128xf32, #tpu.memory_space<vmem>>, vector<1x16xf32>,
        %get3A_1015 = arith.index_cast %add3A_944 : i32 to index
        %get3A_1016 = arith.constant 80 : index
        %get3A_1017 = tpu.vector_load %arg9[%get3A_1015, %get3A_1016] {strides = array<i32>} : memref<50x128xf32, #tpu.memory_space<vmem>>, vector<1x16xf32>,
        %get3A_1018 = vector.shape_cast %get3A_1017 : vector<1x16xf32> to vector<16xf32>
        %get3A_1019 = arith.index_cast %add3A_944 : i32 to index
        %get3A_1020 = arith.constant 80 : index
        %get3A_1021 = tpu.vector_load %arg10[%get3A_1019, %get3A_1020] {strides = array<i32>} : memref<50x128xf32, #tpu.memory_space<vmem>>, vector<1x16xf32>,
        %get3A_1022 = vector.shape_cast %get3A_1021 : vector<1x16xf32> to vector<16xf32>
        %mul3A_1023 = arith.mulf %get3A_1018, %get3A_1022 : vector<16xf32>
        %swap3A_1024 = arith.index_cast %add3A_944 : i32 to index
        %swap3A_1025 = arith.constant 80 : index
        %swap3A_1026 = tpu.vector_load %arg13[%swap3A_1024, %swap3A_1025] {strides = array<i32>} : memref<50x128xf32, #tpu.memory_space<vmem>>, vector<1x16xf32>,
        %swap3A_1027 = vector.shape_cast %swap3A_1026 : vector<1x16xf32> to vector<16xf32>
        %swap3A_1028 = vector.shape_cast %mul3A_1023 : vector<16xf32> to vector<1x16xf32>
        tpu.vector_store %arg13[%swap3A_1024, %swap3A_1025], %swap3A_1028 {strides = array<i32>} : memref<50x128xf32, #tpu.memory_space<vmem>>, vector<1x16xf32>,
        %get3A_1029 = arith.index_cast %add3A_944 : i32 to index
        %get3A_1030 = arith.constant 96 : index
        %get3A_1031 = tpu.vector_load %arg9[%get3A_1029, %get3A_1030] {strides = array<i32>} : memref<50x128xf32, #tpu.memory_space<vmem>>, vector<1x16xf32>,
        %get3A_1032 = vector.shape_cast %get3A_1031 : vector<1x16xf32> to vector<16xf32>
        %get3A_1033 = arith.index_cast %add3A_944 : i32 to index
        %get3A_1034 = arith.constant 96 : index
        %get3A_1035 = tpu.vector_load %arg10[%get3A_1033, %get3A_1034] {strides = array<i32>} : memref<50x128xf32, #tpu.memory_space<vmem>>, vector<1x16xf32>,
        %get3A_1036 = vector.shape_cast %get3A_1035 : vector<1x16xf32> to vector<16xf32>
        %mul3A_1037 = arith.mulf %get3A_1032, %get3A_1036 : vector<16xf32>
        %swap3A_1038 = arith.index_cast %add3A_944 : i32 to index
        %swap3A_1039 = arith.constant 96 : index
        %swap3A_1040 = tpu.vector_load %arg13[%swap3A_1038, %swap3A_1039] {strides = array<i32>} : memref<50x128xf32, #tpu.memory_space<vmem>>, vector<1x16xf32>,
        %swap3A_1041 = vector.shape_cast %swap3A_1040 : vector<1x16xf32> to vector<16xf32>
        %swap3A_1042 = vector.shape_cast %mul3A_1037 : vector<16xf32> to vector<1x16xf32>
        tpu.vector_store %arg13[%swap3A_1038, %swap3A_1039], %swap3A_1042 {strides = array<i32>} : memref<50x128xf32, #tpu.memory_space<vmem>>, vector<1x16xf32>,
        %get3A_1043 = arith.index_cast %add3A_944 : i32 to index
        %get3A_1044 = arith.constant 112 : index
        %get3A_1045 = tpu.vector_load %arg9[%get3A_1043, %get3A_1044] {strides = array<i32>} : memref<50x128xf32, #tpu.memory_space<vmem>>, vector<1x16xf32>,
        %get3A_1046 = vector.shape_cast %get3A_1045 : vector<1x16xf32> to vector<16xf32>
        %get3A_1047 = arith.index_cast %add3A_944 : i32 to index
        %get3A_1048 = arith.constant 112 : index
        %get3A_1049 = tpu.vector_load %arg10[%get3A_1047, %get3A_1048] {strides = array<i32>} : memref<50x128xf32, #tpu.memory_space<vmem>>, vector<1x16xf32>,
        %get3A_1050 = vector.shape_cast %get3A_1049 : vector<1x16xf32> to vector<16xf32>
        %mul3A_1051 = arith.mulf %get3A_1046, %get3A_1050 : vector<16xf32>
        %swap3A_1052 = arith.index_cast %add3A_944 : i32 to index
        %swap3A_1053 = arith.constant 112 : index
        %swap3A_1054 = tpu.vector_load %arg13[%swap3A_1052, %swap3A_1053] {strides = array<i32>} : memref<50x128xf32, #tpu.memory_space<vmem>>, vector<1x16xf32>,
        %swap3A_1055 = vector.shape_cast %swap3A_1054 : vector<1x16xf32> to vector<16xf32>
        %swap3A_1056 = vector.shape_cast %mul3A_1051 : vector<16xf32> to vector<1x16xf32>
        tpu.vector_store %arg13[%swap3A_1052, %swap3A_1053], %swap3A_1056 {strides = array<i32>} : memref<50x128xf32, #tpu.memory_space<vmem>>, vector<1x16xf32>,
        %mul3A_1057 = arith.constant 10 : i32
        %mul3A_1058 = arith.muli %scan3A_362, %mul3A_1057 : i32
        %add3A_1059 = arith.constant 6 : i32
        %add3A_1060 = arith.addi %mul3A_1058, %add3A_1059 : i32
        %get3A_1061 = arith.index_cast %add3A_1060 : i32 to index
        %get3A_1062 = arith.constant 0 : index
        %get3A_1063 = tpu.vector_load %arg9[%get3A_1061, %get3A_1062] {strides = array<i32>} : memref<50x128xf32, #tpu.memory_space<vmem>>, vector<1x16xf32>,
        %get3A_1064 = vector.shape_cast %get3A_1063 : vector<1x16xf32> to vector<16xf32>
        %get3A_1065 = arith.index_cast %add3A_1060 : i32 to index
        %get3A_1066 = arith.constant 0 : index
        %get3A_1067 = tpu.vector_load %arg10[%get3A_1065, %get3A_1066] {strides = array<i32>} : memref<50x128xf32, #tpu.memory_space<vmem>>, vector<1x16xf32>,
        %get3A_1068 = vector.shape_cast %get3A_1067 : vector<1x16xf32> to vector<16xf32>
        %mul3A_1069 = arith.mulf %get3A_1064, %get3A_1068 : vector<16xf32>
        %swap3A_1070 = arith.index_cast %add3A_1060 : i32 to index
        %swap3A_1071 = arith.constant 0 : index
        %swap3A_1072 = tpu.vector_load %arg13[%swap3A_1070, %swap3A_1071] {strides = array<i32>} : memref<50x128xf32, #tpu.memory_space<vmem>>, vector<1x16xf32>,
        %swap3A_1073 = vector.shape_cast %swap3A_1072 : vector<1x16xf32> to vector<16xf32>
        %swap3A_1074 = vector.shape_cast %mul3A_1069 : vector<16xf32> to vector<1x16xf32>
        tpu.vector_store %arg13[%swap3A_1070, %swap3A_1071], %swap3A_1074 {strides = array<i32>} : memref<50x128xf32, #tpu.memory_space<vmem>>, vector<1x16xf32>,
        %get3A_1075 = arith.index_cast %add3A_1060 : i32 to index
        %get3A_1076 = arith.constant 16 : index
        %get3A_1077 = tpu.vector_load %arg9[%get3A_1075, %get3A_1076] {strides = array<i32>} : memref<50x128xf32, #tpu.memory_space<vmem>>, vector<1x16xf32>,
        %get3A_1078 = vector.shape_cast %get3A_1077 : vector<1x16xf32> to vector<16xf32>
        %get3A_1079 = arith.index_cast %add3A_1060 : i32 to index
        %get3A_1080 = arith.constant 16 : index
        %get3A_1081 = tpu.vector_load %arg10[%get3A_1079, %get3A_1080] {strides = array<i32>} : memref<50x128xf32, #tpu.memory_space<vmem>>, vector<1x16xf32>,
        %get3A_1082 = vector.shape_cast %get3A_1081 : vector<1x16xf32> to vector<16xf32>
        %mul3A_1083 = arith.mulf %get3A_1078, %get3A_1082 : vector<16xf32>
        %swap3A_1084 = arith.index_cast %add3A_1060 : i32 to index
        %swap3A_1085 = arith.constant 16 : index
        %swap3A_1086 = tpu.vector_load %arg13[%swap3A_1084, %swap3A_1085] {strides = array<i32>} : memref<50x128xf32, #tpu.memory_space<vmem>>, vector<1x16xf32>,
        %swap3A_1087 = vector.shape_cast %swap3A_1086 : vector<1x16xf32> to vector<16xf32>
        %swap3A_1088 = vector.shape_cast %mul3A_1083 : vector<16xf32> to vector<1x16xf32>
        tpu.vector_store %arg13[%swap3A_1084, %swap3A_1085], %swap3A_1088 {strides = array<i32>} : memref<50x128xf32, #tpu.memory_space<vmem>>, vector<1x16xf32>,
        %get3A_1089 = arith.index_cast %add3A_1060 : i32 to index
        %get3A_1090 = arith.constant 32 : index
        %get3A_1091 = tpu.vector_load %arg9[%get3A_1089, %get3A_1090] {strides = array<i32>} : memref<50x128xf32, #tpu.memory_space<vmem>>, vector<1x16xf32>,
        %get3A_1092 = vector.shape_cast %get3A_1091 : vector<1x16xf32> to vector<16xf32>
        %get3A_1093 = arith.index_cast %add3A_1060 : i32 to index
        %get3A_1094 = arith.constant 32 : index
        %get3A_1095 = tpu.vector_load %arg10[%get3A_1093, %get3A_1094] {strides = array<i32>} : memref<50x128xf32, #tpu.memory_space<vmem>>, vector<1x16xf32>,
        %get3A_1096 = vector.shape_cast %get3A_1095 : vector<1x16xf32> to vector<16xf32>
        %mul3A_1097 = arith.mulf %get3A_1092, %get3A_1096 : vector<16xf32>
        %swap3A_1098 = arith.index_cast %add3A_1060 : i32 to index
        %swap3A_1099 = arith.constant 32 : index
        %swap3A_1100 = tpu.vector_load %arg13[%swap3A_1098, %swap3A_1099] {strides = array<i32>} : memref<50x128xf32, #tpu.memory_space<vmem>>, vector<1x16xf32>,
        %swap3A_1101 = vector.shape_cast %swap3A_1100 : vector<1x16xf32> to vector<16xf32>
        %swap3A_1102 = vector.shape_cast %mul3A_1097 : vector<16xf32> to vector<1x16xf32>
        tpu.vector_store %arg13[%swap3A_1098, %swap3A_1099], %swap3A_1102 {strides = array<i32>} : memref<50x128xf32, #tpu.memory_space<vmem>>, vector<1x16xf32>,
        %get3A_1103 = arith.index_cast %add3A_1060 : i32 to index
        %get3A_1104 = arith.constant 48 : index
        %get3A_1105 = tpu.vector_load %arg9[%get3A_1103, %get3A_1104] {strides = array<i32>} : memref<50x128xf32, #tpu.memory_space<vmem>>, vector<1x16xf32>,
        %get3A_1106 = vector.shape_cast %get3A_1105 : vector<1x16xf32> to vector<16xf32>
        %get3A_1107 = arith.index_cast %add3A_1060 : i32 to index
        %get3A_1108 = arith.constant 48 : index
        %get3A_1109 = tpu.vector_load %arg10[%get3A_1107, %get3A_1108] {strides = array<i32>} : memref<50x128xf32, #tpu.memory_space<vmem>>, vector<1x16xf32>,
        %get3A_1110 = vector.shape_cast %get3A_1109 : vector<1x16xf32> to vector<16xf32>
        %mul3A_1111 = arith.mulf %get3A_1106, %get3A_1110 : vector<16xf32>
        %swap3A_1112 = arith.index_cast %add3A_1060 : i32 to index
        %swap3A_1113 = arith.constant 48 : index
        %swap3A_1114 = tpu.vector_load %arg13[%swap3A_1112, %swap3A_1113] {strides = array<i32>} : memref<50x128xf32, #tpu.memory_space<vmem>>, vector<1x16xf32>,
        %swap3A_1115 = vector.shape_cast %swap3A_1114 : vector<1x16xf32> to vector<16xf32>
        %swap3A_1116 = vector.shape_cast %mul3A_1111 : vector<16xf32> to vector<1x16xf32>
        tpu.vector_store %arg13[%swap3A_1112, %swap3A_1113], %swap3A_1116 {strides = array<i32>} : memref<50x128xf32, #tpu.memory_space<vmem>>, vector<1x16xf32>,
        %get3A_1117 = arith.index_cast %add3A_1060 : i32 to index
        %get3A_1118 = arith.constant 64 : index
        %get3A_1119 = tpu.vector_load %arg9[%get3A_1117, %get3A_1118] {strides = array<i32>} : memref<50x128xf32, #tpu.memory_space<vmem>>, vector<1x16xf32>,
        %get3A_1120 = vector.shape_cast %get3A_1119 : vector<1x16xf32> to vector<16xf32>
        %get3A_1121 = arith.index_cast %add3A_1060 : i32 to index
        %get3A_1122 = arith.constant 64 : index
        %get3A_1123 = tpu.vector_load %arg10[%get3A_1121, %get3A_1122] {strides = array<i32>} : memref<50x128xf32, #tpu.memory_space<vmem>>, vector<1x16xf32>,
        %get3A_1124 = vector.shape_cast %get3A_1123 : vector<1x16xf32> to vector<16xf32>
        %mul3A_1125 = arith.mulf %get3A_1120, %get3A_1124 : vector<16xf32>
        %swap3A_1126 = arith.index_cast %add3A_1060 : i32 to index
        %swap3A_1127 = arith.constant 64 : index
        %swap3A_1128 = tpu.vector_load %arg13[%swap3A_1126, %swap3A_1127] {strides = array<i32>} : memref<50x128xf32, #tpu.memory_space<vmem>>, vector<1x16xf32>,
        %swap3A_1129 = vector.shape_cast %swap3A_1128 : vector<1x16xf32> to vector<16xf32>
        %swap3A_1130 = vector.shape_cast %mul3A_1125 : vector<16xf32> to vector<1x16xf32>
        tpu.vector_store %arg13[%swap3A_1126, %swap3A_1127], %swap3A_1130 {strides = array<i32>} : memref<50x128xf32, #tpu.memory_space<vmem>>, vector<1x16xf32>,
        %get3A_1131 = arith.index_cast %add3A_1060 : i32 to index
        %get3A_1132 = arith.constant 80 : index
        %get3A_1133 = tpu.vector_load %arg9[%get3A_1131, %get3A_1132] {strides = array<i32>} : memref<50x128xf32, #tpu.memory_space<vmem>>, vector<1x16xf32>,
        %get3A_1134 = vector.shape_cast %get3A_1133 : vector<1x16xf32> to vector<16xf32>
        %get3A_1135 = arith.index_cast %add3A_1060 : i32 to index
        %get3A_1136 = arith.constant 80 : index
        %get3A_1137 = tpu.vector_load %arg10[%get3A_1135, %get3A_1136] {strides = array<i32>} : memref<50x128xf32, #tpu.memory_space<vmem>>, vector<1x16xf32>,
        %get3A_1138 = vector.shape_cast %get3A_1137 : vector<1x16xf32> to vector<16xf32>
        %mul3A_1139 = arith.mulf %get3A_1134, %get3A_1138 : vector<16xf32>
        %swap3A_1140 = arith.index_cast %add3A_1060 : i32 to index
        %swap3A_1141 = arith.constant 80 : index
        %swap3A_1142 = tpu.vector_load %arg13[%swap3A_1140, %swap3A_1141] {strides = array<i32>} : memref<50x128xf32, #tpu.memory_space<vmem>>, vector<1x16xf32>,
        %swap3A_1143 = vector.shape_cast %swap3A_1142 : vector<1x16xf32> to vector<16xf32>
        %swap3A_1144 = vector.shape_cast %mul3A_1139 : vector<16xf32> to vector<1x16xf32>
        tpu.vector_store %arg13[%swap3A_1140, %swap3A_1141], %swap3A_1144 {strides = array<i32>} : memref<50x128xf32, #tpu.memory_space<vmem>>, vector<1x16xf32>,
        %get3A_1145 = arith.index_cast %add3A_1060 : i32 to index
        %get3A_1146 = arith.constant 96 : index
        %get3A_1147 = tpu.vector_load %arg9[%get3A_1145, %get3A_1146] {strides = array<i32>} : memref<50x128xf32, #tpu.memory_space<vmem>>, vector<1x16xf32>,
        %get3A_1148 = vector.shape_cast %get3A_1147 : vector<1x16xf32> to vector<16xf32>
        %get3A_1149 = arith.index_cast %add3A_1060 : i32 to index
        %get3A_1150 = arith.constant 96 : index
        %get3A_1151 = tpu.vector_load %arg10[%get3A_1149, %get3A_1150] {strides = array<i32>} : memref<50x128xf32, #tpu.memory_space<vmem>>, vector<1x16xf32>,
        %get3A_1152 = vector.shape_cast %get3A_1151 : vector<1x16xf32> to vector<16xf32>
        %mul3A_1153 = arith.mulf %get3A_1148, %get3A_1152 : vector<16xf32>
        %swap3A_1154 = arith.index_cast %add3A_1060 : i32 to index
        %swap3A_1155 = arith.constant 96 : index
        %swap3A_1156 = tpu.vector_load %arg13[%swap3A_1154, %swap3A_1155] {strides = array<i32>} : memref<50x128xf32, #tpu.memory_space<vmem>>, vector<1x16xf32>,
        %swap3A_1157 = vector.shape_cast %swap3A_1156 : vector<1x16xf32> to vector<16xf32>
        %swap3A_1158 = vector.shape_cast %mul3A_1153 : vector<16xf32> to vector<1x16xf32>
        tpu.vector_store %arg13[%swap3A_1154, %swap3A_1155], %swap3A_1158 {strides = array<i32>} : memref<50x128xf32, #tpu.memory_space<vmem>>, vector<1x16xf32>,
        %get3A_1159 = arith.index_cast %add3A_1060 : i32 to index
        %get3A_1160 = arith.constant 112 : index
        %get3A_1161 = tpu.vector_load %arg9[%get3A_1159, %get3A_1160] {strides = array<i32>} : memref<50x128xf32, #tpu.memory_space<vmem>>, vector<1x16xf32>,
        %get3A_1162 = vector.shape_cast %get3A_1161 : vector<1x16xf32> to vector<16xf32>
        %get3A_1163 = arith.index_cast %add3A_1060 : i32 to index
        %get3A_1164 = arith.constant 112 : index
        %get3A_1165 = tpu.vector_load %arg10[%get3A_1163, %get3A_1164] {strides = array<i32>} : memref<50x128xf32, #tpu.memory_space<vmem>>, vector<1x16xf32>,
        %get3A_1166 = vector.shape_cast %get3A_1165 : vector<1x16xf32> to vector<16xf32>
        %mul3A_1167 = arith.mulf %get3A_1162, %get3A_1166 : vector<16xf32>
        %swap3A_1168 = arith.index_cast %add3A_1060 : i32 to index
        %swap3A_1169 = arith.constant 112 : index
        %swap3A_1170 = tpu.vector_load %arg13[%swap3A_1168, %swap3A_1169] {strides = array<i32>} : memref<50x128xf32, #tpu.memory_space<vmem>>, vector<1x16xf32>,
        %swap3A_1171 = vector.shape_cast %swap3A_1170 : vector<1x16xf32> to vector<16xf32>
        %swap3A_1172 = vector.shape_cast %mul3A_1167 : vector<16xf32> to vector<1x16xf32>
        tpu.vector_store %arg13[%swap3A_1168, %swap3A_1169], %swap3A_1172 {strides = array<i32>} : memref<50x128xf32, #tpu.memory_space<vmem>>, vector<1x16xf32>,
        %mul3A_1173 = arith.constant 10 : i32
        %mul3A_1174 = arith.muli %scan3A_362, %mul3A_1173 : i32
        %add3A_1175 = arith.constant 7 : i32
        %add3A_1176 = arith.addi %mul3A_1174, %add3A_1175 : i32
        %get3A_1177 = arith.index_cast %add3A_1176 : i32 to index
        %get3A_1178 = arith.constant 0 : index
        %get3A_1179 = tpu.vector_load %arg9[%get3A_1177, %get3A_1178] {strides = array<i32>} : memref<50x128xf32, #tpu.memory_space<vmem>>, vector<1x16xf32>,
        %get3A_1180 = vector.shape_cast %get3A_1179 : vector<1x16xf32> to vector<16xf32>
        %get3A_1181 = arith.index_cast %add3A_1176 : i32 to index
        %get3A_1182 = arith.constant 0 : index
        %get3A_1183 = tpu.vector_load %arg10[%get3A_1181, %get3A_1182] {strides = array<i32>} : memref<50x128xf32, #tpu.memory_space<vmem>>, vector<1x16xf32>,
        %get3A_1184 = vector.shape_cast %get3A_1183 : vector<1x16xf32> to vector<16xf32>
        %mul3A_1185 = arith.mulf %get3A_1180, %get3A_1184 : vector<16xf32>
        %swap3A_1186 = arith.index_cast %add3A_1176 : i32 to index
        %swap3A_1187 = arith.constant 0 : index
        %swap3A_1188 = tpu.vector_load %arg13[%swap3A_1186, %swap3A_1187] {strides = array<i32>} : memref<50x128xf32, #tpu.memory_space<vmem>>, vector<1x16xf32>,
        %swap3A_1189 = vector.shape_cast %swap3A_1188 : vector<1x16xf32> to vector<16xf32>
        %swap3A_1190 = vector.shape_cast %mul3A_1185 : vector<16xf32> to vector<1x16xf32>
        tpu.vector_store %arg13[%swap3A_1186, %swap3A_1187], %swap3A_1190 {strides = array<i32>} : memref<50x128xf32, #tpu.memory_space<vmem>>, vector<1x16xf32>,
        %get3A_1191 = arith.index_cast %add3A_1176 : i32 to index
        %get3A_1192 = arith.constant 16 : index
        %get3A_1193 = tpu.vector_load %arg9[%get3A_1191, %get3A_1192] {strides = array<i32>} : memref<50x128xf32, #tpu.memory_space<vmem>>, vector<1x16xf32>,
        %get3A_1194 = vector.shape_cast %get3A_1193 : vector<1x16xf32> to vector<16xf32>
        %get3A_1195 = arith.index_cast %add3A_1176 : i32 to index
        %get3A_1196 = arith.constant 16 : index
        %get3A_1197 = tpu.vector_load %arg10[%get3A_1195, %get3A_1196] {strides = array<i32>} : memref<50x128xf32, #tpu.memory_space<vmem>>, vector<1x16xf32>,
        %get3A_1198 = vector.shape_cast %get3A_1197 : vector<1x16xf32> to vector<16xf32>
        %mul3A_1199 = arith.mulf %get3A_1194, %get3A_1198 : vector<16xf32>
        %swap3A_1200 = arith.index_cast %add3A_1176 : i32 to index
        %swap3A_1201 = arith.constant 16 : index
        %swap3A_1202 = tpu.vector_load %arg13[%swap3A_1200, %swap3A_1201] {strides = array<i32>} : memref<50x128xf32, #tpu.memory_space<vmem>>, vector<1x16xf32>,
        %swap3A_1203 = vector.shape_cast %swap3A_1202 : vector<1x16xf32> to vector<16xf32>
        %swap3A_1204 = vector.shape_cast %mul3A_1199 : vector<16xf32> to vector<1x16xf32>
        tpu.vector_store %arg13[%swap3A_1200, %swap3A_1201], %swap3A_1204 {strides = array<i32>} : memref<50x128xf32, #tpu.memory_space<vmem>>, vector<1x16xf32>,
        %get3A_1205 = arith.index_cast %add3A_1176 : i32 to index
        %get3A_1206 = arith.constant 32 : index
        %get3A_1207 = tpu.vector_load %arg9[%get3A_1205, %get3A_1206] {strides = array<i32>} : memref<50x128xf32, #tpu.memory_space<vmem>>, vector<1x16xf32>,
        %get3A_1208 = vector.shape_cast %get3A_1207 : vector<1x16xf32> to vector<16xf32>
        %get3A_1209 = arith.index_cast %add3A_1176 : i32 to index
        %get3A_1210 = arith.constant 32 : index
        %get3A_1211 = tpu.vector_load %arg10[%get3A_1209, %get3A_1210] {strides = array<i32>} : memref<50x128xf32, #tpu.memory_space<vmem>>, vector<1x16xf32>,
        %get3A_1212 = vector.shape_cast %get3A_1211 : vector<1x16xf32> to vector<16xf32>
        %mul3A_1213 = arith.mulf %get3A_1208, %get3A_1212 : vector<16xf32>
        %swap3A_1214 = arith.index_cast %add3A_1176 : i32 to index
        %swap3A_1215 = arith.constant 32 : index
        %swap3A_1216 = tpu.vector_load %arg13[%swap3A_1214, %swap3A_1215] {strides = array<i32>} : memref<50x128xf32, #tpu.memory_space<vmem>>, vector<1x16xf32>,
        %swap3A_1217 = vector.shape_cast %swap3A_1216 : vector<1x16xf32> to vector<16xf32>
        %swap3A_1218 = vector.shape_cast %mul3A_1213 : vector<16xf32> to vector<1x16xf32>
        tpu.vector_store %arg13[%swap3A_1214, %swap3A_1215], %swap3A_1218 {strides = array<i32>} : memref<50x128xf32, #tpu.memory_space<vmem>>, vector<1x16xf32>,
        %get3A_1219 = arith.index_cast %add3A_1176 : i32 to index
        %get3A_1220 = arith.constant 48 : index
        %get3A_1221 = tpu.vector_load %arg9[%get3A_1219, %get3A_1220] {strides = array<i32>} : memref<50x128xf32, #tpu.memory_space<vmem>>, vector<1x16xf32>,
        %get3A_1222 = vector.shape_cast %get3A_1221 : vector<1x16xf32> to vector<16xf32>
        %get3A_1223 = arith.index_cast %add3A_1176 : i32 to index
        %get3A_1224 = arith.constant 48 : index
        %get3A_1225 = tpu.vector_load %arg10[%get3A_1223, %get3A_1224] {strides = array<i32>} : memref<50x128xf32, #tpu.memory_space<vmem>>, vector<1x16xf32>,
        %get3A_1226 = vector.shape_cast %get3A_1225 : vector<1x16xf32> to vector<16xf32>
        %mul3A_1227 = arith.mulf %get3A_1222, %get3A_1226 : vector<16xf32>
        %swap3A_1228 = arith.index_cast %add3A_1176 : i32 to index
        %swap3A_1229 = arith.constant 48 : index
        %swap3A_1230 = tpu.vector_load %arg13[%swap3A_1228, %swap3A_1229] {strides = array<i32>} : memref<50x128xf32, #tpu.memory_space<vmem>>, vector<1x16xf32>,
        %swap3A_1231 = vector.shape_cast %swap3A_1230 : vector<1x16xf32> to vector<16xf32>
        %swap3A_1232 = vector.shape_cast %mul3A_1227 : vector<16xf32> to vector<1x16xf32>
        tpu.vector_store %arg13[%swap3A_1228, %swap3A_1229], %swap3A_1232 {strides = array<i32>} : memref<50x128xf32, #tpu.memory_space<vmem>>, vector<1x16xf32>,
        %get3A_1233 = arith.index_cast %add3A_1176 : i32 to index
        %get3A_1234 = arith.constant 64 : index
        %get3A_1235 = tpu.vector_load %arg9[%get3A_1233, %get3A_1234] {strides = array<i32>} : memref<50x128xf32, #tpu.memory_space<vmem>>, vector<1x16xf32>,
        %get3A_1236 = vector.shape_cast %get3A_1235 : vector<1x16xf32> to vector<16xf32>
        %get3A_1237 = arith.index_cast %add3A_1176 : i32 to index
        %get3A_1238 = arith.constant 64 : index
        %get3A_1239 = tpu.vector_load %arg10[%get3A_1237, %get3A_1238] {strides = array<i32>} : memref<50x128xf32, #tpu.memory_space<vmem>>, vector<1x16xf32>,
        %get3A_1240 = vector.shape_cast %get3A_1239 : vector<1x16xf32> to vector<16xf32>
        %mul3A_1241 = arith.mulf %get3A_1236, %get3A_1240 : vector<16xf32>
        %swap3A_1242 = arith.index_cast %add3A_1176 : i32 to index
        %swap3A_1243 = arith.constant 64 : index
        %swap3A_1244 = tpu.vector_load %arg13[%swap3A_1242, %swap3A_1243] {strides = array<i32>} : memref<50x128xf32, #tpu.memory_space<vmem>>, vector<1x16xf32>,
        %swap3A_1245 = vector.shape_cast %swap3A_1244 : vector<1x16xf32> to vector<16xf32>
        %swap3A_1246 = vector.shape_cast %mul3A_1241 : vector<16xf32> to vector<1x16xf32>
        tpu.vector_store %arg13[%swap3A_1242, %swap3A_1243], %swap3A_1246 {strides = array<i32>} : memref<50x128xf32, #tpu.memory_space<vmem>>, vector<1x16xf32>,
        %get3A_1247 = arith.index_cast %add3A_1176 : i32 to index
        %get3A_1248 = arith.constant 80 : index
        %get3A_1249 = tpu.vector_load %arg9[%get3A_1247, %get3A_1248] {strides = array<i32>} : memref<50x128xf32, #tpu.memory_space<vmem>>, vector<1x16xf32>,
        %get3A_1250 = vector.shape_cast %get3A_1249 : vector<1x16xf32> to vector<16xf32>
        %get3A_1251 = arith.index_cast %add3A_1176 : i32 to index
        %get3A_1252 = arith.constant 80 : index
        %get3A_1253 = tpu.vector_load %arg10[%get3A_1251, %get3A_1252] {strides = array<i32>} : memref<50x128xf32, #tpu.memory_space<vmem>>, vector<1x16xf32>,
        %get3A_1254 = vector.shape_cast %get3A_1253 : vector<1x16xf32> to vector<16xf32>
        %mul3A_1255 = arith.mulf %get3A_1250, %get3A_1254 : vector<16xf32>
        %swap3A_1256 = arith.index_cast %add3A_1176 : i32 to index
        %swap3A_1257 = arith.constant 80 : index
        %swap3A_1258 = tpu.vector_load %arg13[%swap3A_1256, %swap3A_1257] {strides = array<i32>} : memref<50x128xf32, #tpu.memory_space<vmem>>, vector<1x16xf32>,
        %swap3A_1259 = vector.shape_cast %swap3A_1258 : vector<1x16xf32> to vector<16xf32>
        %swap3A_1260 = vector.shape_cast %mul3A_1255 : vector<16xf32> to vector<1x16xf32>
        tpu.vector_store %arg13[%swap3A_1256, %swap3A_1257], %swap3A_1260 {strides = array<i32>} : memref<50x128xf32, #tpu.memory_space<vmem>>, vector<1x16xf32>,
        %get3A_1261 = arith.index_cast %add3A_1176 : i32 to index
        %get3A_1262 = arith.constant 96 : index
        %get3A_1263 = tpu.vector_load %arg9[%get3A_1261, %get3A_1262] {strides = array<i32>} : memref<50x128xf32, #tpu.memory_space<vmem>>, vector<1x16xf32>,
        %get3A_1264 = vector.shape_cast %get3A_1263 : vector<1x16xf32> to vector<16xf32>
        %get3A_1265 = arith.index_cast %add3A_1176 : i32 to index
        %get3A_1266 = arith.constant 96 : index
        %get3A_1267 = tpu.vector_load %arg10[%get3A_1265, %get3A_1266] {strides = array<i32>} : memref<50x128xf32, #tpu.memory_space<vmem>>, vector<1x16xf32>,
        %get3A_1268 = vector.shape_cast %get3A_1267 : vector<1x16xf32> to vector<16xf32>
        %mul3A_1269 = arith.mulf %get3A_1264, %get3A_1268 : vector<16xf32>
        %swap3A_1270 = arith.index_cast %add3A_1176 : i32 to index
        %swap3A_1271 = arith.constant 96 : index
        %swap3A_1272 = tpu.vector_load %arg13[%swap3A_1270, %swap3A_1271] {strides = array<i32>} : memref<50x128xf32, #tpu.memory_space<vmem>>, vector<1x16xf32>,
        %swap3A_1273 = vector.shape_cast %swap3A_1272 : vector<1x16xf32> to vector<16xf32>
        %swap3A_1274 = vector.shape_cast %mul3A_1269 : vector<16xf32> to vector<1x16xf32>
        tpu.vector_store %arg13[%swap3A_1270, %swap3A_1271], %swap3A_1274 {strides = array<i32>} : memref<50x128xf32, #tpu.memory_space<vmem>>, vector<1x16xf32>,
        %get3A_1275 = arith.index_cast %add3A_1176 : i32 to index
        %get3A_1276 = arith.constant 112 : index
        %get3A_1277 = tpu.vector_load %arg9[%get3A_1275, %get3A_1276] {strides = array<i32>} : memref<50x128xf32, #tpu.memory_space<vmem>>, vector<1x16xf32>,
        %get3A_1278 = vector.shape_cast %get3A_1277 : vector<1x16xf32> to vector<16xf32>
        %get3A_1279 = arith.index_cast %add3A_1176 : i32 to index
        %get3A_1280 = arith.constant 112 : index
        %get3A_1281 = tpu.vector_load %arg10[%get3A_1279, %get3A_1280] {strides = array<i32>} : memref<50x128xf32, #tpu.memory_space<vmem>>, vector<1x16xf32>,
        %get3A_1282 = vector.shape_cast %get3A_1281 : vector<1x16xf32> to vector<16xf32>
        %mul3A_1283 = arith.mulf %get3A_1278, %get3A_1282 : vector<16xf32>
        %swap3A_1284 = arith.index_cast %add3A_1176 : i32 to index
        %swap3A_1285 = arith.constant 112 : index
        %swap3A_1286 = tpu.vector_load %arg13[%swap3A_1284, %swap3A_1285] {strides = array<i32>} : memref<50x128xf32, #tpu.memory_space<vmem>>, vector<1x16xf32>,
        %swap3A_1287 = vector.shape_cast %swap3A_1286 : vector<1x16xf32> to vector<16xf32>
        %swap3A_1288 = vector.shape_cast %mul3A_1283 : vector<16xf32> to vector<1x16xf32>
        tpu.vector_store %arg13[%swap3A_1284, %swap3A_1285], %swap3A_1288 {strides = array<i32>} : memref<50x128xf32, #tpu.memory_space<vmem>>, vector<1x16xf32>,
        %mul3A_1289 = arith.constant 10 : i32
        %mul3A_1290 = arith.muli %scan3A_362, %mul3A_1289 : i32
        %add3A_1291 = arith.constant 8 : i32
        %add3A_1292 = arith.addi %mul3A_1290, %add3A_1291 : i32
        %get3A_1293 = arith.index_cast %add3A_1292 : i32 to index
        %get3A_1294 = arith.constant 0 : index
        %get3A_1295 = tpu.vector_load %arg9[%get3A_1293, %get3A_1294] {strides = array<i32>} : memref<50x128xf32, #tpu.memory_space<vmem>>, vector<1x16xf32>,
        %get3A_1296 = vector.shape_cast %get3A_1295 : vector<1x16xf32> to vector<16xf32>
        %get3A_1297 = arith.index_cast %add3A_1292 : i32 to index
        %get3A_1298 = arith.constant 0 : index
        %get3A_1299 = tpu.vector_load %arg10[%get3A_1297, %get3A_1298] {strides = array<i32>} : memref<50x128xf32, #tpu.memory_space<vmem>>, vector<1x16xf32>,
        %get3A_1300 = vector.shape_cast %get3A_1299 : vector<1x16xf32> to vector<16xf32>
        %mul3A_1301 = arith.mulf %get3A_1296, %get3A_1300 : vector<16xf32>
        %swap3A_1302 = arith.index_cast %add3A_1292 : i32 to index
        %swap3A_1303 = arith.constant 0 : index
        %swap3A_1304 = tpu.vector_load %arg13[%swap3A_1302, %swap3A_1303] {strides = array<i32>} : memref<50x128xf32, #tpu.memory_space<vmem>>, vector<1x16xf32>,
        %swap3A_1305 = vector.shape_cast %swap3A_1304 : vector<1x16xf32> to vector<16xf32>
        %swap3A_1306 = vector.shape_cast %mul3A_1301 : vector<16xf32> to vector<1x16xf32>
        tpu.vector_store %arg13[%swap3A_1302, %swap3A_1303], %swap3A_1306 {strides = array<i32>} : memref<50x128xf32, #tpu.memory_space<vmem>>, vector<1x16xf32>,
        %get3A_1307 = arith.index_cast %add3A_1292 : i32 to index
        %get3A_1308 = arith.constant 16 : index
        %get3A_1309 = tpu.vector_load %arg9[%get3A_1307, %get3A_1308] {strides = array<i32>} : memref<50x128xf32, #tpu.memory_space<vmem>>, vector<1x16xf32>,
        %get3A_1310 = vector.shape_cast %get3A_1309 : vector<1x16xf32> to vector<16xf32>
        %get3A_1311 = arith.index_cast %add3A_1292 : i32 to index
        %get3A_1312 = arith.constant 16 : index
        %get3A_1313 = tpu.vector_load %arg10[%get3A_1311, %get3A_1312] {strides = array<i32>} : memref<50x128xf32, #tpu.memory_space<vmem>>, vector<1x16xf32>,
        %get3A_1314 = vector.shape_cast %get3A_1313 : vector<1x16xf32> to vector<16xf32>
        %mul3A_1315 = arith.mulf %get3A_1310, %get3A_1314 : vector<16xf32>
        %swap3A_1316 = arith.index_cast %add3A_1292 : i32 to index
        %swap3A_1317 = arith.constant 16 : index
        %swap3A_1318 = tpu.vector_load %arg13[%swap3A_1316, %swap3A_1317] {strides = array<i32>} : memref<50x128xf32, #tpu.memory_space<vmem>>, vector<1x16xf32>,
        %swap3A_1319 = vector.shape_cast %swap3A_1318 : vector<1x16xf32> to vector<16xf32>
        %swap3A_1320 = vector.shape_cast %mul3A_1315 : vector<16xf32> to vector<1x16xf32>
        tpu.vector_store %arg13[%swap3A_1316, %swap3A_1317], %swap3A_1320 {strides = array<i32>} : memref<50x128xf32, #tpu.memory_space<vmem>>, vector<1x16xf32>,
        %get3A_1321 = arith.index_cast %add3A_1292 : i32 to index
        %get3A_1322 = arith.constant 32 : index
        %get3A_1323 = tpu.vector_load %arg9[%get3A_1321, %get3A_1322] {strides = array<i32>} : memref<50x128xf32, #tpu.memory_space<vmem>>, vector<1x16xf32>,
        %get3A_1324 = vector.shape_cast %get3A_1323 : vector<1x16xf32> to vector<16xf32>
        %get3A_1325 = arith.index_cast %add3A_1292 : i32 to index
        %get3A_1326 = arith.constant 32 : index
        %get3A_1327 = tpu.vector_load %arg10[%get3A_1325, %get3A_1326] {strides = array<i32>} : memref<50x128xf32, #tpu.memory_space<vmem>>, vector<1x16xf32>,
        %get3A_1328 = vector.shape_cast %get3A_1327 : vector<1x16xf32> to vector<16xf32>
        %mul3A_1329 = arith.mulf %get3A_1324, %get3A_1328 : vector<16xf32>
        %swap3A_1330 = arith.index_cast %add3A_1292 : i32 to index
        %swap3A_1331 = arith.constant 32 : index
        %swap3A_1332 = tpu.vector_load %arg13[%swap3A_1330, %swap3A_1331] {strides = array<i32>} : memref<50x128xf32, #tpu.memory_space<vmem>>, vector<1x16xf32>,
        %swap3A_1333 = vector.shape_cast %swap3A_1332 : vector<1x16xf32> to vector<16xf32>
        %swap3A_1334 = vector.shape_cast %mul3A_1329 : vector<16xf32> to vector<1x16xf32>
        tpu.vector_store %arg13[%swap3A_1330, %swap3A_1331], %swap3A_1334 {strides = array<i32>} : memref<50x128xf32, #tpu.memory_space<vmem>>, vector<1x16xf32>,
        %get3A_1335 = arith.index_cast %add3A_1292 : i32 to index
        %get3A_1336 = arith.constant 48 : index
        %get3A_1337 = tpu.vector_load %arg9[%get3A_1335, %get3A_1336] {strides = array<i32>} : memref<50x128xf32, #tpu.memory_space<vmem>>, vector<1x16xf32>,
        %get3A_1338 = vector.shape_cast %get3A_1337 : vector<1x16xf32> to vector<16xf32>
        %get3A_1339 = arith.index_cast %add3A_1292 : i32 to index
        %get3A_1340 = arith.constant 48 : index
        %get3A_1341 = tpu.vector_load %arg10[%get3A_1339, %get3A_1340] {strides = array<i32>} : memref<50x128xf32, #tpu.memory_space<vmem>>, vector<1x16xf32>,
        %get3A_1342 = vector.shape_cast %get3A_1341 : vector<1x16xf32> to vector<16xf32>
        %mul3A_1343 = arith.mulf %get3A_1338, %get3A_1342 : vector<16xf32>
        %swap3A_1344 = arith.index_cast %add3A_1292 : i32 to index
        %swap3A_1345 = arith.constant 48 : index
        %swap3A_1346 = tpu.vector_load %arg13[%swap3A_1344, %swap3A_1345] {strides = array<i32>} : memref<50x128xf32, #tpu.memory_space<vmem>>, vector<1x16xf32>,
        %swap3A_1347 = vector.shape_cast %swap3A_1346 : vector<1x16xf32> to vector<16xf32>
        %swap3A_1348 = vector.shape_cast %mul3A_1343 : vector<16xf32> to vector<1x16xf32>
        tpu.vector_store %arg13[%swap3A_1344, %swap3A_1345], %swap3A_1348 {strides = array<i32>} : memref<50x128xf32, #tpu.memory_space<vmem>>, vector<1x16xf32>,
        %get3A_1349 = arith.index_cast %add3A_1292 : i32 to index
        %get3A_1350 = arith.constant 64 : index
        %get3A_1351 = tpu.vector_load %arg9[%get3A_1349, %get3A_1350] {strides = array<i32>} : memref<50x128xf32, #tpu.memory_space<vmem>>, vector<1x16xf32>,
        %get3A_1352 = vector.shape_cast %get3A_1351 : vector<1x16xf32> to vector<16xf32>
        %get3A_1353 = arith.index_cast %add3A_1292 : i32 to index
        %get3A_1354 = arith.constant 64 : index
        %get3A_1355 = tpu.vector_load %arg10[%get3A_1353, %get3A_1354] {strides = array<i32>} : memref<50x128xf32, #tpu.memory_space<vmem>>, vector<1x16xf32>,
        %get3A_1356 = vector.shape_cast %get3A_1355 : vector<1x16xf32> to vector<16xf32>
        %mul3A_1357 = arith.mulf %get3A_1352, %get3A_1356 : vector<16xf32>
        %swap3A_1358 = arith.index_cast %add3A_1292 : i32 to index
        %swap3A_1359 = arith.constant 64 : index
        %swap3A_1360 = tpu.vector_load %arg13[%swap3A_1358, %swap3A_1359] {strides = array<i32>} : memref<50x128xf32, #tpu.memory_space<vmem>>, vector<1x16xf32>,
        %swap3A_1361 = vector.shape_cast %swap3A_1360 : vector<1x16xf32> to vector<16xf32>
        %swap3A_1362 = vector.shape_cast %mul3A_1357 : vector<16xf32> to vector<1x16xf32>
        tpu.vector_store %arg13[%swap3A_1358, %swap3A_1359], %swap3A_1362 {strides = array<i32>} : memref<50x128xf32, #tpu.memory_space<vmem>>, vector<1x16xf32>,
        %get3A_1363 = arith.index_cast %add3A_1292 : i32 to index
        %get3A_1364 = arith.constant 80 : index
        %get3A_1365 = tpu.vector_load %arg9[%get3A_1363, %get3A_1364] {strides = array<i32>} : memref<50x128xf32, #tpu.memory_space<vmem>>, vector<1x16xf32>,
        %get3A_1366 = vector.shape_cast %get3A_1365 : vector<1x16xf32> to vector<16xf32>
        %get3A_1367 = arith.index_cast %add3A_1292 : i32 to index
        %get3A_1368 = arith.constant 80 : index
        %get3A_1369 = tpu.vector_load %arg10[%get3A_1367, %get3A_1368] {strides = array<i32>} : memref<50x128xf32, #tpu.memory_space<vmem>>, vector<1x16xf32>,
        %get3A_1370 = vector.shape_cast %get3A_1369 : vector<1x16xf32> to vector<16xf32>
        %mul3A_1371 = arith.mulf %get3A_1366, %get3A_1370 : vector<16xf32>
        %swap3A_1372 = arith.index_cast %add3A_1292 : i32 to index
        %swap3A_1373 = arith.constant 80 : index
        %swap3A_1374 = tpu.vector_load %arg13[%swap3A_1372, %swap3A_1373] {strides = array<i32>} : memref<50x128xf32, #tpu.memory_space<vmem>>, vector<1x16xf32>,
        %swap3A_1375 = vector.shape_cast %swap3A_1374 : vector<1x16xf32> to vector<16xf32>
        %swap3A_1376 = vector.shape_cast %mul3A_1371 : vector<16xf32> to vector<1x16xf32>
        tpu.vector_store %arg13[%swap3A_1372, %swap3A_1373], %swap3A_1376 {strides = array<i32>} : memref<50x128xf32, #tpu.memory_space<vmem>>, vector<1x16xf32>,
        %get3A_1377 = arith.index_cast %add3A_1292 : i32 to index
        %get3A_1378 = arith.constant 96 : index
        %get3A_1379 = tpu.vector_load %arg9[%get3A_1377, %get3A_1378] {strides = array<i32>} : memref<50x128xf32, #tpu.memory_space<vmem>>, vector<1x16xf32>,
        %get3A_1380 = vector.shape_cast %get3A_1379 : vector<1x16xf32> to vector<16xf32>
        %get3A_1381 = arith.index_cast %add3A_1292 : i32 to index
        %get3A_1382 = arith.constant 96 : index
        %get3A_1383 = tpu.vector_load %arg10[%get3A_1381, %get3A_1382] {strides = array<i32>} : memref<50x128xf32, #tpu.memory_space<vmem>>, vector<1x16xf32>,
        %get3A_1384 = vector.shape_cast %get3A_1383 : vector<1x16xf32> to vector<16xf32>
        %mul3A_1385 = arith.mulf %get3A_1380, %get3A_1384 : vector<16xf32>
        %swap3A_1386 = arith.index_cast %add3A_1292 : i32 to index
        %swap3A_1387 = arith.constant 96 : index
        %swap3A_1388 = tpu.vector_load %arg13[%swap3A_1386, %swap3A_1387] {strides = array<i32>} : memref<50x128xf32, #tpu.memory_space<vmem>>, vector<1x16xf32>,
        %swap3A_1389 = vector.shape_cast %swap3A_1388 : vector<1x16xf32> to vector<16xf32>
        %swap3A_1390 = vector.shape_cast %mul3A_1385 : vector<16xf32> to vector<1x16xf32>
        tpu.vector_store %arg13[%swap3A_1386, %swap3A_1387], %swap3A_1390 {strides = array<i32>} : memref<50x128xf32, #tpu.memory_space<vmem>>, vector<1x16xf32>,
        %get3A_1391 = arith.index_cast %add3A_1292 : i32 to index
        %get3A_1392 = arith.constant 112 : index
        %get3A_1393 = tpu.vector_load %arg9[%get3A_1391, %get3A_1392] {strides = array<i32>} : memref<50x128xf32, #tpu.memory_space<vmem>>, vector<1x16xf32>,
        %get3A_1394 = vector.shape_cast %get3A_1393 : vector<1x16xf32> to vector<16xf32>
        %get3A_1395 = arith.index_cast %add3A_1292 : i32 to index
        %get3A_1396 = arith.constant 112 : index
        %get3A_1397 = tpu.vector_load %arg10[%get3A_1395, %get3A_1396] {strides = array<i32>} : memref<50x128xf32, #tpu.memory_space<vmem>>, vector<1x16xf32>,
        %get3A_1398 = vector.shape_cast %get3A_1397 : vector<1x16xf32> to vector<16xf32>
        %mul3A_1399 = arith.mulf %get3A_1394, %get3A_1398 : vector<16xf32>
        %swap3A_1400 = arith.index_cast %add3A_1292 : i32 to index
        %swap3A_1401 = arith.constant 112 : index
        %swap3A_1402 = tpu.vector_load %arg13[%swap3A_1400, %swap3A_1401] {strides = array<i32>} : memref<50x128xf32, #tpu.memory_space<vmem>>, vector<1x16xf32>,
        %swap3A_1403 = vector.shape_cast %swap3A_1402 : vector<1x16xf32> to vector<16xf32>
        %swap3A_1404 = vector.shape_cast %mul3A_1399 : vector<16xf32> to vector<1x16xf32>
        tpu.vector_store %arg13[%swap3A_1400, %swap3A_1401], %swap3A_1404 {strides = array<i32>} : memref<50x128xf32, #tpu.memory_space<vmem>>, vector<1x16xf32>,
        %mul3A_1405 = arith.constant 10 : i32
        %mul3A_1406 = arith.muli %scan3A_362, %mul3A_1405 : i32
        %add3A_1407 = arith.constant 9 : i32
        %add3A_1408 = arith.addi %mul3A_1406, %add3A_1407 : i32
        %get3A_1409 = arith.index_cast %add3A_1408 : i32 to index
        %get3A_1410 = arith.constant 0 : index
        %get3A_1411 = tpu.vector_load %arg9[%get3A_1409, %get3A_1410] {strides = array<i32>} : memref<50x128xf32, #tpu.memory_space<vmem>>, vector<1x16xf32>,
        %get3A_1412 = vector.shape_cast %get3A_1411 : vector<1x16xf32> to vector<16xf32>
        %get3A_1413 = arith.index_cast %add3A_1408 : i32 to index
        %get3A_1414 = arith.constant 0 : index
        %get3A_1415 = tpu.vector_load %arg10[%get3A_1413, %get3A_1414] {strides = array<i32>} : memref<50x128xf32, #tpu.memory_space<vmem>>, vector<1x16xf32>,
        %get3A_1416 = vector.shape_cast %get3A_1415 : vector<1x16xf32> to vector<16xf32>
        %mul3A_1417 = arith.mulf %get3A_1412, %get3A_1416 : vector<16xf32>
        %swap3A_1418 = arith.index_cast %add3A_1408 : i32 to index
        %swap3A_1419 = arith.constant 0 : index
        %swap3A_1420 = tpu.vector_load %arg13[%swap3A_1418, %swap3A_1419] {strides = array<i32>} : memref<50x128xf32, #tpu.memory_space<vmem>>, vector<1x16xf32>,
        %swap3A_1421 = vector.shape_cast %swap3A_1420 : vector<1x16xf32> to vector<16xf32>
        %swap3A_1422 = vector.shape_cast %mul3A_1417 : vector<16xf32> to vector<1x16xf32>
        tpu.vector_store %arg13[%swap3A_1418, %swap3A_1419], %swap3A_1422 {strides = array<i32>} : memref<50x128xf32, #tpu.memory_space<vmem>>, vector<1x16xf32>,
        %get3A_1423 = arith.index_cast %add3A_1408 : i32 to index
        %get3A_1424 = arith.constant 16 : index
        %get3A_1425 = tpu.vector_load %arg9[%get3A_1423, %get3A_1424] {strides = array<i32>} : memref<50x128xf32, #tpu.memory_space<vmem>>, vector<1x16xf32>,
        %get3A_1426 = vector.shape_cast %get3A_1425 : vector<1x16xf32> to vector<16xf32>
        %get3A_1427 = arith.index_cast %add3A_1408 : i32 to index
        %get3A_1428 = arith.constant 16 : index
        %get3A_1429 = tpu.vector_load %arg10[%get3A_1427, %get3A_1428] {strides = array<i32>} : memref<50x128xf32, #tpu.memory_space<vmem>>, vector<1x16xf32>,
        %get3A_1430 = vector.shape_cast %get3A_1429 : vector<1x16xf32> to vector<16xf32>
        %mul3A_1431 = arith.mulf %get3A_1426, %get3A_1430 : vector<16xf32>
        %swap3A_1432 = arith.index_cast %add3A_1408 : i32 to index
        %swap3A_1433 = arith.constant 16 : index
        %swap3A_1434 = tpu.vector_load %arg13[%swap3A_1432, %swap3A_1433] {strides = array<i32>} : memref<50x128xf32, #tpu.memory_space<vmem>>, vector<1x16xf32>,
        %swap3A_1435 = vector.shape_cast %swap3A_1434 : vector<1x16xf32> to vector<16xf32>
        %swap3A_1436 = vector.shape_cast %mul3A_1431 : vector<16xf32> to vector<1x16xf32>
        tpu.vector_store %arg13[%swap3A_1432, %swap3A_1433], %swap3A_1436 {strides = array<i32>} : memref<50x128xf32, #tpu.memory_space<vmem>>, vector<1x16xf32>,
        %get3A_1437 = arith.index_cast %add3A_1408 : i32 to index
        %get3A_1438 = arith.constant 32 : index
        %get3A_1439 = tpu.vector_load %arg9[%get3A_1437, %get3A_1438] {strides = array<i32>} : memref<50x128xf32, #tpu.memory_space<vmem>>, vector<1x16xf32>,
        %get3A_1440 = vector.shape_cast %get3A_1439 : vector<1x16xf32> to vector<16xf32>
        %get3A_1441 = arith.index_cast %add3A_1408 : i32 to index
        %get3A_1442 = arith.constant 32 : index
        %get3A_1443 = tpu.vector_load %arg10[%get3A_1441, %get3A_1442] {strides = array<i32>} : memref<50x128xf32, #tpu.memory_space<vmem>>, vector<1x16xf32>,
        %get3A_1444 = vector.shape_cast %get3A_1443 : vector<1x16xf32> to vector<16xf32>
        %mul3A_1445 = arith.mulf %get3A_1440, %get3A_1444 : vector<16xf32>
        %swap3A_1446 = arith.index_cast %add3A_1408 : i32 to index
        %swap3A_1447 = arith.constant 32 : index
        %swap3A_1448 = tpu.vector_load %arg13[%swap3A_1446, %swap3A_1447] {strides = array<i32>} : memref<50x128xf32, #tpu.memory_space<vmem>>, vector<1x16xf32>,
        %swap3A_1449 = vector.shape_cast %swap3A_1448 : vector<1x16xf32> to vector<16xf32>
        %swap3A_1450 = vector.shape_cast %mul3A_1445 : vector<16xf32> to vector<1x16xf32>
        tpu.vector_store %arg13[%swap3A_1446, %swap3A_1447], %swap3A_1450 {strides = array<i32>} : memref<50x128xf32, #tpu.memory_space<vmem>>, vector<1x16xf32>,
        %get3A_1451 = arith.index_cast %add3A_1408 : i32 to index
        %get3A_1452 = arith.constant 48 : index
        %get3A_1453 = tpu.vector_load %arg9[%get3A_1451, %get3A_1452] {strides = array<i32>} : memref<50x128xf32, #tpu.memory_space<vmem>>, vector<1x16xf32>,
        %get3A_1454 = vector.shape_cast %get3A_1453 : vector<1x16xf32> to vector<16xf32>
        %get3A_1455 = arith.index_cast %add3A_1408 : i32 to index
        %get3A_1456 = arith.constant 48 : index
        %get3A_1457 = tpu.vector_load %arg10[%get3A_1455, %get3A_1456] {strides = array<i32>} : memref<50x128xf32, #tpu.memory_space<vmem>>, vector<1x16xf32>,
        %get3A_1458 = vector.shape_cast %get3A_1457 : vector<1x16xf32> to vector<16xf32>
        %mul3A_1459 = arith.mulf %get3A_1454, %get3A_1458 : vector<16xf32>
        %swap3A_1460 = arith.index_cast %add3A_1408 : i32 to index
        %swap3A_1461 = arith.constant 48 : index
        %swap3A_1462 = tpu.vector_load %arg13[%swap3A_1460, %swap3A_1461] {strides = array<i32>} : memref<50x128xf32, #tpu.memory_space<vmem>>, vector<1x16xf32>,
        %swap3A_1463 = vector.shape_cast %swap3A_1462 : vector<1x16xf32> to vector<16xf32>
        %swap3A_1464 = vector.shape_cast %mul3A_1459 : vector<16xf32> to vector<1x16xf32>
        tpu.vector_store %arg13[%swap3A_1460, %swap3A_1461], %swap3A_1464 {strides = array<i32>} : memref<50x128xf32, #tpu.memory_space<vmem>>, vector<1x16xf32>,
        %get3A_1465 = arith.index_cast %add3A_1408 : i32 to index
        %get3A_1466 = arith.constant 64 : index
        %get3A_1467 = tpu.vector_load %arg9[%get3A_1465, %get3A_1466] {strides = array<i32>} : memref<50x128xf32, #tpu.memory_space<vmem>>, vector<1x16xf32>,
        %get3A_1468 = vector.shape_cast %get3A_1467 : vector<1x16xf32> to vector<16xf32>
        %get3A_1469 = arith.index_cast %add3A_1408 : i32 to index
        %get3A_1470 = arith.constant 64 : index
        %get3A_1471 = tpu.vector_load %arg10[%get3A_1469, %get3A_1470] {strides = array<i32>} : memref<50x128xf32, #tpu.memory_space<vmem>>, vector<1x16xf32>,
        %get3A_1472 = vector.shape_cast %get3A_1471 : vector<1x16xf32> to vector<16xf32>
        %mul3A_1473 = arith.mulf %get3A_1468, %get3A_1472 : vector<16xf32>
        %swap3A_1474 = arith.index_cast %add3A_1408 : i32 to index
        %swap3A_1475 = arith.constant 64 : index
        %swap3A_1476 = tpu.vector_load %arg13[%swap3A_1474, %swap3A_1475] {strides = array<i32>} : memref<50x128xf32, #tpu.memory_space<vmem>>, vector<1x16xf32>,
        %swap3A_1477 = vector.shape_cast %swap3A_1476 : vector<1x16xf32> to vector<16xf32>
        %swap3A_1478 = vector.shape_cast %mul3A_1473 : vector<16xf32> to vector<1x16xf32>
        tpu.vector_store %arg13[%swap3A_1474, %swap3A_1475], %swap3A_1478 {strides = array<i32>} : memref<50x128xf32, #tpu.memory_space<vmem>>, vector<1x16xf32>,
        %get3A_1479 = arith.index_cast %add3A_1408 : i32 to index
        %get3A_1480 = arith.constant 80 : index
        %get3A_1481 = tpu.vector_load %arg9[%get3A_1479, %get3A_1480] {strides = array<i32>} : memref<50x128xf32, #tpu.memory_space<vmem>>, vector<1x16xf32>,
        %get3A_1482 = vector.shape_cast %get3A_1481 : vector<1x16xf32> to vector<16xf32>
        %get3A_1483 = arith.index_cast %add3A_1408 : i32 to index
        %get3A_1484 = arith.constant 80 : index
        %get3A_1485 = tpu.vector_load %arg10[%get3A_1483, %get3A_1484] {strides = array<i32>} : memref<50x128xf32, #tpu.memory_space<vmem>>, vector<1x16xf32>,
        %get3A_1486 = vector.shape_cast %get3A_1485 : vector<1x16xf32> to vector<16xf32>
        %mul3A_1487 = arith.mulf %get3A_1482, %get3A_1486 : vector<16xf32>
        %swap3A_1488 = arith.index_cast %add3A_1408 : i32 to index
        %swap3A_1489 = arith.constant 80 : index
        %swap3A_1490 = tpu.vector_load %arg13[%swap3A_1488, %swap3A_1489] {strides = array<i32>} : memref<50x128xf32, #tpu.memory_space<vmem>>, vector<1x16xf32>,
        %swap3A_1491 = vector.shape_cast %swap3A_1490 : vector<1x16xf32> to vector<16xf32>
        %swap3A_1492 = vector.shape_cast %mul3A_1487 : vector<16xf32> to vector<1x16xf32>
        tpu.vector_store %arg13[%swap3A_1488, %swap3A_1489], %swap3A_1492 {strides = array<i32>} : memref<50x128xf32, #tpu.memory_space<vmem>>, vector<1x16xf32>,
        %get3A_1493 = arith.index_cast %add3A_1408 : i32 to index
        %get3A_1494 = arith.constant 96 : index
        %get3A_1495 = tpu.vector_load %arg9[%get3A_1493, %get3A_1494] {strides = array<i32>} : memref<50x128xf32, #tpu.memory_space<vmem>>, vector<1x16xf32>,
        %get3A_1496 = vector.shape_cast %get3A_1495 : vector<1x16xf32> to vector<16xf32>
        %get3A_1497 = arith.index_cast %add3A_1408 : i32 to index
        %get3A_1498 = arith.constant 96 : index
        %get3A_1499 = tpu.vector_load %arg10[%get3A_1497, %get3A_1498] {strides = array<i32>} : memref<50x128xf32, #tpu.memory_space<vmem>>, vector<1x16xf32>,
        %get3A_1500 = vector.shape_cast %get3A_1499 : vector<1x16xf32> to vector<16xf32>
        %mul3A_1501 = arith.mulf %get3A_1496, %get3A_1500 : vector<16xf32>
        %swap3A_1502 = arith.index_cast %add3A_1408 : i32 to index
        %swap3A_1503 = arith.constant 96 : index
        %swap3A_1504 = tpu.vector_load %arg13[%swap3A_1502, %swap3A_1503] {strides = array<i32>} : memref<50x128xf32, #tpu.memory_space<vmem>>, vector<1x16xf32>,
        %swap3A_1505 = vector.shape_cast %swap3A_1504 : vector<1x16xf32> to vector<16xf32>
        %swap3A_1506 = vector.shape_cast %mul3A_1501 : vector<16xf32> to vector<1x16xf32>
        tpu.vector_store %arg13[%swap3A_1502, %swap3A_1503], %swap3A_1506 {strides = array<i32>} : memref<50x128xf32, #tpu.memory_space<vmem>>, vector<1x16xf32>,
        %get3A_1507 = arith.index_cast %add3A_1408 : i32 to index
        %get3A_1508 = arith.constant 112 : index
        %get3A_1509 = tpu.vector_load %arg9[%get3A_1507, %get3A_1508] {strides = array<i32>} : memref<50x128xf32, #tpu.memory_space<vmem>>, vector<1x16xf32>,
        %get3A_1510 = vector.shape_cast %get3A_1509 : vector<1x16xf32> to vector<16xf32>
        %get3A_1511 = arith.index_cast %add3A_1408 : i32 to index
        %get3A_1512 = arith.constant 112 : index
        %get3A_1513 = tpu.vector_load %arg10[%get3A_1511, %get3A_1512] {strides = array<i32>} : memref<50x128xf32, #tpu.memory_space<vmem>>, vector<1x16xf32>,
        %get3A_1514 = vector.shape_cast %get3A_1513 : vector<1x16xf32> to vector<16xf32>
        %mul3A_1515 = arith.mulf %get3A_1510, %get3A_1514 : vector<16xf32>
        %swap3A_1516 = arith.index_cast %add3A_1408 : i32 to index
        %swap3A_1517 = arith.constant 112 : index
        %swap3A_1518 = tpu.vector_load %arg13[%swap3A_1516, %swap3A_1517] {strides = array<i32>} : memref<50x128xf32, #tpu.memory_space<vmem>>, vector<1x16xf32>,
        %swap3A_1519 = vector.shape_cast %swap3A_1518 : vector<1x16xf32> to vector<16xf32>
        %swap3A_1520 = vector.shape_cast %mul3A_1515 : vector<16xf32> to vector<1x16xf32>
        tpu.vector_store %arg13[%swap3A_1516, %swap3A_1517], %swap3A_1520 {strides = array<i32>} : memref<50x128xf32, #tpu.memory_space<vmem>>, vector<1x16xf32>,
      }
      %scan3A_302 = arith.constant 5 : i32
      %lt3A_303 = arith.constant 99 : i32
      %lt3A_304 = arith.cmpi slt, %scan3A_256, %lt3A_303 : i32
      %convert_element_type3A_305 = arith.extui %lt3A_304 : i1 to i32
      %cond3A_306 = arith.constant 0 : i32
      %cond3A_307 = arith.cmpi ne, %convert_element_type3A_305, %cond3A_306 : i32
      scf.if %cond3A_307 {
        %add3A_362 = arith.constant 2 : i32
        %add3A_363 = arith.addi %mul3A_258, %add3A_362 : i32
        %rem3A_364 = arith.constant 20 : i32
        %rem3A_365 = arith.remsi %add3A_363, %rem3A_364 : i32
        %dma_start3A_366 = arith.constant 0 : i32
        %dma_start3A_367 = arith.constant 0 : i32
        %dma_start3A_368 = tpu.memref_slice %arg7[%rem3A_365, %dma_start3A_366, %dma_start3A_367] : memref<20x1x50xi32, #tpu.memory_space<vmem>> -> memref<1x1x50xi32, #tpu.memory_space<vmem>>
        %dma_start3A_369 = tpu.memref_squeeze %dma_start3A_368 : memref<1x1x50xi32, #tpu.memory_space<vmem>> -> memref<50xi32, #tpu.memory_space<vmem>>
        %dma_start3A_370 = arith.constant 0 : i32
        %dma_start3A_371 = arith.constant 0 : i32
        %dma_start3A_372 = tpu.memref_slice %arg2[%dma_start3A_370, %dma_start3A_371] : memref<10000x128xf32, #tpu.memory_space<hbm>> -> memref<10000x128xf32, #tpu.memory_space<hbm>>
        tpu.enqueue_indirect_dma source(%dma_start3A_372 : memref<10000x128xf32, #tpu.memory_space<hbm>>) target(%arg9 : memref<50x128xf32, #tpu.memory_space<vmem>>) offsets(%dma_start3A_369 : memref<50xi32, #tpu.memory_space<vmem>>) semaphore(%arg16 : memref<!tpu.dma_semaphore, #tpu.memory_space<semaphore_mem>>)
        %dma_start3A_373 = arith.constant 0 : i32
        %dma_start3A_374 = arith.constant 0 : i32
        %dma_start3A_375 = tpu.memref_slice %arg8[%rem3A_365, %dma_start3A_373, %dma_start3A_374] : memref<20x1x50xi32, #tpu.memory_space<vmem>> -> memref<1x1x50xi32, #tpu.memory_space<vmem>>
        %dma_start3A_376 = tpu.memref_squeeze %dma_start3A_375 : memref<1x1x50xi32, #tpu.memory_space<vmem>> -> memref<50xi32, #tpu.memory_space<vmem>>
        %dma_start3A_377 = arith.constant 0 : i32
        %dma_start3A_378 = arith.constant 0 : i32
        %dma_start3A_379 = tpu.memref_slice %arg3[%dma_start3A_377, %dma_start3A_378] : memref<10000x128xf32, #tpu.memory_space<hbm>> -> memref<10000x128xf32, #tpu.memory_space<hbm>>
        tpu.enqueue_indirect_dma source(%dma_start3A_379 : memref<10000x128xf32, #tpu.memory_space<hbm>>) target(%arg10 : memref<50x128xf32, #tpu.memory_space<vmem>>) offsets(%dma_start3A_376 : memref<50xi32, #tpu.memory_space<vmem>>) semaphore(%arg17 : memref<!tpu.dma_semaphore, #tpu.memory_space<semaphore_mem>>)
      } else {
      }
      %rem3A_308 = arith.constant 20 : i32
      %rem3A_309 = arith.remsi %mul3A_258, %rem3A_308 : i32
      %dma_start3A_310 = arith.constant 0 : i32
      %dma_start3A_311 = arith.constant 0 : i32
      %dma_start3A_312 = tpu.memref_slice %arg6[%rem3A_309, %dma_start3A_310, %dma_start3A_311] : memref<20x1x50xi32, #tpu.memory_space<vmem>> -> memref<1x1x50xi32, #tpu.memory_space<vmem>>
      %dma_start3A_313 = tpu.memref_squeeze %dma_start3A_312 : memref<1x1x50xi32, #tpu.memory_space<vmem>> -> memref<50xi32, #tpu.memory_space<vmem>>
      %dma_start3A_314 = arith.constant 0 : i32
      %dma_start3A_315 = arith.constant 0 : i32
      %dma_start3A_316 = tpu.memref_slice %arg15[%dma_start3A_314, %dma_start3A_315] : memref<10000x128xf32, #tpu.memory_space<vmem_shared>> -> memref<10000x128xf32, #tpu.memory_space<vmem_shared>>
      tpu.enqueue_indirect_dma source(%arg13 : memref<50x128xf32, #tpu.memory_space<vmem>>) target(%dma_start3A_316 : memref<10000x128xf32, #tpu.memory_space<vmem_shared>>) offsets(%dma_start3A_313 : memref<50xi32, #tpu.memory_space<vmem>>) semaphore(%arg20 : memref<!tpu.dma_semaphore, #tpu.memory_space<semaphore_mem>>) {add = true}
      %add3A_317 = arith.constant 1 : i32
      %add3A_318 = arith.addi %mul3A_258, %add3A_317 : i32
      %rem3A_319 = arith.constant 20 : i32
      %rem3A_320 = arith.remsi %add3A_318, %rem3A_319 : i32
      %dma_wait3A_321 = arith.constant 0 : i32
      %dma_wait3A_322 = arith.constant 0 : i32
      %dma_wait3A_323 = tpu.memref_slice %arg7[%rem3A_320, %dma_wait3A_321, %dma_wait3A_322] : memref<20x1x50xi32, #tpu.memory_space<vmem>> -> memref<1x1x50xi32, #tpu.memory_space<vmem>>
      %dma_wait3A_324 = tpu.memref_squeeze %dma_wait3A_323 : memref<1x1x50xi32, #tpu.memory_space<vmem>> -> memref<50xi32, #tpu.memory_space<vmem>>
      %dma_wait3A_325 = arith.constant 0 : i32
      %dma_wait3A_326 = arith.constant 0 : i32
      %dma_wait3A_327 = tpu.memref_slice %arg2[%dma_wait3A_325, %dma_wait3A_326] : memref<10000x128xf32, #tpu.memory_space<hbm>> -> memref<10000x128xf32, #tpu.memory_space<hbm>>
      tpu.wait_indirect_dma semaphore(%arg18 : memref<!tpu.dma_semaphore, #tpu.memory_space<semaphore_mem>>) src(%dma_wait3A_327 : memref<10000x128xf32, #tpu.memory_space<hbm>>) dst(%arg11 : memref<50x128xf32, #tpu.memory_space<vmem>>)
      %dma_wait3A_328 = arith.constant 0 : i32
      %dma_wait3A_329 = arith.constant 0 : i32
      %dma_wait3A_330 = tpu.memref_slice %arg8[%rem3A_320, %dma_wait3A_328, %dma_wait3A_329] : memref<20x1x50xi32, #tpu.memory_space<vmem>> -> memref<1x1x50xi32, #tpu.memory_space<vmem>>
      %dma_wait3A_331 = tpu.memref_squeeze %dma_wait3A_330 : memref<1x1x50xi32, #tpu.memory_space<vmem>> -> memref<50xi32, #tpu.memory_space<vmem>>
      %dma_wait3A_332 = arith.constant 0 : i32
      %dma_wait3A_333 = arith.constant 0 : i32
      %dma_wait3A_334 = tpu.memref_slice %arg3[%dma_wait3A_332, %dma_wait3A_333] : memref<10000x128xf32, #tpu.memory_space<hbm>> -> memref<10000x128xf32, #tpu.memory_space<hbm>>
      tpu.wait_indirect_dma semaphore(%arg19 : memref<!tpu.dma_semaphore, #tpu.memory_space<semaphore_mem>>) src(%dma_wait3A_334 : memref<10000x128xf32, #tpu.memory_space<hbm>>) dst(%arg12 : memref<50x128xf32, #tpu.memory_space<vmem>>)
      %gt3A_335 = arith.constant 0 : i32
      %gt3A_336 = arith.cmpi sgt, %scan3A_256, %gt3A_335 : i32
      %convert_element_type3A_337 = arith.extui %gt3A_336 : i1 to i32
      %cond3A_338 = arith.constant 0 : i32
      %cond3A_339 = arith.cmpi ne, %convert_element_type3A_337, %cond3A_338 : i32
      scf.if %cond3A_339 {
        %sub3A = arith.constant 1 : i32
        %sub3A_362 = arith.subi %mul3A_258, %sub3A : i32
        %rem3A_363 = arith.constant 20 : i32
        %rem3A_364 = arith.remsi %sub3A_362, %rem3A_363 : i32
        %dma_wait3A_365 = arith.constant 0 : i32
        %dma_wait3A_366 = arith.constant 0 : i32
        %dma_wait3A_367 = tpu.memref_slice %arg6[%rem3A_364, %dma_wait3A_365, %dma_wait3A_366] : memref<20x1x50xi32, #tpu.memory_space<vmem>> -> memref<1x1x50xi32, #tpu.memory_space<vmem>>
        %dma_wait3A_368 = tpu.memref_squeeze %dma_wait3A_367 : memref<1x1x50xi32, #tpu.memory_space<vmem>> -> memref<50xi32, #tpu.memory_space<vmem>>
        %dma_wait3A_369 = arith.constant 0 : i32
        %dma_wait3A_370 = arith.constant 0 : i32
        %dma_wait3A_371 = tpu.memref_slice %arg15[%dma_wait3A_369, %dma_wait3A_370] : memref<10000x128xf32, #tpu.memory_space<vmem_shared>> -> memref<10000x128xf32, #tpu.memory_space<vmem_shared>>
        tpu.wait_indirect_dma semaphore(%arg21 : memref<!tpu.dma_semaphore, #tpu.memory_space<semaphore_mem>>) src(%arg14 : memref<50x128xf32, #tpu.memory_space<vmem>>) dst(%dma_wait3A_371 : memref<10000x128xf32, #tpu.memory_space<vmem_shared>>)
      } else {
      }
      %scan3A_340 = arith.constant 0 : i32
      %scan3A_341 = arith.constant 0 : i32
      %scan3A_342 = arith.constant 5 : i32
      %scan3A_343 = arith.addi %scan3A_341, %scan3A_342 : i32
      %scan3A_344 = arith.constant 1 : i32
      scf.for %scan3A_362 = %scan3A_341 to %scan3A_343 step %scan3A_344  : i32 {
        %mul3A_363 = arith.constant 10 : i32
        %mul3A_364 = arith.muli %scan3A_362, %mul3A_363 : i32
        %add3A_365 = arith.constant 0 : i32
        %add3A_366 = arith.addi %mul3A_364, %add3A_365 : i32
        %get3A = arith.index_cast %add3A_366 : i32 to index
        %get3A_367 = arith.constant 0 : index
        %get3A_368 = tpu.vector_load %arg11[%get3A, %get3A_367] {strides = array<i32>} : memref<50x128xf32, #tpu.memory_space<vmem>>, vector<1x16xf32>,
        %get3A_369 = vector.shape_cast %get3A_368 : vector<1x16xf32> to vector<16xf32>
        %get3A_370 = arith.index_cast %add3A_366 : i32 to index
        %get3A_371 = arith.constant 0 : index
        %get3A_372 = tpu.vector_load %arg12[%get3A_370, %get3A_371] {strides = array<i32>} : memref<50x128xf32, #tpu.memory_space<vmem>>, vector<1x16xf32>,
        %get3A_373 = vector.shape_cast %get3A_372 : vector<1x16xf32> to vector<16xf32>
        %mul3A_374 = arith.mulf %get3A_369, %get3A_373 : vector<16xf32>
        %swap3A = arith.index_cast %add3A_366 : i32 to index
        %swap3A_375 = arith.constant 0 : index
        %swap3A_376 = tpu.vector_load %arg14[%swap3A, %swap3A_375] {strides = array<i32>} : memref<50x128xf32, #tpu.memory_space<vmem>>, vector<1x16xf32>,
        %swap3A_377 = vector.shape_cast %swap3A_376 : vector<1x16xf32> to vector<16xf32>
        %swap3A_378 = vector.shape_cast %mul3A_374 : vector<16xf32> to vector<1x16xf32>
        tpu.vector_store %arg14[%swap3A, %swap3A_375], %swap3A_378 {strides = array<i32>} : memref<50x128xf32, #tpu.memory_space<vmem>>, vector<1x16xf32>,
        %get3A_379 = arith.index_cast %add3A_366 : i32 to index
        %get3A_380 = arith.constant 16 : index
        %get3A_381 = tpu.vector_load %arg11[%get3A_379, %get3A_380] {strides = array<i32>} : memref<50x128xf32, #tpu.memory_space<vmem>>, vector<1x16xf32>,
        %get3A_382 = vector.shape_cast %get3A_381 : vector<1x16xf32> to vector<16xf32>
        %get3A_383 = arith.index_cast %add3A_366 : i32 to index
        %get3A_384 = arith.constant 16 : index
        %get3A_385 = tpu.vector_load %arg12[%get3A_383, %get3A_384] {strides = array<i32>} : memref<50x128xf32, #tpu.memory_space<vmem>>, vector<1x16xf32>,
        %get3A_386 = vector.shape_cast %get3A_385 : vector<1x16xf32> to vector<16xf32>
        %mul3A_387 = arith.mulf %get3A_382, %get3A_386 : vector<16xf32>
        %swap3A_388 = arith.index_cast %add3A_366 : i32 to index
        %swap3A_389 = arith.constant 16 : index
        %swap3A_390 = tpu.vector_load %arg14[%swap3A_388, %swap3A_389] {strides = array<i32>} : memref<50x128xf32, #tpu.memory_space<vmem>>, vector<1x16xf32>,
        %swap3A_391 = vector.shape_cast %swap3A_390 : vector<1x16xf32> to vector<16xf32>
        %swap3A_392 = vector.shape_cast %mul3A_387 : vector<16xf32> to vector<1x16xf32>
        tpu.vector_store %arg14[%swap3A_388, %swap3A_389], %swap3A_392 {strides = array<i32>} : memref<50x128xf32, #tpu.memory_space<vmem>>, vector<1x16xf32>,
        %get3A_393 = arith.index_cast %add3A_366 : i32 to index
        %get3A_394 = arith.constant 32 : index
        %get3A_395 = tpu.vector_load %arg11[%get3A_393, %get3A_394] {strides = array<i32>} : memref<50x128xf32, #tpu.memory_space<vmem>>, vector<1x16xf32>,
        %get3A_396 = vector.shape_cast %get3A_395 : vector<1x16xf32> to vector<16xf32>
        %get3A_397 = arith.index_cast %add3A_366 : i32 to index
        %get3A_398 = arith.constant 32 : index
        %get3A_399 = tpu.vector_load %arg12[%get3A_397, %get3A_398] {strides = array<i32>} : memref<50x128xf32, #tpu.memory_space<vmem>>, vector<1x16xf32>,
        %get3A_400 = vector.shape_cast %get3A_399 : vector<1x16xf32> to vector<16xf32>
        %mul3A_401 = arith.mulf %get3A_396, %get3A_400 : vector<16xf32>
        %swap3A_402 = arith.index_cast %add3A_366 : i32 to index
        %swap3A_403 = arith.constant 32 : index
        %swap3A_404 = tpu.vector_load %arg14[%swap3A_402, %swap3A_403] {strides = array<i32>} : memref<50x128xf32, #tpu.memory_space<vmem>>, vector<1x16xf32>,
        %swap3A_405 = vector.shape_cast %swap3A_404 : vector<1x16xf32> to vector<16xf32>
        %swap3A_406 = vector.shape_cast %mul3A_401 : vector<16xf32> to vector<1x16xf32>
        tpu.vector_store %arg14[%swap3A_402, %swap3A_403], %swap3A_406 {strides = array<i32>} : memref<50x128xf32, #tpu.memory_space<vmem>>, vector<1x16xf32>,
        %get3A_407 = arith.index_cast %add3A_366 : i32 to index
        %get3A_408 = arith.constant 48 : index
        %get3A_409 = tpu.vector_load %arg11[%get3A_407, %get3A_408] {strides = array<i32>} : memref<50x128xf32, #tpu.memory_space<vmem>>, vector<1x16xf32>,
        %get3A_410 = vector.shape_cast %get3A_409 : vector<1x16xf32> to vector<16xf32>
        %get3A_411 = arith.index_cast %add3A_366 : i32 to index
        %get3A_412 = arith.constant 48 : index
        %get3A_413 = tpu.vector_load %arg12[%get3A_411, %get3A_412] {strides = array<i32>} : memref<50x128xf32, #tpu.memory_space<vmem>>, vector<1x16xf32>,
        %get3A_414 = vector.shape_cast %get3A_413 : vector<1x16xf32> to vector<16xf32>
        %mul3A_415 = arith.mulf %get3A_410, %get3A_414 : vector<16xf32>
        %swap3A_416 = arith.index_cast %add3A_366 : i32 to index
        %swap3A_417 = arith.constant 48 : index
        %swap3A_418 = tpu.vector_load %arg14[%swap3A_416, %swap3A_417] {strides = array<i32>} : memref<50x128xf32, #tpu.memory_space<vmem>>, vector<1x16xf32>,
        %swap3A_419 = vector.shape_cast %swap3A_418 : vector<1x16xf32> to vector<16xf32>
        %swap3A_420 = vector.shape_cast %mul3A_415 : vector<16xf32> to vector<1x16xf32>
        tpu.vector_store %arg14[%swap3A_416, %swap3A_417], %swap3A_420 {strides = array<i32>} : memref<50x128xf32, #tpu.memory_space<vmem>>, vector<1x16xf32>,
        %get3A_421 = arith.index_cast %add3A_366 : i32 to index
        %get3A_422 = arith.constant 64 : index
        %get3A_423 = tpu.vector_load %arg11[%get3A_421, %get3A_422] {strides = array<i32>} : memref<50x128xf32, #tpu.memory_space<vmem>>, vector<1x16xf32>,
        %get3A_424 = vector.shape_cast %get3A_423 : vector<1x16xf32> to vector<16xf32>
        %get3A_425 = arith.index_cast %add3A_366 : i32 to index
        %get3A_426 = arith.constant 64 : index
        %get3A_427 = tpu.vector_load %arg12[%get3A_425, %get3A_426] {strides = array<i32>} : memref<50x128xf32, #tpu.memory_space<vmem>>, vector<1x16xf32>,
        %get3A_428 = vector.shape_cast %get3A_427 : vector<1x16xf32> to vector<16xf32>
        %mul3A_429 = arith.mulf %get3A_424, %get3A_428 : vector<16xf32>
        %swap3A_430 = arith.index_cast %add3A_366 : i32 to index
        %swap3A_431 = arith.constant 64 : index
        %swap3A_432 = tpu.vector_load %arg14[%swap3A_430, %swap3A_431] {strides = array<i32>} : memref<50x128xf32, #tpu.memory_space<vmem>>, vector<1x16xf32>,
        %swap3A_433 = vector.shape_cast %swap3A_432 : vector<1x16xf32> to vector<16xf32>
        %swap3A_434 = vector.shape_cast %mul3A_429 : vector<16xf32> to vector<1x16xf32>
        tpu.vector_store %arg14[%swap3A_430, %swap3A_431], %swap3A_434 {strides = array<i32>} : memref<50x128xf32, #tpu.memory_space<vmem>>, vector<1x16xf32>,
        %get3A_435 = arith.index_cast %add3A_366 : i32 to index
        %get3A_436 = arith.constant 80 : index
        %get3A_437 = tpu.vector_load %arg11[%get3A_435, %get3A_436] {strides = array<i32>} : memref<50x128xf32, #tpu.memory_space<vmem>>, vector<1x16xf32>,
        %get3A_438 = vector.shape_cast %get3A_437 : vector<1x16xf32> to vector<16xf32>
        %get3A_439 = arith.index_cast %add3A_366 : i32 to index
        %get3A_440 = arith.constant 80 : index
        %get3A_441 = tpu.vector_load %arg12[%get3A_439, %get3A_440] {strides = array<i32>} : memref<50x128xf32, #tpu.memory_space<vmem>>, vector<1x16xf32>,
        %get3A_442 = vector.shape_cast %get3A_441 : vector<1x16xf32> to vector<16xf32>
        %mul3A_443 = arith.mulf %get3A_438, %get3A_442 : vector<16xf32>
        %swap3A_444 = arith.index_cast %add3A_366 : i32 to index
        %swap3A_445 = arith.constant 80 : index
        %swap3A_446 = tpu.vector_load %arg14[%swap3A_444, %swap3A_445] {strides = array<i32>} : memref<50x128xf32, #tpu.memory_space<vmem>>, vector<1x16xf32>,
        %swap3A_447 = vector.shape_cast %swap3A_446 : vector<1x16xf32> to vector<16xf32>
        %swap3A_448 = vector.shape_cast %mul3A_443 : vector<16xf32> to vector<1x16xf32>
        tpu.vector_store %arg14[%swap3A_444, %swap3A_445], %swap3A_448 {strides = array<i32>} : memref<50x128xf32, #tpu.memory_space<vmem>>, vector<1x16xf32>,
        %get3A_449 = arith.index_cast %add3A_366 : i32 to index
        %get3A_450 = arith.constant 96 : index
        %get3A_451 = tpu.vector_load %arg11[%get3A_449, %get3A_450] {strides = array<i32>} : memref<50x128xf32, #tpu.memory_space<vmem>>, vector<1x16xf32>,
        %get3A_452 = vector.shape_cast %get3A_451 : vector<1x16xf32> to vector<16xf32>
        %get3A_453 = arith.index_cast %add3A_366 : i32 to index
        %get3A_454 = arith.constant 96 : index
        %get3A_455 = tpu.vector_load %arg12[%get3A_453, %get3A_454] {strides = array<i32>} : memref<50x128xf32, #tpu.memory_space<vmem>>, vector<1x16xf32>,
        %get3A_456 = vector.shape_cast %get3A_455 : vector<1x16xf32> to vector<16xf32>
        %mul3A_457 = arith.mulf %get3A_452, %get3A_456 : vector<16xf32>
        %swap3A_458 = arith.index_cast %add3A_366 : i32 to index
        %swap3A_459 = arith.constant 96 : index
        %swap3A_460 = tpu.vector_load %arg14[%swap3A_458, %swap3A_459] {strides = array<i32>} : memref<50x128xf32, #tpu.memory_space<vmem>>, vector<1x16xf32>,
        %swap3A_461 = vector.shape_cast %swap3A_460 : vector<1x16xf32> to vector<16xf32>
        %swap3A_462 = vector.shape_cast %mul3A_457 : vector<16xf32> to vector<1x16xf32>
        tpu.vector_store %arg14[%swap3A_458, %swap3A_459], %swap3A_462 {strides = array<i32>} : memref<50x128xf32, #tpu.memory_space<vmem>>, vector<1x16xf32>,
        %get3A_463 = arith.index_cast %add3A_366 : i32 to index
        %get3A_464 = arith.constant 112 : index
        %get3A_465 = tpu.vector_load %arg11[%get3A_463, %get3A_464] {strides = array<i32>} : memref<50x128xf32, #tpu.memory_space<vmem>>, vector<1x16xf32>,
        %get3A_466 = vector.shape_cast %get3A_465 : vector<1x16xf32> to vector<16xf32>
        %get3A_467 = arith.index_cast %add3A_366 : i32 to index
        %get3A_468 = arith.constant 112 : index
        %get3A_469 = tpu.vector_load %arg12[%get3A_467, %get3A_468] {strides = array<i32>} : memref<50x128xf32, #tpu.memory_space<vmem>>, vector<1x16xf32>,
        %get3A_470 = vector.shape_cast %get3A_469 : vector<1x16xf32> to vector<16xf32>
        %mul3A_471 = arith.mulf %get3A_466, %get3A_470 : vector<16xf32>
        %swap3A_472 = arith.index_cast %add3A_366 : i32 to index
        %swap3A_473 = arith.constant 112 : index
        %swap3A_474 = tpu.vector_load %arg14[%swap3A_472, %swap3A_473] {strides = array<i32>} : memref<50x128xf32, #tpu.memory_space<vmem>>, vector<1x16xf32>,
        %swap3A_475 = vector.shape_cast %swap3A_474 : vector<1x16xf32> to vector<16xf32>
        %swap3A_476 = vector.shape_cast %mul3A_471 : vector<16xf32> to vector<1x16xf32>
        tpu.vector_store %arg14[%swap3A_472, %swap3A_473], %swap3A_476 {strides = array<i32>} : memref<50x128xf32, #tpu.memory_space<vmem>>, vector<1x16xf32>,
        %mul3A_477 = arith.constant 10 : i32
        %mul3A_478 = arith.muli %scan3A_362, %mul3A_477 : i32
        %add3A_479 = arith.constant 1 : i32
        %add3A_480 = arith.addi %mul3A_478, %add3A_479 : i32
        %get3A_481 = arith.index_cast %add3A_480 : i32 to index
        %get3A_482 = arith.constant 0 : index
        %get3A_483 = tpu.vector_load %arg11[%get3A_481, %get3A_482] {strides = array<i32>} : memref<50x128xf32, #tpu.memory_space<vmem>>, vector<1x16xf32>,
        %get3A_484 = vector.shape_cast %get3A_483 : vector<1x16xf32> to vector<16xf32>
        %get3A_485 = arith.index_cast %add3A_480 : i32 to index
        %get3A_486 = arith.constant 0 : index
        %get3A_487 = tpu.vector_load %arg12[%get3A_485, %get3A_486] {strides = array<i32>} : memref<50x128xf32, #tpu.memory_space<vmem>>, vector<1x16xf32>,
        %get3A_488 = vector.shape_cast %get3A_487 : vector<1x16xf32> to vector<16xf32>
        %mul3A_489 = arith.mulf %get3A_484, %get3A_488 : vector<16xf32>
        %swap3A_490 = arith.index_cast %add3A_480 : i32 to index
        %swap3A_491 = arith.constant 0 : index
        %swap3A_492 = tpu.vector_load %arg14[%swap3A_490, %swap3A_491] {strides = array<i32>} : memref<50x128xf32, #tpu.memory_space<vmem>>, vector<1x16xf32>,
        %swap3A_493 = vector.shape_cast %swap3A_492 : vector<1x16xf32> to vector<16xf32>
        %swap3A_494 = vector.shape_cast %mul3A_489 : vector<16xf32> to vector<1x16xf32>
        tpu.vector_store %arg14[%swap3A_490, %swap3A_491], %swap3A_494 {strides = array<i32>} : memref<50x128xf32, #tpu.memory_space<vmem>>, vector<1x16xf32>,
        %get3A_495 = arith.index_cast %add3A_480 : i32 to index
        %get3A_496 = arith.constant 16 : index
        %get3A_497 = tpu.vector_load %arg11[%get3A_495, %get3A_496] {strides = array<i32>} : memref<50x128xf32, #tpu.memory_space<vmem>>, vector<1x16xf32>,
        %get3A_498 = vector.shape_cast %get3A_497 : vector<1x16xf32> to vector<16xf32>
        %get3A_499 = arith.index_cast %add3A_480 : i32 to index
        %get3A_500 = arith.constant 16 : index
        %get3A_501 = tpu.vector_load %arg12[%get3A_499, %get3A_500] {strides = array<i32>} : memref<50x128xf32, #tpu.memory_space<vmem>>, vector<1x16xf32>,
        %get3A_502 = vector.shape_cast %get3A_501 : vector<1x16xf32> to vector<16xf32>
        %mul3A_503 = arith.mulf %get3A_498, %get3A_502 : vector<16xf32>
        %swap3A_504 = arith.index_cast %add3A_480 : i32 to index
        %swap3A_505 = arith.constant 16 : index
        %swap3A_506 = tpu.vector_load %arg14[%swap3A_504, %swap3A_505] {strides = array<i32>} : memref<50x128xf32, #tpu.memory_space<vmem>>, vector<1x16xf32>,
        %swap3A_507 = vector.shape_cast %swap3A_506 : vector<1x16xf32> to vector<16xf32>
        %swap3A_508 = vector.shape_cast %mul3A_503 : vector<16xf32> to vector<1x16xf32>
        tpu.vector_store %arg14[%swap3A_504, %swap3A_505], %swap3A_508 {strides = array<i32>} : memref<50x128xf32, #tpu.memory_space<vmem>>, vector<1x16xf32>,
        %get3A_509 = arith.index_cast %add3A_480 : i32 to index
        %get3A_510 = arith.constant 32 : index
        %get3A_511 = tpu.vector_load %arg11[%get3A_509, %get3A_510] {strides = array<i32>} : memref<50x128xf32, #tpu.memory_space<vmem>>, vector<1x16xf32>,
        %get3A_512 = vector.shape_cast %get3A_511 : vector<1x16xf32> to vector<16xf32>
        %get3A_513 = arith.index_cast %add3A_480 : i32 to index
        %get3A_514 = arith.constant 32 : index
        %get3A_515 = tpu.vector_load %arg12[%get3A_513, %get3A_514] {strides = array<i32>} : memref<50x128xf32, #tpu.memory_space<vmem>>, vector<1x16xf32>,
        %get3A_516 = vector.shape_cast %get3A_515 : vector<1x16xf32> to vector<16xf32>
        %mul3A_517 = arith.mulf %get3A_512, %get3A_516 : vector<16xf32>
        %swap3A_518 = arith.index_cast %add3A_480 : i32 to index
        %swap3A_519 = arith.constant 32 : index
        %swap3A_520 = tpu.vector_load %arg14[%swap3A_518, %swap3A_519] {strides = array<i32>} : memref<50x128xf32, #tpu.memory_space<vmem>>, vector<1x16xf32>,
        %swap3A_521 = vector.shape_cast %swap3A_520 : vector<1x16xf32> to vector<16xf32>
        %swap3A_522 = vector.shape_cast %mul3A_517 : vector<16xf32> to vector<1x16xf32>
        tpu.vector_store %arg14[%swap3A_518, %swap3A_519], %swap3A_522 {strides = array<i32>} : memref<50x128xf32, #tpu.memory_space<vmem>>, vector<1x16xf32>,
        %get3A_523 = arith.index_cast %add3A_480 : i32 to index
        %get3A_524 = arith.constant 48 : index
        %get3A_525 = tpu.vector_load %arg11[%get3A_523, %get3A_524] {strides = array<i32>} : memref<50x128xf32, #tpu.memory_space<vmem>>, vector<1x16xf32>,
        %get3A_526 = vector.shape_cast %get3A_525 : vector<1x16xf32> to vector<16xf32>
        %get3A_527 = arith.index_cast %add3A_480 : i32 to index
        %get3A_528 = arith.constant 48 : index
        %get3A_529 = tpu.vector_load %arg12[%get3A_527, %get3A_528] {strides = array<i32>} : memref<50x128xf32, #tpu.memory_space<vmem>>, vector<1x16xf32>,
        %get3A_530 = vector.shape_cast %get3A_529 : vector<1x16xf32> to vector<16xf32>
        %mul3A_531 = arith.mulf %get3A_526, %get3A_530 : vector<16xf32>
        %swap3A_532 = arith.index_cast %add3A_480 : i32 to index
        %swap3A_533 = arith.constant 48 : index
        %swap3A_534 = tpu.vector_load %arg14[%swap3A_532, %swap3A_533] {strides = array<i32>} : memref<50x128xf32, #tpu.memory_space<vmem>>, vector<1x16xf32>,
        %swap3A_535 = vector.shape_cast %swap3A_534 : vector<1x16xf32> to vector<16xf32>
        %swap3A_536 = vector.shape_cast %mul3A_531 : vector<16xf32> to vector<1x16xf32>
        tpu.vector_store %arg14[%swap3A_532, %swap3A_533], %swap3A_536 {strides = array<i32>} : memref<50x128xf32, #tpu.memory_space<vmem>>, vector<1x16xf32>,
        %get3A_537 = arith.index_cast %add3A_480 : i32 to index
        %get3A_538 = arith.constant 64 : index
        %get3A_539 = tpu.vector_load %arg11[%get3A_537, %get3A_538] {strides = array<i32>} : memref<50x128xf32, #tpu.memory_space<vmem>>, vector<1x16xf32>,
        %get3A_540 = vector.shape_cast %get3A_539 : vector<1x16xf32> to vector<16xf32>
        %get3A_541 = arith.index_cast %add3A_480 : i32 to index
        %get3A_542 = arith.constant 64 : index
        %get3A_543 = tpu.vector_load %arg12[%get3A_541, %get3A_542] {strides = array<i32>} : memref<50x128xf32, #tpu.memory_space<vmem>>, vector<1x16xf32>,
        %get3A_544 = vector.shape_cast %get3A_543 : vector<1x16xf32> to vector<16xf32>
        %mul3A_545 = arith.mulf %get3A_540, %get3A_544 : vector<16xf32>
        %swap3A_546 = arith.index_cast %add3A_480 : i32 to index
        %swap3A_547 = arith.constant 64 : index
        %swap3A_548 = tpu.vector_load %arg14[%swap3A_546, %swap3A_547] {strides = array<i32>} : memref<50x128xf32, #tpu.memory_space<vmem>>, vector<1x16xf32>,
        %swap3A_549 = vector.shape_cast %swap3A_548 : vector<1x16xf32> to vector<16xf32>
        %swap3A_550 = vector.shape_cast %mul3A_545 : vector<16xf32> to vector<1x16xf32>
        tpu.vector_store %arg14[%swap3A_546, %swap3A_547], %swap3A_550 {strides = array<i32>} : memref<50x128xf32, #tpu.memory_space<vmem>>, vector<1x16xf32>,
        %get3A_551 = arith.index_cast %add3A_480 : i32 to index
        %get3A_552 = arith.constant 80 : index
        %get3A_553 = tpu.vector_load %arg11[%get3A_551, %get3A_552] {strides = array<i32>} : memref<50x128xf32, #tpu.memory_space<vmem>>, vector<1x16xf32>,
        %get3A_554 = vector.shape_cast %get3A_553 : vector<1x16xf32> to vector<16xf32>
        %get3A_555 = arith.index_cast %add3A_480 : i32 to index
        %get3A_556 = arith.constant 80 : index
        %get3A_557 = tpu.vector_load %arg12[%get3A_555, %get3A_556] {strides = array<i32>} : memref<50x128xf32, #tpu.memory_space<vmem>>, vector<1x16xf32>,
        %get3A_558 = vector.shape_cast %get3A_557 : vector<1x16xf32> to vector<16xf32>
        %mul3A_559 = arith.mulf %get3A_554, %get3A_558 : vector<16xf32>
        %swap3A_560 = arith.index_cast %add3A_480 : i32 to index
        %swap3A_561 = arith.constant 80 : index
        %swap3A_562 = tpu.vector_load %arg14[%swap3A_560, %swap3A_561] {strides = array<i32>} : memref<50x128xf32, #tpu.memory_space<vmem>>, vector<1x16xf32>,
        %swap3A_563 = vector.shape_cast %swap3A_562 : vector<1x16xf32> to vector<16xf32>
        %swap3A_564 = vector.shape_cast %mul3A_559 : vector<16xf32> to vector<1x16xf32>
        tpu.vector_store %arg14[%swap3A_560, %swap3A_561], %swap3A_564 {strides = array<i32>} : memref<50x128xf32, #tpu.memory_space<vmem>>, vector<1x16xf32>,
        %get3A_565 = arith.index_cast %add3A_480 : i32 to index
        %get3A_566 = arith.constant 96 : index
        %get3A_567 = tpu.vector_load %arg11[%get3A_565, %get3A_566] {strides = array<i32>} : memref<50x128xf32, #tpu.memory_space<vmem>>, vector<1x16xf32>,
        %get3A_568 = vector.shape_cast %get3A_567 : vector<1x16xf32> to vector<16xf32>
        %get3A_569 = arith.index_cast %add3A_480 : i32 to index
        %get3A_570 = arith.constant 96 : index
        %get3A_571 = tpu.vector_load %arg12[%get3A_569, %get3A_570] {strides = array<i32>} : memref<50x128xf32, #tpu.memory_space<vmem>>, vector<1x16xf32>,
        %get3A_572 = vector.shape_cast %get3A_571 : vector<1x16xf32> to vector<16xf32>
        %mul3A_573 = arith.mulf %get3A_568, %get3A_572 : vector<16xf32>
        %swap3A_574 = arith.index_cast %add3A_480 : i32 to index
        %swap3A_575 = arith.constant 96 : index
        %swap3A_576 = tpu.vector_load %arg14[%swap3A_574, %swap3A_575] {strides = array<i32>} : memref<50x128xf32, #tpu.memory_space<vmem>>, vector<1x16xf32>,
        %swap3A_577 = vector.shape_cast %swap3A_576 : vector<1x16xf32> to vector<16xf32>
        %swap3A_578 = vector.shape_cast %mul3A_573 : vector<16xf32> to vector<1x16xf32>
        tpu.vector_store %arg14[%swap3A_574, %swap3A_575], %swap3A_578 {strides = array<i32>} : memref<50x128xf32, #tpu.memory_space<vmem>>, vector<1x16xf32>,
        %get3A_579 = arith.index_cast %add3A_480 : i32 to index
        %get3A_580 = arith.constant 112 : index
        %get3A_581 = tpu.vector_load %arg11[%get3A_579, %get3A_580] {strides = array<i32>} : memref<50x128xf32, #tpu.memory_space<vmem>>, vector<1x16xf32>,
        %get3A_582 = vector.shape_cast %get3A_581 : vector<1x16xf32> to vector<16xf32>
        %get3A_583 = arith.index_cast %add3A_480 : i32 to index
        %get3A_584 = arith.constant 112 : index
        %get3A_585 = tpu.vector_load %arg12[%get3A_583, %get3A_584] {strides = array<i32>} : memref<50x128xf32, #tpu.memory_space<vmem>>, vector<1x16xf32>,
        %get3A_586 = vector.shape_cast %get3A_585 : vector<1x16xf32> to vector<16xf32>
        %mul3A_587 = arith.mulf %get3A_582, %get3A_586 : vector<16xf32>
        %swap3A_588 = arith.index_cast %add3A_480 : i32 to index
        %swap3A_589 = arith.constant 112 : index
        %swap3A_590 = tpu.vector_load %arg14[%swap3A_588, %swap3A_589] {strides = array<i32>} : memref<50x128xf32, #tpu.memory_space<vmem>>, vector<1x16xf32>,
        %swap3A_591 = vector.shape_cast %swap3A_590 : vector<1x16xf32> to vector<16xf32>
        %swap3A_592 = vector.shape_cast %mul3A_587 : vector<16xf32> to vector<1x16xf32>
        tpu.vector_store %arg14[%swap3A_588, %swap3A_589], %swap3A_592 {strides = array<i32>} : memref<50x128xf32, #tpu.memory_space<vmem>>, vector<1x16xf32>,
        %mul3A_593 = arith.constant 10 : i32
        %mul3A_594 = arith.muli %scan3A_362, %mul3A_593 : i32
        %add3A_595 = arith.constant 2 : i32
        %add3A_596 = arith.addi %mul3A_594, %add3A_595 : i32
        %get3A_597 = arith.index_cast %add3A_596 : i32 to index
        %get3A_598 = arith.constant 0 : index
        %get3A_599 = tpu.vector_load %arg11[%get3A_597, %get3A_598] {strides = array<i32>} : memref<50x128xf32, #tpu.memory_space<vmem>>, vector<1x16xf32>,
        %get3A_600 = vector.shape_cast %get3A_599 : vector<1x16xf32> to vector<16xf32>
        %get3A_601 = arith.index_cast %add3A_596 : i32 to index
        %get3A_602 = arith.constant 0 : index
        %get3A_603 = tpu.vector_load %arg12[%get3A_601, %get3A_602] {strides = array<i32>} : memref<50x128xf32, #tpu.memory_space<vmem>>, vector<1x16xf32>,
        %get3A_604 = vector.shape_cast %get3A_603 : vector<1x16xf32> to vector<16xf32>
        %mul3A_605 = arith.mulf %get3A_600, %get3A_604 : vector<16xf32>
        %swap3A_606 = arith.index_cast %add3A_596 : i32 to index
        %swap3A_607 = arith.constant 0 : index
        %swap3A_608 = tpu.vector_load %arg14[%swap3A_606, %swap3A_607] {strides = array<i32>} : memref<50x128xf32, #tpu.memory_space<vmem>>, vector<1x16xf32>,
        %swap3A_609 = vector.shape_cast %swap3A_608 : vector<1x16xf32> to vector<16xf32>
        %swap3A_610 = vector.shape_cast %mul3A_605 : vector<16xf32> to vector<1x16xf32>
        tpu.vector_store %arg14[%swap3A_606, %swap3A_607], %swap3A_610 {strides = array<i32>} : memref<50x128xf32, #tpu.memory_space<vmem>>, vector<1x16xf32>,
        %get3A_611 = arith.index_cast %add3A_596 : i32 to index
        %get3A_612 = arith.constant 16 : index
        %get3A_613 = tpu.vector_load %arg11[%get3A_611, %get3A_612] {strides = array<i32>} : memref<50x128xf32, #tpu.memory_space<vmem>>, vector<1x16xf32>,
        %get3A_614 = vector.shape_cast %get3A_613 : vector<1x16xf32> to vector<16xf32>
        %get3A_615 = arith.index_cast %add3A_596 : i32 to index
        %get3A_616 = arith.constant 16 : index
        %get3A_617 = tpu.vector_load %arg12[%get3A_615, %get3A_616] {strides = array<i32>} : memref<50x128xf32, #tpu.memory_space<vmem>>, vector<1x16xf32>,
        %get3A_618 = vector.shape_cast %get3A_617 : vector<1x16xf32> to vector<16xf32>
        %mul3A_619 = arith.mulf %get3A_614, %get3A_618 : vector<16xf32>
        %swap3A_620 = arith.index_cast %add3A_596 : i32 to index
        %swap3A_621 = arith.constant 16 : index
        %swap3A_622 = tpu.vector_load %arg14[%swap3A_620, %swap3A_621] {strides = array<i32>} : memref<50x128xf32, #tpu.memory_space<vmem>>, vector<1x16xf32>,
        %swap3A_623 = vector.shape_cast %swap3A_622 : vector<1x16xf32> to vector<16xf32>
        %swap3A_624 = vector.shape_cast %mul3A_619 : vector<16xf32> to vector<1x16xf32>
        tpu.vector_store %arg14[%swap3A_620, %swap3A_621], %swap3A_624 {strides = array<i32>} : memref<50x128xf32, #tpu.memory_space<vmem>>, vector<1x16xf32>,
        %get3A_625 = arith.index_cast %add3A_596 : i32 to index
        %get3A_626 = arith.constant 32 : index
        %get3A_627 = tpu.vector_load %arg11[%get3A_625, %get3A_626] {strides = array<i32>} : memref<50x128xf32, #tpu.memory_space<vmem>>, vector<1x16xf32>,
        %get3A_628 = vector.shape_cast %get3A_627 : vector<1x16xf32> to vector<16xf32>
        %get3A_629 = arith.index_cast %add3A_596 : i32 to index
        %get3A_630 = arith.constant 32 : index
        %get3A_631 = tpu.vector_load %arg12[%get3A_629, %get3A_630] {strides = array<i32>} : memref<50x128xf32, #tpu.memory_space<vmem>>, vector<1x16xf32>,
        %get3A_632 = vector.shape_cast %get3A_631 : vector<1x16xf32> to vector<16xf32>
        %mul3A_633 = arith.mulf %get3A_628, %get3A_632 : vector<16xf32>
        %swap3A_634 = arith.index_cast %add3A_596 : i32 to index
        %swap3A_635 = arith.constant 32 : index
        %swap3A_636 = tpu.vector_load %arg14[%swap3A_634, %swap3A_635] {strides = array<i32>} : memref<50x128xf32, #tpu.memory_space<vmem>>, vector<1x16xf32>,
        %swap3A_637 = vector.shape_cast %swap3A_636 : vector<1x16xf32> to vector<16xf32>
        %swap3A_638 = vector.shape_cast %mul3A_633 : vector<16xf32> to vector<1x16xf32>
        tpu.vector_store %arg14[%swap3A_634, %swap3A_635], %swap3A_638 {strides = array<i32>} : memref<50x128xf32, #tpu.memory_space<vmem>>, vector<1x16xf32>,
        %get3A_639 = arith.index_cast %add3A_596 : i32 to index
        %get3A_640 = arith.constant 48 : index
        %get3A_641 = tpu.vector_load %arg11[%get3A_639, %get3A_640] {strides = array<i32>} : memref<50x128xf32, #tpu.memory_space<vmem>>, vector<1x16xf32>,
        %get3A_642 = vector.shape_cast %get3A_641 : vector<1x16xf32> to vector<16xf32>
        %get3A_643 = arith.index_cast %add3A_596 : i32 to index
        %get3A_644 = arith.constant 48 : index
        %get3A_645 = tpu.vector_load %arg12[%get3A_643, %get3A_644] {strides = array<i32>} : memref<50x128xf32, #tpu.memory_space<vmem>>, vector<1x16xf32>,
        %get3A_646 = vector.shape_cast %get3A_645 : vector<1x16xf32> to vector<16xf32>
        %mul3A_647 = arith.mulf %get3A_642, %get3A_646 : vector<16xf32>
        %swap3A_648 = arith.index_cast %add3A_596 : i32 to index
        %swap3A_649 = arith.constant 48 : index
        %swap3A_650 = tpu.vector_load %arg14[%swap3A_648, %swap3A_649] {strides = array<i32>} : memref<50x128xf32, #tpu.memory_space<vmem>>, vector<1x16xf32>,
        %swap3A_651 = vector.shape_cast %swap3A_650 : vector<1x16xf32> to vector<16xf32>
        %swap3A_652 = vector.shape_cast %mul3A_647 : vector<16xf32> to vector<1x16xf32>
        tpu.vector_store %arg14[%swap3A_648, %swap3A_649], %swap3A_652 {strides = array<i32>} : memref<50x128xf32, #tpu.memory_space<vmem>>, vector<1x16xf32>,
        %get3A_653 = arith.index_cast %add3A_596 : i32 to index
        %get3A_654 = arith.constant 64 : index
        %get3A_655 = tpu.vector_load %arg11[%get3A_653, %get3A_654] {strides = array<i32>} : memref<50x128xf32, #tpu.memory_space<vmem>>, vector<1x16xf32>,
        %get3A_656 = vector.shape_cast %get3A_655 : vector<1x16xf32> to vector<16xf32>
        %get3A_657 = arith.index_cast %add3A_596 : i32 to index
        %get3A_658 = arith.constant 64 : index
        %get3A_659 = tpu.vector_load %arg12[%get3A_657, %get3A_658] {strides = array<i32>} : memref<50x128xf32, #tpu.memory_space<vmem>>, vector<1x16xf32>,
        %get3A_660 = vector.shape_cast %get3A_659 : vector<1x16xf32> to vector<16xf32>
        %mul3A_661 = arith.mulf %get3A_656, %get3A_660 : vector<16xf32>
        %swap3A_662 = arith.index_cast %add3A_596 : i32 to index
        %swap3A_663 = arith.constant 64 : index
        %swap3A_664 = tpu.vector_load %arg14[%swap3A_662, %swap3A_663] {strides = array<i32>} : memref<50x128xf32, #tpu.memory_space<vmem>>, vector<1x16xf32>,
        %swap3A_665 = vector.shape_cast %swap3A_664 : vector<1x16xf32> to vector<16xf32>
        %swap3A_666 = vector.shape_cast %mul3A_661 : vector<16xf32> to vector<1x16xf32>
        tpu.vector_store %arg14[%swap3A_662, %swap3A_663], %swap3A_666 {strides = array<i32>} : memref<50x128xf32, #tpu.memory_space<vmem>>, vector<1x16xf32>,
        %get3A_667 = arith.index_cast %add3A_596 : i32 to index
        %get3A_668 = arith.constant 80 : index
        %get3A_669 = tpu.vector_load %arg11[%get3A_667, %get3A_668] {strides = array<i32>} : memref<50x128xf32, #tpu.memory_space<vmem>>, vector<1x16xf32>,
        %get3A_670 = vector.shape_cast %get3A_669 : vector<1x16xf32> to vector<16xf32>
        %get3A_671 = arith.index_cast %add3A_596 : i32 to index
        %get3A_672 = arith.constant 80 : index
        %get3A_673 = tpu.vector_load %arg12[%get3A_671, %get3A_672] {strides = array<i32>} : memref<50x128xf32, #tpu.memory_space<vmem>>, vector<1x16xf32>,
        %get3A_674 = vector.shape_cast %get3A_673 : vector<1x16xf32> to vector<16xf32>
        %mul3A_675 = arith.mulf %get3A_670, %get3A_674 : vector<16xf32>
        %swap3A_676 = arith.index_cast %add3A_596 : i32 to index
        %swap3A_677 = arith.constant 80 : index
        %swap3A_678 = tpu.vector_load %arg14[%swap3A_676, %swap3A_677] {strides = array<i32>} : memref<50x128xf32, #tpu.memory_space<vmem>>, vector<1x16xf32>,
        %swap3A_679 = vector.shape_cast %swap3A_678 : vector<1x16xf32> to vector<16xf32>
        %swap3A_680 = vector.shape_cast %mul3A_675 : vector<16xf32> to vector<1x16xf32>
        tpu.vector_store %arg14[%swap3A_676, %swap3A_677], %swap3A_680 {strides = array<i32>} : memref<50x128xf32, #tpu.memory_space<vmem>>, vector<1x16xf32>,
        %get3A_681 = arith.index_cast %add3A_596 : i32 to index
        %get3A_682 = arith.constant 96 : index
        %get3A_683 = tpu.vector_load %arg11[%get3A_681, %get3A_682] {strides = array<i32>} : memref<50x128xf32, #tpu.memory_space<vmem>>, vector<1x16xf32>,
        %get3A_684 = vector.shape_cast %get3A_683 : vector<1x16xf32> to vector<16xf32>
        %get3A_685 = arith.index_cast %add3A_596 : i32 to index
        %get3A_686 = arith.constant 96 : index
        %get3A_687 = tpu.vector_load %arg12[%get3A_685, %get3A_686] {strides = array<i32>} : memref<50x128xf32, #tpu.memory_space<vmem>>, vector<1x16xf32>,
        %get3A_688 = vector.shape_cast %get3A_687 : vector<1x16xf32> to vector<16xf32>
        %mul3A_689 = arith.mulf %get3A_684, %get3A_688 : vector<16xf32>
        %swap3A_690 = arith.index_cast %add3A_596 : i32 to index
        %swap3A_691 = arith.constant 96 : index
        %swap3A_692 = tpu.vector_load %arg14[%swap3A_690, %swap3A_691] {strides = array<i32>} : memref<50x128xf32, #tpu.memory_space<vmem>>, vector<1x16xf32>,
        %swap3A_693 = vector.shape_cast %swap3A_692 : vector<1x16xf32> to vector<16xf32>
        %swap3A_694 = vector.shape_cast %mul3A_689 : vector<16xf32> to vector<1x16xf32>
        tpu.vector_store %arg14[%swap3A_690, %swap3A_691], %swap3A_694 {strides = array<i32>} : memref<50x128xf32, #tpu.memory_space<vmem>>, vector<1x16xf32>,
        %get3A_695 = arith.index_cast %add3A_596 : i32 to index
        %get3A_696 = arith.constant 112 : index
        %get3A_697 = tpu.vector_load %arg11[%get3A_695, %get3A_696] {strides = array<i32>} : memref<50x128xf32, #tpu.memory_space<vmem>>, vector<1x16xf32>,
        %get3A_698 = vector.shape_cast %get3A_697 : vector<1x16xf32> to vector<16xf32>
        %get3A_699 = arith.index_cast %add3A_596 : i32 to index
        %get3A_700 = arith.constant 112 : index
        %get3A_701 = tpu.vector_load %arg12[%get3A_699, %get3A_700] {strides = array<i32>} : memref<50x128xf32, #tpu.memory_space<vmem>>, vector<1x16xf32>,
        %get3A_702 = vector.shape_cast %get3A_701 : vector<1x16xf32> to vector<16xf32>
        %mul3A_703 = arith.mulf %get3A_698, %get3A_702 : vector<16xf32>
        %swap3A_704 = arith.index_cast %add3A_596 : i32 to index
        %swap3A_705 = arith.constant 112 : index
        %swap3A_706 = tpu.vector_load %arg14[%swap3A_704, %swap3A_705] {strides = array<i32>} : memref<50x128xf32, #tpu.memory_space<vmem>>, vector<1x16xf32>,
        %swap3A_707 = vector.shape_cast %swap3A_706 : vector<1x16xf32> to vector<16xf32>
        %swap3A_708 = vector.shape_cast %mul3A_703 : vector<16xf32> to vector<1x16xf32>
        tpu.vector_store %arg14[%swap3A_704, %swap3A_705], %swap3A_708 {strides = array<i32>} : memref<50x128xf32, #tpu.memory_space<vmem>>, vector<1x16xf32>,
        %mul3A_709 = arith.constant 10 : i32
        %mul3A_710 = arith.muli %scan3A_362, %mul3A_709 : i32
        %add3A_711 = arith.constant 3 : i32
        %add3A_712 = arith.addi %mul3A_710, %add3A_711 : i32
        %get3A_713 = arith.index_cast %add3A_712 : i32 to index
        %get3A_714 = arith.constant 0 : index
        %get3A_715 = tpu.vector_load %arg11[%get3A_713, %get3A_714] {strides = array<i32>} : memref<50x128xf32, #tpu.memory_space<vmem>>, vector<1x16xf32>,
        %get3A_716 = vector.shape_cast %get3A_715 : vector<1x16xf32> to vector<16xf32>
        %get3A_717 = arith.index_cast %add3A_712 : i32 to index
        %get3A_718 = arith.constant 0 : index
        %get3A_719 = tpu.vector_load %arg12[%get3A_717, %get3A_718] {strides = array<i32>} : memref<50x128xf32, #tpu.memory_space<vmem>>, vector<1x16xf32>,
        %get3A_720 = vector.shape_cast %get3A_719 : vector<1x16xf32> to vector<16xf32>
        %mul3A_721 = arith.mulf %get3A_716, %get3A_720 : vector<16xf32>
        %swap3A_722 = arith.index_cast %add3A_712 : i32 to index
        %swap3A_723 = arith.constant 0 : index
        %swap3A_724 = tpu.vector_load %arg14[%swap3A_722, %swap3A_723] {strides = array<i32>} : memref<50x128xf32, #tpu.memory_space<vmem>>, vector<1x16xf32>,
        %swap3A_725 = vector.shape_cast %swap3A_724 : vector<1x16xf32> to vector<16xf32>
        %swap3A_726 = vector.shape_cast %mul3A_721 : vector<16xf32> to vector<1x16xf32>
        tpu.vector_store %arg14[%swap3A_722, %swap3A_723], %swap3A_726 {strides = array<i32>} : memref<50x128xf32, #tpu.memory_space<vmem>>, vector<1x16xf32>,
        %get3A_727 = arith.index_cast %add3A_712 : i32 to index
        %get3A_728 = arith.constant 16 : index
        %get3A_729 = tpu.vector_load %arg11[%get3A_727, %get3A_728] {strides = array<i32>} : memref<50x128xf32, #tpu.memory_space<vmem>>, vector<1x16xf32>,
        %get3A_730 = vector.shape_cast %get3A_729 : vector<1x16xf32> to vector<16xf32>
        %get3A_731 = arith.index_cast %add3A_712 : i32 to index
        %get3A_732 = arith.constant 16 : index
        %get3A_733 = tpu.vector_load %arg12[%get3A_731, %get3A_732] {strides = array<i32>} : memref<50x128xf32, #tpu.memory_space<vmem>>, vector<1x16xf32>,
        %get3A_734 = vector.shape_cast %get3A_733 : vector<1x16xf32> to vector<16xf32>
        %mul3A_735 = arith.mulf %get3A_730, %get3A_734 : vector<16xf32>
        %swap3A_736 = arith.index_cast %add3A_712 : i32 to index
        %swap3A_737 = arith.constant 16 : index
        %swap3A_738 = tpu.vector_load %arg14[%swap3A_736, %swap3A_737] {strides = array<i32>} : memref<50x128xf32, #tpu.memory_space<vmem>>, vector<1x16xf32>,
        %swap3A_739 = vector.shape_cast %swap3A_738 : vector<1x16xf32> to vector<16xf32>
        %swap3A_740 = vector.shape_cast %mul3A_735 : vector<16xf32> to vector<1x16xf32>
        tpu.vector_store %arg14[%swap3A_736, %swap3A_737], %swap3A_740 {strides = array<i32>} : memref<50x128xf32, #tpu.memory_space<vmem>>, vector<1x16xf32>,
        %get3A_741 = arith.index_cast %add3A_712 : i32 to index
        %get3A_742 = arith.constant 32 : index
        %get3A_743 = tpu.vector_load %arg11[%get3A_741, %get3A_742] {strides = array<i32>} : memref<50x128xf32, #tpu.memory_space<vmem>>, vector<1x16xf32>,
        %get3A_744 = vector.shape_cast %get3A_743 : vector<1x16xf32> to vector<16xf32>
        %get3A_745 = arith.index_cast %add3A_712 : i32 to index
        %get3A_746 = arith.constant 32 : index
        %get3A_747 = tpu.vector_load %arg12[%get3A_745, %get3A_746] {strides = array<i32>} : memref<50x128xf32, #tpu.memory_space<vmem>>, vector<1x16xf32>,
        %get3A_748 = vector.shape_cast %get3A_747 : vector<1x16xf32> to vector<16xf32>
        %mul3A_749 = arith.mulf %get3A_744, %get3A_748 : vector<16xf32>
        %swap3A_750 = arith.index_cast %add3A_712 : i32 to index
        %swap3A_751 = arith.constant 32 : index
        %swap3A_752 = tpu.vector_load %arg14[%swap3A_750, %swap3A_751] {strides = array<i32>} : memref<50x128xf32, #tpu.memory_space<vmem>>, vector<1x16xf32>,
        %swap3A_753 = vector.shape_cast %swap3A_752 : vector<1x16xf32> to vector<16xf32>
        %swap3A_754 = vector.shape_cast %mul3A_749 : vector<16xf32> to vector<1x16xf32>
        tpu.vector_store %arg14[%swap3A_750, %swap3A_751], %swap3A_754 {strides = array<i32>} : memref<50x128xf32, #tpu.memory_space<vmem>>, vector<1x16xf32>,
        %get3A_755 = arith.index_cast %add3A_712 : i32 to index
        %get3A_756 = arith.constant 48 : index
        %get3A_757 = tpu.vector_load %arg11[%get3A_755, %get3A_756] {strides = array<i32>} : memref<50x128xf32, #tpu.memory_space<vmem>>, vector<1x16xf32>,
        %get3A_758 = vector.shape_cast %get3A_757 : vector<1x16xf32> to vector<16xf32>
        %get3A_759 = arith.index_cast %add3A_712 : i32 to index
        %get3A_760 = arith.constant 48 : index
        %get3A_761 = tpu.vector_load %arg12[%get3A_759, %get3A_760] {strides = array<i32>} : memref<50x128xf32, #tpu.memory_space<vmem>>, vector<1x16xf32>,
        %get3A_762 = vector.shape_cast %get3A_761 : vector<1x16xf32> to vector<16xf32>
        %mul3A_763 = arith.mulf %get3A_758, %get3A_762 : vector<16xf32>
        %swap3A_764 = arith.index_cast %add3A_712 : i32 to index
        %swap3A_765 = arith.constant 48 : index
        %swap3A_766 = tpu.vector_load %arg14[%swap3A_764, %swap3A_765] {strides = array<i32>} : memref<50x128xf32, #tpu.memory_space<vmem>>, vector<1x16xf32>,
        %swap3A_767 = vector.shape_cast %swap3A_766 : vector<1x16xf32> to vector<16xf32>
        %swap3A_768 = vector.shape_cast %mul3A_763 : vector<16xf32> to vector<1x16xf32>
        tpu.vector_store %arg14[%swap3A_764, %swap3A_765], %swap3A_768 {strides = array<i32>} : memref<50x128xf32, #tpu.memory_space<vmem>>, vector<1x16xf32>,
        %get3A_769 = arith.index_cast %add3A_712 : i32 to index
        %get3A_770 = arith.constant 64 : index
        %get3A_771 = tpu.vector_load %arg11[%get3A_769, %get3A_770] {strides = array<i32>} : memref<50x128xf32, #tpu.memory_space<vmem>>, vector<1x16xf32>,
        %get3A_772 = vector.shape_cast %get3A_771 : vector<1x16xf32> to vector<16xf32>
        %get3A_773 = arith.index_cast %add3A_712 : i32 to index
        %get3A_774 = arith.constant 64 : index
        %get3A_775 = tpu.vector_load %arg12[%get3A_773, %get3A_774] {strides = array<i32>} : memref<50x128xf32, #tpu.memory_space<vmem>>, vector<1x16xf32>,
        %get3A_776 = vector.shape_cast %get3A_775 : vector<1x16xf32> to vector<16xf32>
        %mul3A_777 = arith.mulf %get3A_772, %get3A_776 : vector<16xf32>
        %swap3A_778 = arith.index_cast %add3A_712 : i32 to index
        %swap3A_779 = arith.constant 64 : index
        %swap3A_780 = tpu.vector_load %arg14[%swap3A_778, %swap3A_779] {strides = array<i32>} : memref<50x128xf32, #tpu.memory_space<vmem>>, vector<1x16xf32>,
        %swap3A_781 = vector.shape_cast %swap3A_780 : vector<1x16xf32> to vector<16xf32>
        %swap3A_782 = vector.shape_cast %mul3A_777 : vector<16xf32> to vector<1x16xf32>
        tpu.vector_store %arg14[%swap3A_778, %swap3A_779], %swap3A_782 {strides = array<i32>} : memref<50x128xf32, #tpu.memory_space<vmem>>, vector<1x16xf32>,
        %get3A_783 = arith.index_cast %add3A_712 : i32 to index
        %get3A_784 = arith.constant 80 : index
        %get3A_785 = tpu.vector_load %arg11[%get3A_783, %get3A_784] {strides = array<i32>} : memref<50x128xf32, #tpu.memory_space<vmem>>, vector<1x16xf32>,
        %get3A_786 = vector.shape_cast %get3A_785 : vector<1x16xf32> to vector<16xf32>
        %get3A_787 = arith.index_cast %add3A_712 : i32 to index
        %get3A_788 = arith.constant 80 : index
        %get3A_789 = tpu.vector_load %arg12[%get3A_787, %get3A_788] {strides = array<i32>} : memref<50x128xf32, #tpu.memory_space<vmem>>, vector<1x16xf32>,
        %get3A_790 = vector.shape_cast %get3A_789 : vector<1x16xf32> to vector<16xf32>
        %mul3A_791 = arith.mulf %get3A_786, %get3A_790 : vector<16xf32>
        %swap3A_792 = arith.index_cast %add3A_712 : i32 to index
        %swap3A_793 = arith.constant 80 : index
        %swap3A_794 = tpu.vector_load %arg14[%swap3A_792, %swap3A_793] {strides = array<i32>} : memref<50x128xf32, #tpu.memory_space<vmem>>, vector<1x16xf32>,
        %swap3A_795 = vector.shape_cast %swap3A_794 : vector<1x16xf32> to vector<16xf32>
        %swap3A_796 = vector.shape_cast %mul3A_791 : vector<16xf32> to vector<1x16xf32>
        tpu.vector_store %arg14[%swap3A_792, %swap3A_793], %swap3A_796 {strides = array<i32>} : memref<50x128xf32, #tpu.memory_space<vmem>>, vector<1x16xf32>,
        %get3A_797 = arith.index_cast %add3A_712 : i32 to index
        %get3A_798 = arith.constant 96 : index
        %get3A_799 = tpu.vector_load %arg11[%get3A_797, %get3A_798] {strides = array<i32>} : memref<50x128xf32, #tpu.memory_space<vmem>>, vector<1x16xf32>,
        %get3A_800 = vector.shape_cast %get3A_799 : vector<1x16xf32> to vector<16xf32>
        %get3A_801 = arith.index_cast %add3A_712 : i32 to index
        %get3A_802 = arith.constant 96 : index
        %get3A_803 = tpu.vector_load %arg12[%get3A_801, %get3A_802] {strides = array<i32>} : memref<50x128xf32, #tpu.memory_space<vmem>>, vector<1x16xf32>,
        %get3A_804 = vector.shape_cast %get3A_803 : vector<1x16xf32> to vector<16xf32>
        %mul3A_805 = arith.mulf %get3A_800, %get3A_804 : vector<16xf32>
        %swap3A_806 = arith.index_cast %add3A_712 : i32 to index
        %swap3A_807 = arith.constant 96 : index
        %swap3A_808 = tpu.vector_load %arg14[%swap3A_806, %swap3A_807] {strides = array<i32>} : memref<50x128xf32, #tpu.memory_space<vmem>>, vector<1x16xf32>,
        %swap3A_809 = vector.shape_cast %swap3A_808 : vector<1x16xf32> to vector<16xf32>
        %swap3A_810 = vector.shape_cast %mul3A_805 : vector<16xf32> to vector<1x16xf32>
        tpu.vector_store %arg14[%swap3A_806, %swap3A_807], %swap3A_810 {strides = array<i32>} : memref<50x128xf32, #tpu.memory_space<vmem>>, vector<1x16xf32>,
        %get3A_811 = arith.index_cast %add3A_712 : i32 to index
        %get3A_812 = arith.constant 112 : index
        %get3A_813 = tpu.vector_load %arg11[%get3A_811, %get3A_812] {strides = array<i32>} : memref<50x128xf32, #tpu.memory_space<vmem>>, vector<1x16xf32>,
        %get3A_814 = vector.shape_cast %get3A_813 : vector<1x16xf32> to vector<16xf32>
        %get3A_815 = arith.index_cast %add3A_712 : i32 to index
        %get3A_816 = arith.constant 112 : index
        %get3A_817 = tpu.vector_load %arg12[%get3A_815, %get3A_816] {strides = array<i32>} : memref<50x128xf32, #tpu.memory_space<vmem>>, vector<1x16xf32>,
        %get3A_818 = vector.shape_cast %get3A_817 : vector<1x16xf32> to vector<16xf32>
        %mul3A_819 = arith.mulf %get3A_814, %get3A_818 : vector<16xf32>
        %swap3A_820 = arith.index_cast %add3A_712 : i32 to index
        %swap3A_821 = arith.constant 112 : index
        %swap3A_822 = tpu.vector_load %arg14[%swap3A_820, %swap3A_821] {strides = array<i32>} : memref<50x128xf32, #tpu.memory_space<vmem>>, vector<1x16xf32>,
        %swap3A_823 = vector.shape_cast %swap3A_822 : vector<1x16xf32> to vector<16xf32>
        %swap3A_824 = vector.shape_cast %mul3A_819 : vector<16xf32> to vector<1x16xf32>
        tpu.vector_store %arg14[%swap3A_820, %swap3A_821], %swap3A_824 {strides = array<i32>} : memref<50x128xf32, #tpu.memory_space<vmem>>, vector<1x16xf32>,
        %mul3A_825 = arith.constant 10 : i32
        %mul3A_826 = arith.muli %scan3A_362, %mul3A_825 : i32
        %add3A_827 = arith.constant 4 : i32
        %add3A_828 = arith.addi %mul3A_826, %add3A_827 : i32
        %get3A_829 = arith.index_cast %add3A_828 : i32 to index
        %get3A_830 = arith.constant 0 : index
        %get3A_831 = tpu.vector_load %arg11[%get3A_829, %get3A_830] {strides = array<i32>} : memref<50x128xf32, #tpu.memory_space<vmem>>, vector<1x16xf32>,
        %get3A_832 = vector.shape_cast %get3A_831 : vector<1x16xf32> to vector<16xf32>
        %get3A_833 = arith.index_cast %add3A_828 : i32 to index
        %get3A_834 = arith.constant 0 : index
        %get3A_835 = tpu.vector_load %arg12[%get3A_833, %get3A_834] {strides = array<i32>} : memref<50x128xf32, #tpu.memory_space<vmem>>, vector<1x16xf32>,
        %get3A_836 = vector.shape_cast %get3A_835 : vector<1x16xf32> to vector<16xf32>
        %mul3A_837 = arith.mulf %get3A_832, %get3A_836 : vector<16xf32>
        %swap3A_838 = arith.index_cast %add3A_828 : i32 to index
        %swap3A_839 = arith.constant 0 : index
        %swap3A_840 = tpu.vector_load %arg14[%swap3A_838, %swap3A_839] {strides = array<i32>} : memref<50x128xf32, #tpu.memory_space<vmem>>, vector<1x16xf32>,
        %swap3A_841 = vector.shape_cast %swap3A_840 : vector<1x16xf32> to vector<16xf32>
        %swap3A_842 = vector.shape_cast %mul3A_837 : vector<16xf32> to vector<1x16xf32>
        tpu.vector_store %arg14[%swap3A_838, %swap3A_839], %swap3A_842 {strides = array<i32>} : memref<50x128xf32, #tpu.memory_space<vmem>>, vector<1x16xf32>,
        %get3A_843 = arith.index_cast %add3A_828 : i32 to index
        %get3A_844 = arith.constant 16 : index
        %get3A_845 = tpu.vector_load %arg11[%get3A_843, %get3A_844] {strides = array<i32>} : memref<50x128xf32, #tpu.memory_space<vmem>>, vector<1x16xf32>,
        %get3A_846 = vector.shape_cast %get3A_845 : vector<1x16xf32> to vector<16xf32>
        %get3A_847 = arith.index_cast %add3A_828 : i32 to index
        %get3A_848 = arith.constant 16 : index
        %get3A_849 = tpu.vector_load %arg12[%get3A_847, %get3A_848] {strides = array<i32>} : memref<50x128xf32, #tpu.memory_space<vmem>>, vector<1x16xf32>,
        %get3A_850 = vector.shape_cast %get3A_849 : vector<1x16xf32> to vector<16xf32>
        %mul3A_851 = arith.mulf %get3A_846, %get3A_850 : vector<16xf32>
        %swap3A_852 = arith.index_cast %add3A_828 : i32 to index
        %swap3A_853 = arith.constant 16 : index
        %swap3A_854 = tpu.vector_load %arg14[%swap3A_852, %swap3A_853] {strides = array<i32>} : memref<50x128xf32, #tpu.memory_space<vmem>>, vector<1x16xf32>,
        %swap3A_855 = vector.shape_cast %swap3A_854 : vector<1x16xf32> to vector<16xf32>
        %swap3A_856 = vector.shape_cast %mul3A_851 : vector<16xf32> to vector<1x16xf32>
        tpu.vector_store %arg14[%swap3A_852, %swap3A_853], %swap3A_856 {strides = array<i32>} : memref<50x128xf32, #tpu.memory_space<vmem>>, vector<1x16xf32>,
        %get3A_857 = arith.index_cast %add3A_828 : i32 to index
        %get3A_858 = arith.constant 32 : index
        %get3A_859 = tpu.vector_load %arg11[%get3A_857, %get3A_858] {strides = array<i32>} : memref<50x128xf32, #tpu.memory_space<vmem>>, vector<1x16xf32>,
        %get3A_860 = vector.shape_cast %get3A_859 : vector<1x16xf32> to vector<16xf32>
        %get3A_861 = arith.index_cast %add3A_828 : i32 to index
        %get3A_862 = arith.constant 32 : index
        %get3A_863 = tpu.vector_load %arg12[%get3A_861, %get3A_862] {strides = array<i32>} : memref<50x128xf32, #tpu.memory_space<vmem>>, vector<1x16xf32>,
        %get3A_864 = vector.shape_cast %get3A_863 : vector<1x16xf32> to vector<16xf32>
        %mul3A_865 = arith.mulf %get3A_860, %get3A_864 : vector<16xf32>
        %swap3A_866 = arith.index_cast %add3A_828 : i32 to index
        %swap3A_867 = arith.constant 32 : index
        %swap3A_868 = tpu.vector_load %arg14[%swap3A_866, %swap3A_867] {strides = array<i32>} : memref<50x128xf32, #tpu.memory_space<vmem>>, vector<1x16xf32>,
        %swap3A_869 = vector.shape_cast %swap3A_868 : vector<1x16xf32> to vector<16xf32>
        %swap3A_870 = vector.shape_cast %mul3A_865 : vector<16xf32> to vector<1x16xf32>
        tpu.vector_store %arg14[%swap3A_866, %swap3A_867], %swap3A_870 {strides = array<i32>} : memref<50x128xf32, #tpu.memory_space<vmem>>, vector<1x16xf32>,
        %get3A_871 = arith.index_cast %add3A_828 : i32 to index
        %get3A_872 = arith.constant 48 : index
        %get3A_873 = tpu.vector_load %arg11[%get3A_871, %get3A_872] {strides = array<i32>} : memref<50x128xf32, #tpu.memory_space<vmem>>, vector<1x16xf32>,
        %get3A_874 = vector.shape_cast %get3A_873 : vector<1x16xf32> to vector<16xf32>
        %get3A_875 = arith.index_cast %add3A_828 : i32 to index
        %get3A_876 = arith.constant 48 : index
        %get3A_877 = tpu.vector_load %arg12[%get3A_875, %get3A_876] {strides = array<i32>} : memref<50x128xf32, #tpu.memory_space<vmem>>, vector<1x16xf32>,
        %get3A_878 = vector.shape_cast %get3A_877 : vector<1x16xf32> to vector<16xf32>
        %mul3A_879 = arith.mulf %get3A_874, %get3A_878 : vector<16xf32>
        %swap3A_880 = arith.index_cast %add3A_828 : i32 to index
        %swap3A_881 = arith.constant 48 : index
        %swap3A_882 = tpu.vector_load %arg14[%swap3A_880, %swap3A_881] {strides = array<i32>} : memref<50x128xf32, #tpu.memory_space<vmem>>, vector<1x16xf32>,
        %swap3A_883 = vector.shape_cast %swap3A_882 : vector<1x16xf32> to vector<16xf32>
        %swap3A_884 = vector.shape_cast %mul3A_879 : vector<16xf32> to vector<1x16xf32>
        tpu.vector_store %arg14[%swap3A_880, %swap3A_881], %swap3A_884 {strides = array<i32>} : memref<50x128xf32, #tpu.memory_space<vmem>>, vector<1x16xf32>,
        %get3A_885 = arith.index_cast %add3A_828 : i32 to index
        %get3A_886 = arith.constant 64 : index
        %get3A_887 = tpu.vector_load %arg11[%get3A_885, %get3A_886] {strides = array<i32>} : memref<50x128xf32, #tpu.memory_space<vmem>>, vector<1x16xf32>,
        %get3A_888 = vector.shape_cast %get3A_887 : vector<1x16xf32> to vector<16xf32>
        %get3A_889 = arith.index_cast %add3A_828 : i32 to index
        %get3A_890 = arith.constant 64 : index
        %get3A_891 = tpu.vector_load %arg12[%get3A_889, %get3A_890] {strides = array<i32>} : memref<50x128xf32, #tpu.memory_space<vmem>>, vector<1x16xf32>,
        %get3A_892 = vector.shape_cast %get3A_891 : vector<1x16xf32> to vector<16xf32>
        %mul3A_893 = arith.mulf %get3A_888, %get3A_892 : vector<16xf32>
        %swap3A_894 = arith.index_cast %add3A_828 : i32 to index
        %swap3A_895 = arith.constant 64 : index
        %swap3A_896 = tpu.vector_load %arg14[%swap3A_894, %swap3A_895] {strides = array<i32>} : memref<50x128xf32, #tpu.memory_space<vmem>>, vector<1x16xf32>,
        %swap3A_897 = vector.shape_cast %swap3A_896 : vector<1x16xf32> to vector<16xf32>
        %swap3A_898 = vector.shape_cast %mul3A_893 : vector<16xf32> to vector<1x16xf32>
        tpu.vector_store %arg14[%swap3A_894, %swap3A_895], %swap3A_898 {strides = array<i32>} : memref<50x128xf32, #tpu.memory_space<vmem>>, vector<1x16xf32>,
        %get3A_899 = arith.index_cast %add3A_828 : i32 to index
        %get3A_900 = arith.constant 80 : index
        %get3A_901 = tpu.vector_load %arg11[%get3A_899, %get3A_900] {strides = array<i32>} : memref<50x128xf32, #tpu.memory_space<vmem>>, vector<1x16xf32>,
        %get3A_902 = vector.shape_cast %get3A_901 : vector<1x16xf32> to vector<16xf32>
        %get3A_903 = arith.index_cast %add3A_828 : i32 to index
        %get3A_904 = arith.constant 80 : index
        %get3A_905 = tpu.vector_load %arg12[%get3A_903, %get3A_904] {strides = array<i32>} : memref<50x128xf32, #tpu.memory_space<vmem>>, vector<1x16xf32>,
        %get3A_906 = vector.shape_cast %get3A_905 : vector<1x16xf32> to vector<16xf32>
        %mul3A_907 = arith.mulf %get3A_902, %get3A_906 : vector<16xf32>
        %swap3A_908 = arith.index_cast %add3A_828 : i32 to index
        %swap3A_909 = arith.constant 80 : index
        %swap3A_910 = tpu.vector_load %arg14[%swap3A_908, %swap3A_909] {strides = array<i32>} : memref<50x128xf32, #tpu.memory_space<vmem>>, vector<1x16xf32>,
        %swap3A_911 = vector.shape_cast %swap3A_910 : vector<1x16xf32> to vector<16xf32>
        %swap3A_912 = vector.shape_cast %mul3A_907 : vector<16xf32> to vector<1x16xf32>
        tpu.vector_store %arg14[%swap3A_908, %swap3A_909], %swap3A_912 {strides = array<i32>} : memref<50x128xf32, #tpu.memory_space<vmem>>, vector<1x16xf32>,
        %get3A_913 = arith.index_cast %add3A_828 : i32 to index
        %get3A_914 = arith.constant 96 : index
        %get3A_915 = tpu.vector_load %arg11[%get3A_913, %get3A_914] {strides = array<i32>} : memref<50x128xf32, #tpu.memory_space<vmem>>, vector<1x16xf32>,
        %get3A_916 = vector.shape_cast %get3A_915 : vector<1x16xf32> to vector<16xf32>
        %get3A_917 = arith.index_cast %add3A_828 : i32 to index
        %get3A_918 = arith.constant 96 : index
        %get3A_919 = tpu.vector_load %arg12[%get3A_917, %get3A_918] {strides = array<i32>} : memref<50x128xf32, #tpu.memory_space<vmem>>, vector<1x16xf32>,
        %get3A_920 = vector.shape_cast %get3A_919 : vector<1x16xf32> to vector<16xf32>
        %mul3A_921 = arith.mulf %get3A_916, %get3A_920 : vector<16xf32>
        %swap3A_922 = arith.index_cast %add3A_828 : i32 to index
        %swap3A_923 = arith.constant 96 : index
        %swap3A_924 = tpu.vector_load %arg14[%swap3A_922, %swap3A_923] {strides = array<i32>} : memref<50x128xf32, #tpu.memory_space<vmem>>, vector<1x16xf32>,
        %swap3A_925 = vector.shape_cast %swap3A_924 : vector<1x16xf32> to vector<16xf32>
        %swap3A_926 = vector.shape_cast %mul3A_921 : vector<16xf32> to vector<1x16xf32>
        tpu.vector_store %arg14[%swap3A_922, %swap3A_923], %swap3A_926 {strides = array<i32>} : memref<50x128xf32, #tpu.memory_space<vmem>>, vector<1x16xf32>,
        %get3A_927 = arith.index_cast %add3A_828 : i32 to index
        %get3A_928 = arith.constant 112 : index
        %get3A_929 = tpu.vector_load %arg11[%get3A_927, %get3A_928] {strides = array<i32>} : memref<50x128xf32, #tpu.memory_space<vmem>>, vector<1x16xf32>,
        %get3A_930 = vector.shape_cast %get3A_929 : vector<1x16xf32> to vector<16xf32>
        %get3A_931 = arith.index_cast %add3A_828 : i32 to index
        %get3A_932 = arith.constant 112 : index
        %get3A_933 = tpu.vector_load %arg12[%get3A_931, %get3A_932] {strides = array<i32>} : memref<50x128xf32, #tpu.memory_space<vmem>>, vector<1x16xf32>,
        %get3A_934 = vector.shape_cast %get3A_933 : vector<1x16xf32> to vector<16xf32>
        %mul3A_935 = arith.mulf %get3A_930, %get3A_934 : vector<16xf32>
        %swap3A_936 = arith.index_cast %add3A_828 : i32 to index
        %swap3A_937 = arith.constant 112 : index
        %swap3A_938 = tpu.vector_load %arg14[%swap3A_936, %swap3A_937] {strides = array<i32>} : memref<50x128xf32, #tpu.memory_space<vmem>>, vector<1x16xf32>,
        %swap3A_939 = vector.shape_cast %swap3A_938 : vector<1x16xf32> to vector<16xf32>
        %swap3A_940 = vector.shape_cast %mul3A_935 : vector<16xf32> to vector<1x16xf32>
        tpu.vector_store %arg14[%swap3A_936, %swap3A_937], %swap3A_940 {strides = array<i32>} : memref<50x128xf32, #tpu.memory_space<vmem>>, vector<1x16xf32>,
        %mul3A_941 = arith.constant 10 : i32
        %mul3A_942 = arith.muli %scan3A_362, %mul3A_941 : i32
        %add3A_943 = arith.constant 5 : i32
        %add3A_944 = arith.addi %mul3A_942, %add3A_943 : i32
        %get3A_945 = arith.index_cast %add3A_944 : i32 to index
        %get3A_946 = arith.constant 0 : index
        %get3A_947 = tpu.vector_load %arg11[%get3A_945, %get3A_946] {strides = array<i32>} : memref<50x128xf32, #tpu.memory_space<vmem>>, vector<1x16xf32>,
        %get3A_948 = vector.shape_cast %get3A_947 : vector<1x16xf32> to vector<16xf32>
        %get3A_949 = arith.index_cast %add3A_944 : i32 to index
        %get3A_950 = arith.constant 0 : index
        %get3A_951 = tpu.vector_load %arg12[%get3A_949, %get3A_950] {strides = array<i32>} : memref<50x128xf32, #tpu.memory_space<vmem>>, vector<1x16xf32>,
        %get3A_952 = vector.shape_cast %get3A_951 : vector<1x16xf32> to vector<16xf32>
        %mul3A_953 = arith.mulf %get3A_948, %get3A_952 : vector<16xf32>
        %swap3A_954 = arith.index_cast %add3A_944 : i32 to index
        %swap3A_955 = arith.constant 0 : index
        %swap3A_956 = tpu.vector_load %arg14[%swap3A_954, %swap3A_955] {strides = array<i32>} : memref<50x128xf32, #tpu.memory_space<vmem>>, vector<1x16xf32>,
        %swap3A_957 = vector.shape_cast %swap3A_956 : vector<1x16xf32> to vector<16xf32>
        %swap3A_958 = vector.shape_cast %mul3A_953 : vector<16xf32> to vector<1x16xf32>
        tpu.vector_store %arg14[%swap3A_954, %swap3A_955], %swap3A_958 {strides = array<i32>} : memref<50x128xf32, #tpu.memory_space<vmem>>, vector<1x16xf32>,
        %get3A_959 = arith.index_cast %add3A_944 : i32 to index
        %get3A_960 = arith.constant 16 : index
        %get3A_961 = tpu.vector_load %arg11[%get3A_959, %get3A_960] {strides = array<i32>} : memref<50x128xf32, #tpu.memory_space<vmem>>, vector<1x16xf32>,
        %get3A_962 = vector.shape_cast %get3A_961 : vector<1x16xf32> to vector<16xf32>
        %get3A_963 = arith.index_cast %add3A_944 : i32 to index
        %get3A_964 = arith.constant 16 : index
        %get3A_965 = tpu.vector_load %arg12[%get3A_963, %get3A_964] {strides = array<i32>} : memref<50x128xf32, #tpu.memory_space<vmem>>, vector<1x16xf32>,
        %get3A_966 = vector.shape_cast %get3A_965 : vector<1x16xf32> to vector<16xf32>
        %mul3A_967 = arith.mulf %get3A_962, %get3A_966 : vector<16xf32>
        %swap3A_968 = arith.index_cast %add3A_944 : i32 to index
        %swap3A_969 = arith.constant 16 : index
        %swap3A_970 = tpu.vector_load %arg14[%swap3A_968, %swap3A_969] {strides = array<i32>} : memref<50x128xf32, #tpu.memory_space<vmem>>, vector<1x16xf32>,
        %swap3A_971 = vector.shape_cast %swap3A_970 : vector<1x16xf32> to vector<16xf32>
        %swap3A_972 = vector.shape_cast %mul3A_967 : vector<16xf32> to vector<1x16xf32>
        tpu.vector_store %arg14[%swap3A_968, %swap3A_969], %swap3A_972 {strides = array<i32>} : memref<50x128xf32, #tpu.memory_space<vmem>>, vector<1x16xf32>,
        %get3A_973 = arith.index_cast %add3A_944 : i32 to index
        %get3A_974 = arith.constant 32 : index
        %get3A_975 = tpu.vector_load %arg11[%get3A_973, %get3A_974] {strides = array<i32>} : memref<50x128xf32, #tpu.memory_space<vmem>>, vector<1x16xf32>,
        %get3A_976 = vector.shape_cast %get3A_975 : vector<1x16xf32> to vector<16xf32>
        %get3A_977 = arith.index_cast %add3A_944 : i32 to index
        %get3A_978 = arith.constant 32 : index
        %get3A_979 = tpu.vector_load %arg12[%get3A_977, %get3A_978] {strides = array<i32>} : memref<50x128xf32, #tpu.memory_space<vmem>>, vector<1x16xf32>,
        %get3A_980 = vector.shape_cast %get3A_979 : vector<1x16xf32> to vector<16xf32>
        %mul3A_981 = arith.mulf %get3A_976, %get3A_980 : vector<16xf32>
        %swap3A_982 = arith.index_cast %add3A_944 : i32 to index
        %swap3A_983 = arith.constant 32 : index
        %swap3A_984 = tpu.vector_load %arg14[%swap3A_982, %swap3A_983] {strides = array<i32>} : memref<50x128xf32, #tpu.memory_space<vmem>>, vector<1x16xf32>,
        %swap3A_985 = vector.shape_cast %swap3A_984 : vector<1x16xf32> to vector<16xf32>
        %swap3A_986 = vector.shape_cast %mul3A_981 : vector<16xf32> to vector<1x16xf32>
        tpu.vector_store %arg14[%swap3A_982, %swap3A_983], %swap3A_986 {strides = array<i32>} : memref<50x128xf32, #tpu.memory_space<vmem>>, vector<1x16xf32>,
        %get3A_987 = arith.index_cast %add3A_944 : i32 to index
        %get3A_988 = arith.constant 48 : index
        %get3A_989 = tpu.vector_load %arg11[%get3A_987, %get3A_988] {strides = array<i32>} : memref<50x128xf32, #tpu.memory_space<vmem>>, vector<1x16xf32>,
        %get3A_990 = vector.shape_cast %get3A_989 : vector<1x16xf32> to vector<16xf32>
        %get3A_991 = arith.index_cast %add3A_944 : i32 to index
        %get3A_992 = arith.constant 48 : index
        %get3A_993 = tpu.vector_load %arg12[%get3A_991, %get3A_992] {strides = array<i32>} : memref<50x128xf32, #tpu.memory_space<vmem>>, vector<1x16xf32>,
        %get3A_994 = vector.shape_cast %get3A_993 : vector<1x16xf32> to vector<16xf32>
        %mul3A_995 = arith.mulf %get3A_990, %get3A_994 : vector<16xf32>
        %swap3A_996 = arith.index_cast %add3A_944 : i32 to index
        %swap3A_997 = arith.constant 48 : index
        %swap3A_998 = tpu.vector_load %arg14[%swap3A_996, %swap3A_997] {strides = array<i32>} : memref<50x128xf32, #tpu.memory_space<vmem>>, vector<1x16xf32>,
        %swap3A_999 = vector.shape_cast %swap3A_998 : vector<1x16xf32> to vector<16xf32>
        %swap3A_1000 = vector.shape_cast %mul3A_995 : vector<16xf32> to vector<1x16xf32>
        tpu.vector_store %arg14[%swap3A_996, %swap3A_997], %swap3A_1000 {strides = array<i32>} : memref<50x128xf32, #tpu.memory_space<vmem>>, vector<1x16xf32>,
        %get3A_1001 = arith.index_cast %add3A_944 : i32 to index
        %get3A_1002 = arith.constant 64 : index
        %get3A_1003 = tpu.vector_load %arg11[%get3A_1001, %get3A_1002] {strides = array<i32>} : memref<50x128xf32, #tpu.memory_space<vmem>>, vector<1x16xf32>,
        %get3A_1004 = vector.shape_cast %get3A_1003 : vector<1x16xf32> to vector<16xf32>
        %get3A_1005 = arith.index_cast %add3A_944 : i32 to index
        %get3A_1006 = arith.constant 64 : index
        %get3A_1007 = tpu.vector_load %arg12[%get3A_1005, %get3A_1006] {strides = array<i32>} : memref<50x128xf32, #tpu.memory_space<vmem>>, vector<1x16xf32>,
        %get3A_1008 = vector.shape_cast %get3A_1007 : vector<1x16xf32> to vector<16xf32>
        %mul3A_1009 = arith.mulf %get3A_1004, %get3A_1008 : vector<16xf32>
        %swap3A_1010 = arith.index_cast %add3A_944 : i32 to index
        %swap3A_1011 = arith.constant 64 : index
        %swap3A_1012 = tpu.vector_load %arg14[%swap3A_1010, %swap3A_1011] {strides = array<i32>} : memref<50x128xf32, #tpu.memory_space<vmem>>, vector<1x16xf32>,
        %swap3A_1013 = vector.shape_cast %swap3A_1012 : vector<1x16xf32> to vector<16xf32>
        %swap3A_1014 = vector.shape_cast %mul3A_1009 : vector<16xf32> to vector<1x16xf32>
        tpu.vector_store %arg14[%swap3A_1010, %swap3A_1011], %swap3A_1014 {strides = array<i32>} : memref<50x128xf32, #tpu.memory_space<vmem>>, vector<1x16xf32>,
        %get3A_1015 = arith.index_cast %add3A_944 : i32 to index
        %get3A_1016 = arith.constant 80 : index
        %get3A_1017 = tpu.vector_load %arg11[%get3A_1015, %get3A_1016] {strides = array<i32>} : memref<50x128xf32, #tpu.memory_space<vmem>>, vector<1x16xf32>,
        %get3A_1018 = vector.shape_cast %get3A_1017 : vector<1x16xf32> to vector<16xf32>
        %get3A_1019 = arith.index_cast %add3A_944 : i32 to index
        %get3A_1020 = arith.constant 80 : index
        %get3A_1021 = tpu.vector_load %arg12[%get3A_1019, %get3A_1020] {strides = array<i32>} : memref<50x128xf32, #tpu.memory_space<vmem>>, vector<1x16xf32>,
        %get3A_1022 = vector.shape_cast %get3A_1021 : vector<1x16xf32> to vector<16xf32>
        %mul3A_1023 = arith.mulf %get3A_1018, %get3A_1022 : vector<16xf32>
        %swap3A_1024 = arith.index_cast %add3A_944 : i32 to index
        %swap3A_1025 = arith.constant 80 : index
        %swap3A_1026 = tpu.vector_load %arg14[%swap3A_1024, %swap3A_1025] {strides = array<i32>} : memref<50x128xf32, #tpu.memory_space<vmem>>, vector<1x16xf32>,
        %swap3A_1027 = vector.shape_cast %swap3A_1026 : vector<1x16xf32> to vector<16xf32>
        %swap3A_1028 = vector.shape_cast %mul3A_1023 : vector<16xf32> to vector<1x16xf32>
        tpu.vector_store %arg14[%swap3A_1024, %swap3A_1025], %swap3A_1028 {strides = array<i32>} : memref<50x128xf32, #tpu.memory_space<vmem>>, vector<1x16xf32>,
        %get3A_1029 = arith.index_cast %add3A_944 : i32 to index
        %get3A_1030 = arith.constant 96 : index
        %get3A_1031 = tpu.vector_load %arg11[%get3A_1029, %get3A_1030] {strides = array<i32>} : memref<50x128xf32, #tpu.memory_space<vmem>>, vector<1x16xf32>,
        %get3A_1032 = vector.shape_cast %get3A_1031 : vector<1x16xf32> to vector<16xf32>
        %get3A_1033 = arith.index_cast %add3A_944 : i32 to index
        %get3A_1034 = arith.constant 96 : index
        %get3A_1035 = tpu.vector_load %arg12[%get3A_1033, %get3A_1034] {strides = array<i32>} : memref<50x128xf32, #tpu.memory_space<vmem>>, vector<1x16xf32>,
        %get3A_1036 = vector.shape_cast %get3A_1035 : vector<1x16xf32> to vector<16xf32>
        %mul3A_1037 = arith.mulf %get3A_1032, %get3A_1036 : vector<16xf32>
        %swap3A_1038 = arith.index_cast %add3A_944 : i32 to index
        %swap3A_1039 = arith.constant 96 : index
        %swap3A_1040 = tpu.vector_load %arg14[%swap3A_1038, %swap3A_1039] {strides = array<i32>} : memref<50x128xf32, #tpu.memory_space<vmem>>, vector<1x16xf32>,
        %swap3A_1041 = vector.shape_cast %swap3A_1040 : vector<1x16xf32> to vector<16xf32>
        %swap3A_1042 = vector.shape_cast %mul3A_1037 : vector<16xf32> to vector<1x16xf32>
        tpu.vector_store %arg14[%swap3A_1038, %swap3A_1039], %swap3A_1042 {strides = array<i32>} : memref<50x128xf32, #tpu.memory_space<vmem>>, vector<1x16xf32>,
        %get3A_1043 = arith.index_cast %add3A_944 : i32 to index
        %get3A_1044 = arith.constant 112 : index
        %get3A_1045 = tpu.vector_load %arg11[%get3A_1043, %get3A_1044] {strides = array<i32>} : memref<50x128xf32, #tpu.memory_space<vmem>>, vector<1x16xf32>,
        %get3A_1046 = vector.shape_cast %get3A_1045 : vector<1x16xf32> to vector<16xf32>
        %get3A_1047 = arith.index_cast %add3A_944 : i32 to index
        %get3A_1048 = arith.constant 112 : index
        %get3A_1049 = tpu.vector_load %arg12[%get3A_1047, %get3A_1048] {strides = array<i32>} : memref<50x128xf32, #tpu.memory_space<vmem>>, vector<1x16xf32>,
        %get3A_1050 = vector.shape_cast %get3A_1049 : vector<1x16xf32> to vector<16xf32>
        %mul3A_1051 = arith.mulf %get3A_1046, %get3A_1050 : vector<16xf32>
        %swap3A_1052 = arith.index_cast %add3A_944 : i32 to index
        %swap3A_1053 = arith.constant 112 : index
        %swap3A_1054 = tpu.vector_load %arg14[%swap3A_1052, %swap3A_1053] {strides = array<i32>} : memref<50x128xf32, #tpu.memory_space<vmem>>, vector<1x16xf32>,
        %swap3A_1055 = vector.shape_cast %swap3A_1054 : vector<1x16xf32> to vector<16xf32>
        %swap3A_1056 = vector.shape_cast %mul3A_1051 : vector<16xf32> to vector<1x16xf32>
        tpu.vector_store %arg14[%swap3A_1052, %swap3A_1053], %swap3A_1056 {strides = array<i32>} : memref<50x128xf32, #tpu.memory_space<vmem>>, vector<1x16xf32>,
        %mul3A_1057 = arith.constant 10 : i32
        %mul3A_1058 = arith.muli %scan3A_362, %mul3A_1057 : i32
        %add3A_1059 = arith.constant 6 : i32
        %add3A_1060 = arith.addi %mul3A_1058, %add3A_1059 : i32
        %get3A_1061 = arith.index_cast %add3A_1060 : i32 to index
        %get3A_1062 = arith.constant 0 : index
        %get3A_1063 = tpu.vector_load %arg11[%get3A_1061, %get3A_1062] {strides = array<i32>} : memref<50x128xf32, #tpu.memory_space<vmem>>, vector<1x16xf32>,
        %get3A_1064 = vector.shape_cast %get3A_1063 : vector<1x16xf32> to vector<16xf32>
        %get3A_1065 = arith.index_cast %add3A_1060 : i32 to index
        %get3A_1066 = arith.constant 0 : index
        %get3A_1067 = tpu.vector_load %arg12[%get3A_1065, %get3A_1066] {strides = array<i32>} : memref<50x128xf32, #tpu.memory_space<vmem>>, vector<1x16xf32>,
        %get3A_1068 = vector.shape_cast %get3A_1067 : vector<1x16xf32> to vector<16xf32>
        %mul3A_1069 = arith.mulf %get3A_1064, %get3A_1068 : vector<16xf32>
        %swap3A_1070 = arith.index_cast %add3A_1060 : i32 to index
        %swap3A_1071 = arith.constant 0 : index
        %swap3A_1072 = tpu.vector_load %arg14[%swap3A_1070, %swap3A_1071] {strides = array<i32>} : memref<50x128xf32, #tpu.memory_space<vmem>>, vector<1x16xf32>,
        %swap3A_1073 = vector.shape_cast %swap3A_1072 : vector<1x16xf32> to vector<16xf32>
        %swap3A_1074 = vector.shape_cast %mul3A_1069 : vector<16xf32> to vector<1x16xf32>
        tpu.vector_store %arg14[%swap3A_1070, %swap3A_1071], %swap3A_1074 {strides = array<i32>} : memref<50x128xf32, #tpu.memory_space<vmem>>, vector<1x16xf32>,
        %get3A_1075 = arith.index_cast %add3A_1060 : i32 to index
        %get3A_1076 = arith.constant 16 : index
        %get3A_1077 = tpu.vector_load %arg11[%get3A_1075, %get3A_1076] {strides = array<i32>} : memref<50x128xf32, #tpu.memory_space<vmem>>, vector<1x16xf32>,
        %get3A_1078 = vector.shape_cast %get3A_1077 : vector<1x16xf32> to vector<16xf32>
        %get3A_1079 = arith.index_cast %add3A_1060 : i32 to index
        %get3A_1080 = arith.constant 16 : index
        %get3A_1081 = tpu.vector_load %arg12[%get3A_1079, %get3A_1080] {strides = array<i32>} : memref<50x128xf32, #tpu.memory_space<vmem>>, vector<1x16xf32>,
        %get3A_1082 = vector.shape_cast %get3A_1081 : vector<1x16xf32> to vector<16xf32>
        %mul3A_1083 = arith.mulf %get3A_1078, %get3A_1082 : vector<16xf32>
        %swap3A_1084 = arith.index_cast %add3A_1060 : i32 to index
        %swap3A_1085 = arith.constant 16 : index
        %swap3A_1086 = tpu.vector_load %arg14[%swap3A_1084, %swap3A_1085] {strides = array<i32>} : memref<50x128xf32, #tpu.memory_space<vmem>>, vector<1x16xf32>,
        %swap3A_1087 = vector.shape_cast %swap3A_1086 : vector<1x16xf32> to vector<16xf32>
        %swap3A_1088 = vector.shape_cast %mul3A_1083 : vector<16xf32> to vector<1x16xf32>
        tpu.vector_store %arg14[%swap3A_1084, %swap3A_1085], %swap3A_1088 {strides = array<i32>} : memref<50x128xf32, #tpu.memory_space<vmem>>, vector<1x16xf32>,
        %get3A_1089 = arith.index_cast %add3A_1060 : i32 to index
        %get3A_1090 = arith.constant 32 : index
        %get3A_1091 = tpu.vector_load %arg11[%get3A_1089, %get3A_1090] {strides = array<i32>} : memref<50x128xf32, #tpu.memory_space<vmem>>, vector<1x16xf32>,
        %get3A_1092 = vector.shape_cast %get3A_1091 : vector<1x16xf32> to vector<16xf32>
        %get3A_1093 = arith.index_cast %add3A_1060 : i32 to index
        %get3A_1094 = arith.constant 32 : index
        %get3A_1095 = tpu.vector_load %arg12[%get3A_1093, %get3A_1094] {strides = array<i32>} : memref<50x128xf32, #tpu.memory_space<vmem>>, vector<1x16xf32>,
        %get3A_1096 = vector.shape_cast %get3A_1095 : vector<1x16xf32> to vector<16xf32>
        %mul3A_1097 = arith.mulf %get3A_1092, %get3A_1096 : vector<16xf32>
        %swap3A_1098 = arith.index_cast %add3A_1060 : i32 to index
        %swap3A_1099 = arith.constant 32 : index
        %swap3A_1100 = tpu.vector_load %arg14[%swap3A_1098, %swap3A_1099] {strides = array<i32>} : memref<50x128xf32, #tpu.memory_space<vmem>>, vector<1x16xf32>,
        %swap3A_1101 = vector.shape_cast %swap3A_1100 : vector<1x16xf32> to vector<16xf32>
        %swap3A_1102 = vector.shape_cast %mul3A_1097 : vector<16xf32> to vector<1x16xf32>
        tpu.vector_store %arg14[%swap3A_1098, %swap3A_1099], %swap3A_1102 {strides = array<i32>} : memref<50x128xf32, #tpu.memory_space<vmem>>, vector<1x16xf32>,
        %get3A_1103 = arith.index_cast %add3A_1060 : i32 to index
        %get3A_1104 = arith.constant 48 : index
        %get3A_1105 = tpu.vector_load %arg11[%get3A_1103, %get3A_1104] {strides = array<i32>} : memref<50x128xf32, #tpu.memory_space<vmem>>, vector<1x16xf32>,
        %get3A_1106 = vector.shape_cast %get3A_1105 : vector<1x16xf32> to vector<16xf32>
        %get3A_1107 = arith.index_cast %add3A_1060 : i32 to index
        %get3A_1108 = arith.constant 48 : index
        %get3A_1109 = tpu.vector_load %arg12[%get3A_1107, %get3A_1108] {strides = array<i32>} : memref<50x128xf32, #tpu.memory_space<vmem>>, vector<1x16xf32>,
        %get3A_1110 = vector.shape_cast %get3A_1109 : vector<1x16xf32> to vector<16xf32>
        %mul3A_1111 = arith.mulf %get3A_1106, %get3A_1110 : vector<16xf32>
        %swap3A_1112 = arith.index_cast %add3A_1060 : i32 to index
        %swap3A_1113 = arith.constant 48 : index
        %swap3A_1114 = tpu.vector_load %arg14[%swap3A_1112, %swap3A_1113] {strides = array<i32>} : memref<50x128xf32, #tpu.memory_space<vmem>>, vector<1x16xf32>,
        %swap3A_1115 = vector.shape_cast %swap3A_1114 : vector<1x16xf32> to vector<16xf32>
        %swap3A_1116 = vector.shape_cast %mul3A_1111 : vector<16xf32> to vector<1x16xf32>
        tpu.vector_store %arg14[%swap3A_1112, %swap3A_1113], %swap3A_1116 {strides = array<i32>} : memref<50x128xf32, #tpu.memory_space<vmem>>, vector<1x16xf32>,
        %get3A_1117 = arith.index_cast %add3A_1060 : i32 to index
        %get3A_1118 = arith.constant 64 : index
        %get3A_1119 = tpu.vector_load %arg11[%get3A_1117, %get3A_1118] {strides = array<i32>} : memref<50x128xf32, #tpu.memory_space<vmem>>, vector<1x16xf32>,
        %get3A_1120 = vector.shape_cast %get3A_1119 : vector<1x16xf32> to vector<16xf32>
        %get3A_1121 = arith.index_cast %add3A_1060 : i32 to index
        %get3A_1122 = arith.constant 64 : index
        %get3A_1123 = tpu.vector_load %arg12[%get3A_1121, %get3A_1122] {strides = array<i32>} : memref<50x128xf32, #tpu.memory_space<vmem>>, vector<1x16xf32>,
        %get3A_1124 = vector.shape_cast %get3A_1123 : vector<1x16xf32> to vector<16xf32>
        %mul3A_1125 = arith.mulf %get3A_1120, %get3A_1124 : vector<16xf32>
        %swap3A_1126 = arith.index_cast %add3A_1060 : i32 to index
        %swap3A_1127 = arith.constant 64 : index
        %swap3A_1128 = tpu.vector_load %arg14[%swap3A_1126, %swap3A_1127] {strides = array<i32>} : memref<50x128xf32, #tpu.memory_space<vmem>>, vector<1x16xf32>,
        %swap3A_1129 = vector.shape_cast %swap3A_1128 : vector<1x16xf32> to vector<16xf32>
        %swap3A_1130 = vector.shape_cast %mul3A_1125 : vector<16xf32> to vector<1x16xf32>
        tpu.vector_store %arg14[%swap3A_1126, %swap3A_1127], %swap3A_1130 {strides = array<i32>} : memref<50x128xf32, #tpu.memory_space<vmem>>, vector<1x16xf32>,
        %get3A_1131 = arith.index_cast %add3A_1060 : i32 to index
        %get3A_1132 = arith.constant 80 : index
        %get3A_1133 = tpu.vector_load %arg11[%get3A_1131, %get3A_1132] {strides = array<i32>} : memref<50x128xf32, #tpu.memory_space<vmem>>, vector<1x16xf32>,
        %get3A_1134 = vector.shape_cast %get3A_1133 : vector<1x16xf32> to vector<16xf32>
        %get3A_1135 = arith.index_cast %add3A_1060 : i32 to index
        %get3A_1136 = arith.constant 80 : index
        %get3A_1137 = tpu.vector_load %arg12[%get3A_1135, %get3A_1136] {strides = array<i32>} : memref<50x128xf32, #tpu.memory_space<vmem>>, vector<1x16xf32>,
        %get3A_1138 = vector.shape_cast %get3A_1137 : vector<1x16xf32> to vector<16xf32>
        %mul3A_1139 = arith.mulf %get3A_1134, %get3A_1138 : vector<16xf32>
        %swap3A_1140 = arith.index_cast %add3A_1060 : i32 to index
        %swap3A_1141 = arith.constant 80 : index
        %swap3A_1142 = tpu.vector_load %arg14[%swap3A_1140, %swap3A_1141] {strides = array<i32>} : memref<50x128xf32, #tpu.memory_space<vmem>>, vector<1x16xf32>,
        %swap3A_1143 = vector.shape_cast %swap3A_1142 : vector<1x16xf32> to vector<16xf32>
        %swap3A_1144 = vector.shape_cast %mul3A_1139 : vector<16xf32> to vector<1x16xf32>
        tpu.vector_store %arg14[%swap3A_1140, %swap3A_1141], %swap3A_1144 {strides = array<i32>} : memref<50x128xf32, #tpu.memory_space<vmem>>, vector<1x16xf32>,
        %get3A_1145 = arith.index_cast %add3A_1060 : i32 to index
        %get3A_1146 = arith.constant 96 : index
        %get3A_1147 = tpu.vector_load %arg11[%get3A_1145, %get3A_1146] {strides = array<i32>} : memref<50x128xf32, #tpu.memory_space<vmem>>, vector<1x16xf32>,
        %get3A_1148 = vector.shape_cast %get3A_1147 : vector<1x16xf32> to vector<16xf32>
        %get3A_1149 = arith.index_cast %add3A_1060 : i32 to index
        %get3A_1150 = arith.constant 96 : index
        %get3A_1151 = tpu.vector_load %arg12[%get3A_1149, %get3A_1150] {strides = array<i32>} : memref<50x128xf32, #tpu.memory_space<vmem>>, vector<1x16xf32>,
        %get3A_1152 = vector.shape_cast %get3A_1151 : vector<1x16xf32> to vector<16xf32>
        %mul3A_1153 = arith.mulf %get3A_1148, %get3A_1152 : vector<16xf32>
        %swap3A_1154 = arith.index_cast %add3A_1060 : i32 to index
        %swap3A_1155 = arith.constant 96 : index
        %swap3A_1156 = tpu.vector_load %arg14[%swap3A_1154, %swap3A_1155] {strides = array<i32>} : memref<50x128xf32, #tpu.memory_space<vmem>>, vector<1x16xf32>,
        %swap3A_1157 = vector.shape_cast %swap3A_1156 : vector<1x16xf32> to vector<16xf32>
        %swap3A_1158 = vector.shape_cast %mul3A_1153 : vector<16xf32> to vector<1x16xf32>
        tpu.vector_store %arg14[%swap3A_1154, %swap3A_1155], %swap3A_1158 {strides = array<i32>} : memref<50x128xf32, #tpu.memory_space<vmem>>, vector<1x16xf32>,
        %get3A_1159 = arith.index_cast %add3A_1060 : i32 to index
        %get3A_1160 = arith.constant 112 : index
        %get3A_1161 = tpu.vector_load %arg11[%get3A_1159, %get3A_1160] {strides = array<i32>} : memref<50x128xf32, #tpu.memory_space<vmem>>, vector<1x16xf32>,
        %get3A_1162 = vector.shape_cast %get3A_1161 : vector<1x16xf32> to vector<16xf32>
        %get3A_1163 = arith.index_cast %add3A_1060 : i32 to index
        %get3A_1164 = arith.constant 112 : index
        %get3A_1165 = tpu.vector_load %arg12[%get3A_1163, %get3A_1164] {strides = array<i32>} : memref<50x128xf32, #tpu.memory_space<vmem>>, vector<1x16xf32>,
        %get3A_1166 = vector.shape_cast %get3A_1165 : vector<1x16xf32> to vector<16xf32>
        %mul3A_1167 = arith.mulf %get3A_1162, %get3A_1166 : vector<16xf32>
        %swap3A_1168 = arith.index_cast %add3A_1060 : i32 to index
        %swap3A_1169 = arith.constant 112 : index
        %swap3A_1170 = tpu.vector_load %arg14[%swap3A_1168, %swap3A_1169] {strides = array<i32>} : memref<50x128xf32, #tpu.memory_space<vmem>>, vector<1x16xf32>,
        %swap3A_1171 = vector.shape_cast %swap3A_1170 : vector<1x16xf32> to vector<16xf32>
        %swap3A_1172 = vector.shape_cast %mul3A_1167 : vector<16xf32> to vector<1x16xf32>
        tpu.vector_store %arg14[%swap3A_1168, %swap3A_1169], %swap3A_1172 {strides = array<i32>} : memref<50x128xf32, #tpu.memory_space<vmem>>, vector<1x16xf32>,
        %mul3A_1173 = arith.constant 10 : i32
        %mul3A_1174 = arith.muli %scan3A_362, %mul3A_1173 : i32
        %add3A_1175 = arith.constant 7 : i32
        %add3A_1176 = arith.addi %mul3A_1174, %add3A_1175 : i32
        %get3A_1177 = arith.index_cast %add3A_1176 : i32 to index
        %get3A_1178 = arith.constant 0 : index
        %get3A_1179 = tpu.vector_load %arg11[%get3A_1177, %get3A_1178] {strides = array<i32>} : memref<50x128xf32, #tpu.memory_space<vmem>>, vector<1x16xf32>,
        %get3A_1180 = vector.shape_cast %get3A_1179 : vector<1x16xf32> to vector<16xf32>
        %get3A_1181 = arith.index_cast %add3A_1176 : i32 to index
        %get3A_1182 = arith.constant 0 : index
        %get3A_1183 = tpu.vector_load %arg12[%get3A_1181, %get3A_1182] {strides = array<i32>} : memref<50x128xf32, #tpu.memory_space<vmem>>, vector<1x16xf32>,
        %get3A_1184 = vector.shape_cast %get3A_1183 : vector<1x16xf32> to vector<16xf32>
        %mul3A_1185 = arith.mulf %get3A_1180, %get3A_1184 : vector<16xf32>
        %swap3A_1186 = arith.index_cast %add3A_1176 : i32 to index
        %swap3A_1187 = arith.constant 0 : index
        %swap3A_1188 = tpu.vector_load %arg14[%swap3A_1186, %swap3A_1187] {strides = array<i32>} : memref<50x128xf32, #tpu.memory_space<vmem>>, vector<1x16xf32>,
        %swap3A_1189 = vector.shape_cast %swap3A_1188 : vector<1x16xf32> to vector<16xf32>
        %swap3A_1190 = vector.shape_cast %mul3A_1185 : vector<16xf32> to vector<1x16xf32>
        tpu.vector_store %arg14[%swap3A_1186, %swap3A_1187], %swap3A_1190 {strides = array<i32>} : memref<50x128xf32, #tpu.memory_space<vmem>>, vector<1x16xf32>,
        %get3A_1191 = arith.index_cast %add3A_1176 : i32 to index
        %get3A_1192 = arith.constant 16 : index
        %get3A_1193 = tpu.vector_load %arg11[%get3A_1191, %get3A_1192] {strides = array<i32>} : memref<50x128xf32, #tpu.memory_space<vmem>>, vector<1x16xf32>,
        %get3A_1194 = vector.shape_cast %get3A_1193 : vector<1x16xf32> to vector<16xf32>
        %get3A_1195 = arith.index_cast %add3A_1176 : i32 to index
        %get3A_1196 = arith.constant 16 : index
        %get3A_1197 = tpu.vector_load %arg12[%get3A_1195, %get3A_1196] {strides = array<i32>} : memref<50x128xf32, #tpu.memory_space<vmem>>, vector<1x16xf32>,
        %get3A_1198 = vector.shape_cast %get3A_1197 : vector<1x16xf32> to vector<16xf32>
        %mul3A_1199 = arith.mulf %get3A_1194, %get3A_1198 : vector<16xf32>
        %swap3A_1200 = arith.index_cast %add3A_1176 : i32 to index
        %swap3A_1201 = arith.constant 16 : index
        %swap3A_1202 = tpu.vector_load %arg14[%swap3A_1200, %swap3A_1201] {strides = array<i32>} : memref<50x128xf32, #tpu.memory_space<vmem>>, vector<1x16xf32>,
        %swap3A_1203 = vector.shape_cast %swap3A_1202 : vector<1x16xf32> to vector<16xf32>
        %swap3A_1204 = vector.shape_cast %mul3A_1199 : vector<16xf32> to vector<1x16xf32>
        tpu.vector_store %arg14[%swap3A_1200, %swap3A_1201], %swap3A_1204 {strides = array<i32>} : memref<50x128xf32, #tpu.memory_space<vmem>>, vector<1x16xf32>,
        %get3A_1205 = arith.index_cast %add3A_1176 : i32 to index
        %get3A_1206 = arith.constant 32 : index
        %get3A_1207 = tpu.vector_load %arg11[%get3A_1205, %get3A_1206] {strides = array<i32>} : memref<50x128xf32, #tpu.memory_space<vmem>>, vector<1x16xf32>,
        %get3A_1208 = vector.shape_cast %get3A_1207 : vector<1x16xf32> to vector<16xf32>
        %get3A_1209 = arith.index_cast %add3A_1176 : i32 to index
        %get3A_1210 = arith.constant 32 : index
        %get3A_1211 = tpu.vector_load %arg12[%get3A_1209, %get3A_1210] {strides = array<i32>} : memref<50x128xf32, #tpu.memory_space<vmem>>, vector<1x16xf32>,
        %get3A_1212 = vector.shape_cast %get3A_1211 : vector<1x16xf32> to vector<16xf32>
        %mul3A_1213 = arith.mulf %get3A_1208, %get3A_1212 : vector<16xf32>
        %swap3A_1214 = arith.index_cast %add3A_1176 : i32 to index
        %swap3A_1215 = arith.constant 32 : index
        %swap3A_1216 = tpu.vector_load %arg14[%swap3A_1214, %swap3A_1215] {strides = array<i32>} : memref<50x128xf32, #tpu.memory_space<vmem>>, vector<1x16xf32>,
        %swap3A_1217 = vector.shape_cast %swap3A_1216 : vector<1x16xf32> to vector<16xf32>
        %swap3A_1218 = vector.shape_cast %mul3A_1213 : vector<16xf32> to vector<1x16xf32>
        tpu.vector_store %arg14[%swap3A_1214, %swap3A_1215], %swap3A_1218 {strides = array<i32>} : memref<50x128xf32, #tpu.memory_space<vmem>>, vector<1x16xf32>,
        %get3A_1219 = arith.index_cast %add3A_1176 : i32 to index
        %get3A_1220 = arith.constant 48 : index
        %get3A_1221 = tpu.vector_load %arg11[%get3A_1219, %get3A_1220] {strides = array<i32>} : memref<50x128xf32, #tpu.memory_space<vmem>>, vector<1x16xf32>,
        %get3A_1222 = vector.shape_cast %get3A_1221 : vector<1x16xf32> to vector<16xf32>
        %get3A_1223 = arith.index_cast %add3A_1176 : i32 to index
        %get3A_1224 = arith.constant 48 : index
        %get3A_1225 = tpu.vector_load %arg12[%get3A_1223, %get3A_1224] {strides = array<i32>} : memref<50x128xf32, #tpu.memory_space<vmem>>, vector<1x16xf32>,
        %get3A_1226 = vector.shape_cast %get3A_1225 : vector<1x16xf32> to vector<16xf32>
        %mul3A_1227 = arith.mulf %get3A_1222, %get3A_1226 : vector<16xf32>
        %swap3A_1228 = arith.index_cast %add3A_1176 : i32 to index
        %swap3A_1229 = arith.constant 48 : index
        %swap3A_1230 = tpu.vector_load %arg14[%swap3A_1228, %swap3A_1229] {strides = array<i32>} : memref<50x128xf32, #tpu.memory_space<vmem>>, vector<1x16xf32>,
        %swap3A_1231 = vector.shape_cast %swap3A_1230 : vector<1x16xf32> to vector<16xf32>
        %swap3A_1232 = vector.shape_cast %mul3A_1227 : vector<16xf32> to vector<1x16xf32>
        tpu.vector_store %arg14[%swap3A_1228, %swap3A_1229], %swap3A_1232 {strides = array<i32>} : memref<50x128xf32, #tpu.memory_space<vmem>>, vector<1x16xf32>,
        %get3A_1233 = arith.index_cast %add3A_1176 : i32 to index
        %get3A_1234 = arith.constant 64 : index
        %get3A_1235 = tpu.vector_load %arg11[%get3A_1233, %get3A_1234] {strides = array<i32>} : memref<50x128xf32, #tpu.memory_space<vmem>>, vector<1x16xf32>,
        %get3A_1236 = vector.shape_cast %get3A_1235 : vector<1x16xf32> to vector<16xf32>
        %get3A_1237 = arith.index_cast %add3A_1176 : i32 to index
        %get3A_1238 = arith.constant 64 : index
        %get3A_1239 = tpu.vector_load %arg12[%get3A_1237, %get3A_1238] {strides = array<i32>} : memref<50x128xf32, #tpu.memory_space<vmem>>, vector<1x16xf32>,
        %get3A_1240 = vector.shape_cast %get3A_1239 : vector<1x16xf32> to vector<16xf32>
        %mul3A_1241 = arith.mulf %get3A_1236, %get3A_1240 : vector<16xf32>
        %swap3A_1242 = arith.index_cast %add3A_1176 : i32 to index
        %swap3A_1243 = arith.constant 64 : index
        %swap3A_1244 = tpu.vector_load %arg14[%swap3A_1242, %swap3A_1243] {strides = array<i32>} : memref<50x128xf32, #tpu.memory_space<vmem>>, vector<1x16xf32>,
        %swap3A_1245 = vector.shape_cast %swap3A_1244 : vector<1x16xf32> to vector<16xf32>
        %swap3A_1246 = vector.shape_cast %mul3A_1241 : vector<16xf32> to vector<1x16xf32>
        tpu.vector_store %arg14[%swap3A_1242, %swap3A_1243], %swap3A_1246 {strides = array<i32>} : memref<50x128xf32, #tpu.memory_space<vmem>>, vector<1x16xf32>,
        %get3A_1247 = arith.index_cast %add3A_1176 : i32 to index
        %get3A_1248 = arith.constant 80 : index
        %get3A_1249 = tpu.vector_load %arg11[%get3A_1247, %get3A_1248] {strides = array<i32>} : memref<50x128xf32, #tpu.memory_space<vmem>>, vector<1x16xf32>,
        %get3A_1250 = vector.shape_cast %get3A_1249 : vector<1x16xf32> to vector<16xf32>
        %get3A_1251 = arith.index_cast %add3A_1176 : i32 to index
        %get3A_1252 = arith.constant 80 : index
        %get3A_1253 = tpu.vector_load %arg12[%get3A_1251, %get3A_1252] {strides = array<i32>} : memref<50x128xf32, #tpu.memory_space<vmem>>, vector<1x16xf32>,
        %get3A_1254 = vector.shape_cast %get3A_1253 : vector<1x16xf32> to vector<16xf32>
        %mul3A_1255 = arith.mulf %get3A_1250, %get3A_1254 : vector<16xf32>
        %swap3A_1256 = arith.index_cast %add3A_1176 : i32 to index
        %swap3A_1257 = arith.constant 80 : index
        %swap3A_1258 = tpu.vector_load %arg14[%swap3A_1256, %swap3A_1257] {strides = array<i32>} : memref<50x128xf32, #tpu.memory_space<vmem>>, vector<1x16xf32>,
        %swap3A_1259 = vector.shape_cast %swap3A_1258 : vector<1x16xf32> to vector<16xf32>
        %swap3A_1260 = vector.shape_cast %mul3A_1255 : vector<16xf32> to vector<1x16xf32>
        tpu.vector_store %arg14[%swap3A_1256, %swap3A_1257], %swap3A_1260 {strides = array<i32>} : memref<50x128xf32, #tpu.memory_space<vmem>>, vector<1x16xf32>,
        %get3A_1261 = arith.index_cast %add3A_1176 : i32 to index
        %get3A_1262 = arith.constant 96 : index
        %get3A_1263 = tpu.vector_load %arg11[%get3A_1261, %get3A_1262] {strides = array<i32>} : memref<50x128xf32, #tpu.memory_space<vmem>>, vector<1x16xf32>,
        %get3A_1264 = vector.shape_cast %get3A_1263 : vector<1x16xf32> to vector<16xf32>
        %get3A_1265 = arith.index_cast %add3A_1176 : i32 to index
        %get3A_1266 = arith.constant 96 : index
        %get3A_1267 = tpu.vector_load %arg12[%get3A_1265, %get3A_1266] {strides = array<i32>} : memref<50x128xf32, #tpu.memory_space<vmem>>, vector<1x16xf32>,
        %get3A_1268 = vector.shape_cast %get3A_1267 : vector<1x16xf32> to vector<16xf32>
        %mul3A_1269 = arith.mulf %get3A_1264, %get3A_1268 : vector<16xf32>
        %swap3A_1270 = arith.index_cast %add3A_1176 : i32 to index
        %swap3A_1271 = arith.constant 96 : index
        %swap3A_1272 = tpu.vector_load %arg14[%swap3A_1270, %swap3A_1271] {strides = array<i32>} : memref<50x128xf32, #tpu.memory_space<vmem>>, vector<1x16xf32>,
        %swap3A_1273 = vector.shape_cast %swap3A_1272 : vector<1x16xf32> to vector<16xf32>
        %swap3A_1274 = vector.shape_cast %mul3A_1269 : vector<16xf32> to vector<1x16xf32>
        tpu.vector_store %arg14[%swap3A_1270, %swap3A_1271], %swap3A_1274 {strides = array<i32>} : memref<50x128xf32, #tpu.memory_space<vmem>>, vector<1x16xf32>,
        %get3A_1275 = arith.index_cast %add3A_1176 : i32 to index
        %get3A_1276 = arith.constant 112 : index
        %get3A_1277 = tpu.vector_load %arg11[%get3A_1275, %get3A_1276] {strides = array<i32>} : memref<50x128xf32, #tpu.memory_space<vmem>>, vector<1x16xf32>,
        %get3A_1278 = vector.shape_cast %get3A_1277 : vector<1x16xf32> to vector<16xf32>
        %get3A_1279 = arith.index_cast %add3A_1176 : i32 to index
        %get3A_1280 = arith.constant 112 : index
        %get3A_1281 = tpu.vector_load %arg12[%get3A_1279, %get3A_1280] {strides = array<i32>} : memref<50x128xf32, #tpu.memory_space<vmem>>, vector<1x16xf32>,
        %get3A_1282 = vector.shape_cast %get3A_1281 : vector<1x16xf32> to vector<16xf32>
        %mul3A_1283 = arith.mulf %get3A_1278, %get3A_1282 : vector<16xf32>
        %swap3A_1284 = arith.index_cast %add3A_1176 : i32 to index
        %swap3A_1285 = arith.constant 112 : index
        %swap3A_1286 = tpu.vector_load %arg14[%swap3A_1284, %swap3A_1285] {strides = array<i32>} : memref<50x128xf32, #tpu.memory_space<vmem>>, vector<1x16xf32>,
        %swap3A_1287 = vector.shape_cast %swap3A_1286 : vector<1x16xf32> to vector<16xf32>
        %swap3A_1288 = vector.shape_cast %mul3A_1283 : vector<16xf32> to vector<1x16xf32>
        tpu.vector_store %arg14[%swap3A_1284, %swap3A_1285], %swap3A_1288 {strides = array<i32>} : memref<50x128xf32, #tpu.memory_space<vmem>>, vector<1x16xf32>,
        %mul3A_1289 = arith.constant 10 : i32
        %mul3A_1290 = arith.muli %scan3A_362, %mul3A_1289 : i32
        %add3A_1291 = arith.constant 8 : i32
        %add3A_1292 = arith.addi %mul3A_1290, %add3A_1291 : i32
        %get3A_1293 = arith.index_cast %add3A_1292 : i32 to index
        %get3A_1294 = arith.constant 0 : index
        %get3A_1295 = tpu.vector_load %arg11[%get3A_1293, %get3A_1294] {strides = array<i32>} : memref<50x128xf32, #tpu.memory_space<vmem>>, vector<1x16xf32>,
        %get3A_1296 = vector.shape_cast %get3A_1295 : vector<1x16xf32> to vector<16xf32>
        %get3A_1297 = arith.index_cast %add3A_1292 : i32 to index
        %get3A_1298 = arith.constant 0 : index
        %get3A_1299 = tpu.vector_load %arg12[%get3A_1297, %get3A_1298] {strides = array<i32>} : memref<50x128xf32, #tpu.memory_space<vmem>>, vector<1x16xf32>,
        %get3A_1300 = vector.shape_cast %get3A_1299 : vector<1x16xf32> to vector<16xf32>
        %mul3A_1301 = arith.mulf %get3A_1296, %get3A_1300 : vector<16xf32>
        %swap3A_1302 = arith.index_cast %add3A_1292 : i32 to index
        %swap3A_1303 = arith.constant 0 : index
        %swap3A_1304 = tpu.vector_load %arg14[%swap3A_1302, %swap3A_1303] {strides = array<i32>} : memref<50x128xf32, #tpu.memory_space<vmem>>, vector<1x16xf32>,
        %swap3A_1305 = vector.shape_cast %swap3A_1304 : vector<1x16xf32> to vector<16xf32>
        %swap3A_1306 = vector.shape_cast %mul3A_1301 : vector<16xf32> to vector<1x16xf32>
        tpu.vector_store %arg14[%swap3A_1302, %swap3A_1303], %swap3A_1306 {strides = array<i32>} : memref<50x128xf32, #tpu.memory_space<vmem>>, vector<1x16xf32>,
        %get3A_1307 = arith.index_cast %add3A_1292 : i32 to index
        %get3A_1308 = arith.constant 16 : index
        %get3A_1309 = tpu.vector_load %arg11[%get3A_1307, %get3A_1308] {strides = array<i32>} : memref<50x128xf32, #tpu.memory_space<vmem>>, vector<1x16xf32>,
        %get3A_1310 = vector.shape_cast %get3A_1309 : vector<1x16xf32> to vector<16xf32>
        %get3A_1311 = arith.index_cast %add3A_1292 : i32 to index
        %get3A_1312 = arith.constant 16 : index
        %get3A_1313 = tpu.vector_load %arg12[%get3A_1311, %get3A_1312] {strides = array<i32>} : memref<50x128xf32, #tpu.memory_space<vmem>>, vector<1x16xf32>,
        %get3A_1314 = vector.shape_cast %get3A_1313 : vector<1x16xf32> to vector<16xf32>
        %mul3A_1315 = arith.mulf %get3A_1310, %get3A_1314 : vector<16xf32>
        %swap3A_1316 = arith.index_cast %add3A_1292 : i32 to index
        %swap3A_1317 = arith.constant 16 : index
        %swap3A_1318 = tpu.vector_load %arg14[%swap3A_1316, %swap3A_1317] {strides = array<i32>} : memref<50x128xf32, #tpu.memory_space<vmem>>, vector<1x16xf32>,
        %swap3A_1319 = vector.shape_cast %swap3A_1318 : vector<1x16xf32> to vector<16xf32>
        %swap3A_1320 = vector.shape_cast %mul3A_1315 : vector<16xf32> to vector<1x16xf32>
        tpu.vector_store %arg14[%swap3A_1316, %swap3A_1317], %swap3A_1320 {strides = array<i32>} : memref<50x128xf32, #tpu.memory_space<vmem>>, vector<1x16xf32>,
        %get3A_1321 = arith.index_cast %add3A_1292 : i32 to index
        %get3A_1322 = arith.constant 32 : index
        %get3A_1323 = tpu.vector_load %arg11[%get3A_1321, %get3A_1322] {strides = array<i32>} : memref<50x128xf32, #tpu.memory_space<vmem>>, vector<1x16xf32>,
        %get3A_1324 = vector.shape_cast %get3A_1323 : vector<1x16xf32> to vector<16xf32>
        %get3A_1325 = arith.index_cast %add3A_1292 : i32 to index
        %get3A_1326 = arith.constant 32 : index
        %get3A_1327 = tpu.vector_load %arg12[%get3A_1325, %get3A_1326] {strides = array<i32>} : memref<50x128xf32, #tpu.memory_space<vmem>>, vector<1x16xf32>,
        %get3A_1328 = vector.shape_cast %get3A_1327 : vector<1x16xf32> to vector<16xf32>
        %mul3A_1329 = arith.mulf %get3A_1324, %get3A_1328 : vector<16xf32>
        %swap3A_1330 = arith.index_cast %add3A_1292 : i32 to index
        %swap3A_1331 = arith.constant 32 : index
        %swap3A_1332 = tpu.vector_load %arg14[%swap3A_1330, %swap3A_1331] {strides = array<i32>} : memref<50x128xf32, #tpu.memory_space<vmem>>, vector<1x16xf32>,
        %swap3A_1333 = vector.shape_cast %swap3A_1332 : vector<1x16xf32> to vector<16xf32>
        %swap3A_1334 = vector.shape_cast %mul3A_1329 : vector<16xf32> to vector<1x16xf32>
        tpu.vector_store %arg14[%swap3A_1330, %swap3A_1331], %swap3A_1334 {strides = array<i32>} : memref<50x128xf32, #tpu.memory_space<vmem>>, vector<1x16xf32>,
        %get3A_1335 = arith.index_cast %add3A_1292 : i32 to index
        %get3A_1336 = arith.constant 48 : index
        %get3A_1337 = tpu.vector_load %arg11[%get3A_1335, %get3A_1336] {strides = array<i32>} : memref<50x128xf32, #tpu.memory_space<vmem>>, vector<1x16xf32>,
        %get3A_1338 = vector.shape_cast %get3A_1337 : vector<1x16xf32> to vector<16xf32>
        %get3A_1339 = arith.index_cast %add3A_1292 : i32 to index
        %get3A_1340 = arith.constant 48 : index
        %get3A_1341 = tpu.vector_load %arg12[%get3A_1339, %get3A_1340] {strides = array<i32>} : memref<50x128xf32, #tpu.memory_space<vmem>>, vector<1x16xf32>,
        %get3A_1342 = vector.shape_cast %get3A_1341 : vector<1x16xf32> to vector<16xf32>
        %mul3A_1343 = arith.mulf %get3A_1338, %get3A_1342 : vector<16xf32>
        %swap3A_1344 = arith.index_cast %add3A_1292 : i32 to index
        %swap3A_1345 = arith.constant 48 : index
        %swap3A_1346 = tpu.vector_load %arg14[%swap3A_1344, %swap3A_1345] {strides = array<i32>} : memref<50x128xf32, #tpu.memory_space<vmem>>, vector<1x16xf32>,
        %swap3A_1347 = vector.shape_cast %swap3A_1346 : vector<1x16xf32> to vector<16xf32>
        %swap3A_1348 = vector.shape_cast %mul3A_1343 : vector<16xf32> to vector<1x16xf32>
        tpu.vector_store %arg14[%swap3A_1344, %swap3A_1345], %swap3A_1348 {strides = array<i32>} : memref<50x128xf32, #tpu.memory_space<vmem>>, vector<1x16xf32>,
        %get3A_1349 = arith.index_cast %add3A_1292 : i32 to index
        %get3A_1350 = arith.constant 64 : index
        %get3A_1351 = tpu.vector_load %arg11[%get3A_1349, %get3A_1350] {strides = array<i32>} : memref<50x128xf32, #tpu.memory_space<vmem>>, vector<1x16xf32>,
        %get3A_1352 = vector.shape_cast %get3A_1351 : vector<1x16xf32> to vector<16xf32>
        %get3A_1353 = arith.index_cast %add3A_1292 : i32 to index
        %get3A_1354 = arith.constant 64 : index
        %get3A_1355 = tpu.vector_load %arg12[%get3A_1353, %get3A_1354] {strides = array<i32>} : memref<50x128xf32, #tpu.memory_space<vmem>>, vector<1x16xf32>,
        %get3A_1356 = vector.shape_cast %get3A_1355 : vector<1x16xf32> to vector<16xf32>
        %mul3A_1357 = arith.mulf %get3A_1352, %get3A_1356 : vector<16xf32>
        %swap3A_1358 = arith.index_cast %add3A_1292 : i32 to index
        %swap3A_1359 = arith.constant 64 : index
        %swap3A_1360 = tpu.vector_load %arg14[%swap3A_1358, %swap3A_1359] {strides = array<i32>} : memref<50x128xf32, #tpu.memory_space<vmem>>, vector<1x16xf32>,
        %swap3A_1361 = vector.shape_cast %swap3A_1360 : vector<1x16xf32> to vector<16xf32>
        %swap3A_1362 = vector.shape_cast %mul3A_1357 : vector<16xf32> to vector<1x16xf32>
        tpu.vector_store %arg14[%swap3A_1358, %swap3A_1359], %swap3A_1362 {strides = array<i32>} : memref<50x128xf32, #tpu.memory_space<vmem>>, vector<1x16xf32>,
        %get3A_1363 = arith.index_cast %add3A_1292 : i32 to index
        %get3A_1364 = arith.constant 80 : index
        %get3A_1365 = tpu.vector_load %arg11[%get3A_1363, %get3A_1364] {strides = array<i32>} : memref<50x128xf32, #tpu.memory_space<vmem>>, vector<1x16xf32>,
        %get3A_1366 = vector.shape_cast %get3A_1365 : vector<1x16xf32> to vector<16xf32>
        %get3A_1367 = arith.index_cast %add3A_1292 : i32 to index
        %get3A_1368 = arith.constant 80 : index
        %get3A_1369 = tpu.vector_load %arg12[%get3A_1367, %get3A_1368] {strides = array<i32>} : memref<50x128xf32, #tpu.memory_space<vmem>>, vector<1x16xf32>,
        %get3A_1370 = vector.shape_cast %get3A_1369 : vector<1x16xf32> to vector<16xf32>
        %mul3A_1371 = arith.mulf %get3A_1366, %get3A_1370 : vector<16xf32>
        %swap3A_1372 = arith.index_cast %add3A_1292 : i32 to index
        %swap3A_1373 = arith.constant 80 : index
        %swap3A_1374 = tpu.vector_load %arg14[%swap3A_1372, %swap3A_1373] {strides = array<i32>} : memref<50x128xf32, #tpu.memory_space<vmem>>, vector<1x16xf32>,
        %swap3A_1375 = vector.shape_cast %swap3A_1374 : vector<1x16xf32> to vector<16xf32>
        %swap3A_1376 = vector.shape_cast %mul3A_1371 : vector<16xf32> to vector<1x16xf32>
        tpu.vector_store %arg14[%swap3A_1372, %swap3A_1373], %swap3A_1376 {strides = array<i32>} : memref<50x128xf32, #tpu.memory_space<vmem>>, vector<1x16xf32>,
        %get3A_1377 = arith.index_cast %add3A_1292 : i32 to index
        %get3A_1378 = arith.constant 96 : index
        %get3A_1379 = tpu.vector_load %arg11[%get3A_1377, %get3A_1378] {strides = array<i32>} : memref<50x128xf32, #tpu.memory_space<vmem>>, vector<1x16xf32>,
        %get3A_1380 = vector.shape_cast %get3A_1379 : vector<1x16xf32> to vector<16xf32>
        %get3A_1381 = arith.index_cast %add3A_1292 : i32 to index
        %get3A_1382 = arith.constant 96 : index
        %get3A_1383 = tpu.vector_load %arg12[%get3A_1381, %get3A_1382] {strides = array<i32>} : memref<50x128xf32, #tpu.memory_space<vmem>>, vector<1x16xf32>,
        %get3A_1384 = vector.shape_cast %get3A_1383 : vector<1x16xf32> to vector<16xf32>
        %mul3A_1385 = arith.mulf %get3A_1380, %get3A_1384 : vector<16xf32>
        %swap3A_1386 = arith.index_cast %add3A_1292 : i32 to index
        %swap3A_1387 = arith.constant 96 : index
        %swap3A_1388 = tpu.vector_load %arg14[%swap3A_1386, %swap3A_1387] {strides = array<i32>} : memref<50x128xf32, #tpu.memory_space<vmem>>, vector<1x16xf32>,
        %swap3A_1389 = vector.shape_cast %swap3A_1388 : vector<1x16xf32> to vector<16xf32>
        %swap3A_1390 = vector.shape_cast %mul3A_1385 : vector<16xf32> to vector<1x16xf32>
        tpu.vector_store %arg14[%swap3A_1386, %swap3A_1387], %swap3A_1390 {strides = array<i32>} : memref<50x128xf32, #tpu.memory_space<vmem>>, vector<1x16xf32>,
        %get3A_1391 = arith.index_cast %add3A_1292 : i32 to index
        %get3A_1392 = arith.constant 112 : index
        %get3A_1393 = tpu.vector_load %arg11[%get3A_1391, %get3A_1392] {strides = array<i32>} : memref<50x128xf32, #tpu.memory_space<vmem>>, vector<1x16xf32>,
        %get3A_1394 = vector.shape_cast %get3A_1393 : vector<1x16xf32> to vector<16xf32>
        %get3A_1395 = arith.index_cast %add3A_1292 : i32 to index
        %get3A_1396 = arith.constant 112 : index
        %get3A_1397 = tpu.vector_load %arg12[%get3A_1395, %get3A_1396] {strides = array<i32>} : memref<50x128xf32, #tpu.memory_space<vmem>>, vector<1x16xf32>,
        %get3A_1398 = vector.shape_cast %get3A_1397 : vector<1x16xf32> to vector<16xf32>
        %mul3A_1399 = arith.mulf %get3A_1394, %get3A_1398 : vector<16xf32>
        %swap3A_1400 = arith.index_cast %add3A_1292 : i32 to index
        %swap3A_1401 = arith.constant 112 : index
        %swap3A_1402 = tpu.vector_load %arg14[%swap3A_1400, %swap3A_1401] {strides = array<i32>} : memref<50x128xf32, #tpu.memory_space<vmem>>, vector<1x16xf32>,
        %swap3A_1403 = vector.shape_cast %swap3A_1402 : vector<1x16xf32> to vector<16xf32>
        %swap3A_1404 = vector.shape_cast %mul3A_1399 : vector<16xf32> to vector<1x16xf32>
        tpu.vector_store %arg14[%swap3A_1400, %swap3A_1401], %swap3A_1404 {strides = array<i32>} : memref<50x128xf32, #tpu.memory_space<vmem>>, vector<1x16xf32>,
        %mul3A_1405 = arith.constant 10 : i32
        %mul3A_1406 = arith.muli %scan3A_362, %mul3A_1405 : i32
        %add3A_1407 = arith.constant 9 : i32
        %add3A_1408 = arith.addi %mul3A_1406, %add3A_1407 : i32
        %get3A_1409 = arith.index_cast %add3A_1408 : i32 to index
        %get3A_1410 = arith.constant 0 : index
        %get3A_1411 = tpu.vector_load %arg11[%get3A_1409, %get3A_1410] {strides = array<i32>} : memref<50x128xf32, #tpu.memory_space<vmem>>, vector<1x16xf32>,
        %get3A_1412 = vector.shape_cast %get3A_1411 : vector<1x16xf32> to vector<16xf32>
        %get3A_1413 = arith.index_cast %add3A_1408 : i32 to index
        %get3A_1414 = arith.constant 0 : index
        %get3A_1415 = tpu.vector_load %arg12[%get3A_1413, %get3A_1414] {strides = array<i32>} : memref<50x128xf32, #tpu.memory_space<vmem>>, vector<1x16xf32>,
        %get3A_1416 = vector.shape_cast %get3A_1415 : vector<1x16xf32> to vector<16xf32>
        %mul3A_1417 = arith.mulf %get3A_1412, %get3A_1416 : vector<16xf32>
        %swap3A_1418 = arith.index_cast %add3A_1408 : i32 to index
        %swap3A_1419 = arith.constant 0 : index
        %swap3A_1420 = tpu.vector_load %arg14[%swap3A_1418, %swap3A_1419] {strides = array<i32>} : memref<50x128xf32, #tpu.memory_space<vmem>>, vector<1x16xf32>,
        %swap3A_1421 = vector.shape_cast %swap3A_1420 : vector<1x16xf32> to vector<16xf32>
        %swap3A_1422 = vector.shape_cast %mul3A_1417 : vector<16xf32> to vector<1x16xf32>
        tpu.vector_store %arg14[%swap3A_1418, %swap3A_1419], %swap3A_1422 {strides = array<i32>} : memref<50x128xf32, #tpu.memory_space<vmem>>, vector<1x16xf32>,
        %get3A_1423 = arith.index_cast %add3A_1408 : i32 to index
        %get3A_1424 = arith.constant 16 : index
        %get3A_1425 = tpu.vector_load %arg11[%get3A_1423, %get3A_1424] {strides = array<i32>} : memref<50x128xf32, #tpu.memory_space<vmem>>, vector<1x16xf32>,
        %get3A_1426 = vector.shape_cast %get3A_1425 : vector<1x16xf32> to vector<16xf32>
        %get3A_1427 = arith.index_cast %add3A_1408 : i32 to index
        %get3A_1428 = arith.constant 16 : index
        %get3A_1429 = tpu.vector_load %arg12[%get3A_1427, %get3A_1428] {strides = array<i32>} : memref<50x128xf32, #tpu.memory_space<vmem>>, vector<1x16xf32>,
        %get3A_1430 = vector.shape_cast %get3A_1429 : vector<1x16xf32> to vector<16xf32>
        %mul3A_1431 = arith.mulf %get3A_1426, %get3A_1430 : vector<16xf32>
        %swap3A_1432 = arith.index_cast %add3A_1408 : i32 to index
        %swap3A_1433 = arith.constant 16 : index
        %swap3A_1434 = tpu.vector_load %arg14[%swap3A_1432, %swap3A_1433] {strides = array<i32>} : memref<50x128xf32, #tpu.memory_space<vmem>>, vector<1x16xf32>,
        %swap3A_1435 = vector.shape_cast %swap3A_1434 : vector<1x16xf32> to vector<16xf32>
        %swap3A_1436 = vector.shape_cast %mul3A_1431 : vector<16xf32> to vector<1x16xf32>
        tpu.vector_store %arg14[%swap3A_1432, %swap3A_1433], %swap3A_1436 {strides = array<i32>} : memref<50x128xf32, #tpu.memory_space<vmem>>, vector<1x16xf32>,
        %get3A_1437 = arith.index_cast %add3A_1408 : i32 to index
        %get3A_1438 = arith.constant 32 : index
        %get3A_1439 = tpu.vector_load %arg11[%get3A_1437, %get3A_1438] {strides = array<i32>} : memref<50x128xf32, #tpu.memory_space<vmem>>, vector<1x16xf32>,
        %get3A_1440 = vector.shape_cast %get3A_1439 : vector<1x16xf32> to vector<16xf32>
        %get3A_1441 = arith.index_cast %add3A_1408 : i32 to index
        %get3A_1442 = arith.constant 32 : index
        %get3A_1443 = tpu.vector_load %arg12[%get3A_1441, %get3A_1442] {strides = array<i32>} : memref<50x128xf32, #tpu.memory_space<vmem>>, vector<1x16xf32>,
        %get3A_1444 = vector.shape_cast %get3A_1443 : vector<1x16xf32> to vector<16xf32>
        %mul3A_1445 = arith.mulf %get3A_1440, %get3A_1444 : vector<16xf32>
        %swap3A_1446 = arith.index_cast %add3A_1408 : i32 to index
        %swap3A_1447 = arith.constant 32 : index
        %swap3A_1448 = tpu.vector_load %arg14[%swap3A_1446, %swap3A_1447] {strides = array<i32>} : memref<50x128xf32, #tpu.memory_space<vmem>>, vector<1x16xf32>,
        %swap3A_1449 = vector.shape_cast %swap3A_1448 : vector<1x16xf32> to vector<16xf32>
        %swap3A_1450 = vector.shape_cast %mul3A_1445 : vector<16xf32> to vector<1x16xf32>
        tpu.vector_store %arg14[%swap3A_1446, %swap3A_1447], %swap3A_1450 {strides = array<i32>} : memref<50x128xf32, #tpu.memory_space<vmem>>, vector<1x16xf32>,
        %get3A_1451 = arith.index_cast %add3A_1408 : i32 to index
        %get3A_1452 = arith.constant 48 : index
        %get3A_1453 = tpu.vector_load %arg11[%get3A_1451, %get3A_1452] {strides = array<i32>} : memref<50x128xf32, #tpu.memory_space<vmem>>, vector<1x16xf32>,
        %get3A_1454 = vector.shape_cast %get3A_1453 : vector<1x16xf32> to vector<16xf32>
        %get3A_1455 = arith.index_cast %add3A_1408 : i32 to index
        %get3A_1456 = arith.constant 48 : index
        %get3A_1457 = tpu.vector_load %arg12[%get3A_1455, %get3A_1456] {strides = array<i32>} : memref<50x128xf32, #tpu.memory_space<vmem>>, vector<1x16xf32>,
        %get3A_1458 = vector.shape_cast %get3A_1457 : vector<1x16xf32> to vector<16xf32>
        %mul3A_1459 = arith.mulf %get3A_1454, %get3A_1458 : vector<16xf32>
        %swap3A_1460 = arith.index_cast %add3A_1408 : i32 to index
        %swap3A_1461 = arith.constant 48 : index
        %swap3A_1462 = tpu.vector_load %arg14[%swap3A_1460, %swap3A_1461] {strides = array<i32>} : memref<50x128xf32, #tpu.memory_space<vmem>>, vector<1x16xf32>,
        %swap3A_1463 = vector.shape_cast %swap3A_1462 : vector<1x16xf32> to vector<16xf32>
        %swap3A_1464 = vector.shape_cast %mul3A_1459 : vector<16xf32> to vector<1x16xf32>
        tpu.vector_store %arg14[%swap3A_1460, %swap3A_1461], %swap3A_1464 {strides = array<i32>} : memref<50x128xf32, #tpu.memory_space<vmem>>, vector<1x16xf32>,
        %get3A_1465 = arith.index_cast %add3A_1408 : i32 to index
        %get3A_1466 = arith.constant 64 : index
        %get3A_1467 = tpu.vector_load %arg11[%get3A_1465, %get3A_1466] {strides = array<i32>} : memref<50x128xf32, #tpu.memory_space<vmem>>, vector<1x16xf32>,
        %get3A_1468 = vector.shape_cast %get3A_1467 : vector<1x16xf32> to vector<16xf32>
        %get3A_1469 = arith.index_cast %add3A_1408 : i32 to index
        %get3A_1470 = arith.constant 64 : index
        %get3A_1471 = tpu.vector_load %arg12[%get3A_1469, %get3A_1470] {strides = array<i32>} : memref<50x128xf32, #tpu.memory_space<vmem>>, vector<1x16xf32>,
        %get3A_1472 = vector.shape_cast %get3A_1471 : vector<1x16xf32> to vector<16xf32>
        %mul3A_1473 = arith.mulf %get3A_1468, %get3A_1472 : vector<16xf32>
        %swap3A_1474 = arith.index_cast %add3A_1408 : i32 to index
        %swap3A_1475 = arith.constant 64 : index
        %swap3A_1476 = tpu.vector_load %arg14[%swap3A_1474, %swap3A_1475] {strides = array<i32>} : memref<50x128xf32, #tpu.memory_space<vmem>>, vector<1x16xf32>,
        %swap3A_1477 = vector.shape_cast %swap3A_1476 : vector<1x16xf32> to vector<16xf32>
        %swap3A_1478 = vector.shape_cast %mul3A_1473 : vector<16xf32> to vector<1x16xf32>
        tpu.vector_store %arg14[%swap3A_1474, %swap3A_1475], %swap3A_1478 {strides = array<i32>} : memref<50x128xf32, #tpu.memory_space<vmem>>, vector<1x16xf32>,
        %get3A_1479 = arith.index_cast %add3A_1408 : i32 to index
        %get3A_1480 = arith.constant 80 : index
        %get3A_1481 = tpu.vector_load %arg11[%get3A_1479, %get3A_1480] {strides = array<i32>} : memref<50x128xf32, #tpu.memory_space<vmem>>, vector<1x16xf32>,
        %get3A_1482 = vector.shape_cast %get3A_1481 : vector<1x16xf32> to vector<16xf32>
        %get3A_1483 = arith.index_cast %add3A_1408 : i32 to index
        %get3A_1484 = arith.constant 80 : index
        %get3A_1485 = tpu.vector_load %arg12[%get3A_1483, %get3A_1484] {strides = array<i32>} : memref<50x128xf32, #tpu.memory_space<vmem>>, vector<1x16xf32>,
        %get3A_1486 = vector.shape_cast %get3A_1485 : vector<1x16xf32> to vector<16xf32>
        %mul3A_1487 = arith.mulf %get3A_1482, %get3A_1486 : vector<16xf32>
        %swap3A_1488 = arith.index_cast %add3A_1408 : i32 to index
        %swap3A_1489 = arith.constant 80 : index
        %swap3A_1490 = tpu.vector_load %arg14[%swap3A_1488, %swap3A_1489] {strides = array<i32>} : memref<50x128xf32, #tpu.memory_space<vmem>>, vector<1x16xf32>,
        %swap3A_1491 = vector.shape_cast %swap3A_1490 : vector<1x16xf32> to vector<16xf32>
        %swap3A_1492 = vector.shape_cast %mul3A_1487 : vector<16xf32> to vector<1x16xf32>
        tpu.vector_store %arg14[%swap3A_1488, %swap3A_1489], %swap3A_1492 {strides = array<i32>} : memref<50x128xf32, #tpu.memory_space<vmem>>, vector<1x16xf32>,
        %get3A_1493 = arith.index_cast %add3A_1408 : i32 to index
        %get3A_1494 = arith.constant 96 : index
        %get3A_1495 = tpu.vector_load %arg11[%get3A_1493, %get3A_1494] {strides = array<i32>} : memref<50x128xf32, #tpu.memory_space<vmem>>, vector<1x16xf32>,
        %get3A_1496 = vector.shape_cast %get3A_1495 : vector<1x16xf32> to vector<16xf32>
        %get3A_1497 = arith.index_cast %add3A_1408 : i32 to index
        %get3A_1498 = arith.constant 96 : index
        %get3A_1499 = tpu.vector_load %arg12[%get3A_1497, %get3A_1498] {strides = array<i32>} : memref<50x128xf32, #tpu.memory_space<vmem>>, vector<1x16xf32>,
        %get3A_1500 = vector.shape_cast %get3A_1499 : vector<1x16xf32> to vector<16xf32>
        %mul3A_1501 = arith.mulf %get3A_1496, %get3A_1500 : vector<16xf32>
        %swap3A_1502 = arith.index_cast %add3A_1408 : i32 to index
        %swap3A_1503 = arith.constant 96 : index
        %swap3A_1504 = tpu.vector_load %arg14[%swap3A_1502, %swap3A_1503] {strides = array<i32>} : memref<50x128xf32, #tpu.memory_space<vmem>>, vector<1x16xf32>,
        %swap3A_1505 = vector.shape_cast %swap3A_1504 : vector<1x16xf32> to vector<16xf32>
        %swap3A_1506 = vector.shape_cast %mul3A_1501 : vector<16xf32> to vector<1x16xf32>
        tpu.vector_store %arg14[%swap3A_1502, %swap3A_1503], %swap3A_1506 {strides = array<i32>} : memref<50x128xf32, #tpu.memory_space<vmem>>, vector<1x16xf32>,
        %get3A_1507 = arith.index_cast %add3A_1408 : i32 to index
        %get3A_1508 = arith.constant 112 : index
        %get3A_1509 = tpu.vector_load %arg11[%get3A_1507, %get3A_1508] {strides = array<i32>} : memref<50x128xf32, #tpu.memory_space<vmem>>, vector<1x16xf32>,
        %get3A_1510 = vector.shape_cast %get3A_1509 : vector<1x16xf32> to vector<16xf32>
        %get3A_1511 = arith.index_cast %add3A_1408 : i32 to index
        %get3A_1512 = arith.constant 112 : index
        %get3A_1513 = tpu.vector_load %arg12[%get3A_1511, %get3A_1512] {strides = array<i32>} : memref<50x128xf32, #tpu.memory_space<vmem>>, vector<1x16xf32>,
        %get3A_1514 = vector.shape_cast %get3A_1513 : vector<1x16xf32> to vector<16xf32>
        %mul3A_1515 = arith.mulf %get3A_1510, %get3A_1514 : vector<16xf32>
        %swap3A_1516 = arith.index_cast %add3A_1408 : i32 to index
        %swap3A_1517 = arith.constant 112 : index
        %swap3A_1518 = tpu.vector_load %arg14[%swap3A_1516, %swap3A_1517] {strides = array<i32>} : memref<50x128xf32, #tpu.memory_space<vmem>>, vector<1x16xf32>,
        %swap3A_1519 = vector.shape_cast %swap3A_1518 : vector<1x16xf32> to vector<16xf32>
        %swap3A_1520 = vector.shape_cast %mul3A_1515 : vector<16xf32> to vector<1x16xf32>
        tpu.vector_store %arg14[%swap3A_1516, %swap3A_1517], %swap3A_1520 {strides = array<i32>} : memref<50x128xf32, #tpu.memory_space<vmem>>, vector<1x16xf32>,
      }
      %scan3A_345 = arith.constant 5 : i32
      %lt3A_346 = arith.constant 99 : i32
      %lt3A_347 = arith.cmpi slt, %scan3A_256, %lt3A_346 : i32
      %convert_element_type3A_348 = arith.extui %lt3A_347 : i1 to i32
      %cond3A_349 = arith.constant 0 : i32
      %cond3A_350 = arith.cmpi ne, %convert_element_type3A_348, %cond3A_349 : i32
      scf.if %cond3A_350 {
        %add3A_362 = arith.constant 3 : i32
        %add3A_363 = arith.addi %mul3A_258, %add3A_362 : i32
        %rem3A_364 = arith.constant 20 : i32
        %rem3A_365 = arith.remsi %add3A_363, %rem3A_364 : i32
        %dma_start3A_366 = arith.constant 0 : i32
        %dma_start3A_367 = arith.constant 0 : i32
        %dma_start3A_368 = tpu.memref_slice %arg7[%rem3A_365, %dma_start3A_366, %dma_start3A_367] : memref<20x1x50xi32, #tpu.memory_space<vmem>> -> memref<1x1x50xi32, #tpu.memory_space<vmem>>
        %dma_start3A_369 = tpu.memref_squeeze %dma_start3A_368 : memref<1x1x50xi32, #tpu.memory_space<vmem>> -> memref<50xi32, #tpu.memory_space<vmem>>
        %dma_start3A_370 = arith.constant 0 : i32
        %dma_start3A_371 = arith.constant 0 : i32
        %dma_start3A_372 = tpu.memref_slice %arg2[%dma_start3A_370, %dma_start3A_371] : memref<10000x128xf32, #tpu.memory_space<hbm>> -> memref<10000x128xf32, #tpu.memory_space<hbm>>
        tpu.enqueue_indirect_dma source(%dma_start3A_372 : memref<10000x128xf32, #tpu.memory_space<hbm>>) target(%arg11 : memref<50x128xf32, #tpu.memory_space<vmem>>) offsets(%dma_start3A_369 : memref<50xi32, #tpu.memory_space<vmem>>) semaphore(%arg18 : memref<!tpu.dma_semaphore, #tpu.memory_space<semaphore_mem>>)
        %dma_start3A_373 = arith.constant 0 : i32
        %dma_start3A_374 = arith.constant 0 : i32
        %dma_start3A_375 = tpu.memref_slice %arg8[%rem3A_365, %dma_start3A_373, %dma_start3A_374] : memref<20x1x50xi32, #tpu.memory_space<vmem>> -> memref<1x1x50xi32, #tpu.memory_space<vmem>>
        %dma_start3A_376 = tpu.memref_squeeze %dma_start3A_375 : memref<1x1x50xi32, #tpu.memory_space<vmem>> -> memref<50xi32, #tpu.memory_space<vmem>>
        %dma_start3A_377 = arith.constant 0 : i32
        %dma_start3A_378 = arith.constant 0 : i32
        %dma_start3A_379 = tpu.memref_slice %arg3[%dma_start3A_377, %dma_start3A_378] : memref<10000x128xf32, #tpu.memory_space<hbm>> -> memref<10000x128xf32, #tpu.memory_space<hbm>>
        tpu.enqueue_indirect_dma source(%dma_start3A_379 : memref<10000x128xf32, #tpu.memory_space<hbm>>) target(%arg12 : memref<50x128xf32, #tpu.memory_space<vmem>>) offsets(%dma_start3A_376 : memref<50xi32, #tpu.memory_space<vmem>>) semaphore(%arg19 : memref<!tpu.dma_semaphore, #tpu.memory_space<semaphore_mem>>)
      } else {
      }
      %add3A_351 = arith.constant 1 : i32
      %add3A_352 = arith.addi %mul3A_258, %add3A_351 : i32
      %rem3A_353 = arith.constant 20 : i32
      %rem3A_354 = arith.remsi %add3A_352, %rem3A_353 : i32
      %dma_start3A_355 = arith.constant 0 : i32
      %dma_start3A_356 = arith.constant 0 : i32
      %dma_start3A_357 = tpu.memref_slice %arg6[%rem3A_354, %dma_start3A_355, %dma_start3A_356] : memref<20x1x50xi32, #tpu.memory_space<vmem>> -> memref<1x1x50xi32, #tpu.memory_space<vmem>>
      %dma_start3A_358 = tpu.memref_squeeze %dma_start3A_357 : memref<1x1x50xi32, #tpu.memory_space<vmem>> -> memref<50xi32, #tpu.memory_space<vmem>>
      %dma_start3A_359 = arith.constant 0 : i32
      %dma_start3A_360 = arith.constant 0 : i32
      %dma_start3A_361 = tpu.memref_slice %arg15[%dma_start3A_359, %dma_start3A_360] : memref<10000x128xf32, #tpu.memory_space<vmem_shared>> -> memref<10000x128xf32, #tpu.memory_space<vmem_shared>>
      tpu.enqueue_indirect_dma source(%arg14 : memref<50x128xf32, #tpu.memory_space<vmem>>) target(%dma_start3A_361 : memref<10000x128xf32, #tpu.memory_space<vmem_shared>>) offsets(%dma_start3A_358 : memref<50xi32, #tpu.memory_space<vmem>>) semaphore(%arg21 : memref<!tpu.dma_semaphore, #tpu.memory_space<semaphore_mem>>) {add = true}
    }
    %scan3A_222 = arith.constant 100 : i32
    %rem3A_223 = arith.constant 198 : i32
    %rem3A_224 = arith.constant 20 : i32
    %rem3A_225 = arith.remsi %rem3A_223, %rem3A_224 : i32
    %dma_wait3A_226 = arith.constant 0 : i32
    %dma_wait3A_227 = arith.constant 0 : i32
    %dma_wait3A_228 = tpu.memref_slice %arg6[%rem3A_225, %dma_wait3A_226, %dma_wait3A_227] : memref<20x1x50xi32, #tpu.memory_space<vmem>> -> memref<1x1x50xi32, #tpu.memory_space<vmem>>
    %dma_wait3A_229 = tpu.memref_squeeze %dma_wait3A_228 : memref<1x1x50xi32, #tpu.memory_space<vmem>> -> memref<50xi32, #tpu.memory_space<vmem>>
    %dma_wait3A_230 = arith.constant 0 : i32
    %dma_wait3A_231 = arith.constant 0 : i32
    %dma_wait3A_232 = tpu.memref_slice %arg15[%dma_wait3A_230, %dma_wait3A_231] : memref<10000x128xf32, #tpu.memory_space<vmem_shared>> -> memref<10000x128xf32, #tpu.memory_space<vmem_shared>>
    tpu.wait_indirect_dma semaphore(%arg20 : memref<!tpu.dma_semaphore, #tpu.memory_space<semaphore_mem>>) src(%arg13 : memref<50x128xf32, #tpu.memory_space<vmem>>) dst(%dma_wait3A_232 : memref<10000x128xf32, #tpu.memory_space<vmem_shared>>)
    %rem3A_233 = arith.constant 199 : i32
    %rem3A_234 = arith.constant 20 : i32
    %rem3A_235 = arith.remsi %rem3A_233, %rem3A_234 : i32
    %dma_wait3A_236 = arith.constant 0 : i32
    %dma_wait3A_237 = arith.constant 0 : i32
    %dma_wait3A_238 = tpu.memref_slice %arg6[%rem3A_235, %dma_wait3A_236, %dma_wait3A_237] : memref<20x1x50xi32, #tpu.memory_space<vmem>> -> memref<1x1x50xi32, #tpu.memory_space<vmem>>
    %dma_wait3A_239 = tpu.memref_squeeze %dma_wait3A_238 : memref<1x1x50xi32, #tpu.memory_space<vmem>> -> memref<50xi32, #tpu.memory_space<vmem>>
    %dma_wait3A_240 = arith.constant 0 : i32
    %dma_wait3A_241 = arith.constant 0 : i32
    %dma_wait3A_242 = tpu.memref_slice %arg15[%dma_wait3A_240, %dma_wait3A_241] : memref<10000x128xf32, #tpu.memory_space<vmem_shared>> -> memref<10000x128xf32, #tpu.memory_space<vmem_shared>>
    tpu.wait_indirect_dma semaphore(%arg21 : memref<!tpu.dma_semaphore, #tpu.memory_space<semaphore_mem>>) src(%arg14 : memref<50x128xf32, #tpu.memory_space<vmem>>) dst(%dma_wait3A_242 : memref<10000x128xf32, #tpu.memory_space<vmem_shared>>)
    %barrier3A_243 = arith.constant 0 : index
    tpu.barrier barrier_id(%barrier3A_243)
    %scan3A_244 = arith.constant 0 : i32
    %scan3A_245 = arith.constant 0 : i32
    %scan3A_246 = arith.constant 16 : i32
    %scan3A_247 = arith.addi %scan3A_245, %scan3A_246 : i32
    %scan3A_248 = arith.constant 1 : i32
    scf.for %scan3A_256 = %scan3A_245 to %scan3A_247 step %scan3A_248  : i32 {
      %mul3A_257 = arith.constant 16 : i32
      %mul3A_258 = arith.muli %scan3A_256, %mul3A_257 : i32
      %add3A_259 = arith.addi %arg1, %mul3A_258 : i32
      %lt3A = arith.constant 250 : i32
      %lt3A_260 = arith.cmpi slt, %add3A_259, %lt3A : i32
      %convert_element_type3A = arith.extui %lt3A_260 : i1 to i32
      %cond3A = arith.constant 0 : i32
      %cond3A_261 = arith.cmpi ne, %convert_element_type3A, %cond3A : i32
      scf.if %cond3A_261 {
        %mul3A_262 = arith.constant 40 : i32
        %mul3A_263 = arith.muli %add3A_259, %mul3A_262 : i32
        %multiple_of3A = tpu.assume_multiple %mul3A_263, 8 : i32
        %dma_start3A_264 = arith.constant 0 : i32
        %dma_start3A_265 = tpu.memref_slice %arg5[%arg0, %multiple_of3A, %dma_start3A_264] : memref<2x10000x128xf32, #tpu.memory_space<hbm>> -> memref<1x40x128xf32, #tpu.memory_space<hbm>>
        %dma_start3A_266 = tpu.memref_squeeze %dma_start3A_265 : memref<1x40x128xf32, #tpu.memory_space<hbm>> -> memref<40x128xf32, #tpu.memory_space<hbm>>
        %dma_start3A_267 = arith.constant 0 : i32
        %dma_start3A_268 = tpu.memref_slice %arg15[%multiple_of3A, %dma_start3A_267] : memref<10000x128xf32, #tpu.memory_space<vmem_shared>> -> memref<40x128xf32, #tpu.memory_space<vmem_shared>>
        tpu.enqueue_dma source(%dma_start3A_268 : memref<40x128xf32, #tpu.memory_space<vmem_shared>>) target(%dma_start3A_266 : memref<40x128xf32, #tpu.memory_space<hbm>>) target_semaphore(%arg23 : memref<!tpu.dma_semaphore, #tpu.memory_space<semaphore_mem>>)
      } else {
      }
    }
    %scan3A_249 = arith.constant 16 : i32
    %scan3A_250 = arith.constant 0 : i32
    %scan3A_251 = arith.constant 0 : i32
    %scan3A_252 = arith.constant 16 : i32
    %scan3A_253 = arith.addi %scan3A_251, %scan3A_252 : i32
    %scan3A_254 = arith.constant 1 : i32
    scf.for %scan3A_256 = %scan3A_251 to %scan3A_253 step %scan3A_254  : i32 {
      %mul3A_257 = arith.constant 16 : i32
      %mul3A_258 = arith.muli %scan3A_256, %mul3A_257 : i32
      %add3A_259 = arith.addi %arg1, %mul3A_258 : i32
      %lt3A = arith.constant 250 : i32
      %lt3A_260 = arith.cmpi slt, %add3A_259, %lt3A : i32
      %convert_element_type3A = arith.extui %lt3A_260 : i1 to i32
      %cond3A = arith.constant 0 : i32
      %cond3A_261 = arith.cmpi ne, %convert_element_type3A, %cond3A : i32
      scf.if %cond3A_261 {
        %mul3A_262 = arith.constant 40 : i32
        %mul3A_263 = arith.muli %add3A_259, %mul3A_262 : i32
        %multiple_of3A = tpu.assume_multiple %mul3A_263, 8 : i32
        %dma_wait3A_264 = arith.constant 0 : i32
        %dma_wait3A_265 = tpu.memref_slice %arg5[%arg0, %multiple_of3A, %dma_wait3A_264] : memref<2x10000x128xf32, #tpu.memory_space<hbm>> -> memref<1x40x128xf32, #tpu.memory_space<hbm>>
        %dma_wait3A_266 = tpu.memref_squeeze %dma_wait3A_265 : memref<1x40x128xf32, #tpu.memory_space<hbm>> -> memref<40x128xf32, #tpu.memory_space<hbm>>
        %dma_wait3A_267 = arith.constant 0 : i32
        %dma_wait3A_268 = tpu.memref_slice %arg15[%multiple_of3A, %dma_wait3A_267] : memref<10000x128xf32, #tpu.memory_space<vmem_shared>> -> memref<40x128xf32, #tpu.memory_space<vmem_shared>>
        tpu.wait_dma2 semaphore(%arg23 : memref<!tpu.dma_semaphore, #tpu.memory_space<semaphore_mem>>) src(%dma_wait3A_268 : memref<40x128xf32, #tpu.memory_space<vmem_shared>>) dst(%dma_wait3A_266 : memref<40x128xf32, #tpu.memory_space<hbm>>)
      } else {
      }
    }
    %scan3A_255 = arith.constant 16 : i32
    return
  }
}

module attributes {stable_mosaic.version = 14 : i64} {
  func.func @_mlp_pair_body(%arg0: memref<10000x128xf32, #tpu.memory_space<vmem>>, %arg1: memref<128x128xf32, #tpu.memory_space<vmem>>, %arg2: memref<1x128xf32, #tpu.memory_space<vmem>>, %arg3: memref<1x128xf32, #tpu.memory_space<vmem>>, %arg4: memref<1x128xf32, #tpu.memory_space<vmem>>, %arg5: memref<128x128xf32, #tpu.memory_space<vmem>>, %arg6: memref<1x128xf32, #tpu.memory_space<vmem>>, %arg7: memref<128x128xf32, #tpu.memory_space<vmem>>, %arg8: memref<1x128xf32, #tpu.memory_space<vmem>>, %arg9: memref<1x128xf32, #tpu.memory_space<vmem>>, %arg10: memref<1x128xf32, #tpu.memory_space<vmem>>, %arg11: memref<128x128xf32, #tpu.memory_space<vmem>>, %arg12: memref<1x128xf32, #tpu.memory_space<vmem>>, %arg13: memref<10000x128xf32, #tpu.memory_space<vmem>>, %arg14: memref<10000x128xf32, #tpu.memory_space<vmem>>) attributes {dimension_semantics = [], scalar_prefetch = 0 : i64, scratch_operands = 0 : i64, tpu.core_type = #tpu.core_type<tc>} {
    %get3A = arith.constant 0 : index
    %get3A_0 = arith.constant 0 : index
    %get3A_1 = vector.load %arg0[%get3A, %get3A_0] : memref<10000x128xf32, #tpu.memory_space<vmem>>, vector<10000x128xf32>
    %get3A_2 = arith.constant 0 : index
    %get3A_3 = arith.constant 0 : index
    %get3A_4 = vector.load %arg1[%get3A_2, %get3A_3] : memref<128x128xf32, #tpu.memory_space<vmem>>, vector<128x128xf32>
    %dot_general3A = arith.constant dense<0.000000e+00> : vector<10000x128xf32>
    %dot_general3A_5 = tpu.matmul %get3A_1, %get3A_4, %dot_general3A {dimension_numbers = #tpu.dot_dimension_numbers<[1], [0], [0], [1], [0, 0, 1, 1], [], []>, transpose_lhs_hint = false} : vector<10000x128xf32>, vector<128x128xf32>, vector<10000x128xf32> -> vector<10000x128xf32>
    %get3A_6 = arith.constant 0 : index
    %get3A_7 = arith.constant 0 : index
    %get3A_8 = vector.load %arg2[%get3A_6, %get3A_7] : memref<1x128xf32, #tpu.memory_space<vmem>>, vector<1x128xf32>
    %add3A = vector.broadcast %get3A_8 : vector<1x128xf32> to vector<10000x128xf32>
    %add3A_9 = arith.addf %dot_general3A_5, %add3A : vector<10000x128xf32>
    %get3A_10 = arith.constant 0 : index
    %get3A_11 = arith.constant 0 : index
    %get3A_12 = vector.load %arg3[%get3A_10, %get3A_11] : memref<1x128xf32, #tpu.memory_space<vmem>>, vector<1x128xf32>
    %get3A_13 = arith.constant 0 : index
    %get3A_14 = arith.constant 0 : index
    %get3A_15 = vector.load %arg4[%get3A_13, %get3A_14] : memref<1x128xf32, #tpu.memory_space<vmem>>, vector<1x128xf32>
    %reduce_sum3A = arith.constant dense<0.000000e+00> : vector<128xf32>
    %reduce_sum3A_16 = vector.multi_reduction <add>, %add3A_9, %reduce_sum3A [0] : vector<10000x128xf32> to vector<128xf32>
    %broadcast_in_dim3A = vector.shape_cast %reduce_sum3A_16 : vector<128xf32> to vector<1x128xf32>
    %div3A = arith.constant 1.000000e+04 : f32
    %div3A_17 = vector.broadcast %div3A : f32 to vector<1x128xf32>
    %div3A_18 = arith.divf %broadcast_in_dim3A, %div3A_17 : vector<1x128xf32>
    %sub3A = vector.broadcast %div3A_18 : vector<1x128xf32> to vector<10000x128xf32>
    %sub3A_19 = arith.subf %add3A_9, %sub3A : vector<10000x128xf32>
    %sub3A_20 = vector.broadcast %div3A_18 : vector<1x128xf32> to vector<10000x128xf32>
    %sub3A_21 = arith.subf %add3A_9, %sub3A_20 : vector<10000x128xf32>
    %mul3A = arith.mulf %sub3A_19, %sub3A_21 : vector<10000x128xf32>
    %reduce_sum3A_22 = arith.constant dense<0.000000e+00> : vector<128xf32>
    %reduce_sum3A_23 = vector.multi_reduction <add>, %mul3A, %reduce_sum3A_22 [0] : vector<10000x128xf32> to vector<128xf32>
    %broadcast_in_dim3A_24 = vector.shape_cast %reduce_sum3A_23 : vector<128xf32> to vector<1x128xf32>
    %div3A_25 = arith.constant 1.000000e+04 : f32
    %div3A_26 = vector.broadcast %div3A_25 : f32 to vector<1x128xf32>
    %div3A_27 = arith.divf %broadcast_in_dim3A_24, %div3A_26 : vector<1x128xf32>
    %sub3A_28 = vector.broadcast %div3A_18 : vector<1x128xf32> to vector<10000x128xf32>
    %sub3A_29 = arith.subf %add3A_9, %sub3A_28 : vector<10000x128xf32>
    %add3A_30 = arith.constant 9.99999974E-6 : f32
    %add3A_31 = vector.broadcast %add3A_30 : f32 to vector<1x128xf32>
    %add3A_32 = arith.addf %div3A_27, %add3A_31 : vector<1x128xf32>
    %rsqrt3A = math.rsqrt %add3A_32 : vector<1x128xf32>
    %mul3A_33 = vector.broadcast %rsqrt3A : vector<1x128xf32> to vector<10000x128xf32>
    %mul3A_34 = arith.mulf %sub3A_29, %mul3A_33 : vector<10000x128xf32>
    %mul3A_35 = vector.broadcast %get3A_12 : vector<1x128xf32> to vector<10000x128xf32>
    %mul3A_36 = arith.mulf %mul3A_34, %mul3A_35 : vector<10000x128xf32>
    %add3A_37 = vector.broadcast %get3A_15 : vector<1x128xf32> to vector<10000x128xf32>
    %add3A_38 = arith.addf %mul3A_36, %add3A_37 : vector<10000x128xf32>
    %max3A = arith.constant 0.000000e+00 : f32
    %max3A_39 = vector.broadcast %max3A : f32 to vector<10000x128xf32>
    %max3A_40 = arith.maximumf %add3A_38, %max3A_39 : vector<10000x128xf32>
    %get3A_41 = arith.constant 0 : index
    %get3A_42 = arith.constant 0 : index
    %get3A_43 = vector.load %arg5[%get3A_41, %get3A_42] : memref<128x128xf32, #tpu.memory_space<vmem>>, vector<128x128xf32>
    %dot_general3A_44 = arith.constant dense<0.000000e+00> : vector<10000x128xf32>
    %dot_general3A_45 = tpu.matmul %max3A_40, %get3A_43, %dot_general3A_44 {dimension_numbers = #tpu.dot_dimension_numbers<[1], [0], [0], [1], [0, 0, 1, 1], [], []>, transpose_lhs_hint = false} : vector<10000x128xf32>, vector<128x128xf32>, vector<10000x128xf32> -> vector<10000x128xf32>
    %get3A_46 = arith.constant 0 : index
    %get3A_47 = arith.constant 0 : index
    %get3A_48 = vector.load %arg6[%get3A_46, %get3A_47] : memref<1x128xf32, #tpu.memory_space<vmem>>, vector<1x128xf32>
    %add3A_49 = vector.broadcast %get3A_48 : vector<1x128xf32> to vector<10000x128xf32>
    %add3A_50 = arith.addf %dot_general3A_45, %add3A_49 : vector<10000x128xf32>
    %swap3A = arith.constant 0 : index
    %swap3A_51 = arith.constant 0 : index
    %swap3A_52 = vector.load %arg13[%swap3A, %swap3A_51] : memref<10000x128xf32, #tpu.memory_space<vmem>>, vector<10000x128xf32>
    tpu.vector_store %arg13[%swap3A, %swap3A_51], %add3A_50 {strides = array<i32>} : memref<10000x128xf32, #tpu.memory_space<vmem>>, vector<10000x128xf32>,
    %get3A_53 = arith.constant 0 : index
    %get3A_54 = arith.constant 0 : index
    %get3A_55 = vector.load %arg7[%get3A_53, %get3A_54] : memref<128x128xf32, #tpu.memory_space<vmem>>, vector<128x128xf32>
    %dot_general3A_56 = arith.constant dense<0.000000e+00> : vector<10000x128xf32>
    %dot_general3A_57 = tpu.matmul %get3A_1, %get3A_55, %dot_general3A_56 {dimension_numbers = #tpu.dot_dimension_numbers<[1], [0], [0], [1], [0, 0, 1, 1], [], []>, transpose_lhs_hint = false} : vector<10000x128xf32>, vector<128x128xf32>, vector<10000x128xf32> -> vector<10000x128xf32>
    %get3A_58 = arith.constant 0 : index
    %get3A_59 = arith.constant 0 : index
    %get3A_60 = vector.load %arg8[%get3A_58, %get3A_59] : memref<1x128xf32, #tpu.memory_space<vmem>>, vector<1x128xf32>
    %add3A_61 = vector.broadcast %get3A_60 : vector<1x128xf32> to vector<10000x128xf32>
    %add3A_62 = arith.addf %dot_general3A_57, %add3A_61 : vector<10000x128xf32>
    %get3A_63 = arith.constant 0 : index
    %get3A_64 = arith.constant 0 : index
    %get3A_65 = vector.load %arg9[%get3A_63, %get3A_64] : memref<1x128xf32, #tpu.memory_space<vmem>>, vector<1x128xf32>
    %get3A_66 = arith.constant 0 : index
    %get3A_67 = arith.constant 0 : index
    %get3A_68 = vector.load %arg10[%get3A_66, %get3A_67] : memref<1x128xf32, #tpu.memory_space<vmem>>, vector<1x128xf32>
    %reduce_sum3A_69 = arith.constant dense<0.000000e+00> : vector<128xf32>
    %reduce_sum3A_70 = vector.multi_reduction <add>, %add3A_62, %reduce_sum3A_69 [0] : vector<10000x128xf32> to vector<128xf32>
    %broadcast_in_dim3A_71 = vector.shape_cast %reduce_sum3A_70 : vector<128xf32> to vector<1x128xf32>
    %div3A_72 = arith.constant 1.000000e+04 : f32
    %div3A_73 = vector.broadcast %div3A_72 : f32 to vector<1x128xf32>
    %div3A_74 = arith.divf %broadcast_in_dim3A_71, %div3A_73 : vector<1x128xf32>
    %sub3A_75 = vector.broadcast %div3A_74 : vector<1x128xf32> to vector<10000x128xf32>
    %sub3A_76 = arith.subf %add3A_62, %sub3A_75 : vector<10000x128xf32>
    %sub3A_77 = vector.broadcast %div3A_74 : vector<1x128xf32> to vector<10000x128xf32>
    %sub3A_78 = arith.subf %add3A_62, %sub3A_77 : vector<10000x128xf32>
    %mul3A_79 = arith.mulf %sub3A_76, %sub3A_78 : vector<10000x128xf32>
    %reduce_sum3A_80 = arith.constant dense<0.000000e+00> : vector<128xf32>
    %reduce_sum3A_81 = vector.multi_reduction <add>, %mul3A_79, %reduce_sum3A_80 [0] : vector<10000x128xf32> to vector<128xf32>
    %broadcast_in_dim3A_82 = vector.shape_cast %reduce_sum3A_81 : vector<128xf32> to vector<1x128xf32>
    %div3A_83 = arith.constant 1.000000e+04 : f32
    %div3A_84 = vector.broadcast %div3A_83 : f32 to vector<1x128xf32>
    %div3A_85 = arith.divf %broadcast_in_dim3A_82, %div3A_84 : vector<1x128xf32>
    %sub3A_86 = vector.broadcast %div3A_74 : vector<1x128xf32> to vector<10000x128xf32>
    %sub3A_87 = arith.subf %add3A_62, %sub3A_86 : vector<10000x128xf32>
    %add3A_88 = arith.constant 9.99999974E-6 : f32
    %add3A_89 = vector.broadcast %add3A_88 : f32 to vector<1x128xf32>
    %add3A_90 = arith.addf %div3A_85, %add3A_89 : vector<1x128xf32>
    %rsqrt3A_91 = math.rsqrt %add3A_90 : vector<1x128xf32>
    %mul3A_92 = vector.broadcast %rsqrt3A_91 : vector<1x128xf32> to vector<10000x128xf32>
    %mul3A_93 = arith.mulf %sub3A_87, %mul3A_92 : vector<10000x128xf32>
    %mul3A_94 = vector.broadcast %get3A_65 : vector<1x128xf32> to vector<10000x128xf32>
    %mul3A_95 = arith.mulf %mul3A_93, %mul3A_94 : vector<10000x128xf32>
    %add3A_96 = vector.broadcast %get3A_68 : vector<1x128xf32> to vector<10000x128xf32>
    %add3A_97 = arith.addf %mul3A_95, %add3A_96 : vector<10000x128xf32>
    %max3A_98 = arith.constant 0.000000e+00 : f32
    %max3A_99 = vector.broadcast %max3A_98 : f32 to vector<10000x128xf32>
    %max3A_100 = arith.maximumf %add3A_97, %max3A_99 : vector<10000x128xf32>
    %get3A_101 = arith.constant 0 : index
    %get3A_102 = arith.constant 0 : index
    %get3A_103 = vector.load %arg11[%get3A_101, %get3A_102] : memref<128x128xf32, #tpu.memory_space<vmem>>, vector<128x128xf32>
    %dot_general3A_104 = arith.constant dense<0.000000e+00> : vector<10000x128xf32>
    %dot_general3A_105 = tpu.matmul %max3A_100, %get3A_103, %dot_general3A_104 {dimension_numbers = #tpu.dot_dimension_numbers<[1], [0], [0], [1], [0, 0, 1, 1], [], []>, transpose_lhs_hint = false} : vector<10000x128xf32>, vector<128x128xf32>, vector<10000x128xf32> -> vector<10000x128xf32>
    %get3A_106 = arith.constant 0 : index
    %get3A_107 = arith.constant 0 : index
    %get3A_108 = vector.load %arg12[%get3A_106, %get3A_107] : memref<1x128xf32, #tpu.memory_space<vmem>>, vector<1x128xf32>
    %add3A_109 = vector.broadcast %get3A_108 : vector<1x128xf32> to vector<10000x128xf32>
    %add3A_110 = arith.addf %dot_general3A_105, %add3A_109 : vector<10000x128xf32>
    %swap3A_111 = arith.constant 0 : index
    %swap3A_112 = arith.constant 0 : index
    %swap3A_113 = vector.load %arg14[%swap3A_111, %swap3A_112] : memref<10000x128xf32, #tpu.memory_space<vmem>>, vector<10000x128xf32>
    tpu.vector_store %arg14[%swap3A_111, %swap3A_112], %add3A_110 {strides = array<i32>} : memref<10000x128xf32, #tpu.memory_space<vmem>>, vector<10000x128xf32>,
    return
  }
}

module attributes {stable_mosaic.version = 14 : i64} {
  func.func @_upd_body(%arg0: memref<10000x128xf32, #tpu.memory_space<vmem>>, %arg1: memref<2x10000x128xf32, #tpu.memory_space<vmem>>, %arg2: memref<128x128xf32, #tpu.memory_space<vmem>>, %arg3: memref<128x128xf32, #tpu.memory_space<vmem>>, %arg4: memref<1x128xf32, #tpu.memory_space<vmem>>, %arg5: memref<1x128xf32, #tpu.memory_space<vmem>>, %arg6: memref<1x128xf32, #tpu.memory_space<vmem>>, %arg7: memref<128x128xf32, #tpu.memory_space<vmem>>, %arg8: memref<1x128xf32, #tpu.memory_space<vmem>>, %arg9: memref<10000x128xf32, #tpu.memory_space<vmem>>) attributes {dimension_semantics = [], scalar_prefetch = 0 : i64, scratch_operands = 0 : i64, tpu.core_type = #tpu.core_type<tc>} {
    %get3A = arith.constant 0 : index
    %get3A_0 = arith.constant 0 : index
    %get3A_1 = vector.load %arg0[%get3A, %get3A_0] : memref<10000x128xf32, #tpu.memory_space<vmem>>, vector<10000x128xf32>
    %get3A_2 = arith.constant 0 : index
    %get3A_3 = arith.constant 0 : index
    %get3A_4 = arith.constant 0 : index
    %get3A_5 = vector.load %arg1[%get3A_2, %get3A_3, %get3A_4] : memref<2x10000x128xf32, #tpu.memory_space<vmem>>, vector<1x10000x128xf32>
    %get3A_6 = vector.shape_cast %get3A_5 : vector<1x10000x128xf32> to vector<10000x128xf32>
    %get3A_7 = arith.constant 1 : index
    %get3A_8 = arith.constant 0 : index
    %get3A_9 = arith.constant 0 : index
    %get3A_10 = vector.load %arg1[%get3A_7, %get3A_8, %get3A_9] : memref<2x10000x128xf32, #tpu.memory_space<vmem>>, vector<1x10000x128xf32>
    %get3A_11 = vector.shape_cast %get3A_10 : vector<1x10000x128xf32> to vector<10000x128xf32>
    %add3A = arith.addf %get3A_6, %get3A_11 : vector<10000x128xf32>
    %get3A_12 = arith.constant 0 : index
    %get3A_13 = arith.constant 0 : index
    %get3A_14 = vector.load %arg2[%get3A_12, %get3A_13] : memref<128x128xf32, #tpu.memory_space<vmem>>, vector<128x128xf32>
    %dot_general3A = arith.constant dense<0.000000e+00> : vector<10000x128xf32>
    %dot_general3A_15 = tpu.matmul %get3A_1, %get3A_14, %dot_general3A {dimension_numbers = #tpu.dot_dimension_numbers<[1], [0], [0], [1], [0, 0, 1, 1], [], []>, transpose_lhs_hint = false} : vector<10000x128xf32>, vector<128x128xf32>, vector<10000x128xf32> -> vector<10000x128xf32>
    %get3A_16 = arith.constant 0 : index
    %get3A_17 = arith.constant 0 : index
    %get3A_18 = vector.load %arg3[%get3A_16, %get3A_17] : memref<128x128xf32, #tpu.memory_space<vmem>>, vector<128x128xf32>
    %dot_general3A_19 = arith.constant dense<0.000000e+00> : vector<10000x128xf32>
    %dot_general3A_20 = tpu.matmul %add3A, %get3A_18, %dot_general3A_19 {dimension_numbers = #tpu.dot_dimension_numbers<[1], [0], [0], [1], [0, 0, 1, 1], [], []>, transpose_lhs_hint = false} : vector<10000x128xf32>, vector<128x128xf32>, vector<10000x128xf32> -> vector<10000x128xf32>
    %add3A_21 = arith.addf %dot_general3A_15, %dot_general3A_20 : vector<10000x128xf32>
    %get3A_22 = arith.constant 0 : index
    %get3A_23 = arith.constant 0 : index
    %get3A_24 = vector.load %arg4[%get3A_22, %get3A_23] : memref<1x128xf32, #tpu.memory_space<vmem>>, vector<1x128xf32>
    %add3A_25 = vector.broadcast %get3A_24 : vector<1x128xf32> to vector<10000x128xf32>
    %add3A_26 = arith.addf %add3A_21, %add3A_25 : vector<10000x128xf32>
    %get3A_27 = arith.constant 0 : index
    %get3A_28 = arith.constant 0 : index
    %get3A_29 = vector.load %arg5[%get3A_27, %get3A_28] : memref<1x128xf32, #tpu.memory_space<vmem>>, vector<1x128xf32>
    %get3A_30 = arith.constant 0 : index
    %get3A_31 = arith.constant 0 : index
    %get3A_32 = vector.load %arg6[%get3A_30, %get3A_31] : memref<1x128xf32, #tpu.memory_space<vmem>>, vector<1x128xf32>
    %reduce_sum3A = arith.constant dense<0.000000e+00> : vector<128xf32>
    %reduce_sum3A_33 = vector.multi_reduction <add>, %add3A_26, %reduce_sum3A [0] : vector<10000x128xf32> to vector<128xf32>
    %broadcast_in_dim3A = vector.shape_cast %reduce_sum3A_33 : vector<128xf32> to vector<1x128xf32>
    %div3A = arith.constant 1.000000e+04 : f32
    %div3A_34 = vector.broadcast %div3A : f32 to vector<1x128xf32>
    %div3A_35 = arith.divf %broadcast_in_dim3A, %div3A_34 : vector<1x128xf32>
    %sub3A = vector.broadcast %div3A_35 : vector<1x128xf32> to vector<10000x128xf32>
    %sub3A_36 = arith.subf %add3A_26, %sub3A : vector<10000x128xf32>
    %sub3A_37 = vector.broadcast %div3A_35 : vector<1x128xf32> to vector<10000x128xf32>
    %sub3A_38 = arith.subf %add3A_26, %sub3A_37 : vector<10000x128xf32>
    %mul3A = arith.mulf %sub3A_36, %sub3A_38 : vector<10000x128xf32>
    %reduce_sum3A_39 = arith.constant dense<0.000000e+00> : vector<128xf32>
    %reduce_sum3A_40 = vector.multi_reduction <add>, %mul3A, %reduce_sum3A_39 [0] : vector<10000x128xf32> to vector<128xf32>
    %broadcast_in_dim3A_41 = vector.shape_cast %reduce_sum3A_40 : vector<128xf32> to vector<1x128xf32>
    %div3A_42 = arith.constant 1.000000e+04 : f32
    %div3A_43 = vector.broadcast %div3A_42 : f32 to vector<1x128xf32>
    %div3A_44 = arith.divf %broadcast_in_dim3A_41, %div3A_43 : vector<1x128xf32>
    %sub3A_45 = vector.broadcast %div3A_35 : vector<1x128xf32> to vector<10000x128xf32>
    %sub3A_46 = arith.subf %add3A_26, %sub3A_45 : vector<10000x128xf32>
    %add3A_47 = arith.constant 9.99999974E-6 : f32
    %add3A_48 = vector.broadcast %add3A_47 : f32 to vector<1x128xf32>
    %add3A_49 = arith.addf %div3A_44, %add3A_48 : vector<1x128xf32>
    %rsqrt3A = math.rsqrt %add3A_49 : vector<1x128xf32>
    %mul3A_50 = vector.broadcast %rsqrt3A : vector<1x128xf32> to vector<10000x128xf32>
    %mul3A_51 = arith.mulf %sub3A_46, %mul3A_50 : vector<10000x128xf32>
    %mul3A_52 = vector.broadcast %get3A_29 : vector<1x128xf32> to vector<10000x128xf32>
    %mul3A_53 = arith.mulf %mul3A_51, %mul3A_52 : vector<10000x128xf32>
    %add3A_54 = vector.broadcast %get3A_32 : vector<1x128xf32> to vector<10000x128xf32>
    %add3A_55 = arith.addf %mul3A_53, %add3A_54 : vector<10000x128xf32>
    %max3A = arith.constant 0.000000e+00 : f32
    %max3A_56 = vector.broadcast %max3A : f32 to vector<10000x128xf32>
    %max3A_57 = arith.maximumf %add3A_55, %max3A_56 : vector<10000x128xf32>
    %get3A_58 = arith.constant 0 : index
    %get3A_59 = arith.constant 0 : index
    %get3A_60 = vector.load %arg7[%get3A_58, %get3A_59] : memref<128x128xf32, #tpu.memory_space<vmem>>, vector<128x128xf32>
    %dot_general3A_61 = arith.constant dense<0.000000e+00> : vector<10000x128xf32>
    %dot_general3A_62 = tpu.matmul %max3A_57, %get3A_60, %dot_general3A_61 {dimension_numbers = #tpu.dot_dimension_numbers<[1], [0], [0], [1], [0, 0, 1, 1], [], []>, transpose_lhs_hint = false} : vector<10000x128xf32>, vector<128x128xf32>, vector<10000x128xf32> -> vector<10000x128xf32>
    %get3A_63 = arith.constant 0 : index
    %get3A_64 = arith.constant 0 : index
    %get3A_65 = vector.load %arg8[%get3A_63, %get3A_64] : memref<1x128xf32, #tpu.memory_space<vmem>>, vector<1x128xf32>
    %add3A_66 = vector.broadcast %get3A_65 : vector<1x128xf32> to vector<10000x128xf32>
    %add3A_67 = arith.addf %dot_general3A_62, %add3A_66 : vector<10000x128xf32>
    %add3A_68 = arith.addf %add3A_67, %get3A_1 : vector<10000x128xf32>
    %swap3A = arith.constant 0 : index
    %swap3A_69 = arith.constant 0 : index
    %swap3A_70 = vector.load %arg9[%swap3A, %swap3A_69] : memref<10000x128xf32, #tpu.memory_space<vmem>>, vector<10000x128xf32>
    tpu.vector_store %arg9[%swap3A, %swap3A_69], %add3A_68 {strides = array<i32>} : memref<10000x128xf32, #tpu.memory_space<vmem>>, vector<10000x128xf32>,
    return
  }
}

</mosaic_0001>

<sc_bundles>
// kernel: kernel.5.cloned.1.call-start
scs
__scs_entry_jumppad:
0x0: {  	(pc) =	sbr.rel $0x88, $3  }
0x1: {  	(tag) =	ssettag $0x0;
	lr =	simm.s32 $0x1  }
0x2: {  	[smem:$0x3F8D] =	sst lr;
	_ =	strace $0xD0000000  }
0x3: {  	_ = 	snop  }
0x4: {  	_ = 	snop  }
0x5: {  	_ = 	snop  }
0x6: {  	_ = 	snop  }
0x7: {  	_ = 	snop  }
__scs_overlays_trampoline_lowered:
0x8: {  	[smem:$0x3F9C] =	sst s0  }
0x9: {  	[smem:$0x3F9D] =	sst s1  }
0xa: {  	[smem:$0x3F9E] =	sst s2  }
0xb: {  	[smem:$0x3F9F] =	sst s3  }
0xc: {  	[smem:$0x3FA0] =	sst s4  }
0xd: {  	[smem:$0x3FA1] =	sst s5  }
0xe: {  	[smem:$0x3FA2] =	sst s6  }
0xf: {  	[smem:$0x3FA3] =	sst s7  }
0x10: {  	[smem:$0x3FA4] =	sst s8  }
0x11: {  	[smem:$0x3FA5] =	sst s9;
	s0 =	simm.s32 @!p0 $0x0  }
0x12: {  	s1 =	sld [smem:$0x3F8B];
	s0 =	simm.s32 @p0 $0x1  }
0x13: {  	[smem:$0x3FA6] =	sst s0;
	s0 =	simm.s32 @!p1 $0x0  }
0x14: {  	s2 =	sld [smem:$0x3F8A];
	s0 =	simm.s32 @p1 $0x1  }
0x15: {  	[smem:$0x3FA7] =	sst s0;
	s0 =	simm.s32 @!p2 $0x0  }
0x16: {  	s3 =	sld [smem:$0x3FDB];
	s0 =	simm.s32 @p2 $0x1  }
0x17: {  	s4 =	simm.s32 $0x1BF5;
	[smem:$0x3FA9] =	sst s0  }
0x18: {  	s0 =	sld [smem:$0x3F8C];
	_ =	swait.ge [sflag:s4], $0x0  }
0x19: {  	s7 =	sld [smem:$0x3F8D]  }
0x1a: {  	s8 =	sadd.s32 $0xFFFFE003, lr  }
0x1b: {  	s9 =	sadd.s32 $0xFFFFFEF7, lr;
	s5 =	simm.s32 $0xFFFFFFFF;
	p2 =	slt.u32 s8, $0xFFFFF086  }
0x1c: {  	p1 =	slt.u32 s9, $0xF7A;
	s5 =	simm.s32 @!p2 $0x0  }
0x1d: {  	s5 =	simm.s32 @p1 $0x1;
	p0 =	seq.s32 s7, s2  }
0x1e: {  	s7 =	smul.u32 @!p0 $0xF7A, s2;
	p2 =	seq.s32 @!p0 s5, $0x0  }
0x1f: {  	s9 =	smul.u32 $0xF7A, s1;
	s8 =	simm.s32 @!p0 $0x1BF5;
	p2 =	por !p2, p0  }
0x20: {  	[sflag:s8] =	ssyncset.s32 @!p0 $0xFFFFF086;
	s6 =	sadd.s32 @!p0 s3, s7;
	s7 =	simm.s32 @!p0 $0x108  }
0x21: {  	s3 =	sadd.s32 s3, s9;
	s6 =	sadd.s32 @!p0 $0x88, s6;
	s7 =	simm.s32 @p2 $0x1082  }
0x22: {  	[simem:s7], [sflag:s8] =	dma.local @!p0 [hbm:s6], $0xF7A  }
0x23: {  	s9 =	sor.u32 $0xD0000000, s2;
	s6 =	simm.s32 $0x108;
	_ =	swait.ge @!p0 [sflag:s8], $0x0  }
0x24: {  	s3 =	sadd.s32 $0x88, s3;
	s6 =	simm.s32 @!p1 $0x1082;
	[sflag:s4] =	ssyncset.s32 $0xFFFFF086  }
0x25: {  	[simem:s6], [sflag:s4] =	dma.local [hbm:s3], $0xF7A  }
0x26: {  	[smem:$0x3F8D] =	sst s1;
	(tag) =	ssettag s2;
	_ =	strace s9  }
0x27: {  	s1 =	sld [smem:$0x3F9D]  }
0x28: {  	s2 =	sld [smem:$0x3F9E]  }
0x29: {  	s4 =	sld [smem:$0x3FA0]  }
0x2a: {  	p0 =	seq.s32 s5, $0x0;
	s5 =	sld [smem:$0x3FA1]  }
0x2b: {  	s6 =	sld [smem:$0x3FA2]  }
0x2c: {  	s7 =	sld [smem:$0x3FA3]  }
0x2d: {  	s3 =	simm.s32 $0x108;
	s8 =	sld [smem:$0x3FA4]  }
0x2e: {  	s3 =	simm.s32 @!p0 $0x1082;
	s9 =	sld [smem:$0x3FA5]  }
0x2f: {  	lr =	sadd.s32 s0, s3;
	s0 =	sld [smem:$0x3F9C]  }
0x30: {  	s3 =	sld [smem:$0x3F9F]  }
0x31: {  	[smem:$0x3FA8] =	sst s10  }
0x32: {  	s10 =	sld [smem:$0x3FA6];
	_ =	sdelay $0x3  }
0x33: {  	p0 =	seq.s32 s10, $0x1;
	s10 =	sld [smem:$0x3FA8];
	_ =	sdelay $0x3  }
0x34: {  	[smem:$0x3FA8] =	sst s10  }
0x35: {  	s10 =	sld [smem:$0x3FA7];
	_ =	sdelay $0x3  }
0x36: {  	p1 =	seq.s32 s10, $0x1;
	s10 =	sld [smem:$0x3FA8];
	_ =	sdelay $0x3  }
0x37: {  	[smem:$0x3FA8] =	sst s10  }
0x38: {  	s10 =	sld [smem:$0x3FA9]  }
0x39: {  	_ = 	snop;
	(pc) =	sbr.ind lr, $3  }
0x3a: {  	_ = 	snop  }
0x3b: {  	_ = 	snop  }
0x3c: {  	p2 =	seq.s32 s10, $0x1;
	s10 =	sld [smem:$0x3FA8]  }
0x3d: {  	_ =	shalt  }
0x3e: {  	_ =	shalt  }
0x3f: {  	_ =	shalt  }
0x40: {  	_ =	shalt  }
0x41: {  	_ =	shalt  }
0x42: {  	_ =	shalt  }
0x43: {  	_ =	shalt  }
0x44: {  	_ =	shalt  }
0x45: {  	_ =	shalt  }
0x46: {  	_ =	shalt  }
0x47: {  	_ =	shalt  }
0x48: {  	_ =	shalt  }
0x49: {  	_ =	shalt  }
0x4a: {  	_ =	shalt  }
0x4b: {  	_ =	shalt  }
0x4c: {  	_ =	shalt  }
0x4d: {  	_ =	shalt  }
0x4e: {  	_ =	shalt  }
0x4f: {  	_ =	shalt  }
0x50: {  	_ =	shalt  }
0x51: {  	_ =	shalt  }
0x52: {  	_ =	shalt  }
0x53: {  	_ =	shalt  }
0x54: {  	_ =	shalt  }
0x55: {  	_ =	shalt  }
0x56: {  	_ =	shalt  }
0x57: {  	_ =	shalt  }
0x58: {  	_ =	shalt  }
0x59: {  	_ =	shalt  }
0x5a: {  	_ =	shalt  }
0x5b: {  	_ =	shalt  }
0x5c: {  	_ =	shalt  }
0x5d: {  	_ =	shalt  }
0x5e: {  	_ =	shalt  }
0x5f: {  	_ =	shalt  }
0x60: {  	_ =	shalt  }
0x61: {  	_ =	shalt  }
0x62: {  	_ =	shalt  }
0x63: {  	_ =	shalt  }
0x64: {  	_ =	shalt  }
0x65: {  	_ =	shalt  }
0x66: {  	_ =	shalt  }
0x67: {  	_ =	shalt  }
0x68: {  	_ =	shalt  }
0x69: {  	_ =	shalt  }
0x6a: {  	_ =	shalt  }
0x6b: {  	_ =	shalt  }
0x6c: {  	_ =	shalt  }
0x6d: {  	_ =	shalt  }
0x6e: {  	_ =	shalt  }
0x6f: {  	_ =	shalt  }
0x70: {  	_ =	shalt  }
0x71: {  	_ =	shalt  }
0x72: {  	_ =	shalt  }
0x73: {  	_ =	shalt  }
0x74: {  	_ =	shalt  }
0x75: {  	_ =	shalt  }
0x76: {  	_ =	shalt  }
0x77: {  	_ =	shalt  }
0x78: {  	_ =	shalt  }
0x79: {  	_ =	shalt  }
0x7a: {  	_ =	shalt  }
0x7b: {  	_ =	shalt  }
0x7c: {  	_ =	shalt  }
0x7d: {  	_ =	shalt  }
0x7e: {  	_ =	shalt  }
0x7f: {  	_ =	shalt  }
0x80: {  	_ =	shalt  }
0x81: {  	_ =	shalt  }
0x82: {  	_ =	shalt  }
0x83: {  	_ =	shalt  }
0x84: {  	_ =	shalt  }
0x85: {  	_ =	shalt  }
0x86: {  	_ =	shalt  }
0x87: {  	_ =	shalt  }
.Lfunc_end0:
.L_simem_size_0:
called_computation_lowered:
.L_overlay_start_0:
0x88: {  	s2 =	sld [smem:$0x3FD9]  }
0x89: {  	s3 =	sld [smem:$0x3FFE];
	_ =	sdelay $0x1  }
0x8a: {  	s1 =	srdreg.scid  }
0x8b: {  	s0 =	sand.u32 $0x1, s1  }
0x8c: {  	s17 =	sshll.u32 s0, $0xA;
	s2 =	sadd.s32 s3, s2  }
0x8d: {  	s2 =	sadd.s32 s2, s17  }
0x8e: {  	[smem:$0x3FB4] =	sst s2  }
0x8f: {  	_ = 	snop  }
0x90: {  	s2 =	sld [smem:$0x3FD0];
	(tm) =	ssettm $0x1  }
0x91: {  	s18 =	sld [smem:$0x3FFB];
	_ =	sdelay $0x3  }
0x92: {  	_ =	strace s18  }
0x93: {  	s3 =	sld [smem:$0x3FFC];
	_ =	sdelay $0x3  }
0x94: {  	_ =	strace s3  }
0x95: {  	s3 =	sld [smem:$0x3FFD];
	_ =	sdelay $0x3  }
0x96: {  	_ =	strace s3  }
0x97: {  	_ =	strace $0x8FFFFFFF  }
0x98: {  	s19 =	sld [smem:$0x3FDB];
	_ =	sdelay $0x1  }
0x99: {  	s4 =	simm.s32 $_scs_section_size  }
0x9a: {  	s5 =	simm.s32 $_size__tile_overlayer_lowered;
	s6 =	simm.s32 $_tile_overlayer_lowered  }
0x9b: {  	s22 =	simm.s32 $0x1BFF;
	s21 =	sshll.u32 s6, $0x1;
	s3 =	sadd.s32 s4, s19  }
0x9c: {  	s7 =	simm.s32 $0x0;
	s20 =	sshll.u32 s5, $0x1;
	s5 =	sadd.s32 s21, s3  }
0x9d: {  	[timem:s7], [sflag:s22] =	dma.local [hbm:s5], s20  }
0x9e: {  	_ =	swait.ge [sflag:s22], s20  }
0x9f: {  	s4 =	ssub.s32 $0x0, s20;
	[sflag:s22] =	ssyncset.done $0x0  }
0xa0: {  	[sflag:s22] =	ssyncadd.s32 s4;
	_ =	sdelay $0x1  }
0xa1: {  	s23 =	simm.s32 $0x1B8B  }
0xa2: {  	_ =	swait.ge [sflag:s23], $0x1  }
0xa3: {  	[sflag:s23] =	ssyncset.done $0x0  }
0xa4: {  	s25 =	simm.s32 $0x1B8E;
	s24 =	sld [smem:$0x3FFE];
	[sflag:s23] =	ssyncadd.s32 $0xFFFFFFFF  }
0xa5: {  	s26 =	simm.s32 $execute0_lowered;
	[smem:$0x3FD2] =	sst s25  }
0xa6: {  	s5 =	sshll.u32 s26, $0x1;
	_ =	strace $0x80000046;
	[dreg:$0x1] =	wrdreg $0xFFFFFFFF  }
0xa7: {  	s28 =	simm.s32 $_size_execute0_lowered;
	s3 =	sadd.s32 s3, s5;
	[dreg:$0x0] =	wrdreg $0x0  }
0xa8: {  	s5 =	sshll.u32 s28, $0x1;
	[dreg:$0x2] =	wrdreg s3  }
0xa9: {  	[dreg:$0x3] =	wrdreg s5  }
0xaa: {  	[dreg:$0x4] =	wrdreg $0xC0  }
0xab: {  	_ =	task [dreg:s7], $0x5FFFF  }
0xac: {  	[dreg:$0x1] =	wrdreg $0xFFFFFFFF  }
0xad: {  	[dreg:$0x0] =	wrdreg $0x60  }
0xae: {  	[dreg:$0x2] =	wrdreg s2  }
0xaf: {  	[dreg:$0x3] =	wrdreg s24  }
0xb0: {  	[dreg:$0x4] =	wrdreg $0xC6000  }
0xb1: {  	[dreg:$0x5] =	wrdreg $0x9  }
0xb2: {  	_ =	task.clear_ibuf [dreg:s7], $0x6FFFF;
	_ =	strace $0x90000046  }
0xb3: {  	s29 =	simm.s32 $0x9;
	_ =	strace $0x80000048  }
0xb4: {  	_ =	swait.ge [sflag:s29], $0x1  }
0xb5: {  	[sflag:s29] =	ssyncadd.s32 $0xFFFFFFFF  }
0xb6: {  	_ =	strace $0x90000048  }
0xb7: {  	_ =	sfence  }
0xb8: {  	s30 =	sld [smem:$0x0];
	_ =	sdelay $0x2  }
0xb9: {  	s31 =	sshll.u32 s1, $0xD;
	s1 =	sshrl.u32 s1, $0x2  }
0xba: {  	s3 =	sand.u32 $0x4000, s31;
	s1 =	sadd.s32 s1, s30  }
0xbb: {  	s0 =	sor.u32 s3, s0;
	s1 =	sshll.u32 s1, $0x11  }
0xbc: {  	s0 =	sor.u32 s1, s0  }
0xbd: {  	s0 =	sadd.s32 $0x8F2B, s0  }
0xbe: {  	[sflag:s0] =	ssyncadd.remote.s32 $0x1  }
0xbf: {  	_ =	sfence.sel $0xFFFF  }
0xc0: {  	[dreg:$0x0] =	wrdreg $0xFFFFFFFF;
	(pc) =	sbr.abs _section_cstart, $3  }
0xc1: {  	[dreg:$0x1] =	wrdreg $0xFFFFFFFF  }
0xc2: {  	_ =	task.clear_ibuf [dreg:s7], $0x2FFFF;
	_ =	strace $0x9FFFFFFF  }
0xc3: {  	(tm) =	ssettm $0x7FFFFFFF  }
tec
execute0_lowered:
.L_overlay_start_1:
0x0: {  	(tag) =	ssettag $0x1  }
0x1: {  	s1 =	rddreg [dreg:$0x0]  }
0x2: {  	s0 =	rddreg [dreg:$0x1];
	s2 =	srdreg.scid  }
0x3: {  	s3 =	rddreg [dreg:$0x2];
	s7 =	sand.u32 $0x1, s2  }
0x4: {  	s4 =	simm.s32 $0x0;
	s2 =	stileid.u32;
	s5 =	smul.u32 $0x138800, s7  }
0x5: {  	[smem:$0x7FF] =	sst s4;
	s6 =	smul.u32 $0x1400, s2;
	s8 =	sshll.u32 s2, $0x1  }
0x6: {  	_ =	strace $0x80000047;
	s28 =	ssub.s32 $0x2, s7;
	s11 =	smul.u32 $0x5000, s2  }
0x7: {  	s17 =	sor.u32 $0xF0, s2;
	p1 =	sgt.u32 s2, $0x9;
	s8 =	sor.u32 s7, s8  }
0x8: {  	s30 =	sshrl.u32 s28, $0x1;
	s10 =	smul.u32 $0x6400, s8;
	s14 =	sshrl.u32 s11, $0x2  }
0x9: {  	s19 =	smul.u32 $0x5000, s17;
	p0 =	sgt.u32 s17, $0xF9;
	s14 =	sadd.s32 s14, s3  }
0xa: {  	s17 =	simm.s32 $0x3;
	s29 =	sshrl.u32 s10, $0x3;
	s10 =	sadd.s32 $0x28000, s14  }
0xb: {  	s9 =	sadd.s32 s6, s5;
	s18 =	sadd.s32 $0x3C000, s14;
	[dreg:$0xa] =	wrdreg s10  }
0xc: {  	s5 =	sadd.s32 $0x4E400, s0;
	s20 =	sadd.s32 $0x50000, s14;
	[dreg:$0xb] =	wrdreg s18  }
0xd: {  	s6 =	sadd.s32 $0x3400, s0;
	s21 =	sadd.s32 $0x64000, s14;
	[dreg:$0xc] =	wrdreg s20  }
0xe: {  	s8 =	smul.u32 $0xC8, s8;
	s22 =	sadd.s32 $0x78000, s14;
	[dreg:$0xd] =	wrdreg s21  }
0xf: {  	s11 =	simm.s32 $0x8E00;
	s23 =	sadd.s32 $0x8C000, s14;
	[dreg:$0xe] =	wrdreg s22  }
0x10: {  	s9 =	sshrl.u32 s9, $0x3;
	s24 =	sadd.s32 $0xA0000, s14;
	[dreg:$0xf] =	wrdreg s23  }
0x11: {  	s0 =	sadd.s32 s9, s0;
	s26 =	sadd.s32 $0xB4000, s14;
	[dreg:$0x10] =	wrdreg s24  }
0x12: {  	s9 =	ssub.s32 s28, s30;
	s28 =	sadd.s32 $0xC8000, s14;
	[dreg:$0x12] =	wrdreg s26  }
0x13: {  	s30 =	sadd.s32 $0xF0000, s14;
	s7 =	sadd.s32 s6, s29;
	[dreg:$0x13] =	wrdreg s28  }
0x14: {  	s9 =	smax.u32 s9, $0x1;
	s10 =	sshrl.u32 s19, $0x2;
	[dreg:$0x15] =	wrdreg s30  }
0x15: {  	s29 =	sadd.s32 $0xDC000, s14;
	s18 =	simm.s32 $0x4;
	[dreg:$0x9] =	wrdreg s9  }
0x16: {  	s19 =	simm.s32 $0xAA00;
	s31 =	sadd.s32 $0x19000, s7;
	[dreg:$0x14] =	wrdreg s29  }
0x17: {  	s20 =	simm.s32 $0x5;
	s12 =	sadd.s32 $0x32000, s7;
	[dreg:$0x4] =	wrdreg s31  }
0x18: {  	s21 =	simm.s32 $0x6;
	s13 =	sadd.s32 $0xA0, s7;
	[dreg:$0x5] =	wrdreg s12  }
0x19: {  	s22 =	simm.s32 $0x0;
	s15 =	sadd.s32 $0x190A0, s7;
	[dreg:$0x6] =	wrdreg s13  }
0x1a: {  	s16 =	sadd.s32 $0x320A0, s7;
	s25 =	sadd.s32 s10, s3;
	[dreg:$0x7] =	wrdreg s15  }
0x1b: {  	s9 =	simm.s32 $0x7;
	s10 =	simm.s32 $0x32;
	[dreg:$0x8] =	wrdreg s16  }
0x1c: {  	s16 =	sadd.s32 $0x14000, s14;
	[dreg:$0x11] =	wrdreg s25;
	s25 =	sadd.s32 $0x75600, s0  }
0x1d: {  	s31 =	sadd.s32 $0x104000, s14;
	s0 =	sadd.s32 $0x118000, s14;
	s12 =	simm.s32 $0x8  }
0x1e: {  	v0 =	vimm.f32 $0.0e+00;
	s13 =	simm.s32 $0x1;
	s15 =	simm.s32 $0x2;
	[dreg:$0x16] =	wrdreg s31  }
.LBB2_1:
0x1f: {  	[tilespmem:s4], [sflag:$0x7] =	stream.linear.gather [hbm4b:s7+s4], $0x500, $0x38;
	[tilespmem:$0x1FE80] =	vst v63  }
0x20: {  	_ =	swait.ge [sflag:s9], $0x500  }
0x21: {  	[sflag:s9] =	ssyncset.done $0x0  }
0x22: {  	s24 =	simm.s32 $0xA00;
	s23 =	rddreg [dreg:$0x4];
	[sflag:s9] =	ssyncadd.s32 $0xFFFFFB00  }
0x23: {  	[tilespmem:s24], [sflag:$0x7] =	stream.linear.gather [hbm4b:s23+s4], $0x500, $0x38;
	[tilespmem:$0x1FE80] =	vst v63  }
0x24: {  	_ =	swait.ge [sflag:s9], $0x500  }
0x25: {  	[sflag:s9] =	ssyncset.done $0x0  }
0x26: {  	s26 =	simm.s32 $0x1400;
	s30 =	rddreg [dreg:$0x5];
	[sflag:s9] =	ssyncadd.s32 $0xFFFFFB00  }
0x27: {  	[tilespmem:s26], [sflag:$0x7] =	stream.linear.gather [hbm4b:s30+s4], $0x500, $0x38;
	[tilespmem:$0x1FE80] =	vst v63  }
0x28: {  	_ =	swait.ge [sflag:s9], $0x500  }
0x29: {  	[sflag:s9] =	ssyncset.done $0x0  }
0x2a: {  	s31 =	simm.s32 $0x1E00;
	[sflag:s9] =	ssyncadd.s32 $0xFFFFFB00  }
0x2b: {  	[tilespmem:s31], [sflag:$0x1] =	stream.indirect.gather [hbm4b:s1+s10], $0x80, s24, s10, $0xb8;
	[tilespmem:$0x1FE80] =	vst v63  }
0x2c: {  	s24 =	simm.s32 $0x3A00  }
0x2d: {  	[tilespmem:s24], [sflag:$0x2] =	stream.indirect.gather [hbm4b:s5+s10], $0x80, s26, s10, $0xb8;
	[tilespmem:$0x1FE80] =	vst v63  }
0x2e: {  	s28 =	simm.s32 $0xA80;
	s29 =	simm.s32 $0x5600  }
0x2f: {  	[tilespmem:s29], [sflag:$0x3] =	stream.indirect.gather [hbm4b:s1+s10], $0x80, s28, s10, $0xb8;
	[tilespmem:$0x1FE80] =	vst v63  }
0x30: {  	s30 =	simm.s32 $0x1480;
	s31 =	simm.s32 $0x7200  }
0x31: {  	[tilespmem:s31], [sflag:$0x4] =	stream.indirect.gather [hbm4b:s5+s10], $0x80, s30, s10, $0xb8;
	[tilespmem:$0x1FE80] =	vst v63  }
0x32: {  	s24 =	rddreg [dreg:$0x6];
	s26 =	simm.s32 $0x500  }
0x33: {  	[tilespmem:s26], [sflag:$0x7] =	stream.linear.gather [hbm4b:s24+s4], $0x500, $0x38;
	[tilespmem:$0x1FE80] =	vst v63  }
0x34: {  	s23 =	simm.s32 $0x0;
	s28 =	rddreg [dreg:$0x7];
	s29 =	simm.s32 $0xF00  }
0x35: {  	[tilespmem:s29], [sflag:$0x7] =	stream.linear.gather [hbm4b:s28+s4], $0x500, $0x38;
	[tilespmem:$0x1FE80] =	vst v63  }
0x36: {  	s30 =	rddreg [dreg:$0x8];
	s31 =	simm.s32 $0x1900;
	s24 =	simm.s32 $0x200  }
0x37: {  	[tilespmem:s31], [sflag:$0x7] =	stream.linear.gather [hbm4b:s30+s4], $0x500, $0x38;
	[tilespmem:$0x1FE80] =	vst v63  }
.LBB2_2:
0x38: {  	p2 =	sne.s32 s24, $0x4E00;
	[tilespmem:s23+$0x8E70] =	vst v0  }
0x39: {  	[tilespmem:s23+$0x8E00] =	vst v0  }
0x3a: {  	[tilespmem:s23+$0x8E10] =	vst v0  }
.Ltmp0:
0x3b: {  	[tilespmem:s23+$0x8E20] =	vst v0;
	(pc) =	sbr.rel @p2 .LBB2_2-.Ltmp0, $4  }
0x3c: {  	[tilespmem:s23+$0x8E30] =	vst v0  }
0x3d: {  	[tilespmem:s23+$0x8E40] =	vst v0  }
0x3e: {  	[tilespmem:s23+$0x8E50] =	vst v0  }
0x3f: {  	[tilespmem:s23+$0x8E60] =	vst v0;
	s23 =	sshra.s32 s24, $0x2;
	s24 =	sadd.s32 $0x200, s24  }
0x40: {  	[tilespmem:s23+$0x8E70] =	vst v0  }
0x41: {  	[tilespmem:s23+$0x8E00] =	vst v0  }
0x42: {  	[tilespmem:s23+$0x8E10] =	vst v0  }
0x43: {  	[tilespmem:s23+$0x8E20] =	vst v0  }
0x44: {  	[tilespmem:s23+$0x8E30] =	vst v0  }
0x45: {  	[tilespmem:s23+$0x8E40] =	vst v0  }
0x46: {  	[tilespmem:s23+$0x8E50] =	vst v0  }
0x47: {  	[tilespmem:s23+$0x8E60] =	vst v0  }
0x48: {  	[spmem:s14] =	stream.linear.scatter [tilespmem:s11], [sflag:$0x8], $0x1400, $0x38;
	[tilespmem:$0x1FE80] =	vst v63  }
0x49: {  	_ = 	snop  }
0x4a: {  	[spmem:s16] =	stream.linear.scatter [tilespmem:s11], [sflag:$0x8], $0x1400, $0x38;
	[tilespmem:$0x1FE80] =	vst v63  }
0x4b: {  	s24 =	rddreg [dreg:$0xa]  }
0x4c: {  	[spmem:s24] =	stream.linear.scatter [tilespmem:s11], [sflag:$0x8], $0x1400, $0x38;
	[tilespmem:$0x1FE80] =	vst v63  }
0x4d: {  	s26 =	rddreg [dreg:$0xb]  }
0x4e: {  	[spmem:s26] =	stream.linear.scatter [tilespmem:s11], [sflag:$0x8], $0x1400, $0x38;
	[tilespmem:$0x1FE80] =	vst v63  }
0x4f: {  	s28 =	rddreg [dreg:$0xc]  }
0x50: {  	[spmem:s28] =	stream.linear.scatter [tilespmem:s11], [sflag:$0x8], $0x1400, $0x38;
	[tilespmem:$0x1FE80] =	vst v63  }
0x51: {  	s29 =	rddreg [dreg:$0xd]  }
0x52: {  	[spmem:s29] =	stream.linear.scatter [tilespmem:s11], [sflag:$0x8], $0x1400, $0x38;
	[tilespmem:$0x1FE80] =	vst v63  }
0x53: {  	s30 =	rddreg [dreg:$0xe]  }
0x54: {  	[spmem:s30] =	stream.linear.scatter [tilespmem:s11], [sflag:$0x8], $0x1400, $0x38;
	[tilespmem:$0x1FE80] =	vst v63  }
0x55: {  	s31 =	rddreg [dreg:$0xf]  }
0x56: {  	[spmem:s31] =	stream.linear.scatter [tilespmem:s11], [sflag:$0x8], $0x1400, $0x38;
	[tilespmem:$0x1FE80] =	vst v63  }
0x57: {  	s24 =	rddreg [dreg:$0x10]  }
0x58: {  	[spmem:s24] =	stream.linear.scatter [tilespmem:s11], [sflag:$0x8], $0x1400, $0x38;
	[tilespmem:$0x1FE80] =	vst v63  }
0x59: {  	s26 =	rddreg [dreg:$0x12]  }
0x5a: {  	[spmem:s26] =	stream.linear.scatter [tilespmem:s11], [sflag:$0x8], $0x1400, $0x38;
	[tilespmem:$0x1FE80] =	vst v63  }
0x5b: {  	s28 =	rddreg [dreg:$0x13]  }
0x5c: {  	[spmem:s28] =	stream.linear.scatter [tilespmem:s11], [sflag:$0x8], $0x1400, $0x38;
	[tilespmem:$0x1FE80] =	vst v63  }
0x5d: {  	s29 =	rddreg [dreg:$0x14]  }
0x5e: {  	[spmem:s29] =	stream.linear.scatter [tilespmem:s11], [sflag:$0x8], $0x1400, $0x38;
	[tilespmem:$0x1FE80] =	vst v63  }
0x5f: {  	s30 =	rddreg [dreg:$0x15]  }
0x60: {  	[spmem:s30] =	stream.linear.scatter [tilespmem:s11], [sflag:$0x8], $0x1400, $0x38;
	[tilespmem:$0x1FE80] =	vst v63  }
0x61: {  	s31 =	rddreg [dreg:$0x16]  }
0x62: {  	[spmem:s31] =	stream.linear.scatter [tilespmem:s11], [sflag:$0x8], $0x1400, $0x38;
	[tilespmem:$0x1FE80] =	vst v63  }
0x63: {  	_ = 	snop  }
0x64: {  	[spmem:s0] =	stream.linear.scatter [tilespmem:s11], [sflag:$0x8], $0x1400, $0x38;
	[tilespmem:$0x1FE80] =	vst v63  }
0x65: {  	s23 =	simm.s32 @!p0 $0x8E00;
	s24 =	rddreg [dreg:$0x11]  }
0x66: {  	[spmem:s24] =	stream.linear.scatter @!p0 [tilespmem:s23], [sflag:$0x8], $0x1400, $0x38;
	[tilespmem:$0x1FE80] =	vst v63  }
0x67: {  	_ =	swait.ge [sflag:s12], $0x1400  }
0x68: {  	[sflag:s12] =	ssyncset.done $0x0  }
0x69: {  	[sflag:s12] =	ssyncadd.s32 $0xFFFFEC00  }
0x6a: {  	_ =	swait.ge [sflag:s12], $0x1400  }
0x6b: {  	[sflag:s12] =	ssyncset.done $0x0  }
0x6c: {  	[sflag:s12] =	ssyncadd.s32 $0xFFFFEC00  }
0x6d: {  	_ =	swait.ge [sflag:s12], $0x1400  }
0x6e: {  	[sflag:s12] =	ssyncset.done $0x0  }
0x6f: {  	[sflag:s12] =	ssyncadd.s32 $0xFFFFEC00  }
0x70: {  	_ =	swait.ge [sflag:s12], $0x1400  }
0x71: {  	[sflag:s12] =	ssyncset.done $0x0  }
0x72: {  	[sflag:s12] =	ssyncadd.s32 $0xFFFFEC00  }
0x73: {  	_ =	swait.ge [sflag:s12], $0x1400  }
0x74: {  	[sflag:s12] =	ssyncset.done $0x0  }
0x75: {  	[sflag:s12] =	ssyncadd.s32 $0xFFFFEC00  }
0x76: {  	_ =	swait.ge [sflag:s12], $0x1400  }
0x77: {  	[sflag:s12] =	ssyncset.done $0x0  }
0x78: {  	[sflag:s12] =	ssyncadd.s32 $0xFFFFEC00  }
0x79: {  	_ =	swait.ge [sflag:s12], $0x1400  }
0x7a: {  	[sflag:s12] =	ssyncset.done $0x0  }
0x7b: {  	[sflag:s12] =	ssyncadd.s32 $0xFFFFEC00  }
0x7c: {  	_ =	swait.ge [sflag:s12], $0x1400  }
0x7d: {  	[sflag:s12] =	ssyncset.done $0x0  }
0x7e: {  	[sflag:s12] =	ssyncadd.s32 $0xFFFFEC00  }
0x7f: {  	_ =	swait.ge [sflag:s12], $0x1400  }
0x80: {  	[sflag:s12] =	ssyncset.done $0x0  }
0x81: {  	[sflag:s12] =	ssyncadd.s32 $0xFFFFEC00  }
0x82: {  	_ =	swait.ge [sflag:s12], $0x1400  }
0x83: {  	[sflag:s12] =	ssyncset.done $0x0  }
0x84: {  	[sflag:s12] =	ssyncadd.s32 $0xFFFFEC00  }
0x85: {  	_ =	swait.ge [sflag:s12], $0x1400  }
0x86: {  	[sflag:s12] =	ssyncset.done $0x0  }
0x87: {  	[sflag:s12] =	ssyncadd.s32 $0xFFFFEC00  }
0x88: {  	_ =	swait.ge [sflag:s12], $0x1400  }
0x89: {  	[sflag:s12] =	ssyncset.done $0x0  }
0x8a: {  	[sflag:s12] =	ssyncadd.s32 $0xFFFFEC00  }
0x8b: {  	_ =	swait.ge [sflag:s12], $0x1400  }
0x8c: {  	[sflag:s12] =	ssyncset.done $0x0  }
0x8d: {  	[sflag:s12] =	ssyncadd.s32 $0xFFFFEC00  }
0x8e: {  	_ =	swait.ge [sflag:s12], $0x1400  }
0x8f: {  	[sflag:s12] =	ssyncset.done $0x0  }
0x90: {  	[sflag:s12] =	ssyncadd.s32 $0xFFFFEC00  }
0x91: {  	_ =	swait.ge [sflag:s12], $0x1400  }
0x92: {  	[sflag:s12] =	ssyncset.done $0x0  }
0x93: {  	s23 =	simm.s32 @!p1 $0x8;
	[sflag:s12] =	ssyncadd.s32 $0xFFFFEC00  }
0x94: {  	_ =	swait.ge @!p1 [sflag:s23], $0x1400  }
0x95: {  	[sflag:s23] =	ssyncset.done @!p1 $0x0  }
0x96: {  	[sflag:s23] =	ssyncadd.s32 @!p1 $0xFFFFEC00  }
0x97: {  	s23 =	simm.s32 $0x0;
	[bflag:$0x0] =	sbarrier.arrive $0xFFFF  }
.LBB2_4:
0x98: {  	s24 =	smul.u32 $0xCD, s23;
	_ =	sdelay $0x1  }
0x99: {  	s24 =	sshrl.u32 s24, $0xA  }
0x9a: {  	s24 =	sand.u32 $0x3F, s24  }
0x9b: {  	s26 =	smul.u32 $0x5, s24  }
0x9c: {  	s28 =	sadd.s32 $0xFFFFFFFF, s23  }
0x9d: {  	p2 =	sgt.u32 s28, $0x5D;
	s26 =	ssub.s32 s23, s26  }
0x9e: {  	s28 =	sand.u32 @!p2 $0xFF, s26  }
0x9f: {  	p3 =	sne.s32 @!p2 s28, $0x0  }
0xa0: {  	p2 =	por p2, p3  }
.Ltmp1:
0xa1: {  	_ = 	snop;
	(pc) =	sbr.rel @p2 .LBB2_6-.Ltmp1, $1  }
0xa2: {  	_ =	sdelay $0x3  }
0xa3: {  	s24 =	sadd.s32 $0x1, s24  }
0xa4: {  	s26 =	smul.u32 $0xA, s24;
	_ =	sdelay $0x1  }
0xa5: {  	s24 =	sand.u32 $0x1, s24;
	s26 =	sadd.s32 s8, s26  }
0xa6: {  	p2 =	seq.s32 s24, $0x1;
	s24 =	simm.s32 $0x500;
	s26 =	sshll.u32 s26, $0x4  }
0xa7: {  	s24 =	simm.s32 @!p2 $0x0;
	s26 =	sadd.s32 s6, s26  }
0xa8: {  	[tilespmem:s24], [sflag:$0x7] =	stream.linear.gather [hbm4b:s26+s4], $0x500, $0x38;
	[tilespmem:$0x1FE80] =	vst v63  }
.Ltmp2:
0xa9: {  	_ = 	snop;
	(pc) =	sbr.rel .LBB2_7-.Ltmp2, $4  }
0xaa: {  	s28 =	sor.u32 $0xA00, s24;
	s29 =	sadd.s32 $0x19000, s26  }
0xab: {  	[tilespmem:s28], [sflag:$0x7] =	stream.linear.gather [hbm4b:s29+s4], $0x500, $0x38;
	[tilespmem:$0x1FE80] =	vst v63  }
0xac: {  	s24 =	sadd.s32 $0x1400, s24;
	s26 =	sadd.s32 $0x32000, s26  }
0xad: {  	[tilespmem:s24], [sflag:$0x7] =	stream.linear.gather [hbm4b:s26+s4], $0x500, $0x38;
	[tilespmem:$0x1FE80] =	vst v63  }
.LBB2_6:
0xae: {  	p2 =	sgt.u32 s23, $0x5E  }
0xaf: {  	s24 =	sand.u32 @!p2 $0xFF, s26  }
0xb0: {  	p3 =	sne.s32 @!p2 s24, $0x4  }
0xb1: {  	p2 =	por p3, p2  }
0xb2: {  	s24 =	simm.s32 @!p2 $0x7  }
0xb3: {  	_ =	swait.ge @!p2 [sflag:s24], $0x500  }
0xb4: {  	[sflag:s24] =	ssyncset.done @!p2 $0x0  }
0xb5: {  	[sflag:s24] =	ssyncadd.s32 @!p2 $0xFFFFFB00  }
0xb6: {  	_ =	swait.ge @!p2 [sflag:s24], $0x500  }
0xb7: {  	[sflag:s24] =	ssyncset.done @!p2 $0x0  }
0xb8: {  	[sflag:s24] =	ssyncadd.s32 @!p2 $0xFFFFFB00  }
0xb9: {  	_ =	swait.ge @!p2 [sflag:s24], $0x500  }
0xba: {  	[sflag:s24] =	ssyncset.done @!p2 $0x0  }
0xbb: {  	[sflag:s24] =	ssyncadd.s32 @!p2 $0xFFFFFB00  }
.LBB2_7:
0xbc: {  	_ =	swait.ge [sflag:s13], $0x1900  }
0xbd: {  	[sflag:s13] =	ssyncset.done $0x0  }
0xbe: {  	[sflag:s13] =	ssyncadd.s32 $0xFFFFE700  }
0xbf: {  	_ =	swait.ge [sflag:s15], $0x1900  }
0xc0: {  	p3 =	seq.s32 s23, $0x0;
	[sflag:s15] =	ssyncset.done $0x0  }
0xc1: {  	s24 =	simm.s32 @!p3 $0x5;
	[sflag:s15] =	ssyncadd.s32 $0xFFFFE700  }
0xc2: {  	s26 =	simm.s32 $0x0;
	_ =	swait.ge @!p3 [sflag:s24], $0x1900  }
0xc3: {  	s26 =	smul.u32 $0x500, s26;
	[sflag:s24] =	ssyncset.done @!p3 $0x0  }
0xc4: {  	[sflag:s24] =	ssyncadd.s32 @!p3 $0xFFFFE700  }
0xc5: {  	v1 =	vld [tilespmem:s26+$0x22F0]  }
0xc6: {  	v2 =	vld [tilespmem:s26+$0x3EF0]  }
0xc7: {  	v3 =	vld [tilespmem:s26+$0x1E00]  }
0xc8: {  	v4 =	vld [tilespmem:s26+$0x3A00]  }
0xc9: {  	v5 =	vld [tilespmem:s26+$0x1E10]  }
0xca: {  	v6 =	vld [tilespmem:s26+$0x3A10]  }
0xcb: {  	v7 =	vld [tilespmem:s26+$0x1E20]  }
0xcc: {  	v8 =	vld [tilespmem:s26+$0x1E30];
	v1 =	vmul.f32 v2, v1  }
0xcd: {  	v2 =	vld [tilespmem:s26+$0x3A20]  }
0xce: {  	v3 =	vmul.f32 v4, v3;
	[tilespmem:s26+$0x92F0] =	vst v1;
	v1 =	vld [tilespmem:s26+$0x3A30]  }
0xcf: {  	v4 =	vld [tilespmem:s26+$0x1E40]  }
0xd0: {  	[tilespmem:s26+$0x8E00] =	vst v3;
	v3 =	vmul.f32 v6, v5;
	v5 =	vld [tilespmem:s26+$0x3A40]  }
0xd1: {  	v6 =	vld [tilespmem:s26+$0x3A50]  }
0xd2: {  	[tilespmem:s26+$0x8E10] =	vst v3;
	v3 =	vld [tilespmem:s26+$0x1E50];
	v2 =	vmul.f32 v2, v7  }
0xd3: {  	v7 =	vld [tilespmem:s26+$0x3A60];
	v1 =	vmul.f32 v1, v8  }
0xd4: {  	[tilespmem:s26+$0x8E20] =	vst v2;
	v2 =	vld [tilespmem:s26+$0x1E60]  }
0xd5: {  	[tilespmem:s26+$0x8E30] =	vst v1;
	v1 =	vmul.f32 v5, v4;
	v4 =	vld [tilespmem:s26+$0x1E70]  }
0xd6: {  	v5 =	vld [tilespmem:s26+$0x3A70]  }
0xd7: {  	[tilespmem:s26+$0x8E40] =	vst v1;
	v1 =	vmul.f32 v6, v3;
	v3 =	vld [tilespmem:s26+$0x1E80]  }
0xd8: {  	v6 =	vld [tilespmem:s26+$0x3A80]  }
0xd9: {  	[tilespmem:s26+$0x8E50] =	vst v1;
	v1 =	vmul.f32 v7, v2;
	v2 =	vld [tilespmem:s26+$0x1E90]  }
0xda: {  	v7 =	vld [tilespmem:s26+$0x3A90]  }
0xdb: {  	[tilespmem:s26+$0x8E60] =	vst v1;
	v1 =	vmul.f32 v5, v4;
	v4 =	vld [tilespmem:s26+$0x1EA0]  }
0xdc: {  	v5 =	vld [tilespmem:s26+$0x3AA0]  }
0xdd: {  	[tilespmem:s26+$0x8E70] =	vst v1;
	v1 =	vmul.f32 v6, v3;
	v3 =	vld [tilespmem:s26+$0x1EB0]  }
0xde: {  	v6 =	vld [tilespmem:s26+$0x3AB0]  }
0xdf: {  	[tilespmem:s26+$0x8E80] =	vst v1;
	v1 =	vmul.f32 v7, v2;
	v2 =	vld [tilespmem:s26+$0x1EC0]  }
0xe0: {  	v7 =	vld [tilespmem:s26+$0x3AC0]  }
0xe1: {  	[tilespmem:s26+$0x8E90] =	vst v1;
	v1 =	vmul.f32 v5, v4;
	v4 =	vld [tilespmem:s26+$0x1ED0]  }
0xe2: {  	v5 =	vld [tilespmem:s26+$0x3AD0]  }
0xe3: {  	[tilespmem:s26+$0x8EA0] =	vst v1;
	v1 =	vmul.f32 v6, v3;
	v3 =	vld [tilespmem:s26+$0x1EE0]  }
0xe4: {  	v6 =	vld [tilespmem:s26+$0x3AE0]  }
0xe5: {  	[tilespmem:s26+$0x8EB0] =	vst v1;
	v1 =	vmul.f32 v7, v2;
	v2 =	vld [tilespmem:s26+$0x1EF0]  }
0xe6: {  	v7 =	vld [tilespmem:s26+$0x3AF0]  }
0xe7: {  	[tilespmem:s26+$0x8EC0] =	vst v1;
	v1 =	vmul.f32 v5, v4;
	v4 =	vld [tilespmem:s26+$0x1F00]  }
0xe8: {  	v5 =	vld [tilespmem:s26+$0x3B00]  }
0xe9: {  	[tilespmem:s26+$0x8ED0] =	vst v1;
	v1 =	vmul.f32 v6, v3;
	v3 =	vld [tilespmem:s26+$0x1F10]  }
0xea: {  	v6 =	vld [tilespmem:s26+$0x3B10]  }
0xeb: {  	[tilespmem:s26+$0x8EE0] =	vst v1;
	v1 =	vmul.f32 v7, v2;
	v2 =	vld [tilespmem:s26+$0x1F20]  }
0xec: {  	v7 =	vld [tilespmem:s26+$0x3B20]  }
0xed: {  	[tilespmem:s26+$0x8EF0] =	vst v1;
	v1 =	vmul.f32 v5, v4;
	v4 =	vld [tilespmem:s26+$0x1F30]  }
0xee: {  	v5 =	vld [tilespmem:s26+$0x3B30]  }
0xef: {  	[tilespmem:s26+$0x8F00] =	vst v1;
	v1 =	vmul.f32 v6, v3;
	v3 =	vld [tilespmem:s26+$0x1F40]  }
0xf0: {  	v6 =	vld [tilespmem:s26+$0x3B40]  }
0xf1: {  	[tilespmem:s26+$0x8F10] =	vst v1;
	v1 =	vmul.f32 v7, v2;
	v2 =	vld [tilespmem:s26+$0x1F50]  }
0xf2: {  	v7 =	vld [tilespmem:s26+$0x3B50]  }
0xf3: {  	[tilespmem:s26+$0x8F20] =	vst v1;
	v1 =	vmul.f32 v5, v4;
	v4 =	vld [tilespmem:s26+$0x1F60]  }
0xf4: {  	v5 =	vld [tilespmem:s26+$0x3B60]  }
0xf5: {  	[tilespmem:s26+$0x8F30] =	vst v1;
	v1 =	vmul.f32 v6, v3;
	v3 =	vld [tilespmem:s26+$0x1F70]  }
0xf6: {  	v6 =	vld [tilespmem:s26+$0x3B70]  }
0xf7: {  	[tilespmem:s26+$0x8F40] =	vst v1;
	v1 =	vmul.f32 v7, v2;
	v2 =	vld [tilespmem:s26+$0x1F80]  }
0xf8: {  	v7 =	vld [tilespmem:s26+$0x3B80]  }
0xf9: {  	[tilespmem:s26+$0x8F50] =	vst v1;
	v1 =	vmul.f32 v5, v4;
	v4 =	vld [tilespmem:s26+$0x1F90]  }
0xfa: {  	v5 =	vld [tilespmem:s26+$0x3B90]  }
0xfb: {  	[tilespmem:s26+$0x8F60] =	vst v1;
	v1 =	vmul.f32 v6, v3;
	v3 =	vld [tilespmem:s26+$0x1FA0]  }
0xfc: {  	v6 =	vld [tilespmem:s26+$0x3BA0]  }
0xfd: {  	[tilespmem:s26+$0x8F70] =	vst v1;
	v1 =	vmul.f32 v7, v2;
	v2 =	vld [tilespmem:s26+$0x1FB0]  }
0xfe: {  	v7 =	vld [tilespmem:s26+$0x3BB0]  }
0xff: {  	[tilespmem:s26+$0x8F80] =	vst v1;
	v1 =	vmul.f32 v5, v4;
	v4 =	vld [tilespmem:s26+$0x1FC0]  }
0x100: {  	v5 =	vld [tilespmem:s26+$0x3BC0]  }
0x101: {  	[tilespmem:s26+$0x8F90] =	vst v1;
	v1 =	vmul.f32 v6, v3;
	v3 =	vld [tilespmem:s26+$0x1FD0]  }
0x102: {  	v6 =	vld [tilespmem:s26+$0x3BD0]  }
0x103: {  	[tilespmem:s26+$0x8FA0] =	vst v1;
	v1 =	vmul.f32 v7, v2;
	v2 =	vld [tilespmem:s26+$0x1FE0]  }
0x104: {  	v7 =	vld [tilespmem:s26+$0x3BE0]  }
0x105: {  	[tilespmem:s26+$0x8FB0] =	vst v1;
	v1 =	vmul.f32 v5, v4;
	v4 =	vld [tilespmem:s26+$0x1FF0]  }
0x106: {  	v5 =	vld [tilespmem:s26+$0x3BF0]  }
0x107: {  	[tilespmem:s26+$0x8FC0] =	vst v1;
	v1 =	vmul.f32 v6, v3;
	v3 =	vld [tilespmem:s26+$0x2000]  }
0x108: {  	v6 =	vld [tilespmem:s26+$0x3C00]  }
0x109: {  	[tilespmem:s26+$0x8FD0] =	vst v1;
	v1 =	vmul.f32 v7, v2;
	v2 =	vld [tilespmem:s26+$0x2010]  }
0x10a: {  	v7 =	vld [tilespmem:s26+$0x3C10]  }
0x10b: {  	[tilespmem:s26+$0x8FE0] =	vst v1;
	v1 =	vmul.f32 v5, v4;
	v4 =	vld [tilespmem:s26+$0x2020]  }
0x10c: {  	v5 =	vld [tilespmem:s26+$0x3C20]  }
0x10d: {  	[tilespmem:s26+$0x8FF0] =	vst v1;
	v1 =	vmul.f32 v6, v3;
	v3 =	vld [tilespmem:s26+$0x2030]  }
0x10e: {  	v6 =	vld [tilespmem:s26+$0x3C30]  }
0x10f: {  	[tilespmem:s26+$0x9000] =	vst v1;
	v1 =	vmul.f32 v7, v2;
	v2 =	vld [tilespmem:s26+$0x2040]  }
0x110: {  	v7 =	vld [tilespmem:s26+$0x3C40]  }
0x111: {  	[tilespmem:s26+$0x9010] =	vst v1;
	v1 =	vmul.f32 v5, v4;
	v4 =	vld [tilespmem:s26+$0x2050]  }
0x112: {  	v5 =	vld [tilespmem:s26+$0x3C50]  }
0x113: {  	[tilespmem:s26+$0x9020] =	vst v1;
	v1 =	vmul.f32 v6, v3;
	v3 =	vld [tilespmem:s26+$0x2060]  }
0x114: {  	v6 =	vld [tilespmem:s26+$0x3C60]  }
0x115: {  	[tilespmem:s26+$0x9030] =	vst v1;
	v1 =	vmul.f32 v7, v2;
	v2 =	vld [tilespmem:s26+$0x2070]  }
0x116: {  	v7 =	vld [tilespmem:s26+$0x3C70]  }
0x117: {  	[tilespmem:s26+$0x9040] =	vst v1;
	v1 =	vmul.f32 v5, v4;
	v4 =	vld [tilespmem:s26+$0x2080]  }
0x118: {  	v5 =	vld [tilespmem:s26+$0x3C80]  }
0x119: {  	[tilespmem:s26+$0x9050] =	vst v1;
	v1 =	vmul.f32 v6, v3;
	v3 =	vld [tilespmem:s26+$0x2090]  }
0x11a: {  	v6 =	vld [tilespmem:s26+$0x3C90]  }
0x11b: {  	[tilespmem:s26+$0x9060] =	vst v1;
	v1 =	vmul.f32 v7, v2;
	v2 =	vld [tilespmem:s26+$0x20A0]  }
0x11c: {  	v7 =	vld [tilespmem:s26+$0x3CA0]  }
0x11d: {  	[tilespmem:s26+$0x9070] =	vst v1;
	v1 =	vmul.f32 v5, v4;
	v4 =	vld [tilespmem:s26+$0x20B0]  }
0x11e: {  	v5 =	vld [tilespmem:s26+$0x3CB0]  }
0x11f: {  	[tilespmem:s26+$0x9080] =	vst v1;
	v1 =	vmul.f32 v6, v3;
	v3 =	vld [tilespmem:s26+$0x20C0]  }
0x120: {  	v6 =	vld [tilespmem:s26+$0x3CC0]  }
0x121: {  	[tilespmem:s26+$0x9090] =	vst v1;
	v1 =	vmul.f32 v7, v2;
	v2 =	vld [tilespmem:s26+$0x20D0]  }
0x122: {  	v7 =	vld [tilespmem:s26+$0x3CD0]  }
0x123: {  	[tilespmem:s26+$0x90A0] =	vst v1;
	v1 =	vmul.f32 v5, v4;
	v4 =	vld [tilespmem:s26+$0x20E0]  }
0x124: {  	v5 =	vld [tilespmem:s26+$0x3CE0]  }
0x125: {  	[tilespmem:s26+$0x90B0] =	vst v1;
	v1 =	vmul.f32 v6, v3;
	v3 =	vld [tilespmem:s26+$0x20F0]  }
0x126: {  	v6 =	vld [tilespmem:s26+$0x3CF0]  }
0x127: {  	[tilespmem:s26+$0x90C0] =	vst v1;
	v1 =	vmul.f32 v7, v2;
	v2 =	vld [tilespmem:s26+$0x2100]  }
0x128: {  	v7 =	vld [tilespmem:s26+$0x3D00]  }
0x129: {  	[tilespmem:s26+$0x90D0] =	vst v1;
	v1 =	vmul.f32 v5, v4;
	v4 =	vld [tilespmem:s26+$0x2110]  }
0x12a: {  	v5 =	vld [tilespmem:s26+$0x3D10]  }
0x12b: {  	[tilespmem:s26+$0x90E0] =	vst v1;
	v1 =	vmul.f32 v6, v3;
	v3 =	vld [tilespmem:s26+$0x2120]  }
0x12c: {  	v6 =	vld [tilespmem:s26+$0x3D20]  }
0x12d: {  	[tilespmem:s26+$0x90F0] =	vst v1;
	v1 =	vmul.f32 v7, v2;
	v2 =	vld [tilespmem:s26+$0x2130]  }
0x12e: {  	v7 =	vld [tilespmem:s26+$0x3D30]  }
0x12f: {  	[tilespmem:s26+$0x9100] =	vst v1;
	v1 =	vmul.f32 v5, v4;
	v4 =	vld [tilespmem:s26+$0x2140]  }
0x130: {  	v5 =	vld [tilespmem:s26+$0x3D40]  }
0x131: {  	[tilespmem:s26+$0x9110] =	vst v1;
	v1 =	vmul.f32 v6, v3;
	v3 =	vld [tilespmem:s26+$0x2150]  }
0x132: {  	v6 =	vld [tilespmem:s26+$0x3D50]  }
0x133: {  	[tilespmem:s26+$0x9120] =	vst v1;
	v1 =	vmul.f32 v7, v2;
	v2 =	vld [tilespmem:s26+$0x2160]  }
0x134: {  	v7 =	vld [tilespmem:s26+$0x3D60]  }
0x135: {  	[tilespmem:s26+$0x9130] =	vst v1;
	v1 =	vmul.f32 v5, v4;
	v4 =	vld [tilespmem:s26+$0x2170]  }
0x136: {  	v5 =	vld [tilespmem:s26+$0x3D70]  }
0x137: {  	[tilespmem:s26+$0x9140] =	vst v1;
	v1 =	vmul.f32 v6, v3;
	v3 =	vld [tilespmem:s26+$0x2180]  }
0x138: {  	v6 =	vld [tilespmem:s26+$0x3D80]  }
0x139: {  	[tilespmem:s26+$0x9150] =	vst v1;
	v1 =	vmul.f32 v7, v2;
	v2 =	vld [tilespmem:s26+$0x2190]  }
0x13a: {  	v7 =	vld [tilespmem:s26+$0x3D90]  }
0x13b: {  	[tilespmem:s26+$0x9160] =	vst v1;
	v1 =	vmul.f32 v5, v4;
	v4 =	vld [tilespmem:s26+$0x21A0]  }
0x13c: {  	v5 =	vld [tilespmem:s26+$0x3DA0]  }
0x13d: {  	[tilespmem:s26+$0x9170] =	vst v1;
	v1 =	vmul.f32 v6, v3;
	v3 =	vld [tilespmem:s26+$0x21B0]  }
0x13e: {  	v6 =	vld [tilespmem:s26+$0x3DB0]  }
0x13f: {  	[tilespmem:s26+$0x9180] =	vst v1;
	v1 =	vmul.f32 v7, v2;
	v2 =	vld [tilespmem:s26+$0x21C0]  }
0x140: {  	v7 =	vld [tilespmem:s26+$0x3DC0]  }
0x141: {  	[tilespmem:s26+$0x9190] =	vst v1;
	v1 =	vmul.f32 v5, v4;
	v4 =	vld [tilespmem:s26+$0x21D0]  }
0x142: {  	v5 =	vld [tilespmem:s26+$0x3DD0]  }
0x143: {  	[tilespmem:s26+$0x91A0] =	vst v1;
	v1 =	vmul.f32 v6, v3;
	v3 =	vld [tilespmem:s26+$0x21E0]  }
0x144: {  	v6 =	vld [tilespmem:s26+$0x3DE0]  }
0x145: {  	[tilespmem:s26+$0x91B0] =	vst v1;
	v1 =	vmul.f32 v7, v2;
	v2 =	vld [tilespmem:s26+$0x21F0]  }
0x146: {  	v7 =	vld [tilespmem:s26+$0x3DF0]  }
0x147: {  	[tilespmem:s26+$0x91C0] =	vst v1;
	v1 =	vmul.f32 v5, v4;
	v4 =	vld [tilespmem:s26+$0x2200]  }
0x148: {  	v5 =	vld [tilespmem:s26+$0x3E00]  }
0x149: {  	[tilespmem:s26+$0x91D0] =	vst v1;
	v1 =	vmul.f32 v6, v3;
	v3 =	vld [tilespmem:s26+$0x2210]  }
0x14a: {  	v6 =	vld [tilespmem:s26+$0x3E10]  }
0x14b: {  	[tilespmem:s26+$0x91E0] =	vst v1;
	v1 =	vmul.f32 v7, v2;
	v2 =	vld [tilespmem:s26+$0x2220]  }
0x14c: {  	v7 =	vld [tilespmem:s26+$0x3E20]  }
0x14d: {  	[tilespmem:s26+$0x91F0] =	vst v1;
	v1 =	vmul.f32 v5, v4;
	v4 =	vld [tilespmem:s26+$0x2230]  }
0x14e: {  	v5 =	vld [tilespmem:s26+$0x3E30]  }
0x14f: {  	[tilespmem:s26+$0x9200] =	vst v1;
	v1 =	vmul.f32 v6, v3;
	v3 =	vld [tilespmem:s26+$0x2240]  }
0x150: {  	v6 =	vld [tilespmem:s26+$0x3E40]  }
0x151: {  	[tilespmem:s26+$0x9210] =	vst v1;
	v1 =	vmul.f32 v7, v2;
	v2 =	vld [tilespmem:s26+$0x2250]  }
0x152: {  	v7 =	vld [tilespmem:s26+$0x3E50]  }
0x153: {  	[tilespmem:s26+$0x9220] =	vst v1;
	v1 =	vmul.f32 v5, v4;
	v4 =	vld [tilespmem:s26+$0x2260]  }
0x154: {  	v5 =	vld [tilespmem:s26+$0x3E60]  }
0x155: {  	[tilespmem:s26+$0x9230] =	vst v1;
	v1 =	vmul.f32 v6, v3;
	v3 =	vld [tilespmem:s26+$0x2270]  }
0x156: {  	v6 =	vld [tilespmem:s26+$0x3E70]  }
0x157: {  	[tilespmem:s26+$0x9240] =	vst v1;
	v1 =	vmul.f32 v7, v2;
	v2 =	vld [tilespmem:s26+$0x2280]  }
0x158: {  	v7 =	vld [tilespmem:s26+$0x3E80]  }
0x159: {  	[tilespmem:s26+$0x9250] =	vst v1;
	v1 =	vmul.f32 v5, v4;
	v4 =	vld [tilespmem:s26+$0x2290]  }
0x15a: {  	v5 =	vld [tilespmem:s26+$0x3E90]  }
0x15b: {  	v8 =	vld [tilespmem:s26+$0x3EB0]  }
0x15c: {  	[tilespmem:s26+$0x9260] =	vst v1;
	v1 =	vmul.f32 v6, v3;
	v3 =	vld [tilespmem:s26+$0x22A0]  }
0x15d: {  	v6 =	vld [tilespmem:s26+$0x3EA0]  }
0x15e: {  	[tilespmem:s26+$0x9270] =	vst v1;
	v1 =	vmul.f32 v7, v2;
	v7 =	vld [tilespmem:s26+$0x22B0]  }
0x15f: {  	v2 =	vmul.f32 v5, v4;
	v4 =	vld [tilespmem:s26+$0x3EC0]  }
0x160: {  	[tilespmem:s26+$0x9280] =	vst v1;
	v1 =	vld [tilespmem:s26+$0x22C0]  }
0x161: {  	v5 =	vld [tilespmem:s26+$0x3ED0]  }
0x162: {  	s28 =	simm.s32 $0x1;
	[tilespmem:s26+$0x9290] =	vst v2;
	v3 =	vmul.f32 v6, v3;
	v2 =	vld [tilespmem:s26+$0x22D0]  }
0x163: {  	s29 =	smul.u32 $0x500, s28;
	v6 =	vld [tilespmem:s26+$0x3EE0];
	v7 =	vmul.f32 v8, v7  }
0x164: {  	s28 =	simm.s32 $0x2;
	s24 =	sshll.u32 s23, $0x1;
	[tilespmem:s26+$0x92A0] =	vst v3;
	v3 =	vld [tilespmem:s26+$0x22E0]  }
.LBB2_8:
0x165: {  	p2 =	sne.s32 s28, $0x4;
	v8 =	vld [tilespmem:s29+$0x22F0];
	[tilespmem:s26+$0x92B0] =	vst v7;
	v1 =	vmul.f32 v4, v1  }
0x166: {  	v4 =	vld [tilespmem:s29+$0x3EF0]  }
0x167: {  	v7 =	vld [tilespmem:s29+$0x1E00];
	[tilespmem:s26+$0x92C0] =	vst v1;
	v1 =	vmul.f32 v5, v2  }
0x168: {  	v2 =	vld [tilespmem:s29+$0x3A00]  }
0x169: {  	v5 =	vld [tilespmem:s29+$0x1E10];
	[tilespmem:s26+$0x92D0] =	vst v1;
	v1 =	vmul.f32 v6, v3  }
0x16a: {  	v3 =	vld [tilespmem:s29+$0x3A10]  }
0x16b: {  	v6 =	vld [tilespmem:s29+$0x1E20];
	v4 =	vmul.f32 v4, v8;
	[tilespmem:s26+$0x92E0] =	vst v1;
	s26 =	smov.u32 s29  }
0x16c: {  	v1 =	vld [tilespmem:s26+$0x3A20]  }
0x16d: {  	v2 =	vmul.f32 v2, v7;
	v7 =	vld [tilespmem:s26+$0x1E30];
	[tilespmem:s26+$0x92F0] =	vst v4  }
0x16e: {  	v4 =	vld [tilespmem:s26+$0x3A30]  }
0x16f: {  	[tilespmem:s26+$0x8E00] =	vst v2;
	v2 =	vmul.f32 v3, v5;
	v3 =	vld [tilespmem:s26+$0x1E40]  }
0x170: {  	v5 =	vld [tilespmem:s26+$0x3A40]  }
0x171: {  	[tilespmem:s26+$0x8E10] =	vst v2;
	v1 =	vmul.f32 v1, v6;
	v2 =	vld [tilespmem:s26+$0x1E50]  }
0x172: {  	v6 =	vld [tilespmem:s26+$0x3A50]  }
0x173: {  	[tilespmem:s26+$0x8E20] =	vst v1;
	v1 =	vmul.f32 v4, v7;
	v4 =	vld [tilespmem:s26+$0x1E60]  }
0x174: {  	v7 =	vld [tilespmem:s26+$0x3A60]  }
0x175: {  	[tilespmem:s26+$0x8E30] =	vst v1;
	v1 =	vmul.f32 v5, v3;
	v3 =	vld [tilespmem:s26+$0x1E70]  }
0x176: {  	v5 =	vld [tilespmem:s26+$0x3A70]  }
0x177: {  	[tilespmem:s26+$0x8E40] =	vst v1;
	v1 =	vmul.f32 v6, v2;
	v2 =	vld [tilespmem:s26+$0x1E80]  }
0x178: {  	v6 =	vld [tilespmem:s26+$0x3A80]  }
0x179: {  	[tilespmem:s26+$0x8E50] =	vst v1;
	v1 =	vmul.f32 v7, v4;
	v4 =	vld [tilespmem:s26+$0x1E90]  }
0x17a: {  	v7 =	vld [tilespmem:s26+$0x3A90]  }
0x17b: {  	[tilespmem:s26+$0x8E60] =	vst v1;
	v1 =	vmul.f32 v5, v3;
	v3 =	vld [tilespmem:s26+$0x1EA0]  }
0x17c: {  	v5 =	vld [tilespmem:s26+$0x3AA0]  }
0x17d: {  	[tilespmem:s26+$0x8E70] =	vst v1;
	v1 =	vmul.f32 v6, v2;
	v2 =	vld [tilespmem:s26+$0x1EB0]  }
0x17e: {  	v6 =	vld [tilespmem:s26+$0x3AB0]  }
0x17f: {  	[tilespmem:s26+$0x8E80] =	vst v1;
	v1 =	vmul.f32 v7, v4;
	v4 =	vld [tilespmem:s26+$0x1EC0]  }
0x180: {  	v7 =	vld [tilespmem:s26+$0x3AC0]  }
0x181: {  	[tilespmem:s26+$0x8E90] =	vst v1;
	v1 =	vmul.f32 v5, v3;
	v3 =	vld [tilespmem:s26+$0x1ED0]  }
0x182: {  	v5 =	vld [tilespmem:s26+$0x3AD0]  }
0x183: {  	[tilespmem:s26+$0x8EA0] =	vst v1;
	v1 =	vmul.f32 v6, v2;
	v2 =	vld [tilespmem:s26+$0x1EE0]  }
0x184: {  	v6 =	vld [tilespmem:s26+$0x3AE0]  }
0x185: {  	[tilespmem:s26+$0x8EB0] =	vst v1;
	v1 =	vmul.f32 v7, v4;
	v4 =	vld [tilespmem:s26+$0x1EF0]  }
0x186: {  	v7 =	vld [tilespmem:s26+$0x3AF0]  }
0x187: {  	[tilespmem:s26+$0x8EC0] =	vst v1;
	v1 =	vmul.f32 v5, v3;
	v3 =	vld [tilespmem:s26+$0x1F00]  }
0x188: {  	v5 =	vld [tilespmem:s26+$0x3B00]  }
0x189: {  	[tilespmem:s26+$0x8ED0] =	vst v1;
	v1 =	vmul.f32 v6, v2;
	v2 =	vld [tilespmem:s26+$0x1F10]  }
0x18a: {  	v6 =	vld [tilespmem:s26+$0x3B10]  }
0x18b: {  	[tilespmem:s26+$0x8EE0] =	vst v1;
	v1 =	vmul.f32 v7, v4;
	v4 =	vld [tilespmem:s26+$0x1F20]  }
0x18c: {  	v7 =	vld [tilespmem:s26+$0x3B20]  }
0x18d: {  	[tilespmem:s26+$0x8EF0] =	vst v1;
	v1 =	vmul.f32 v5, v3;
	v3 =	vld [tilespmem:s26+$0x1F30]  }
0x18e: {  	v5 =	vld [tilespmem:s26+$0x3B30]  }
0x18f: {  	[tilespmem:s26+$0x8F00] =	vst v1;
	v1 =	vmul.f32 v6, v2;
	v2 =	vld [tilespmem:s26+$0x1F40]  }
0x190: {  	v6 =	vld [tilespmem:s26+$0x3B40]  }
0x191: {  	[tilespmem:s26+$0x8F10] =	vst v1;
	v1 =	vmul.f32 v7, v4;
	v4 =	vld [tilespmem:s26+$0x1F50]  }
0x192: {  	v7 =	vld [tilespmem:s26+$0x3B50]  }
0x193: {  	[tilespmem:s26+$0x8F20] =	vst v1;
	v1 =	vmul.f32 v5, v3;
	v3 =	vld [tilespmem:s26+$0x1F60]  }
0x194: {  	v5 =	vld [tilespmem:s26+$0x3B60]  }
0x195: {  	[tilespmem:s26+$0x8F30] =	vst v1;
	v1 =	vmul.f32 v6, v2;
	v2 =	vld [tilespmem:s26+$0x1F70]  }
0x196: {  	v6 =	vld [tilespmem:s26+$0x3B70]  }
0x197: {  	[tilespmem:s26+$0x8F40] =	vst v1;
	v1 =	vmul.f32 v7, v4;
	v4 =	vld [tilespmem:s26+$0x1F80]  }
0x198: {  	v7 =	vld [tilespmem:s26+$0x3B80]  }
0x199: {  	[tilespmem:s26+$0x8F50] =	vst v1;
	v1 =	vmul.f32 v5, v3;
	v3 =	vld [tilespmem:s26+$0x1F90]  }
0x19a: {  	v5 =	vld [tilespmem:s26+$0x3B90]  }
0x19b: {  	[tilespmem:s26+$0x8F60] =	vst v1;
	v1 =	vmul.f32 v6, v2;
	v2 =	vld [tilespmem:s26+$0x1FA0]  }
0x19c: {  	v6 =	vld [tilespmem:s26+$0x3BA0]  }
0x19d: {  	[tilespmem:s26+$0x8F70] =	vst v1;
	v1 =	vmul.f32 v7, v4;
	v4 =	vld [tilespmem:s26+$0x1FB0]  }
0x19e: {  	v7 =	vld [tilespmem:s26+$0x3BB0]  }
0x19f: {  	[tilespmem:s26+$0x8F80] =	vst v1;
	v1 =	vmul.f32 v5, v3;
	v3 =	vld [tilespmem:s26+$0x1FC0]  }
0x1a0: {  	v5 =	vld [tilespmem:s26+$0x3BC0]  }
0x1a1: {  	[tilespmem:s26+$0x8F90] =	vst v1;
	v1 =	vmul.f32 v6, v2;
	v2 =	vld [tilespmem:s26+$0x1FD0]  }
0x1a2: {  	v6 =	vld [tilespmem:s26+$0x3BD0]  }
0x1a3: {  	[tilespmem:s26+$0x8FA0] =	vst v1;
	v1 =	vmul.f32 v7, v4;
	v4 =	vld [tilespmem:s26+$0x1FE0]  }
0x1a4: {  	v7 =	vld [tilespmem:s26+$0x3BE0]  }
0x1a5: {  	[tilespmem:s26+$0x8FB0] =	vst v1;
	v1 =	vmul.f32 v5, v3;
	v3 =	vld [tilespmem:s26+$0x1FF0]  }
0x1a6: {  	v5 =	vld [tilespmem:s26+$0x3BF0]  }
0x1a7: {  	[tilespmem:s26+$0x8FC0] =	vst v1;
	v1 =	vmul.f32 v6, v2;
	v2 =	vld [tilespmem:s26+$0x2000]  }
0x1a8: {  	v6 =	vld [tilespmem:s26+$0x3C00]  }
0x1a9: {  	[tilespmem:s26+$0x8FD0] =	vst v1;
	v1 =	vmul.f32 v7, v4;
	v4 =	vld [tilespmem:s26+$0x2010]  }
0x1aa: {  	v7 =	vld [tilespmem:s26+$0x3C10]  }
0x1ab: {  	[tilespmem:s26+$0x8FE0] =	vst v1;
	v1 =	vmul.f32 v5, v3;
	v3 =	vld [tilespmem:s26+$0x2020]  }
0x1ac: {  	v5 =	vld [tilespmem:s26+$0x3C20]  }
0x1ad: {  	[tilespmem:s26+$0x8FF0] =	vst v1;
	v1 =	vmul.f32 v6, v2;
	v2 =	vld [tilespmem:s26+$0x2030]  }
0x1ae: {  	v6 =	vld [tilespmem:s26+$0x3C30]  }
0x1af: {  	[tilespmem:s26+$0x9000] =	vst v1;
	v1 =	vmul.f32 v7, v4;
	v4 =	vld [tilespmem:s26+$0x2040]  }
0x1b0: {  	v7 =	vld [tilespmem:s26+$0x3C40]  }
0x1b1: {  	[tilespmem:s26+$0x9010] =	vst v1;
	v1 =	vmul.f32 v5, v3;
	v3 =	vld [tilespmem:s26+$0x2050]  }
0x1b2: {  	v5 =	vld [tilespmem:s26+$0x3C50]  }
0x1b3: {  	[tilespmem:s26+$0x9020] =	vst v1;
	v1 =	vmul.f32 v6, v2;
	v2 =	vld [tilespmem:s26+$0x2060]  }
0x1b4: {  	v6 =	vld [tilespmem:s26+$0x3C60]  }
0x1b5: {  	[tilespmem:s26+$0x9030] =	vst v1;
	v1 =	vmul.f32 v7, v4;
	v4 =	vld [tilespmem:s26+$0x2070]  }
0x1b6: {  	v7 =	vld [tilespmem:s26+$0x3C70]  }
0x1b7: {  	[tilespmem:s26+$0x9040] =	vst v1;
	v1 =	vmul.f32 v5, v3;
	v3 =	vld [tilespmem:s26+$0x2080]  }
0x1b8: {  	v5 =	vld [tilespmem:s26+$0x3C80]  }
0x1b9: {  	[tilespmem:s26+$0x9050] =	vst v1;
	v1 =	vmul.f32 v6, v2;
	v2 =	vld [tilespmem:s26+$0x2090]  }
0x1ba: {  	v6 =	vld [tilespmem:s26+$0x3C90]  }
0x1bb: {  	[tilespmem:s26+$0x9060] =	vst v1;
	v1 =	vmul.f32 v7, v4;
	v4 =	vld [tilespmem:s26+$0x20A0]  }
0x1bc: {  	v7 =	vld [tilespmem:s26+$0x3CA0]  }
0x1bd: {  	[tilespmem:s26+$0x9070] =	vst v1;
	v1 =	vmul.f32 v5, v3;
	v3 =	vld [tilespmem:s26+$0x20B0]  }
0x1be: {  	v5 =	vld [tilespmem:s26+$0x3CB0]  }
0x1bf: {  	[tilespmem:s26+$0x9080] =	vst v1;
	v1 =	vmul.f32 v6, v2;
	v2 =	vld [tilespmem:s26+$0x20C0]  }
0x1c0: {  	v6 =	vld [tilespmem:s26+$0x3CC0]  }
0x1c1: {  	[tilespmem:s26+$0x9090] =	vst v1;
	v1 =	vmul.f32 v7, v4;
	v4 =	vld [tilespmem:s26+$0x20D0]  }
0x1c2: {  	v7 =	vld [tilespmem:s26+$0x3CD0]  }
0x1c3: {  	[tilespmem:s26+$0x90A0] =	vst v1;
	v1 =	vmul.f32 v5, v3;
	v3 =	vld [tilespmem:s26+$0x20E0]  }
0x1c4: {  	v5 =	vld [tilespmem:s26+$0x3CE0]  }
0x1c5: {  	[tilespmem:s26+$0x90B0] =	vst v1;
	v1 =	vmul.f32 v6, v2;
	v2 =	vld [tilespmem:s26+$0x20F0]  }
0x1c6: {  	v6 =	vld [tilespmem:s26+$0x3CF0]  }
0x1c7: {  	[tilespmem:s26+$0x90C0] =	vst v1;
	v1 =	vmul.f32 v7, v4;
	v4 =	vld [tilespmem:s26+$0x2100]  }
0x1c8: {  	v7 =	vld [tilespmem:s26+$0x3D00]  }
0x1c9: {  	[tilespmem:s26+$0x90D0] =	vst v1;
	v1 =	vmul.f32 v5, v3;
	v3 =	vld [tilespmem:s26+$0x2110]  }
0x1ca: {  	v5 =	vld [tilespmem:s26+$0x3D10]  }
0x1cb: {  	[tilespmem:s26+$0x90E0] =	vst v1;
	v1 =	vmul.f32 v6, v2;
	v2 =	vld [tilespmem:s26+$0x2120]  }
0x1cc: {  	v6 =	vld [tilespmem:s26+$0x3D20]  }
0x1cd: {  	[tilespmem:s26+$0x90F0] =	vst v1;
	v1 =	vmul.f32 v7, v4;
	v4 =	vld [tilespmem:s26+$0x2130]  }
0x1ce: {  	v7 =	vld [tilespmem:s26+$0x3D30]  }
0x1cf: {  	[tilespmem:s26+$0x9100] =	vst v1;
	v1 =	vmul.f32 v5, v3;
	v3 =	vld [tilespmem:s26+$0x2140]  }
0x1d0: {  	v5 =	vld [tilespmem:s26+$0x3D40]  }
0x1d1: {  	[tilespmem:s26+$0x9110] =	vst v1;
	v1 =	vmul.f32 v6, v2;
	v2 =	vld [tilespmem:s26+$0x2150]  }
0x1d2: {  	v6 =	vld [tilespmem:s26+$0x3D50]  }
0x1d3: {  	[tilespmem:s26+$0x9120] =	vst v1;
	v1 =	vmul.f32 v7, v4;
	v4 =	vld [tilespmem:s26+$0x2160]  }
0x1d4: {  	v7 =	vld [tilespmem:s26+$0x3D60]  }
0x1d5: {  	[tilespmem:s26+$0x9130] =	vst v1;
	v1 =	vmul.f32 v5, v3;
	v3 =	vld [tilespmem:s26+$0x2170]  }
0x1d6: {  	v5 =	vld [tilespmem:s26+$0x3D70]  }
0x1d7: {  	[tilespmem:s26+$0x9140] =	vst v1;
	v1 =	vmul.f32 v6, v2;
	v2 =	vld [tilespmem:s26+$0x2180]  }
0x1d8: {  	v6 =	vld [tilespmem:s26+$0x3D80]  }
0x1d9: {  	[tilespmem:s26+$0x9150] =	vst v1;
	v1 =	vmul.f32 v7, v4;
	v4 =	vld [tilespmem:s26+$0x2190]  }
0x1da: {  	v7 =	vld [tilespmem:s26+$0x3D90]  }
0x1db: {  	[tilespmem:s26+$0x9160] =	vst v1;
	v1 =	vmul.f32 v5, v3;
	v3 =	vld [tilespmem:s26+$0x21A0]  }
0x1dc: {  	v5 =	vld [tilespmem:s26+$0x3DA0]  }
0x1dd: {  	[tilespmem:s26+$0x9170] =	vst v1;
	v1 =	vmul.f32 v6, v2;
	v2 =	vld [tilespmem:s26+$0x21B0]  }
0x1de: {  	v6 =	vld [tilespmem:s26+$0x3DB0]  }
0x1df: {  	[tilespmem:s26+$0x9180] =	vst v1;
	v1 =	vmul.f32 v7, v4;
	v4 =	vld [tilespmem:s26+$0x21C0]  }
0x1e0: {  	v7 =	vld [tilespmem:s26+$0x3DC0]  }
0x1e1: {  	[tilespmem:s26+$0x9190] =	vst v1;
	v1 =	vmul.f32 v5, v3;
	v3 =	vld [tilespmem:s26+$0x21D0]  }
0x1e2: {  	v5 =	vld [tilespmem:s26+$0x3DD0]  }
0x1e3: {  	[tilespmem:s26+$0x91A0] =	vst v1;
	v1 =	vmul.f32 v6, v2;
	v2 =	vld [tilespmem:s26+$0x21E0]  }
0x1e4: {  	v6 =	vld [tilespmem:s26+$0x3DE0]  }
0x1e5: {  	[tilespmem:s26+$0x91B0] =	vst v1;
	v1 =	vmul.f32 v7, v4;
	v4 =	vld [tilespmem:s26+$0x21F0]  }
0x1e6: {  	v7 =	vld [tilespmem:s26+$0x3DF0]  }
0x1e7: {  	[tilespmem:s26+$0x91C0] =	vst v1;
	v1 =	vmul.f32 v5, v3;
	v3 =	vld [tilespmem:s26+$0x2200]  }
0x1e8: {  	v5 =	vld [tilespmem:s26+$0x3E00]  }
0x1e9: {  	[tilespmem:s26+$0x91D0] =	vst v1;
	v1 =	vmul.f32 v6, v2;
	v2 =	vld [tilespmem:s26+$0x2210]  }
0x1ea: {  	v6 =	vld [tilespmem:s26+$0x3E10]  }
0x1eb: {  	[tilespmem:s26+$0x91E0] =	vst v1;
	v1 =	vmul.f32 v7, v4;
	v4 =	vld [tilespmem:s26+$0x2220]  }
0x1ec: {  	v7 =	vld [tilespmem:s26+$0x3E20]  }
0x1ed: {  	[tilespmem:s26+$0x91F0] =	vst v1;
	v1 =	vmul.f32 v5, v3;
	v3 =	vld [tilespmem:s26+$0x2230]  }
0x1ee: {  	v5 =	vld [tilespmem:s26+$0x3E30]  }
0x1ef: {  	[tilespmem:s26+$0x9200] =	vst v1;
	v1 =	vmul.f32 v6, v2;
	v2 =	vld [tilespmem:s26+$0x2240]  }
0x1f0: {  	v6 =	vld [tilespmem:s26+$0x3E40]  }
0x1f1: {  	[tilespmem:s26+$0x9210] =	vst v1;
	v1 =	vmul.f32 v7, v4;
	v4 =	vld [tilespmem:s26+$0x2250]  }
0x1f2: {  	v7 =	vld [tilespmem:s26+$0x3E50]  }
0x1f3: {  	[tilespmem:s26+$0x9220] =	vst v1;
	v1 =	vmul.f32 v5, v3;
	v3 =	vld [tilespmem:s26+$0x2260]  }
0x1f4: {  	v5 =	vld [tilespmem:s26+$0x3E60]  }
0x1f5: {  	[tilespmem:s26+$0x9230] =	vst v1;
	v1 =	vmul.f32 v6, v2;
	v2 =	vld [tilespmem:s26+$0x2270]  }
0x1f6: {  	v6 =	vld [tilespmem:s26+$0x3E70]  }
0x1f7: {  	[tilespmem:s26+$0x9240] =	vst v1;
	v1 =	vmul.f32 v7, v4;
	v4 =	vld [tilespmem:s26+$0x2280]  }
0x1f8: {  	v7 =	vld [tilespmem:s26+$0x3E80]  }
0x1f9: {  	[tilespmem:s26+$0x9250] =	vst v1;
	v1 =	vmul.f32 v5, v3;
	v3 =	vld [tilespmem:s26+$0x2290]  }
0x1fa: {  	v5 =	vld [tilespmem:s26+$0x3E90]  }
0x1fb: {  	[tilespmem:s26+$0x9260] =	vst v1;
	v1 =	vmul.f32 v6, v2;
	v2 =	vld [tilespmem:s26+$0x22A0]  }
0x1fc: {  	v6 =	vld [tilespmem:s26+$0x3EA0]  }
0x1fd: {  	[tilespmem:s26+$0x9270] =	vst v1;
	v1 =	vmul.f32 v7, v4;
	v7 =	vld [tilespmem:s26+$0x22B0]  }
0x1fe: {  	v8 =	vld [tilespmem:s26+$0x3EB0]  }
0x1ff: {  	[tilespmem:s26+$0x9280] =	vst v1;
	v3 =	vmul.f32 v5, v3;
	v1 =	vld [tilespmem:s26+$0x22C0]  }
.Ltmp3:
0x200: {  	v4 =	vld [tilespmem:s26+$0x3EC0];
	(pc) =	sbr.rel @p2 .LBB2_8-.Ltmp3, $4  }
0x201: {  	[tilespmem:s26+$0x9290] =	vst v3;
	v3 =	vmul.f32 v6, v2;
	v2 =	vld [tilespmem:s26+$0x22D0]  }
0x202: {  	v5 =	vld [tilespmem:s26+$0x3ED0]  }
0x203: {  	s29 =	smul.u32 $0x500, s28;
	[tilespmem:s26+$0x92A0] =	vst v3;
	v7 =	vmul.f32 v8, v7;
	v3 =	vld [tilespmem:s26+$0x22E0]  }
0x204: {  	s28 =	sadd.s32 $0x1, s28;
	v6 =	vld [tilespmem:s26+$0x3EE0]  }
0x205: {  	v8 =	vld [tilespmem:s29+$0x22F0];
	[tilespmem:s26+$0x92B0] =	vst v7;
	v1 =	vmul.f32 v4, v1  }
0x206: {  	v4 =	vld [tilespmem:s29+$0x3EF0]  }
0x207: {  	v7 =	vld [tilespmem:s29+$0x1E00];
	[tilespmem:s26+$0x92C0] =	vst v1;
	v1 =	vmul.f32 v5, v2  }
0x208: {  	v2 =	vld [tilespmem:s29+$0x3A00]  }
0x209: {  	v5 =	vld [tilespmem:s29+$0x1E10];
	[tilespmem:s26+$0x92D0] =	vst v1;
	v1 =	vmul.f32 v6, v3  }
0x20a: {  	v3 =	vld [tilespmem:s29+$0x3A10]  }
0x20b: {  	v6 =	vld [tilespmem:s29+$0x1E20];
	[tilespmem:s26+$0x92E0] =	vst v1  }
0x20c: {  	v1 =	vmul.f32 v4, v8;
	v4 =	vld [tilespmem:s29+$0x3A20]  }
0x20d: {  	v8 =	vld [tilespmem:s29+$0x1E30];
	v2 =	vmul.f32 v2, v7  }
0x20e: {  	[tilespmem:s29+$0x92F0] =	vst v1;
	v1 =	vld [tilespmem:s29+$0x3A30]  }
0x20f: {  	[tilespmem:s29+$0x8E00] =	vst v2;
	v2 =	vmul.f32 v3, v5;
	v3 =	vld [tilespmem:s29+$0x1E40]  }
0x210: {  	v5 =	vld [tilespmem:s29+$0x3A40]  }
0x211: {  	[tilespmem:s29+$0x8E10] =	vst v2;
	v2 =	vmul.f32 v4, v6;
	v4 =	vld [tilespmem:s29+$0x1E50]  }
0x212: {  	v6 =	vld [tilespmem:s29+$0x3A50]  }
0x213: {  	v7 =	vld [tilespmem:s29+$0x3A60];
	v1 =	vmul.f32 v1, v8  }
0x214: {  	[tilespmem:s29+$0x8E20] =	vst v2;
	v2 =	vld [tilespmem:s29+$0x1E60]  }
0x215: {  	[tilespmem:s29+$0x8E30] =	vst v1;
	v1 =	vmul.f32 v5, v3;
	v3 =	vld [tilespmem:s29+$0x1E70]  }
0x216: {  	v5 =	vld [tilespmem:s29+$0x3A70]  }
0x217: {  	[tilespmem:s29+$0x8E40] =	vst v1;
	v1 =	vmul.f32 v6, v4;
	v4 =	vld [tilespmem:s29+$0x1E80]  }
0x218: {  	v6 =	vld [tilespmem:s29+$0x3A80]  }
0x219: {  	[tilespmem:s29+$0x8E50] =	vst v1;
	v1 =	vmul.f32 v7, v2;
	v2 =	vld [tilespmem:s29+$0x1E90]  }
0x21a: {  	v7 =	vld [tilespmem:s29+$0x3A90]  }
0x21b: {  	[tilespmem:s29+$0x8E60] =	vst v1;
	v1 =	vmul.f32 v5, v3;
	v3 =	vld [tilespmem:s29+$0x1EA0]  }
0x21c: {  	v5 =	vld [tilespmem:s29+$0x3AA0]  }
0x21d: {  	[tilespmem:s29+$0x8E70] =	vst v1;
	v1 =	vmul.f32 v6, v4;
	v4 =	vld [tilespmem:s29+$0x1EB0]  }
0x21e: {  	v6 =	vld [tilespmem:s29+$0x3AB0]  }
0x21f: {  	[tilespmem:s29+$0x8E80] =	vst v1;
	v1 =	vmul.f32 v7, v2;
	v2 =	vld [tilespmem:s29+$0x1EC0]  }
0x220: {  	v7 =	vld [tilespmem:s29+$0x3AC0]  }
0x221: {  	[tilespmem:s29+$0x8E90] =	vst v1;
	v1 =	vmul.f32 v5, v3;
	v3 =	vld [tilespmem:s29+$0x1ED0]  }
0x222: {  	v5 =	vld [tilespmem:s29+$0x3AD0]  }
0x223: {  	[tilespmem:s29+$0x8EA0] =	vst v1;
	v1 =	vmul.f32 v6, v4;
	v4 =	vld [tilespmem:s29+$0x1EE0]  }
0x224: {  	v6 =	vld [tilespmem:s29+$0x3AE0]  }
0x225: {  	[tilespmem:s29+$0x8EB0] =	vst v1;
	v1 =	vmul.f32 v7, v2;
	v2 =	vld [tilespmem:s29+$0x1EF0]  }
0x226: {  	v7 =	vld [tilespmem:s29+$0x3AF0]  }
0x227: {  	v8 =	vld [tilespmem:s29+$0x3EE0]  }
0x228: {  	[tilespmem:s29+$0x8EC0] =	vst v1;
	v1 =	vmul.f32 v5, v3;
	v3 =	vld [tilespmem:s29+$0x1F00]  }
0x229: {  	v5 =	vld [tilespmem:s29+$0x3B00]  }
0x22a: {  	[tilespmem:s29+$0x8ED0] =	vst v1;
	v1 =	vmul.f32 v6, v4;
	v4 =	vld [tilespmem:s29+$0x1F10]  }
0x22b: {  	v6 =	vld [tilespmem:s29+$0x3B10]  }
0x22c: {  	[tilespmem:s29+$0x8EE0] =	vst v1;
	v1 =	vmul.f32 v7, v2;
	v2 =	vld [tilespmem:s29+$0x1F20]  }
0x22d: {  	v7 =	vld [tilespmem:s29+$0x3B20]  }
0x22e: {  	[tilespmem:s29+$0x8EF0] =	vst v1;
	v1 =	vmul.f32 v5, v3;
	v3 =	vld [tilespmem:s29+$0x1F30]  }
0x22f: {  	v5 =	vld [tilespmem:s29+$0x3B30]  }
0x230: {  	[tilespmem:s29+$0x8F00] =	vst v1;
	v1 =	vmul.f32 v6, v4;
	v4 =	vld [tilespmem:s29+$0x1F40]  }
0x231: {  	v6 =	vld [tilespmem:s29+$0x3B40]  }
0x232: {  	[tilespmem:s29+$0x8F10] =	vst v1;
	v1 =	vmul.f32 v7, v2;
	v2 =	vld [tilespmem:s29+$0x1F50]  }
0x233: {  	v7 =	vld [tilespmem:s29+$0x3B50]  }
0x234: {  	[tilespmem:s29+$0x8F20] =	vst v1;
	v1 =	vmul.f32 v5, v3;
	v3 =	vld [tilespmem:s29+$0x1F60]  }
0x235: {  	v5 =	vld [tilespmem:s29+$0x3B60]  }
0x236: {  	[tilespmem:s29+$0x8F30] =	vst v1;
	v1 =	vmul.f32 v6, v4;
	v4 =	vld [tilespmem:s29+$0x1F70]  }
0x237: {  	v6 =	vld [tilespmem:s29+$0x3B70]  }
0x238: {  	[tilespmem:s29+$0x8F40] =	vst v1;
	v1 =	vmul.f32 v7, v2;
	v2 =	vld [tilespmem:s29+$0x1F80]  }
0x239: {  	v7 =	vld [tilespmem:s29+$0x3B80]  }
0x23a: {  	[tilespmem:s29+$0x8F50] =	vst v1;
	v1 =	vmul.f32 v5, v3;
	v3 =	vld [tilespmem:s29+$0x1F90]  }
0x23b: {  	v5 =	vld [tilespmem:s29+$0x3B90]  }
0x23c: {  	[tilespmem:s29+$0x8F60] =	vst v1;
	v1 =	vmul.f32 v6, v4;
	v4 =	vld [tilespmem:s29+$0x1FA0]  }
0x23d: {  	v6 =	vld [tilespmem:s29+$0x3BA0]  }
0x23e: {  	[tilespmem:s29+$0x8F70] =	vst v1;
	v1 =	vmul.f32 v7, v2;
	v2 =	vld [tilespmem:s29+$0x1FB0]  }
0x23f: {  	v7 =	vld [tilespmem:s29+$0x3BB0]  }
0x240: {  	[tilespmem:s29+$0x8F80] =	vst v1;
	v1 =	vmul.f32 v5, v3;
	v3 =	vld [tilespmem:s29+$0x1FC0]  }
0x241: {  	v5 =	vld [tilespmem:s29+$0x3BC0]  }
0x242: {  	[tilespmem:s29+$0x8F90] =	vst v1;
	v1 =	vmul.f32 v6, v4;
	v4 =	vld [tilespmem:s29+$0x1FD0]  }
0x243: {  	v6 =	vld [tilespmem:s29+$0x3BD0]  }
0x244: {  	[tilespmem:s29+$0x8FA0] =	vst v1;
	v1 =	vmul.f32 v7, v2;
	v2 =	vld [tilespmem:s29+$0x1FE0]  }
0x245: {  	v7 =	vld [tilespmem:s29+$0x3BE0]  }
0x246: {  	[tilespmem:s29+$0x8FB0] =	vst v1;
	v1 =	vmul.f32 v5, v3;
	v3 =	vld [tilespmem:s29+$0x1FF0]  }
0x247: {  	v5 =	vld [tilespmem:s29+$0x3BF0]  }
0x248: {  	[tilespmem:s29+$0x8FC0] =	vst v1;
	v1 =	vmul.f32 v6, v4;
	v4 =	vld [tilespmem:s29+$0x2000]  }
0x249: {  	v6 =	vld [tilespmem:s29+$0x3C00]  }
0x24a: {  	[tilespmem:s29+$0x8FD0] =	vst v1;
	v1 =	vmul.f32 v7, v2;
	v2 =	vld [tilespmem:s29+$0x2010]  }
0x24b: {  	v7 =	vld [tilespmem:s29+$0x3C10]  }
0x24c: {  	[tilespmem:s29+$0x8FE0] =	vst v1;
	v1 =	vmul.f32 v5, v3;
	v3 =	vld [tilespmem:s29+$0x2020]  }
0x24d: {  	v5 =	vld [tilespmem:s29+$0x3C20]  }
0x24e: {  	[tilespmem:s29+$0x8FF0] =	vst v1;
	v1 =	vmul.f32 v6, v4;
	v4 =	vld [tilespmem:s29+$0x2030]  }
0x24f: {  	v6 =	vld [tilespmem:s29+$0x3C30]  }
0x250: {  	[tilespmem:s29+$0x9000] =	vst v1;
	v1 =	vmul.f32 v7, v2;
	v2 =	vld [tilespmem:s29+$0x2040]  }
0x251: {  	v7 =	vld [tilespmem:s29+$0x3C40]  }
0x252: {  	[tilespmem:s29+$0x9010] =	vst v1;
	v1 =	vmul.f32 v5, v3;
	v3 =	vld [tilespmem:s29+$0x2050]  }
0x253: {  	v5 =	vld [tilespmem:s29+$0x3C50]  }
0x254: {  	[tilespmem:s29+$0x9020] =	vst v1;
	v1 =	vmul.f32 v6, v4;
	v4 =	vld [tilespmem:s29+$0x2060]  }
0x255: {  	v6 =	vld [tilespmem:s29+$0x3C60]  }
0x256: {  	[tilespmem:s29+$0x9030] =	vst v1;
	v1 =	vmul.f32 v7, v2;
	v2 =	vld [tilespmem:s29+$0x2070]  }
0x257: {  	v7 =	vld [tilespmem:s29+$0x3C70]  }
0x258: {  	[tilespmem:s29+$0x9040] =	vst v1;
	v1 =	vmul.f32 v5, v3;
	v3 =	vld [tilespmem:s29+$0x2080]  }
0x259: {  	v5 =	vld [tilespmem:s29+$0x3C80]  }
0x25a: {  	[tilespmem:s29+$0x9050] =	vst v1;
	v1 =	vmul.f32 v6, v4;
	v4 =	vld [tilespmem:s29+$0x2090]  }
0x25b: {  	v6 =	vld [tilespmem:s29+$0x3C90]  }
0x25c: {  	[tilespmem:s29+$0x9060] =	vst v1;
	v1 =	vmul.f32 v7, v2;
	v2 =	vld [tilespmem:s29+$0x20A0]  }
0x25d: {  	v7 =	vld [tilespmem:s29+$0x3CA0]  }
0x25e: {  	[tilespmem:s29+$0x9070] =	vst v1;
	v1 =	vmul.f32 v5, v3;
	v3 =	vld [tilespmem:s29+$0x20B0]  }
0x25f: {  	v5 =	vld [tilespmem:s29+$0x3CB0]  }
0x260: {  	[tilespmem:s29+$0x9080] =	vst v1;
	v1 =	vmul.f32 v6, v4;
	v4 =	vld [tilespmem:s29+$0x20C0]  }
0x261: {  	v6 =	vld [tilespmem:s29+$0x3CC0]  }
0x262: {  	[tilespmem:s29+$0x9090] =	vst v1;
	v1 =	vmul.f32 v7, v2;
	v2 =	vld [tilespmem:s29+$0x20D0]  }
0x263: {  	v7 =	vld [tilespmem:s29+$0x3CD0]  }
0x264: {  	[tilespmem:s29+$0x90A0] =	vst v1;
	v1 =	vmul.f32 v5, v3;
	v3 =	vld [tilespmem:s29+$0x20E0]  }
0x265: {  	v5 =	vld [tilespmem:s29+$0x3CE0]  }
0x266: {  	[tilespmem:s29+$0x90B0] =	vst v1;
	v1 =	vmul.f32 v6, v4;
	v4 =	vld [tilespmem:s29+$0x20F0]  }
0x267: {  	v6 =	vld [tilespmem:s29+$0x3CF0]  }
0x268: {  	[tilespmem:s29+$0x90C0] =	vst v1;
	v1 =	vmul.f32 v7, v2;
	v2 =	vld [tilespmem:s29+$0x2100]  }
0x269: {  	v7 =	vld [tilespmem:s29+$0x3D00]  }
0x26a: {  	[tilespmem:s29+$0x90D0] =	vst v1;
	v1 =	vmul.f32 v5, v3;
	v3 =	vld [tilespmem:s29+$0x2110]  }
0x26b: {  	v5 =	vld [tilespmem:s29+$0x3D10]  }
0x26c: {  	[tilespmem:s29+$0x90E0] =	vst v1;
	v1 =	vmul.f32 v6, v4;
	v4 =	vld [tilespmem:s29+$0x2120]  }
0x26d: {  	v6 =	vld [tilespmem:s29+$0x3D20]  }
0x26e: {  	[tilespmem:s29+$0x90F0] =	vst v1;
	v1 =	vmul.f32 v7, v2;
	v2 =	vld [tilespmem:s29+$0x2130]  }
0x26f: {  	v7 =	vld [tilespmem:s29+$0x3D30]  }
0x270: {  	[tilespmem:s29+$0x9100] =	vst v1;
	v1 =	vmul.f32 v5, v3;
	v3 =	vld [tilespmem:s29+$0x2140]  }
0x271: {  	v5 =	vld [tilespmem:s29+$0x3D40]  }
0x272: {  	[tilespmem:s29+$0x9110] =	vst v1;
	v1 =	vmul.f32 v6, v4;
	v4 =	vld [tilespmem:s29+$0x2150]  }
0x273: {  	v6 =	vld [tilespmem:s29+$0x3D50]  }
0x274: {  	[tilespmem:s29+$0x9120] =	vst v1;
	v1 =	vmul.f32 v7, v2;
	v2 =	vld [tilespmem:s29+$0x2160]  }
0x275: {  	v7 =	vld [tilespmem:s29+$0x3D60]  }
0x276: {  	[tilespmem:s29+$0x9130] =	vst v1;
	v1 =	vmul.f32 v5, v3;
	v3 =	vld [tilespmem:s29+$0x2170]  }
0x277: {  	v5 =	vld [tilespmem:s29+$0x3D70]  }
0x278: {  	[tilespmem:s29+$0x9140] =	vst v1;
	v1 =	vmul.f32 v6, v4;
	v4 =	vld [tilespmem:s29+$0x2180]  }
0x279: {  	v6 =	vld [tilespmem:s29+$0x3D80]  }
0x27a: {  	[tilespmem:s29+$0x9150] =	vst v1;
	v1 =	vmul.f32 v7, v2;
	v2 =	vld [tilespmem:s29+$0x2190]  }
0x27b: {  	v7 =	vld [tilespmem:s29+$0x3D90]  }
0x27c: {  	[tilespmem:s29+$0x9160] =	vst v1;
	v1 =	vmul.f32 v5, v3;
	v3 =	vld [tilespmem:s29+$0x21A0]  }
0x27d: {  	v5 =	vld [tilespmem:s29+$0x3DA0]  }
0x27e: {  	[tilespmem:s29+$0x9170] =	vst v1;
	v1 =	vmul.f32 v6, v4;
	v4 =	vld [tilespmem:s29+$0x21B0]  }
0x27f: {  	v6 =	vld [tilespmem:s29+$0x3DB0]  }
0x280: {  	[tilespmem:s29+$0x9180] =	vst v1;
	v1 =	vmul.f32 v7, v2;
	v2 =	vld [tilespmem:s29+$0x21C0]  }
0x281: {  	v7 =	vld [tilespmem:s29+$0x3DC0]  }
0x282: {  	[tilespmem:s29+$0x9190] =	vst v1;
	v1 =	vmul.f32 v5, v3;
	v3 =	vld [tilespmem:s29+$0x21D0]  }
0x283: {  	v5 =	vld [tilespmem:s29+$0x3DD0]  }
0x284: {  	[tilespmem:s29+$0x91A0] =	vst v1;
	v1 =	vmul.f32 v6, v4;
	v4 =	vld [tilespmem:s29+$0x21E0]  }
0x285: {  	v6 =	vld [tilespmem:s29+$0x3DE0]  }
0x286: {  	[tilespmem:s29+$0x91B0] =	vst v1;
	v1 =	vmul.f32 v7, v2;
	v2 =	vld [tilespmem:s29+$0x21F0]  }
0x287: {  	v7 =	vld [tilespmem:s29+$0x3DF0]  }
0x288: {  	[tilespmem:s29+$0x91C0] =	vst v1;
	v1 =	vmul.f32 v5, v3;
	v3 =	vld [tilespmem:s29+$0x2200]  }
0x289: {  	v5 =	vld [tilespmem:s29+$0x3E00]  }
0x28a: {  	[tilespmem:s29+$0x91D0] =	vst v1;
	v1 =	vmul.f32 v6, v4;
	v4 =	vld [tilespmem:s29+$0x2210]  }
0x28b: {  	v6 =	vld [tilespmem:s29+$0x3E10]  }
0x28c: {  	[tilespmem:s29+$0x91E0] =	vst v1;
	v1 =	vmul.f32 v7, v2;
	v2 =	vld [tilespmem:s29+$0x2220]  }
0x28d: {  	v7 =	vld [tilespmem:s29+$0x3E20]  }
0x28e: {  	[tilespmem:s29+$0x91F0] =	vst v1;
	v1 =	vmul.f32 v5, v3;
	v3 =	vld [tilespmem:s29+$0x2230]  }
0x28f: {  	v5 =	vld [tilespmem:s29+$0x3E30]  }
0x290: {  	[tilespmem:s29+$0x9200] =	vst v1;
	v1 =	vmul.f32 v6, v4;
	v4 =	vld [tilespmem:s29+$0x2240]  }
0x291: {  	v6 =	vld [tilespmem:s29+$0x3E40]  }
0x292: {  	[tilespmem:s29+$0x9210] =	vst v1;
	v1 =	vmul.f32 v7, v2;
	v2 =	vld [tilespmem:s29+$0x2250]  }
0x293: {  	v7 =	vld [tilespmem:s29+$0x3E50]  }
0x294: {  	[tilespmem:s29+$0x9220] =	vst v1;
	v1 =	vmul.f32 v5, v3;
	v3 =	vld [tilespmem:s29+$0x2260]  }
0x295: {  	v5 =	vld [tilespmem:s29+$0x3E60]  }
0x296: {  	[tilespmem:s29+$0x9230] =	vst v1;
	v1 =	vmul.f32 v6, v4;
	v4 =	vld [tilespmem:s29+$0x2270]  }
0x297: {  	v6 =	vld [tilespmem:s29+$0x3E70]  }
0x298: {  	[tilespmem:s29+$0x9240] =	vst v1;
	v1 =	vmul.f32 v7, v2;
	v2 =	vld [tilespmem:s29+$0x2280]  }
0x299: {  	v7 =	vld [tilespmem:s29+$0x3E80]  }
0x29a: {  	[tilespmem:s29+$0x9250] =	vst v1;
	v1 =	vmul.f32 v5, v3;
	v3 =	vld [tilespmem:s29+$0x2290]  }
0x29b: {  	v5 =	vld [tilespmem:s29+$0x3E90]  }
0x29c: {  	[tilespmem:s29+$0x9260] =	vst v1;
	v1 =	vmul.f32 v6, v4;
	v4 =	vld [tilespmem:s29+$0x22A0]  }
0x29d: {  	v6 =	vld [tilespmem:s29+$0x3EA0]  }
0x29e: {  	[tilespmem:s29+$0x9270] =	vst v1;
	v1 =	vmul.f32 v7, v2;
	v2 =	vld [tilespmem:s29+$0x22B0]  }
0x29f: {  	v7 =	vld [tilespmem:s29+$0x3EB0]  }
0x2a0: {  	[tilespmem:s29+$0x9280] =	vst v1;
	v1 =	vmul.f32 v5, v3;
	v3 =	vld [tilespmem:s29+$0x22C0]  }
0x2a1: {  	v5 =	vld [tilespmem:s29+$0x3EC0]  }
0x2a2: {  	p2 =	seq.s32 s23, $0x63;
	[tilespmem:s29+$0x9290] =	vst v1;
	v1 =	vmul.f32 v6, v4;
	v4 =	vld [tilespmem:s29+$0x22D0]  }
0x2a3: {  	s26 =	sadd.s32 @!p2 $0x2, s24;
	v6 =	vld [tilespmem:s29+$0x3ED0]  }
0x2a4: {  	s28 =	smulhi.u32 @!p2 $0x66666667, s26;
	[tilespmem:s29+$0x92A0] =	vst v1;
	v1 =	vld [tilespmem:s29+$0x22E0];
	_ =	sdelay $0x1  }
0x2a5: {  	s28 =	sshrl.u32 @!p2 s28, $0x3;
	v2 =	vmul.f32 v7, v2  }
0x2a6: {  	s28 =	smul.u32 @!p2 $0x14, s28;
	v3 =	vmul.f32 v5, v3  }
0x2a7: {  	[tilespmem:s29+$0x92B0] =	vst v2;
	v2 =	vmul.f32 v6, v4  }
0x2a8: {  	s26 =	ssub.s32 @!p2 s26, s28;
	[tilespmem:s29+$0x92C0] =	vst v3;
	v1 =	vmul.f32 v8, v1  }
0x2a9: {  	s31 =	smulhi.u32 $0x66666667, s24;
	s26 =	sshll.u32 @!p2 s26, $0x7;
	[tilespmem:s29+$0x92D0] =	vst v2  }
0x2aa: {  	s30 =	simm.s32 @!p2 $0x1E00;
	s28 =	sadd.s32 @!p2 $0xA00, s26;
	[tilespmem:s29+$0x92E0] =	vst v1;
	s29 =	simm.s32 @!p2 $0x32  }
0x2ab: {  	[tilespmem:s30], [sflag:$0x1] =	stream.indirect.gather @!p2 [hbm4b:s1+s29], $0x80, s28, s29, $0xb8;
	[tilespmem:$0x1FE80] =	vst v63  }
0x2ac: {  	s28 =	sshrl.u32 s31, $0x3  }
0x2ad: {  	s26 =	sadd.s32 @!p2 $0x1400, s26;
	s30 =	simm.s32 @!p2 $0x3A00;
	s28 =	smul.u32 $0x14, s28  }
0x2ae: {  	[tilespmem:s30], [sflag:$0x2] =	stream.indirect.gather @!p2 [hbm4b:s5+s29], $0x80, s26, s29, $0xb8;
	[tilespmem:$0x1FE80] =	vst v63  }
0x2af: {  	s30 =	ssub.s32 s24, s28  }
0x2b0: {  	s26 =	sshll.u32 s30, $0x7  }
0x2b1: {  	[spmem:s3] =	stream.indirect.scatter.add.f32 [tilespmem:s11], [sflag:$0x5], $0x80, s26, s10, $0xb8;
	[tilespmem:$0x1FE80] =	vst v63  }
0x2b2: {  	_ =	swait.ge [sflag:s17], $0x1900  }
0x2b3: {  	[sflag:s17] =	ssyncset.done $0x0  }
0x2b4: {  	[sflag:s17] =	ssyncadd.s32 $0xFFFFE700  }
0x2b5: {  	_ =	swait.ge [sflag:s18], $0x1900  }
0x2b6: {  	[sflag:s18] =	ssyncset.done $0x0  }
0x2b7: {  	s28 =	simm.s32 @!p3 $0x6;
	[sflag:s18] =	ssyncadd.s32 $0xFFFFE700  }
0x2b8: {  	s31 =	simm.s32 $0x0;
	_ =	swait.ge @!p3 [sflag:s28], $0x1900  }
0x2b9: {  	s26 =	smul.u32 $0x500, s31;
	[sflag:s28] =	ssyncset.done @!p3 $0x0  }
0x2ba: {  	[sflag:s28] =	ssyncadd.s32 @!p3 $0xFFFFE700  }
0x2bb: {  	v1 =	vld [tilespmem:s26+$0x5AF0]  }
0x2bc: {  	v2 =	vld [tilespmem:s26+$0x76F0]  }
0x2bd: {  	v3 =	vld [tilespmem:s26+$0x5600]  }
0x2be: {  	v4 =	vld [tilespmem:s26+$0x7200]  }
0x2bf: {  	v5 =	vld [tilespmem:s26+$0x5610]  }
0x2c0: {  	v6 =	vld [tilespmem:s26+$0x7210]  }
0x2c1: {  	v7 =	vld [tilespmem:s26+$0x5620]  }
0x2c2: {  	v8 =	vld [tilespmem:s26+$0x5630];
	v1 =	vmul.f32 v2, v1  }
0x2c3: {  	v2 =	vld [tilespmem:s26+$0x7220]  }
0x2c4: {  	v3 =	vmul.f32 v4, v3;
	[tilespmem:s26+$0xAEF0] =	vst v1;
	v1 =	vld [tilespmem:s26+$0x7230]  }
0x2c5: {  	v4 =	vld [tilespmem:s26+$0x5640]  }
0x2c6: {  	[tilespmem:s26+$0xAA00] =	vst v3;
	v3 =	vmul.f32 v6, v5;
	v5 =	vld [tilespmem:s26+$0x7240]  }
0x2c7: {  	v6 =	vld [tilespmem:s26+$0x7250]  }
0x2c8: {  	[tilespmem:s26+$0xAA10] =	vst v3;
	v3 =	vld [tilespmem:s26+$0x5650];
	v2 =	vmul.f32 v2, v7  }
0x2c9: {  	v7 =	vld [tilespmem:s26+$0x7260];
	v1 =	vmul.f32 v1, v8  }
0x2ca: {  	[tilespmem:s26+$0xAA20] =	vst v2;
	v2 =	vld [tilespmem:s26+$0x5660]  }
0x2cb: {  	[tilespmem:s26+$0xAA30] =	vst v1;
	v1 =	vmul.f32 v5, v4;
	v4 =	vld [tilespmem:s26+$0x5670]  }
0x2cc: {  	v5 =	vld [tilespmem:s26+$0x7270]  }
0x2cd: {  	[tilespmem:s26+$0xAA40] =	vst v1;
	v1 =	vmul.f32 v6, v3;
	v3 =	vld [tilespmem:s26+$0x5680]  }
0x2ce: {  	v6 =	vld [tilespmem:s26+$0x7280]  }
0x2cf: {  	[tilespmem:s26+$0xAA50] =	vst v1;
	v1 =	vmul.f32 v7, v2;
	v2 =	vld [tilespmem:s26+$0x5690]  }
0x2d0: {  	v7 =	vld [tilespmem:s26+$0x7290]  }
0x2d1: {  	[tilespmem:s26+$0xAA60] =	vst v1;
	v1 =	vmul.f32 v5, v4;
	v4 =	vld [tilespmem:s26+$0x56A0]  }
0x2d2: {  	v5 =	vld [tilespmem:s26+$0x72A0]  }
0x2d3: {  	[tilespmem:s26+$0xAA70] =	vst v1;
	v1 =	vmul.f32 v6, v3;
	v3 =	vld [tilespmem:s26+$0x56B0]  }
0x2d4: {  	v6 =	vld [tilespmem:s26+$0x72B0]  }
0x2d5: {  	[tilespmem:s26+$0xAA80] =	vst v1;
	v1 =	vmul.f32 v7, v2;
	v2 =	vld [tilespmem:s26+$0x56C0]  }
0x2d6: {  	v7 =	vld [tilespmem:s26+$0x72C0]  }
0x2d7: {  	[tilespmem:s26+$0xAA90] =	vst v1;
	v1 =	vmul.f32 v5, v4;
	v4 =	vld [tilespmem:s26+$0x56D0]  }
0x2d8: {  	v5 =	vld [tilespmem:s26+$0x72D0]  }
0x2d9: {  	[tilespmem:s26+$0xAAA0] =	vst v1;
	v1 =	vmul.f32 v6, v3;
	v3 =	vld [tilespmem:s26+$0x56E0]  }
0x2da: {  	v6 =	vld [tilespmem:s26+$0x72E0]  }
0x2db: {  	[tilespmem:s26+$0xAAB0] =	vst v1;
	v1 =	vmul.f32 v7, v2;
	v2 =	vld [tilespmem:s26+$0x56F0]  }
0x2dc: {  	v7 =	vld [tilespmem:s26+$0x72F0]  }
0x2dd: {  	[tilespmem:s26+$0xAAC0] =	vst v1;
	v1 =	vmul.f32 v5, v4;
	v4 =	vld [tilespmem:s26+$0x5700]  }
0x2de: {  	v5 =	vld [tilespmem:s26+$0x7300]  }
0x2df: {  	[tilespmem:s26+$0xAAD0] =	vst v1;
	v1 =	vmul.f32 v6, v3;
	v3 =	vld [tilespmem:s26+$0x5710]  }
0x2e0: {  	v6 =	vld [tilespmem:s26+$0x7310]  }
0x2e1: {  	[tilespmem:s26+$0xAAE0] =	vst v1;
	v1 =	vmul.f32 v7, v2;
	v2 =	vld [tilespmem:s26+$0x5720]  }
0x2e2: {  	v7 =	vld [tilespmem:s26+$0x7320]  }
0x2e3: {  	[tilespmem:s26+$0xAAF0] =	vst v1;
	v1 =	vmul.f32 v5, v4;
	v4 =	vld [tilespmem:s26+$0x5730]  }
0x2e4: {  	v5 =	vld [tilespmem:s26+$0x7330]  }
0x2e5: {  	[tilespmem:s26+$0xAB00] =	vst v1;
	v1 =	vmul.f32 v6, v3;
	v3 =	vld [tilespmem:s26+$0x5740]  }
0x2e6: {  	v6 =	vld [tilespmem:s26+$0x7340]  }
0x2e7: {  	[tilespmem:s26+$0xAB10] =	vst v1;
	v1 =	vmul.f32 v7, v2;
	v2 =	vld [tilespmem:s26+$0x5750]  }
0x2e8: {  	v7 =	vld [tilespmem:s26+$0x7350]  }
0x2e9: {  	[tilespmem:s26+$0xAB20] =	vst v1;
	v1 =	vmul.f32 v5, v4;
	v4 =	vld [tilespmem:s26+$0x5760]  }
0x2ea: {  	v5 =	vld [tilespmem:s26+$0x7360]  }
0x2eb: {  	[tilespmem:s26+$0xAB30] =	vst v1;
	v1 =	vmul.f32 v6, v3;
	v3 =	vld [tilespmem:s26+$0x5770]  }
0x2ec: {  	v6 =	vld [tilespmem:s26+$0x7370]  }
0x2ed: {  	[tilespmem:s26+$0xAB40] =	vst v1;
	v1 =	vmul.f32 v7, v2;
	v2 =	vld [tilespmem:s26+$0x5780]  }
0x2ee: {  	v7 =	vld [tilespmem:s26+$0x7380]  }
0x2ef: {  	[tilespmem:s26+$0xAB50] =	vst v1;
	v1 =	vmul.f32 v5, v4;
	v4 =	vld [tilespmem:s26+$0x5790]  }
0x2f0: {  	v5 =	vld [tilespmem:s26+$0x7390]  }
0x2f1: {  	[tilespmem:s26+$0xAB60] =	vst v1;
	v1 =	vmul.f32 v6, v3;
	v3 =	vld [tilespmem:s26+$0x57A0]  }
0x2f2: {  	v6 =	vld [tilespmem:s26+$0x73A0]  }
0x2f3: {  	[tilespmem:s26+$0xAB70] =	vst v1;
	v1 =	vmul.f32 v7, v2;
	v2 =	vld [tilespmem:s26+$0x57B0]  }
0x2f4: {  	v7 =	vld [tilespmem:s26+$0x73B0]  }
0x2f5: {  	[tilespmem:s26+$0xAB80] =	vst v1;
	v1 =	vmul.f32 v5, v4;
	v4 =	vld [tilespmem:s26+$0x57C0]  }
0x2f6: {  	v5 =	vld [tilespmem:s26+$0x73C0]  }
0x2f7: {  	[tilespmem:s26+$0xAB90] =	vst v1;
	v1 =	vmul.f32 v6, v3;
	v3 =	vld [tilespmem:s26+$0x57D0]  }
0x2f8: {  	v6 =	vld [tilespmem:s26+$0x73D0]  }
0x2f9: {  	[tilespmem:s26+$0xABA0] =	vst v1;
	v1 =	vmul.f32 v7, v2;
	v2 =	vld [tilespmem:s26+$0x57E0]  }
0x2fa: {  	v7 =	vld [tilespmem:s26+$0x73E0]  }
0x2fb: {  	[tilespmem:s26+$0xABB0] =	vst v1;
	v1 =	vmul.f32 v5, v4;
	v4 =	vld [tilespmem:s26+$0x57F0]  }
0x2fc: {  	v5 =	vld [tilespmem:s26+$0x73F0]  }
0x2fd: {  	[tilespmem:s26+$0xABC0] =	vst v1;
	v1 =	vmul.f32 v6, v3;
	v3 =	vld [tilespmem:s26+$0x5800]  }
0x2fe: {  	v6 =	vld [tilespmem:s26+$0x7400]  }
0x2ff: {  	[tilespmem:s26+$0xABD0] =	vst v1;
	v1 =	vmul.f32 v7, v2;
	v2 =	vld [tilespmem:s26+$0x5810]  }
0x300: {  	v7 =	vld [tilespmem:s26+$0x7410]  }
0x301: {  	[tilespmem:s26+$0xABE0] =	vst v1;
	v1 =	vmul.f32 v5, v4;
	v4 =	vld [tilespmem:s26+$0x5820]  }
0x302: {  	v5 =	vld [tilespmem:s26+$0x7420]  }
0x303: {  	[tilespmem:s26+$0xABF0] =	vst v1;
	v1 =	vmul.f32 v6, v3;
	v3 =	vld [tilespmem:s26+$0x5830]  }
0x304: {  	v6 =	vld [tilespmem:s26+$0x7430]  }
0x305: {  	[tilespmem:s26+$0xAC00] =	vst v1;
	v1 =	vmul.f32 v7, v2;
	v2 =	vld [tilespmem:s26+$0x5840]  }
0x306: {  	v7 =	vld [tilespmem:s26+$0x7440]  }
0x307: {  	[tilespmem:s26+$0xAC10] =	vst v1;
	v1 =	vmul.f32 v5, v4;
	v4 =	vld [tilespmem:s26+$0x5850]  }
0x308: {  	v5 =	vld [tilespmem:s26+$0x7450]  }
0x309: {  	[tilespmem:s26+$0xAC20] =	vst v1;
	v1 =	vmul.f32 v6, v3;
	v3 =	vld [tilespmem:s26+$0x5860]  }
0x30a: {  	v6 =	vld [tilespmem:s26+$0x7460]  }
0x30b: {  	[tilespmem:s26+$0xAC30] =	vst v1;
	v1 =	vmul.f32 v7, v2;
	v2 =	vld [tilespmem:s26+$0x5870]  }
0x30c: {  	v7 =	vld [tilespmem:s26+$0x7470]  }
0x30d: {  	[tilespmem:s26+$0xAC40] =	vst v1;
	v1 =	vmul.f32 v5, v4;
	v4 =	vld [tilespmem:s26+$0x5880]  }
0x30e: {  	v5 =	vld [tilespmem:s26+$0x7480]  }
0x30f: {  	[tilespmem:s26+$0xAC50] =	vst v1;
	v1 =	vmul.f32 v6, v3;
	v3 =	vld [tilespmem:s26+$0x5890]  }
0x310: {  	v6 =	vld [tilespmem:s26+$0x7490]  }
0x311: {  	[tilespmem:s26+$0xAC60] =	vst v1;
	v1 =	vmul.f32 v7, v2;
	v2 =	vld [tilespmem:s26+$0x58A0]  }
0x312: {  	v7 =	vld [tilespmem:s26+$0x74A0]  }
0x313: {  	[tilespmem:s26+$0xAC70] =	vst v1;
	v1 =	vmul.f32 v5, v4;
	v4 =	vld [tilespmem:s26+$0x58B0]  }
0x314: {  	v5 =	vld [tilespmem:s26+$0x74B0]  }
0x315: {  	[tilespmem:s26+$0xAC80] =	vst v1;
	v1 =	vmul.f32 v6, v3;
	v3 =	vld [tilespmem:s26+$0x58C0]  }
0x316: {  	v6 =	vld [tilespmem:s26+$0x74C0]  }
0x317: {  	[tilespmem:s26+$0xAC90] =	vst v1;
	v1 =	vmul.f32 v7, v2;
	v2 =	vld [tilespmem:s26+$0x58D0]  }
0x318: {  	v7 =	vld [tilespmem:s26+$0x74D0]  }
0x319: {  	[tilespmem:s26+$0xACA0] =	vst v1;
	v1 =	vmul.f32 v5, v4;
	v4 =	vld [tilespmem:s26+$0x58E0]  }
0x31a: {  	v5 =	vld [tilespmem:s26+$0x74E0]  }
0x31b: {  	[tilespmem:s26+$0xACB0] =	vst v1;
	v1 =	vmul.f32 v6, v3;
	v3 =	vld [tilespmem:s26+$0x58F0]  }
0x31c: {  	v6 =	vld [tilespmem:s26+$0x74F0]  }
0x31d: {  	[tilespmem:s26+$0xACC0] =	vst v1;
	v1 =	vmul.f32 v7, v2;
	v2 =	vld [tilespmem:s26+$0x5900]  }
0x31e: {  	v7 =	vld [tilespmem:s26+$0x7500]  }
0x31f: {  	[tilespmem:s26+$0xACD0] =	vst v1;
	v1 =	vmul.f32 v5, v4;
	v4 =	vld [tilespmem:s26+$0x5910]  }
0x320: {  	v5 =	vld [tilespmem:s26+$0x7510]  }
0x321: {  	[tilespmem:s26+$0xACE0] =	vst v1;
	v1 =	vmul.f32 v6, v3;
	v3 =	vld [tilespmem:s26+$0x5920]  }
0x322: {  	v6 =	vld [tilespmem:s26+$0x7520]  }
0x323: {  	[tilespmem:s26+$0xACF0] =	vst v1;
	v1 =	vmul.f32 v7, v2;
	v2 =	vld [tilespmem:s26+$0x5930]  }
0x324: {  	v7 =	vld [tilespmem:s26+$0x7530]  }
0x325: {  	[tilespmem:s26+$0xAD00] =	vst v1;
	v1 =	vmul.f32 v5, v4;
	v4 =	vld [tilespmem:s26+$0x5940]  }
0x326: {  	v5 =	vld [tilespmem:s26+$0x7540]  }
0x327: {  	[tilespmem:s26+$0xAD10] =	vst v1;
	v1 =	vmul.f32 v6, v3;
	v3 =	vld [tilespmem:s26+$0x5950]  }
0x328: {  	v6 =	vld [tilespmem:s26+$0x7550]  }
0x329: {  	[tilespmem:s26+$0xAD20] =	vst v1;
	v1 =	vmul.f32 v7, v2;
	v2 =	vld [tilespmem:s26+$0x5960]  }
0x32a: {  	v7 =	vld [tilespmem:s26+$0x7560]  }
0x32b: {  	[tilespmem:s26+$0xAD30] =	vst v1;
	v1 =	vmul.f32 v5, v4;
	v4 =	vld [tilespmem:s26+$0x5970]  }
0x32c: {  	v5 =	vld [tilespmem:s26+$0x7570]  }
0x32d: {  	[tilespmem:s26+$0xAD40] =	vst v1;
	v1 =	vmul.f32 v6, v3;
	v3 =	vld [tilespmem:s26+$0x5980]  }
0x32e: {  	v6 =	vld [tilespmem:s26+$0x7580]  }
0x32f: {  	[tilespmem:s26+$0xAD50] =	vst v1;
	v1 =	vmul.f32 v7, v2;
	v2 =	vld [tilespmem:s26+$0x5990]  }
0x330: {  	v7 =	vld [tilespmem:s26+$0x7590]  }
0x331: {  	[tilespmem:s26+$0xAD60] =	vst v1;
	v1 =	vmul.f32 v5, v4;
	v4 =	vld [tilespmem:s26+$0x59A0]  }
0x332: {  	v5 =	vld [tilespmem:s26+$0x75A0]  }
0x333: {  	[tilespmem:s26+$0xAD70] =	vst v1;
	v1 =	vmul.f32 v6, v3;
	v3 =	vld [tilespmem:s26+$0x59B0]  }
0x334: {  	v6 =	vld [tilespmem:s26+$0x75B0]  }
0x335: {  	[tilespmem:s26+$0xAD80] =	vst v1;
	v1 =	vmul.f32 v7, v2;
	v2 =	vld [tilespmem:s26+$0x59C0]  }
0x336: {  	v7 =	vld [tilespmem:s26+$0x75C0]  }
0x337: {  	[tilespmem:s26+$0xAD90] =	vst v1;
	v1 =	vmul.f32 v5, v4;
	v4 =	vld [tilespmem:s26+$0x59D0]  }
0x338: {  	v5 =	vld [tilespmem:s26+$0x75D0]  }
0x339: {  	[tilespmem:s26+$0xADA0] =	vst v1;
	v1 =	vmul.f32 v6, v3;
	v3 =	vld [tilespmem:s26+$0x59E0]  }
0x33a: {  	v6 =	vld [tilespmem:s26+$0x75E0]  }
0x33b: {  	[tilespmem:s26+$0xADB0] =	vst v1;
	v1 =	vmul.f32 v7, v2;
	v2 =	vld [tilespmem:s26+$0x59F0]  }
0x33c: {  	v7 =	vld [tilespmem:s26+$0x75F0]  }
0x33d: {  	[tilespmem:s26+$0xADC0] =	vst v1;
	v1 =	vmul.f32 v5, v4;
	v4 =	vld [tilespmem:s26+$0x5A00]  }
0x33e: {  	v5 =	vld [tilespmem:s26+$0x7600]  }
0x33f: {  	[tilespmem:s26+$0xADD0] =	vst v1;
	v1 =	vmul.f32 v6, v3;
	v3 =	vld [tilespmem:s26+$0x5A10]  }
0x340: {  	v6 =	vld [tilespmem:s26+$0x7610]  }
0x341: {  	[tilespmem:s26+$0xADE0] =	vst v1;
	v1 =	vmul.f32 v7, v2;
	v2 =	vld [tilespmem:s26+$0x5A20]  }
0x342: {  	v7 =	vld [tilespmem:s26+$0x7620]  }
0x343: {  	[tilespmem:s26+$0xADF0] =	vst v1;
	v1 =	vmul.f32 v5, v4;
	v4 =	vld [tilespmem:s26+$0x5A30]  }
0x344: {  	v5 =	vld [tilespmem:s26+$0x7630]  }
0x345: {  	[tilespmem:s26+$0xAE00] =	vst v1;
	v1 =	vmul.f32 v6, v3;
	v3 =	vld [tilespmem:s26+$0x5A40]  }
0x346: {  	v6 =	vld [tilespmem:s26+$0x7640]  }
0x347: {  	[tilespmem:s26+$0xAE10] =	vst v1;
	v1 =	vmul.f32 v7, v2;
	v2 =	vld [tilespmem:s26+$0x5A50]  }
0x348: {  	v7 =	vld [tilespmem:s26+$0x7650]  }
0x349: {  	[tilespmem:s26+$0xAE20] =	vst v1;
	v1 =	vmul.f32 v5, v4;
	v4 =	vld [tilespmem:s26+$0x5A60]  }
0x34a: {  	v5 =	vld [tilespmem:s26+$0x7660]  }
0x34b: {  	[tilespmem:s26+$0xAE30] =	vst v1;
	v1 =	vmul.f32 v6, v3;
	v3 =	vld [tilespmem:s26+$0x5A70]  }
0x34c: {  	v6 =	vld [tilespmem:s26+$0x7670]  }
0x34d: {  	[tilespmem:s26+$0xAE40] =	vst v1;
	v1 =	vmul.f32 v7, v2;
	v2 =	vld [tilespmem:s26+$0x5A80]  }
0x34e: {  	v7 =	vld [tilespmem:s26+$0x7680]  }
0x34f: {  	[tilespmem:s26+$0xAE50] =	vst v1;
	v1 =	vmul.f32 v5, v4;
	v4 =	vld [tilespmem:s26+$0x5A90]  }
0x350: {  	v5 =	vld [tilespmem:s26+$0x7690]  }
0x351: {  	v8 =	vld [tilespmem:s26+$0x76B0]  }
0x352: {  	[tilespmem:s26+$0xAE60] =	vst v1;
	v1 =	vmul.f32 v6, v3;
	v3 =	vld [tilespmem:s26+$0x5AA0]  }
0x353: {  	v6 =	vld [tilespmem:s26+$0x76A0]  }
0x354: {  	[tilespmem:s26+$0xAE70] =	vst v1;
	v1 =	vmul.f32 v7, v2;
	v7 =	vld [tilespmem:s26+$0x5AB0]  }
0x355: {  	v2 =	vmul.f32 v5, v4;
	v4 =	vld [tilespmem:s26+$0x76C0]  }
0x356: {  	[tilespmem:s26+$0xAE80] =	vst v1;
	v1 =	vld [tilespmem:s26+$0x5AC0]  }
0x357: {  	v5 =	vld [tilespmem:s26+$0x76D0]  }
0x358: {  	s28 =	simm.s32 $0x1;
	[tilespmem:s26+$0xAE90] =	vst v2;
	v3 =	vmul.f32 v6, v3;
	v2 =	vld [tilespmem:s26+$0x5AD0]  }
0x359: {  	s29 =	smul.u32 $0x500, s28;
	v6 =	vld [tilespmem:s26+$0x76E0];
	v7 =	vmul.f32 v8, v7  }
0x35a: {  	s28 =	simm.s32 $0x2;
	[tilespmem:s26+$0xAEA0] =	vst v3;
	v3 =	vld [tilespmem:s26+$0x5AE0]  }
.LBB2_10:
0x35b: {  	p3 =	sne.s32 s28, $0x4;
	v8 =	vld [tilespmem:s29+$0x5AF0];
	[tilespmem:s26+$0xAEB0] =	vst v7;
	v1 =	vmul.f32 v4, v1  }
0x35c: {  	v4 =	vld [tilespmem:s29+$0x76F0]  }
0x35d: {  	v7 =	vld [tilespmem:s29+$0x5600];
	[tilespmem:s26+$0xAEC0] =	vst v1;
	v1 =	vmul.f32 v5, v2  }
0x35e: {  	v2 =	vld [tilespmem:s29+$0x7200]  }
0x35f: {  	v5 =	vld [tilespmem:s29+$0x5610];
	[tilespmem:s26+$0xAED0] =	vst v1;
	v1 =	vmul.f32 v6, v3  }
0x360: {  	v3 =	vld [tilespmem:s29+$0x7210]  }
0x361: {  	v6 =	vld [tilespmem:s29+$0x5620];
	v4 =	vmul.f32 v4, v8;
	[tilespmem:s26+$0xAEE0] =	vst v1;
	s26 =	smov.u32 s29  }
0x362: {  	v1 =	vld [tilespmem:s26+$0x7220]  }
0x363: {  	v2 =	vmul.f32 v2, v7;
	v7 =	vld [tilespmem:s26+$0x5630];
	[tilespmem:s26+$0xAEF0] =	vst v4  }
0x364: {  	v4 =	vld [tilespmem:s26+$0x7230]  }
0x365: {  	[tilespmem:s26+$0xAA00] =	vst v2;
	v2 =	vmul.f32 v3, v5;
	v3 =	vld [tilespmem:s26+$0x5640]  }
0x366: {  	v5 =	vld [tilespmem:s26+$0x7240]  }
0x367: {  	[tilespmem:s26+$0xAA10] =	vst v2;
	v1 =	vmul.f32 v1, v6;
	v2 =	vld [tilespmem:s26+$0x5650]  }
0x368: {  	v6 =	vld [tilespmem:s26+$0x7250]  }
0x369: {  	[tilespmem:s26+$0xAA20] =	vst v1;
	v1 =	vmul.f32 v4, v7;
	v4 =	vld [tilespmem:s26+$0x5660]  }
0x36a: {  	v7 =	vld [tilespmem:s26+$0x7260]  }
0x36b: {  	[tilespmem:s26+$0xAA30] =	vst v1;
	v1 =	vmul.f32 v5, v3;
	v3 =	vld [tilespmem:s26+$0x5670]  }
0x36c: {  	v5 =	vld [tilespmem:s26+$0x7270]  }
0x36d: {  	[tilespmem:s26+$0xAA40] =	vst v1;
	v1 =	vmul.f32 v6, v2;
	v2 =	vld [tilespmem:s26+$0x5680]  }
0x36e: {  	v6 =	vld [tilespmem:s26+$0x7280]  }
0x36f: {  	[tilespmem:s26+$0xAA50] =	vst v1;
	v1 =	vmul.f32 v7, v4;
	v4 =	vld [tilespmem:s26+$0x5690]  }
0x370: {  	v7 =	vld [tilespmem:s26+$0x7290]  }
0x371: {  	[tilespmem:s26+$0xAA60] =	vst v1;
	v1 =	vmul.f32 v5, v3;
	v3 =	vld [tilespmem:s26+$0x56A0]  }
0x372: {  	v5 =	vld [tilespmem:s26+$0x72A0]  }
0x373: {  	[tilespmem:s26+$0xAA70] =	vst v1;
	v1 =	vmul.f32 v6, v2;
	v2 =	vld [tilespmem:s26+$0x56B0]  }
0x374: {  	v6 =	vld [tilespmem:s26+$0x72B0]  }
0x375: {  	[tilespmem:s26+$0xAA80] =	vst v1;
	v1 =	vmul.f32 v7, v4;
	v4 =	vld [tilespmem:s26+$0x56C0]  }
0x376: {  	v7 =	vld [tilespmem:s26+$0x72C0]  }
0x377: {  	[tilespmem:s26+$0xAA90] =	vst v1;
	v1 =	vmul.f32 v5, v3;
	v3 =	vld [tilespmem:s26+$0x56D0]  }
0x378: {  	v5 =	vld [tilespmem:s26+$0x72D0]  }
0x379: {  	[tilespmem:s26+$0xAAA0] =	vst v1;
	v1 =	vmul.f32 v6, v2;
	v2 =	vld [tilespmem:s26+$0x56E0]  }
0x37a: {  	v6 =	vld [tilespmem:s26+$0x72E0]  }
0x37b: {  	[tilespmem:s26+$0xAAB0] =	vst v1;
	v1 =	vmul.f32 v7, v4;
	v4 =	vld [tilespmem:s26+$0x56F0]  }
0x37c: {  	v7 =	vld [tilespmem:s26+$0x72F0]  }
0x37d: {  	[tilespmem:s26+$0xAAC0] =	vst v1;
	v1 =	vmul.f32 v5, v3;
	v3 =	vld [tilespmem:s26+$0x5700]  }
0x37e: {  	v5 =	vld [tilespmem:s26+$0x7300]  }
0x37f: {  	[tilespmem:s26+$0xAAD0] =	vst v1;
	v1 =	vmul.f32 v6, v2;
	v2 =	vld [tilespmem:s26+$0x5710]  }
0x380: {  	v6 =	vld [tilespmem:s26+$0x7310]  }
0x381: {  	[tilespmem:s26+$0xAAE0] =	vst v1;
	v1 =	vmul.f32 v7, v4;
	v4 =	vld [tilespmem:s26+$0x5720]  }
0x382: {  	v7 =	vld [tilespmem:s26+$0x7320]  }
0x383: {  	[tilespmem:s26+$0xAAF0] =	vst v1;
	v1 =	vmul.f32 v5, v3;
	v3 =	vld [tilespmem:s26+$0x5730]  }
0x384: {  	v5 =	vld [tilespmem:s26+$0x7330]  }
0x385: {  	[tilespmem:s26+$0xAB00] =	vst v1;
	v1 =	vmul.f32 v6, v2;
	v2 =	vld [tilespmem:s26+$0x5740]  }
0x386: {  	v6 =	vld [tilespmem:s26+$0x7340]  }
0x387: {  	[tilespmem:s26+$0xAB10] =	vst v1;
	v1 =	vmul.f32 v7, v4;
	v4 =	vld [tilespmem:s26+$0x5750]  }
0x388: {  	v7 =	vld [tilespmem:s26+$0x7350]  }
0x389: {  	[tilespmem:s26+$0xAB20] =	vst v1;
	v1 =	vmul.f32 v5, v3;
	v3 =	vld [tilespmem:s26+$0x5760]  }
0x38a: {  	v5 =	vld [tilespmem:s26+$0x7360]  }
0x38b: {  	[tilespmem:s26+$0xAB30] =	vst v1;
	v1 =	vmul.f32 v6, v2;
	v2 =	vld [tilespmem:s26+$0x5770]  }
0x38c: {  	v6 =	vld [tilespmem:s26+$0x7370]  }
0x38d: {  	[tilespmem:s26+$0xAB40] =	vst v1;
	v1 =	vmul.f32 v7, v4;
	v4 =	vld [tilespmem:s26+$0x5780]  }
0x38e: {  	v7 =	vld [tilespmem:s26+$0x7380]  }
0x38f: {  	[tilespmem:s26+$0xAB50] =	vst v1;
	v1 =	vmul.f32 v5, v3;
	v3 =	vld [tilespmem:s26+$0x5790]  }
0x390: {  	v5 =	vld [tilespmem:s26+$0x7390]  }
0x391: {  	[tilespmem:s26+$0xAB60] =	vst v1;
	v1 =	vmul.f32 v6, v2;
	v2 =	vld [tilespmem:s26+$0x57A0]  }
0x392: {  	v6 =	vld [tilespmem:s26+$0x73A0]  }
0x393: {  	[tilespmem:s26+$0xAB70] =	vst v1;
	v1 =	vmul.f32 v7, v4;
	v4 =	vld [tilespmem:s26+$0x57B0]  }
0x394: {  	v7 =	vld [tilespmem:s26+$0x73B0]  }
0x395: {  	[tilespmem:s26+$0xAB80] =	vst v1;
	v1 =	vmul.f32 v5, v3;
	v3 =	vld [tilespmem:s26+$0x57C0]  }
0x396: {  	v5 =	vld [tilespmem:s26+$0x73C0]  }
0x397: {  	[tilespmem:s26+$0xAB90] =	vst v1;
	v1 =	vmul.f32 v6, v2;
	v2 =	vld [tilespmem:s26+$0x57D0]  }
0x398: {  	v6 =	vld [tilespmem:s26+$0x73D0]  }
0x399: {  	[tilespmem:s26+$0xABA0] =	vst v1;
	v1 =	vmul.f32 v7, v4;
	v4 =	vld [tilespmem:s26+$0x57E0]  }
0x39a: {  	v7 =	vld [tilespmem:s26+$0x73E0]  }
0x39b: {  	[tilespmem:s26+$0xABB0] =	vst v1;
	v1 =	vmul.f32 v5, v3;
	v3 =	vld [tilespmem:s26+$0x57F0]  }
0x39c: {  	v5 =	vld [tilespmem:s26+$0x73F0]  }
0x39d: {  	[tilespmem:s26+$0xABC0] =	vst v1;
	v1 =	vmul.f32 v6, v2;
	v2 =	vld [tilespmem:s26+$0x5800]  }
0x39e: {  	v6 =	vld [tilespmem:s26+$0x7400]  }
0x39f: {  	[tilespmem:s26+$0xABD0] =	vst v1;
	v1 =	vmul.f32 v7, v4;
	v4 =	vld [tilespmem:s26+$0x5810]  }
0x3a0: {  	v7 =	vld [tilespmem:s26+$0x7410]  }
0x3a1: {  	[tilespmem:s26+$0xABE0] =	vst v1;
	v1 =	vmul.f32 v5, v3;
	v3 =	vld [tilespmem:s26+$0x5820]  }
0x3a2: {  	v5 =	vld [tilespmem:s26+$0x7420]  }
0x3a3: {  	[tilespmem:s26+$0xABF0] =	vst v1;
	v1 =	vmul.f32 v6, v2;
	v2 =	vld [tilespmem:s26+$0x5830]  }
0x3a4: {  	v6 =	vld [tilespmem:s26+$0x7430]  }
0x3a5: {  	[tilespmem:s26+$0xAC00] =	vst v1;
	v1 =	vmul.f32 v7, v4;
	v4 =	vld [tilespmem:s26+$0x5840]  }
0x3a6: {  	v7 =	vld [tilespmem:s26+$0x7440]  }
0x3a7: {  	[tilespmem:s26+$0xAC10] =	vst v1;
	v1 =	vmul.f32 v5, v3;
	v3 =	vld [tilespmem:s26+$0x5850]  }
0x3a8: {  	v5 =	vld [tilespmem:s26+$0x7450]  }
0x3a9: {  	[tilespmem:s26+$0xAC20] =	vst v1;
	v1 =	vmul.f32 v6, v2;
	v2 =	vld [tilespmem:s26+$0x5860]  }
0x3aa: {  	v6 =	vld [tilespmem:s26+$0x7460]  }
0x3ab: {  	[tilespmem:s26+$0xAC30] =	vst v1;
	v1 =	vmul.f32 v7, v4;
	v4 =	vld [tilespmem:s26+$0x5870]  }
0x3ac: {  	v7 =	vld [tilespmem:s26+$0x7470]  }
0x3ad: {  	[tilespmem:s26+$0xAC40] =	vst v1;
	v1 =	vmul.f32 v5, v3;
	v3 =	vld [tilespmem:s26+$0x5880]  }
0x3ae: {  	v5 =	vld [tilespmem:s26+$0x7480]  }
0x3af: {  	[tilespmem:s26+$0xAC50] =	vst v1;
	v1 =	vmul.f32 v6, v2;
	v2 =	vld [tilespmem:s26+$0x5890]  }
0x3b0: {  	v6 =	vld [tilespmem:s26+$0x7490]  }
0x3b1: {  	[tilespmem:s26+$0xAC60] =	vst v1;
	v1 =	vmul.f32 v7, v4;
	v4 =	vld [tilespmem:s26+$0x58A0]  }
0x3b2: {  	v7 =	vld [tilespmem:s26+$0x74A0]  }
0x3b3: {  	[tilespmem:s26+$0xAC70] =	vst v1;
	v1 =	vmul.f32 v5, v3;
	v3 =	vld [tilespmem:s26+$0x58B0]  }
0x3b4: {  	v5 =	vld [tilespmem:s26+$0x74B0]  }
0x3b5: {  	[tilespmem:s26+$0xAC80] =	vst v1;
	v1 =	vmul.f32 v6, v2;
	v2 =	vld [tilespmem:s26+$0x58C0]  }
0x3b6: {  	v6 =	vld [tilespmem:s26+$0x74C0]  }
0x3b7: {  	[tilespmem:s26+$0xAC90] =	vst v1;
	v1 =	vmul.f32 v7, v4;
	v4 =	vld [tilespmem:s26+$0x58D0]  }
0x3b8: {  	v7 =	vld [tilespmem:s26+$0x74D0]  }
0x3b9: {  	[tilespmem:s26+$0xACA0] =	vst v1;
	v1 =	vmul.f32 v5, v3;
	v3 =	vld [tilespmem:s26+$0x58E0]  }
0x3ba: {  	v5 =	vld [tilespmem:s26+$0x74E0]  }
0x3bb: {  	[tilespmem:s26+$0xACB0] =	vst v1;
	v1 =	vmul.f32 v6, v2;
	v2 =	vld [tilespmem:s26+$0x58F0]  }
0x3bc: {  	v6 =	vld [tilespmem:s26+$0x74F0]  }
0x3bd: {  	[tilespmem:s26+$0xACC0] =	vst v1;
	v1 =	vmul.f32 v7, v4;
	v4 =	vld [tilespmem:s26+$0x5900]  }
0x3be: {  	v7 =	vld [tilespmem:s26+$0x7500]  }
0x3bf: {  	[tilespmem:s26+$0xACD0] =	vst v1;
	v1 =	vmul.f32 v5, v3;
	v3 =	vld [tilespmem:s26+$0x5910]  }
0x3c0: {  	v5 =	vld [tilespmem:s26+$0x7510]  }
0x3c1: {  	[tilespmem:s26+$0xACE0] =	vst v1;
	v1 =	vmul.f32 v6, v2;
	v2 =	vld [tilespmem:s26+$0x5920]  }
0x3c2: {  	v6 =	vld [tilespmem:s26+$0x7520]  }
0x3c3: {  	[tilespmem:s26+$0xACF0] =	vst v1;
	v1 =	vmul.f32 v7, v4;
	v4 =	vld [tilespmem:s26+$0x5930]  }
0x3c4: {  	v7 =	vld [tilespmem:s26+$0x7530]  }
0x3c5: {  	[tilespmem:s26+$0xAD00] =	vst v1;
	v1 =	vmul.f32 v5, v3;
	v3 =	vld [tilespmem:s26+$0x5940]  }
0x3c6: {  	v5 =	vld [tilespmem:s26+$0x7540]  }
0x3c7: {  	[tilespmem:s26+$0xAD10] =	vst v1;
	v1 =	vmul.f32 v6, v2;
	v2 =	vld [tilespmem:s26+$0x5950]  }
0x3c8: {  	v6 =	vld [tilespmem:s26+$0x7550]  }
0x3c9: {  	[tilespmem:s26+$0xAD20] =	vst v1;
	v1 =	vmul.f32 v7, v4;
	v4 =	vld [tilespmem:s26+$0x5960]  }
0x3ca: {  	v7 =	vld [tilespmem:s26+$0x7560]  }
0x3cb: {  	[tilespmem:s26+$0xAD30] =	vst v1;
	v1 =	vmul.f32 v5, v3;
	v3 =	vld [tilespmem:s26+$0x5970]  }
0x3cc: {  	v5 =	vld [tilespmem:s26+$0x7570]  }
0x3cd: {  	[tilespmem:s26+$0xAD40] =	vst v1;
	v1 =	vmul.f32 v6, v2;
	v2 =	vld [tilespmem:s26+$0x5980]  }
0x3ce: {  	v6 =	vld [tilespmem:s26+$0x7580]  }
0x3cf: {  	[tilespmem:s26+$0xAD50] =	vst v1;
	v1 =	vmul.f32 v7, v4;
	v4 =	vld [tilespmem:s26+$0x5990]  }
0x3d0: {  	v7 =	vld [tilespmem:s26+$0x7590]  }
0x3d1: {  	[tilespmem:s26+$0xAD60] =	vst v1;
	v1 =	vmul.f32 v5, v3;
	v3 =	vld [tilespmem:s26+$0x59A0]  }
0x3d2: {  	v5 =	vld [tilespmem:s26+$0x75A0]  }
0x3d3: {  	[tilespmem:s26+$0xAD70] =	vst v1;
	v1 =	vmul.f32 v6, v2;
	v2 =	vld [tilespmem:s26+$0x59B0]  }
0x3d4: {  	v6 =	vld [tilespmem:s26+$0x75B0]  }
0x3d5: {  	[tilespmem:s26+$0xAD80] =	vst v1;
	v1 =	vmul.f32 v7, v4;
	v4 =	vld [tilespmem:s26+$0x59C0]  }
0x3d6: {  	v7 =	vld [tilespmem:s26+$0x75C0]  }
0x3d7: {  	[tilespmem:s26+$0xAD90] =	vst v1;
	v1 =	vmul.f32 v5, v3;
	v3 =	vld [tilespmem:s26+$0x59D0]  }
0x3d8: {  	v5 =	vld [tilespmem:s26+$0x75D0]  }
0x3d9: {  	[tilespmem:s26+$0xADA0] =	vst v1;
	v1 =	vmul.f32 v6, v2;
	v2 =	vld [tilespmem:s26+$0x59E0]  }
0x3da: {  	v6 =	vld [tilespmem:s26+$0x75E0]  }
0x3db: {  	[tilespmem:s26+$0xADB0] =	vst v1;
	v1 =	vmul.f32 v7, v4;
	v4 =	vld [tilespmem:s26+$0x59F0]  }
0x3dc: {  	v7 =	vld [tilespmem:s26+$0x75F0]  }
0x3dd: {  	[tilespmem:s26+$0xADC0] =	vst v1;
	v1 =	vmul.f32 v5, v3;
	v3 =	vld [tilespmem:s26+$0x5A00]  }
0x3de: {  	v5 =	vld [tilespmem:s26+$0x7600]  }
0x3df: {  	[tilespmem:s26+$0xADD0] =	vst v1;
	v1 =	vmul.f32 v6, v2;
	v2 =	vld [tilespmem:s26+$0x5A10]  }
0x3e0: {  	v6 =	vld [tilespmem:s26+$0x7610]  }
0x3e1: {  	[tilespmem:s26+$0xADE0] =	vst v1;
	v1 =	vmul.f32 v7, v4;
	v4 =	vld [tilespmem:s26+$0x5A20]  }
0x3e2: {  	v7 =	vld [tilespmem:s26+$0x7620]  }
0x3e3: {  	[tilespmem:s26+$0xADF0] =	vst v1;
	v1 =	vmul.f32 v5, v3;
	v3 =	vld [tilespmem:s26+$0x5A30]  }
0x3e4: {  	v5 =	vld [tilespmem:s26+$0x7630]  }
0x3e5: {  	[tilespmem:s26+$0xAE00] =	vst v1;
	v1 =	vmul.f32 v6, v2;
	v2 =	vld [tilespmem:s26+$0x5A40]  }
0x3e6: {  	v6 =	vld [tilespmem:s26+$0x7640]  }
0x3e7: {  	[tilespmem:s26+$0xAE10] =	vst v1;
	v1 =	vmul.f32 v7, v4;
	v4 =	vld [tilespmem:s26+$0x5A50]  }
0x3e8: {  	v7 =	vld [tilespmem:s26+$0x7650]  }
0x3e9: {  	[tilespmem:s26+$0xAE20] =	vst v1;
	v1 =	vmul.f32 v5, v3;
	v3 =	vld [tilespmem:s26+$0x5A60]  }
0x3ea: {  	v5 =	vld [tilespmem:s26+$0x7660]  }
0x3eb: {  	[tilespmem:s26+$0xAE30] =	vst v1;
	v1 =	vmul.f32 v6, v2;
	v2 =	vld [tilespmem:s26+$0x5A70]  }
0x3ec: {  	v6 =	vld [tilespmem:s26+$0x7670]  }
0x3ed: {  	[tilespmem:s26+$0xAE40] =	vst v1;
	v1 =	vmul.f32 v7, v4;
	v4 =	vld [tilespmem:s26+$0x5A80]  }
0x3ee: {  	v7 =	vld [tilespmem:s26+$0x7680]  }
0x3ef: {  	[tilespmem:s26+$0xAE50] =	vst v1;
	v1 =	vmul.f32 v5, v3;
	v3 =	vld [tilespmem:s26+$0x5A90]  }
0x3f0: {  	v5 =	vld [tilespmem:s26+$0x7690]  }
0x3f1: {  	[tilespmem:s26+$0xAE60] =	vst v1;
	v1 =	vmul.f32 v6, v2;
	v2 =	vld [tilespmem:s26+$0x5AA0]  }
0x3f2: {  	v6 =	vld [tilespmem:s26+$0x76A0]  }
0x3f3: {  	[tilespmem:s26+$0xAE70] =	vst v1;
	v1 =	vmul.f32 v7, v4;
	v7 =	vld [tilespmem:s26+$0x5AB0]  }
0x3f4: {  	v8 =	vld [tilespmem:s26+$0x76B0]  }
0x3f5: {  	[tilespmem:s26+$0xAE80] =	vst v1;
	v3 =	vmul.f32 v5, v3;
	v1 =	vld [tilespmem:s26+$0x5AC0]  }
.Ltmp4:
0x3f6: {  	v4 =	vld [tilespmem:s26+$0x76C0];
	(pc) =	sbr.rel @p3 .LBB2_10-.Ltmp4, $4  }
0x3f7: {  	[tilespmem:s26+$0xAE90] =	vst v3;
	v3 =	vmul.f32 v6, v2;
	v2 =	vld [tilespmem:s26+$0x5AD0]  }
0x3f8: {  	v5 =	vld [tilespmem:s26+$0x76D0]  }
0x3f9: {  	s29 =	smul.u32 $0x500, s28;
	[tilespmem:s26+$0xAEA0] =	vst v3;
	v7 =	vmul.f32 v8, v7;
	v3 =	vld [tilespmem:s26+$0x5AE0]  }
0x3fa: {  	s28 =	sadd.s32 $0x1, s28;
	v6 =	vld [tilespmem:s26+$0x76E0]  }
0x3fb: {  	v8 =	vld [tilespmem:s29+$0x5AF0];
	[tilespmem:s26+$0xAEB0] =	vst v7;
	v1 =	vmul.f32 v4, v1  }
0x3fc: {  	v14 =	vld [tilespmem:s29+$0x76F0]  }
0x3fd: {  	v7 =	vld [tilespmem:s29+$0x5600];
	[tilespmem:s26+$0xAEC0] =	vst v1;
	v1 =	vmul.f32 v5, v2  }
0x3fe: {  	v2 =	vld [tilespmem:s29+$0x7200]  }
0x3ff: {  	v15 =	vld [tilespmem:s29+$0x5610];
	[tilespmem:s26+$0xAED0] =	vst v1;
	v1 =	vmul.f32 v6, v3  }
0x400: {  	v3 =	vld [tilespmem:s29+$0x7210]  }
0x401: {  	v16 =	vld [tilespmem:s29+$0x5620];
	[tilespmem:s26+$0xAEE0] =	vst v1  }
0x402: {  	v17 =	vld [tilespmem:s29+$0x7220]  }
0x403: {  	v1 =	vmul.f32 v14, v8;
	v18 =	vld [tilespmem:s29+$0x5630]  }
0x404: {  	v19 =	vld [tilespmem:s29+$0x7240]  }
0x405: {  	v2 =	vmul.f32 v2, v7;
	[tilespmem:s29+$0xAEF0] =	vst v1;
	v1 =	vld [tilespmem:s29+$0x7230]  }
0x406: {  	v20 =	vld [tilespmem:s29+$0x5650]  }
0x407: {  	[tilespmem:s29+$0xAA00] =	vst v2;
	v2 =	vmul.f32 v3, v15;
	v3 =	vld [tilespmem:s29+$0x5640]  }
0x408: {  	v21 =	vld [tilespmem:s29+$0x7250]  }
0x409: {  	v22 =	vld [tilespmem:s29+$0x7260];
	[tilespmem:s29+$0xAA10] =	vst v2;
	v2 =	vmul.f32 v17, v16  }
0x40a: {  	v23 =	vld [tilespmem:s29+$0x7270];
	v1 =	vmul.f32 v1, v18  }
0x40b: {  	[tilespmem:s29+$0xAA20] =	vst v2;
	v2 =	vld [tilespmem:s29+$0x5660]  }
0x40c: {  	v24 =	vld [tilespmem:s29+$0x5680];
	[tilespmem:s29+$0xAA30] =	vst v1;
	v1 =	vmul.f32 v19, v3  }
0x40d: {  	v3 =	vld [tilespmem:s29+$0x5670]  }
0x40e: {  	v25 =	vld [tilespmem:s29+$0x7280];
	[tilespmem:s29+$0xAA40] =	vst v1;
	v1 =	vmul.f32 v21, v20  }
0x40f: {  	v26 =	vld [tilespmem:s29+$0x7290]  }
0x410: {  	v27 =	vld [tilespmem:s29+$0x72A0];
	[tilespmem:s29+$0xAA50] =	vst v1;
	v1 =	vmul.f32 v22, v2  }
0x411: {  	v2 =	vld [tilespmem:s29+$0x5690]  }
0x412: {  	v28 =	vld [tilespmem:s29+$0x56B0];
	[tilespmem:s29+$0xAA60] =	vst v1;
	v1 =	vmul.f32 v23, v3  }
0x413: {  	v3 =	vld [tilespmem:s29+$0x56A0]  }
0x414: {  	v29 =	vld [tilespmem:s29+$0x72B0];
	[tilespmem:s29+$0xAA70] =	vst v1;
	v1 =	vmul.f32 v25, v24  }
0x415: {  	v30 =	vld [tilespmem:s29+$0x72C0]  }
0x416: {  	v31 =	vld [tilespmem:s29+$0x72D0];
	[tilespmem:s29+$0xAA80] =	vst v1;
	v1 =	vmul.f32 v26, v2  }
0x417: {  	v2 =	vld [tilespmem:s29+$0x56C0]  }
0x418: {  	v32 =	vld [tilespmem:s29+$0x56E0];
	[tilespmem:s29+$0xAA90] =	vst v1;
	v1 =	vmul.f32 v27, v3  }
0x419: {  	v3 =	vld [tilespmem:s29+$0x56D0]  }
0x41a: {  	v33 =	vld [tilespmem:s29+$0x72E0];
	[tilespmem:s29+$0xAAA0] =	vst v1;
	v1 =	vmul.f32 v29, v28  }
0x41b: {  	v34 =	vld [tilespmem:s29+$0x72F0]  }
0x41c: {  	v35 =	vld [tilespmem:s29+$0x7300];
	[tilespmem:s29+$0xAAB0] =	vst v1;
	v1 =	vmul.f32 v30, v2  }
0x41d: {  	v2 =	vld [tilespmem:s29+$0x56F0]  }
0x41e: {  	v36 =	vld [tilespmem:s29+$0x5710];
	[tilespmem:s29+$0xAAC0] =	vst v1;
	v1 =	vmul.f32 v31, v3  }
0x41f: {  	v3 =	vld [tilespmem:s29+$0x5700]  }
0x420: {  	v37 =	vld [tilespmem:s29+$0x7310];
	[tilespmem:s29+$0xAAD0] =	vst v1;
	v1 =	vmul.f32 v33, v32  }
0x421: {  	v38 =	vld [tilespmem:s29+$0x7320]  }
0x422: {  	v39 =	vld [tilespmem:s29+$0x7330];
	[tilespmem:s29+$0xAAE0] =	vst v1;
	v1 =	vmul.f32 v34, v2  }
0x423: {  	v2 =	vld [tilespmem:s29+$0x5720]  }
0x424: {  	v40 =	vld [tilespmem:s29+$0x5740];
	[tilespmem:s29+$0xAAF0] =	vst v1;
	v1 =	vmul.f32 v35, v3  }
0x425: {  	v3 =	vld [tilespmem:s29+$0x5730]  }
0x426: {  	v41 =	vld [tilespmem:s29+$0x7340];
	[tilespmem:s29+$0xAB00] =	vst v1;
	v1 =	vmul.f32 v37, v36  }
0x427: {  	v42 =	vld [tilespmem:s29+$0x7350]  }
0x428: {  	v43 =	vld [tilespmem:s29+$0x7360];
	[tilespmem:s29+$0xAB10] =	vst v1;
	v1 =	vmul.f32 v38, v2  }
0x429: {  	v2 =	vld [tilespmem:s29+$0x5750]  }
0x42a: {  	v44 =	vld [tilespmem:s29+$0x5770];
	[tilespmem:s29+$0xAB20] =	vst v1;
	v1 =	vmul.f32 v39, v3  }
0x42b: {  	v3 =	vld [tilespmem:s29+$0x5760]  }
0x42c: {  	v45 =	vld [tilespmem:s29+$0x7370];
	[tilespmem:s29+$0xAB30] =	vst v1;
	v1 =	vmul.f32 v41, v40  }
0x42d: {  	v46 =	vld [tilespmem:s29+$0x7380]  }
0x42e: {  	v47 =	vld [tilespmem:s29+$0x7390];
	[tilespmem:s29+$0xAB40] =	vst v1;
	v1 =	vmul.f32 v42, v2  }
0x42f: {  	v2 =	vld [tilespmem:s29+$0x5780]  }
0x430: {  	v48 =	vld [tilespmem:s29+$0x57A0];
	[tilespmem:s29+$0xAB50] =	vst v1;
	v1 =	vmul.f32 v43, v3  }
0x431: {  	v3 =	vld [tilespmem:s29+$0x5790]  }
0x432: {  	v49 =	vld [tilespmem:s29+$0x73A0];
	[tilespmem:s29+$0xAB60] =	vst v1;
	v1 =	vmul.f32 v45, v44  }
0x433: {  	v50 =	vld [tilespmem:s29+$0x73B0]  }
0x434: {  	v51 =	vld [tilespmem:s29+$0x73C0];
	[tilespmem:s29+$0xAB70] =	vst v1;
	v1 =	vmul.f32 v46, v2  }
0x435: {  	v2 =	vld [tilespmem:s29+$0x57B0]  }
0x436: {  	v52 =	vld [tilespmem:s29+$0x57D0];
	[tilespmem:s29+$0xAB80] =	vst v1;
	v1 =	vmul.f32 v47, v3  }
0x437: {  	v3 =	vld [tilespmem:s29+$0x57C0]  }
0x438: {  	v53 =	vld [tilespmem:s29+$0x73D0];
	[tilespmem:s29+$0xAB90] =	vst v1;
	v1 =	vmul.f32 v49, v48  }
0x439: {  	v54 =	vld [tilespmem:s29+$0x73E0]  }
0x43a: {  	v55 =	vld [tilespmem:s29+$0x73F0];
	[tilespmem:s29+$0xABA0] =	vst v1;
	v1 =	vmul.f32 v50, v2  }
0x43b: {  	v2 =	vld [tilespmem:s29+$0x57E0]  }
0x43c: {  	v56 =	vld [tilespmem:s29+$0x5800];
	[tilespmem:s29+$0xABB0] =	vst v1;
	v1 =	vmul.f32 v51, v3  }
0x43d: {  	v3 =	vld [tilespmem:s29+$0x57F0]  }
0x43e: {  	v57 =	vld [tilespmem:s29+$0x7400];
	[tilespmem:s29+$0xABC0] =	vst v1;
	v1 =	vmul.f32 v53, v52  }
0x43f: {  	v58 =	vld [tilespmem:s29+$0x7410]  }
0x440: {  	v59 =	vld [tilespmem:s29+$0x7420];
	[tilespmem:s29+$0xABD0] =	vst v1;
	v1 =	vmul.f32 v54, v2  }
0x441: {  	v2 =	vld [tilespmem:s29+$0x5810]  }
0x442: {  	v60 =	vld [tilespmem:s29+$0x5830];
	[tilespmem:s29+$0xABE0] =	vst v1;
	v1 =	vmul.f32 v55, v3  }
0x443: {  	v3 =	vld [tilespmem:s29+$0x5820]  }
0x444: {  	v61 =	vld [tilespmem:s29+$0x7430];
	[tilespmem:s29+$0xABF0] =	vst v1;
	v1 =	vmul.f32 v57, v56  }
0x445: {  	v62 =	vld [tilespmem:s29+$0x7440]  }
0x446: {  	v63 =	vld [tilespmem:s29+$0x7450];
	[tilespmem:s29+$0xAC00] =	vst v1;
	v1 =	vmul.f32 v58, v2  }
0x447: {  	v2 =	vld [tilespmem:s29+$0x5840]  }
0x448: {  	v9 =	vld [tilespmem:s29+$0x5860];
	[tilespmem:s29+$0xAC10] =	vst v1;
	v1 =	vmul.f32 v59, v3  }
0x449: {  	v3 =	vld [tilespmem:s29+$0x5850]  }
0x44a: {  	v10 =	vld [tilespmem:s29+$0x7460];
	[tilespmem:s29+$0xAC20] =	vst v1;
	v1 =	vmul.f32 v61, v60  }
0x44b: {  	v11 =	vld [tilespmem:s29+$0x7470]  }
0x44c: {  	v12 =	vld [tilespmem:s29+$0x7480];
	[tilespmem:s29+$0xAC30] =	vst v1;
	v1 =	vmul.f32 v62, v2  }
0x44d: {  	v2 =	vld [tilespmem:s29+$0x5870]  }
0x44e: {  	v13 =	vld [tilespmem:s29+$0x5890];
	[tilespmem:s29+$0xAC40] =	vst v1;
	v1 =	vmul.f32 v63, v3  }
0x44f: {  	v3 =	vld [tilespmem:s29+$0x5880]  }
0x450: {  	v14 =	vld [tilespmem:s29+$0x7490];
	[tilespmem:s29+$0xAC50] =	vst v1;
	v1 =	vmul.f32 v10, v9  }
0x451: {  	v15 =	vld [tilespmem:s29+$0x74A0]  }
0x452: {  	v16 =	vld [tilespmem:s29+$0x74B0];
	[tilespmem:s29+$0xAC60] =	vst v1;
	v1 =	vmul.f32 v11, v2  }
0x453: {  	v2 =	vld [tilespmem:s29+$0x58A0]  }
0x454: {  	v17 =	vld [tilespmem:s29+$0x58C0];
	[tilespmem:s29+$0xAC70] =	vst v1;
	v1 =	vmul.f32 v12, v3  }
0x455: {  	v3 =	vld [tilespmem:s29+$0x58B0]  }
0x456: {  	v18 =	vld [tilespmem:s29+$0x74C0];
	[tilespmem:s29+$0xAC80] =	vst v1;
	v1 =	vmul.f32 v14, v13  }
0x457: {  	v19 =	vld [tilespmem:s29+$0x74D0]  }
0x458: {  	v20 =	vld [tilespmem:s29+$0x74E0];
	[tilespmem:s29+$0xAC90] =	vst v1;
	v1 =	vmul.f32 v15, v2  }
0x459: {  	v2 =	vld [tilespmem:s29+$0x58D0]  }
0x45a: {  	v21 =	vld [tilespmem:s29+$0x58F0];
	[tilespmem:s29+$0xACA0] =	vst v1;
	v1 =	vmul.f32 v16, v3  }
0x45b: {  	v3 =	vld [tilespmem:s29+$0x58E0]  }
0x45c: {  	v22 =	vld [tilespmem:s29+$0x74F0];
	[tilespmem:s29+$0xACB0] =	vst v1;
	v1 =	vmul.f32 v18, v17  }
0x45d: {  	v23 =	vld [tilespmem:s29+$0x7500]  }
0x45e: {  	v24 =	vld [tilespmem:s29+$0x7510];
	[tilespmem:s29+$0xACC0] =	vst v1;
	v1 =	vmul.f32 v19, v2  }
0x45f: {  	v2 =	vld [tilespmem:s29+$0x5900]  }
0x460: {  	v25 =	vld [tilespmem:s29+$0x5920];
	[tilespmem:s29+$0xACD0] =	vst v1;
	v1 =	vmul.f32 v20, v3  }
0x461: {  	v3 =	vld [tilespmem:s29+$0x5910]  }
0x462: {  	v26 =	vld [tilespmem:s29+$0x7520];
	[tilespmem:s29+$0xACE0] =	vst v1;
	v1 =	vmul.f32 v22, v21  }
0x463: {  	v27 =	vld [tilespmem:s29+$0x7530]  }
0x464: {  	v28 =	vld [tilespmem:s29+$0x7540];
	[tilespmem:s29+$0xACF0] =	vst v1;
	v1 =	vmul.f32 v23, v2  }
0x465: {  	v2 =	vld [tilespmem:s29+$0x5930]  }
0x466: {  	v29 =	vld [tilespmem:s29+$0x5950];
	[tilespmem:s29+$0xAD00] =	vst v1;
	v1 =	vmul.f32 v24, v3  }
0x467: {  	v3 =	vld [tilespmem:s29+$0x5940]  }
0x468: {  	v30 =	vld [tilespmem:s29+$0x7550];
	[tilespmem:s29+$0xAD10] =	vst v1;
	v1 =	vmul.f32 v26, v25  }
0x469: {  	v31 =	vld [tilespmem:s29+$0x7560]  }
0x46a: {  	v32 =	vld [tilespmem:s29+$0x7570];
	[tilespmem:s29+$0xAD20] =	vst v1;
	v1 =	vmul.f32 v27, v2  }
0x46b: {  	v2 =	vld [tilespmem:s29+$0x5960]  }
0x46c: {  	v33 =	vld [tilespmem:s29+$0x5980];
	[tilespmem:s29+$0xAD30] =	vst v1;
	v1 =	vmul.f32 v28, v3  }
0x46d: {  	v3 =	vld [tilespmem:s29+$0x5970]  }
0x46e: {  	v34 =	vld [tilespmem:s29+$0x7580];
	[tilespmem:s29+$0xAD40] =	vst v1;
	v1 =	vmul.f32 v30, v29  }
0x46f: {  	v35 =	vld [tilespmem:s29+$0x7590]  }
0x470: {  	v36 =	vld [tilespmem:s29+$0x75A0];
	[tilespmem:s29+$0xAD50] =	vst v1;
	v1 =	vmul.f32 v31, v2  }
0x471: {  	v2 =	vld [tilespmem:s29+$0x5990]  }
0x472: {  	v37 =	vld [tilespmem:s29+$0x59B0];
	[tilespmem:s29+$0xAD60] =	vst v1;
	v1 =	vmul.f32 v32, v3  }
0x473: {  	v3 =	vld [tilespmem:s29+$0x59A0]  }
0x474: {  	v38 =	vld [tilespmem:s29+$0x75B0];
	[tilespmem:s29+$0xAD70] =	vst v1;
	v1 =	vmul.f32 v34, v33  }
0x475: {  	v39 =	vld [tilespmem:s29+$0x75C0]  }
0x476: {  	v40 =	vld [tilespmem:s29+$0x75D0];
	[tilespmem:s29+$0xAD80] =	vst v1;
	v1 =	vmul.f32 v35, v2  }
0x477: {  	v2 =	vld [tilespmem:s29+$0x59C0]  }
0x478: {  	v41 =	vld [tilespmem:s29+$0x59E0];
	[tilespmem:s29+$0xAD90] =	vst v1;
	v1 =	vmul.f32 v36, v3  }
0x479: {  	v3 =	vld [tilespmem:s29+$0x59D0]  }
0x47a: {  	v42 =	vld [tilespmem:s29+$0x75E0];
	[tilespmem:s29+$0xADA0] =	vst v1;
	v1 =	vmul.f32 v38, v37  }
0x47b: {  	v43 =	vld [tilespmem:s29+$0x75F0]  }
0x47c: {  	v44 =	vld [tilespmem:s29+$0x7600];
	[tilespmem:s29+$0xADB0] =	vst v1;
	v1 =	vmul.f32 v39, v2  }
0x47d: {  	v2 =	vld [tilespmem:s29+$0x59F0]  }
0x47e: {  	v45 =	vld [tilespmem:s29+$0x5A10];
	[tilespmem:s29+$0xADC0] =	vst v1;
	v1 =	vmul.f32 v40, v3  }
0x47f: {  	v3 =	vld [tilespmem:s29+$0x5A00]  }
0x480: {  	v46 =	vld [tilespmem:s29+$0x7610];
	[tilespmem:s29+$0xADD0] =	vst v1;
	v1 =	vmul.f32 v42, v41  }
0x481: {  	v47 =	vld [tilespmem:s29+$0x7620]  }
0x482: {  	v48 =	vld [tilespmem:s29+$0x7630];
	[tilespmem:s29+$0xADE0] =	vst v1;
	v1 =	vmul.f32 v43, v2  }
0x483: {  	v2 =	vld [tilespmem:s29+$0x5A20]  }
0x484: {  	v49 =	vld [tilespmem:s29+$0x5A40];
	[tilespmem:s29+$0xADF0] =	vst v1;
	v1 =	vmul.f32 v44, v3  }
0x485: {  	v3 =	vld [tilespmem:s29+$0x5A30]  }
0x486: {  	v50 =	vld [tilespmem:s29+$0x7640];
	[tilespmem:s29+$0xAE00] =	vst v1;
	v1 =	vmul.f32 v46, v45  }
0x487: {  	v51 =	vld [tilespmem:s29+$0x7650]  }
0x488: {  	v52 =	vld [tilespmem:s29+$0x7660];
	[tilespmem:s29+$0xAE10] =	vst v1;
	v1 =	vmul.f32 v47, v2  }
0x489: {  	v2 =	vld [tilespmem:s29+$0x5A50]  }
0x48a: {  	v53 =	vld [tilespmem:s29+$0x5A70];
	[tilespmem:s29+$0xAE20] =	vst v1;
	v1 =	vmul.f32 v48, v3  }
0x48b: {  	v3 =	vld [tilespmem:s29+$0x5A60]  }
0x48c: {  	v54 =	vld [tilespmem:s29+$0x7670];
	[tilespmem:s29+$0xAE30] =	vst v1;
	v1 =	vmul.f32 v50, v49  }
0x48d: {  	v55 =	vld [tilespmem:s29+$0x7680]  }
0x48e: {  	v56 =	vld [tilespmem:s29+$0x7690];
	[tilespmem:s29+$0xAE40] =	vst v1;
	v1 =	vmul.f32 v51, v2  }
0x48f: {  	v2 =	vld [tilespmem:s29+$0x5A80]  }
0x490: {  	v57 =	vld [tilespmem:s29+$0x5AA0];
	[tilespmem:s29+$0xAE50] =	vst v1;
	v1 =	vmul.f32 v52, v3  }
0x491: {  	v3 =	vld [tilespmem:s29+$0x5A90]  }
0x492: {  	v58 =	vld [tilespmem:s29+$0x76A0];
	[tilespmem:s29+$0xAE60] =	vst v1;
	v1 =	vmul.f32 v54, v53  }
0x493: {  	v59 =	vld [tilespmem:s29+$0x76B0]  }
0x494: {  	v60 =	vld [tilespmem:s29+$0x76C0];
	[tilespmem:s29+$0xAE70] =	vst v1;
	v1 =	vmul.f32 v55, v2  }
0x495: {  	v61 =	vld [tilespmem:s29+$0x5AD0]  }
0x496: {  	v62 =	vld [tilespmem:s29+$0x76D0];
	[tilespmem:s29+$0xAE80] =	vst v1;
	v1 =	vmul.f32 v56, v3  }
0x497: {  	v2 =	vld [tilespmem:s29+$0x5AB0]  }
0x498: {  	v3 =	vld [tilespmem:s29+$0x5AC0];
	[tilespmem:s29+$0xAE90] =	vst v1;
	v1 =	vmul.f32 v58, v57  }
0x499: {  	s26 =	sadd.s32 @!p2 $0x3, s24;
	v63 =	vld [tilespmem:s29+$0x76E0]  }
0x49a: {  	s28 =	smulhi.u32 @!p2 $0x66666667, s26;
	[tilespmem:s29+$0xAEA0] =	vst v1;
	v1 =	vld [tilespmem:s29+$0x5AE0];
	_ =	sdelay $0x1  }
0x49b: {  	s28 =	sshrl.u32 @!p2 s28, $0x3;
	v2 =	vmul.f32 v59, v2  }
0x49c: {  	s28 =	smul.u32 @!p2 $0x14, s28;
	v3 =	vmul.f32 v60, v3  }
0x49d: {  	[tilespmem:s29+$0xAEB0] =	vst v2;
	v2 =	vmul.f32 v62, v61  }
0x49e: {  	s30 =	simm.s32 @!p2 $0x5600;
	s26 =	ssub.s32 @!p2 s26, s28;
	[tilespmem:s29+$0xAEC0] =	vst v3;
	v1 =	vmul.f32 v63, v1  }
0x49f: {  	s23 =	sadd.s32 $0x1, s23;
	s24 =	sor.u32 $0x1, s24;
	s26 =	sshll.u32 @!p2 s26, $0x7;
	[tilespmem:s29+$0xAED0] =	vst v2  }
0x4a0: {  	s31 =	smulhi.u32 $0x66666667, s24;
	s28 =	sadd.s32 @!p2 $0xA00, s26;
	[tilespmem:s29+$0xAEE0] =	vst v1;
	s29 =	simm.s32 @!p2 $0x32  }
0x4a1: {  	[tilespmem:s30], [sflag:$0x3] =	stream.indirect.gather @!p2 [hbm4b:s1+s29], $0x80, s28, s29, $0xb8;
	[tilespmem:$0x1FE80] =	vst v63  }
0x4a2: {  	s31 =	sshrl.u32 s31, $0x3;
	s26 =	sadd.s32 @!p2 $0x1400, s26;
	s30 =	simm.s32 @!p2 $0x7200  }
0x4a3: {  	[tilespmem:s30], [sflag:$0x4] =	stream.indirect.gather @!p2 [hbm4b:s5+s29], $0x80, s26, s29, $0xb8;
	[tilespmem:$0x1FE80] =	vst v63  }
0x4a4: {  	s28 =	smul.u32 $0x14, s31;
	p2 =	sne.s32 s23, $0x64  }
.Ltmp5:
0x4a5: {  	_ = 	snop;
	(pc) =	sbr.rel @p2 .LBB2_4-.Ltmp5, $4  }
0x4a6: {  	_ = 	snop  }
0x4a7: {  	s24 =	ssub.s32 s24, s28  }
0x4a8: {  	s24 =	sshll.u32 s24, $0x7  }
0x4a9: {  	[spmem:s3] =	stream.indirect.scatter.add.f32 [tilespmem:s19], [sflag:$0x6], $0x80, s24, s10, $0xb8;
	[tilespmem:$0x1FE80] =	vst v63  }
0x4aa: {  	_ =	swait.ge [sflag:s20], $0x1900  }
0x4ab: {  	[sflag:s20] =	ssyncset.done $0x0  }
0x4ac: {  	s23 =	sadd.s32 $0x0, s2;
	[sflag:s20] =	ssyncadd.s32 $0xFFFFE700  }
0x4ad: {  	s28 =	smov.u32 s25;
	s26 =	smov.u32 s16;
	_ =	swait.ge [sflag:s21], $0x1900  }
0x4ae: {  	p2 =	sgt.u32 s23, $0xF9;
	s23 =	simm.s32 $0x10;
	[sflag:s21] =	ssyncset.done $0x0  }
0x4af: {  	s24 =	sshll.u32 @!p2 s2, $0x6;
	s30 =	sshrl.u32 @!p2 s14, $0x3;
	[sflag:s21] =	ssyncadd.s32 $0xFFFFE700  }
0x4b0: {  	s29 =	sor.u32 @!p2 $0x1C08, s24;
	s24 =	sadd.s32 $0x2800, s25;
	[bflag:$0x0] =	sbarrier.arrive $0xFFFF  }
.LBB2_13:
0x4b1: {  	[hbm:s28], [sflag:s29] =	dma.local @!p2 [spmem:s30], $0x280  }
0x4b2: {  	s28 =	smov.u32 s23;
	s23 =	sadd.s32 $0x10, s23  }
0x4b3: {  	p3 =	sne.s32 s23, $0x100  }
.Ltmp6:
0x4b4: {  	(pc) =	sbr.rel @p3 .LBB2_13-.Ltmp6, $4  }
0x4b5: {  	s30 =	smov.u32 s26;
	s28 =	sadd.s32 s28, s2  }
0x4b6: {  	p2 =	sgt.u32 s28, $0xF9;
	s28 =	smov.u32 s24  }
0x4b7: {  	s26 =	sadd.s32 $0x14000, s26;
	s29 =	sshll.u32 @!p2 s2, $0x6  }
0x4b8: {  	s24 =	sadd.s32 $0x2800, s24;
	s30 =	sshrl.u32 @!p2 s30, $0x3;
	s29 =	sor.u32 @!p2 $0x1C08, s29  }
0x4b9: {  	[hbm:s28], [sflag:s29] =	dma.local @!p2 [spmem:s30], $0x280  }
0x4ba: {  	_ =	swait.ge [sflag:s12], $0x280  }
0x4bb: {  	[sflag:s12] =	ssyncset.done $0x0  }
0x4bc: {  	[sflag:s12] =	ssyncadd.s32 $0xFFFFFD80  }
0x4bd: {  	_ =	swait.ge [sflag:s12], $0x280  }
0x4be: {  	[sflag:s12] =	ssyncset.done $0x0  }
0x4bf: {  	[sflag:s12] =	ssyncadd.s32 $0xFFFFFD80  }
0x4c0: {  	_ =	swait.ge [sflag:s12], $0x280  }
0x4c1: {  	[sflag:s12] =	ssyncset.done $0x0  }
0x4c2: {  	[sflag:s12] =	ssyncadd.s32 $0xFFFFFD80  }
0x4c3: {  	_ =	swait.ge [sflag:s12], $0x280  }
0x4c4: {  	[sflag:s12] =	ssyncset.done $0x0  }
0x4c5: {  	[sflag:s12] =	ssyncadd.s32 $0xFFFFFD80  }
0x4c6: {  	_ =	swait.ge [sflag:s12], $0x280  }
0x4c7: {  	[sflag:s12] =	ssyncset.done $0x0  }
0x4c8: {  	[sflag:s12] =	ssyncadd.s32 $0xFFFFFD80  }
0x4c9: {  	_ =	swait.ge [sflag:s12], $0x280  }
0x4ca: {  	[sflag:s12] =	ssyncset.done $0x0  }
0x4cb: {  	[sflag:s12] =	ssyncadd.s32 $0xFFFFFD80  }
0x4cc: {  	_ =	swait.ge [sflag:s12], $0x280  }
0x4cd: {  	[sflag:s12] =	ssyncset.done $0x0  }
0x4ce: {  	[sflag:s12] =	ssyncadd.s32 $0xFFFFFD80  }
0x4cf: {  	_ =	swait.ge [sflag:s12], $0x280  }
0x4d0: {  	[sflag:s12] =	ssyncset.done $0x0  }
0x4d1: {  	[sflag:s12] =	ssyncadd.s32 $0xFFFFFD80  }
0x4d2: {  	_ =	swait.ge [sflag:s12], $0x280  }
0x4d3: {  	[sflag:s12] =	ssyncset.done $0x0  }
0x4d4: {  	[sflag:s12] =	ssyncadd.s32 $0xFFFFFD80  }
0x4d5: {  	_ =	swait.ge [sflag:s12], $0x280  }
0x4d6: {  	[sflag:s12] =	ssyncset.done $0x0  }
0x4d7: {  	[sflag:s12] =	ssyncadd.s32 $0xFFFFFD80  }
0x4d8: {  	_ =	swait.ge [sflag:s12], $0x280  }
0x4d9: {  	[sflag:s12] =	ssyncset.done $0x0  }
0x4da: {  	[sflag:s12] =	ssyncadd.s32 $0xFFFFFD80  }
0x4db: {  	_ =	swait.ge [sflag:s12], $0x280  }
0x4dc: {  	[sflag:s12] =	ssyncset.done $0x0  }
0x4dd: {  	[sflag:s12] =	ssyncadd.s32 $0xFFFFFD80  }
0x4de: {  	_ =	swait.ge [sflag:s12], $0x280  }
0x4df: {  	[sflag:s12] =	ssyncset.done $0x0  }
0x4e0: {  	[sflag:s12] =	ssyncadd.s32 $0xFFFFFD80  }
0x4e1: {  	_ =	swait.ge [sflag:s12], $0x280  }
0x4e2: {  	[sflag:s12] =	ssyncset.done $0x0  }
0x4e3: {  	[sflag:s12] =	ssyncadd.s32 $0xFFFFFD80  }
0x4e4: {  	_ =	swait.ge [sflag:s12], $0x280  }
0x4e5: {  	[sflag:s12] =	ssyncset.done $0x0  }
0x4e6: {  	s23 =	simm.s32 @!p1 $0x8;
	[sflag:s12] =	ssyncadd.s32 $0xFFFFFD80  }
0x4e7: {  	_ =	swait.ge @!p1 [sflag:s23], $0x280  }
0x4e8: {  	s22 =	sadd.s32 $0x1, s22;
	s24 =	rddreg [dreg:$0x9]  }
0x4e9: {  	p2 =	sne.s32 s22, s24  }
.Ltmp7:
0x4ea: {  	_ = 	snop;
	(pc) =	sbr.rel @p2 .LBB2_1-.Ltmp7, $3  }
0x4eb: {  	_ =	sdelay $0x1  }
0x4ec: {  	[sflag:s23] =	ssyncset.done @!p1 $0x0  }
0x4ed: {  	[sflag:s23] =	ssyncadd.s32 @!p1 $0xFFFFFD80  }
0x4ee: {  	_ =	sfence.sel $0x180000  }
0x4ef: {  	[bflag:$0x0] =	sbarrier.arrive $0xFFFF  }
0x4f0: {  	_ =	strace $0x90000047  }
0x4f1: {  	[bflag:$0x2] =	sbarrier.arrive $0xFFFF  }
0x4f2: {  	p0 =	sne.s32 s2, $0x0;
	s0 =	rddreg [dreg:$0x3]  }
0x4f3: {  	s0 =	sadd.s32 @!p0 $0x100000, s0  }
0x4f4: {  	[sflag:s0] =	ssyncadd.tile.s32 @!p0 $0x1;
	_ =	shalt  }
.Lfunc_end2:
_tile_overlayer_lowered:
.L_overlay_start_2:
0x4f5: {  	(tag) =	ssettag $0x2  }
0x4f6: {  	s0 =	rddreg [dreg:$0x0];
	s2 =	stileid.u32  }
0x4f7: {  	s1 =	rddreg [dreg:$0x1];
	p0 =	sne.s32 s2, $0x0  }
0x4f8: {  	s3 =	rddreg [dreg:$0x2];
	[bflag:$0x3] =	sbarrier.arrive $0xFFFF;
	s2 =	simm.s32 @!p0 $0x1C09  }
0x4f9: {  	[timem:s3], [sflag:s2] =	dma.local @!p0 [hbm:s0], s1  }
0x4fa: {  	s0 =	simm.s32 @!p0 $0x9  }
0x4fb: {  	_ =	swait.ge @!p0 [sflag:s0], s1  }
0x4fc: {  	s1 =	ssub.s32 @!p0 $0x0, s1;
	[sflag:s0] =	ssyncset.done @!p0 $0x0  }
0x4fd: {  	[sflag:s0] =	ssyncadd.s32 @!p0 s1  }
0x4fe: {  	[bflag:$0x3] =	sbarrier.arrive $0xFFFF  }
0x4ff: {  	_ =	shalt  }

</sc_bundles>
